<compile_context>
chip_gen: v7x
topology: tpu7x:2x2x1
jax: 0.10.2.dev20260603
libtpu: 0.0.44.dev20260713+nightly
codegen_flags: <defaults>
</compile_context>

<pallas_src>
import functools

import jax
import jax.numpy as jnp
from jax import lax
from jax.experimental import pallas as pl
from jax.experimental.pallas import tpu as pltpu
from jax.experimental.pallas import tpu_sc as plsc

B = 1024
A = 32
F = 41024
H = 512
HL = 128
Q = H // HL

NC = 2
NS = 16
L = 16
NW = NC * NS
RPW = B // NW
NCHUNK = 2 * RPW
GPC = A * Q
TRASH = NS * NCHUNK


NBUF = 4
SPASS = 4


def _sc_embed_body(widx, bidx, tab4, out, allidx, gat, dstb,
                   rows0, rows1, rows2, rows3,
                   stage, acc, sem0, sem1, sem2, sem3):
    cid = lax.axis_index("c")
    sid = lax.axis_index("s")
    w = cid * NS + sid
    b0 = w * RPW
    lane = lax.iota(jnp.int32, L)

    pltpu.sync_copy(widx.at[pl.ds(b0 * A, RPW * A)], allidx.at[pl.ds(0, RPW * A)])
    pltpu.sync_copy(bidx.at[pl.ds(b0 * A, RPW * A)], allidx.at[pl.ds(RPW * A, RPW * A)])

    def build(it, _):
        g = it >> 1
        s = it & 1
        local_b = g * L + lane
        base = (s * RPW + local_b) * A
        ts = [plsc.load_gather(allidx, [base + p]) for p in range(A)]
        ci = local_b * 2 + s
        accrow = sid * NCHUNK + ci
        dd = [accrow]
        for i in range(1, A):
            m = ts[i] == ts[0]
            for j in range(1, i):
                m = m | (ts[i] == ts[j])
            dd.append(jnp.where(m, TRASH, accrow))
        for a in range(A):
            t4 = ts[a] * Q
            d4 = dd[a] * Q
            for q in range(Q):
                col = jnp.full((L,), a * Q + q, jnp.int32)
                plsc.store_scatter(gat, [ci, col], t4 + q)
                plsc.store_scatter(dstb, [ci, col], d4 + q)
        return 0

    lax.fori_loop(0, 4, build, 0, unroll=False)

    rows = [rows0, rows1, rows2, rows3]
    sems = [sem0, sem1, sem2, sem3]
    SROWS = NCHUNK * Q // SPASS

    zero = jnp.zeros((L,), jnp.float32)

    def zloop(r, _):
        for c in range(HL // L):
            stage[r, pl.ds(c * L, L)] = zero
        return 0

    lax.fori_loop(0, SROWS, zloop, 0, unroll=False)
    for p in range(SPASS):
        pltpu.sync_copy(stage,
                        acc.at[pl.ds(sid * NCHUNK * Q + p * SROWS, SROWS)])

    for k in range(NBUF):
        pltpu.async_copy(tab4.at[gat.at[k]], rows[k], sems[k])

    def chunk(i, _):
        ci = i * NBUF
        for k in range(NBUF):
            pltpu.make_async_copy(tab4.at[gat.at[ci + k]], rows[k],
                                  sems[k]).wait()
            pltpu.sync_copy(rows[k], acc.at[dstb.at[ci + k]], add=True)

            @pl.when(i < NCHUNK // NBUF - 1)
            def _():
                pltpu.async_copy(tab4.at[gat.at[ci + NBUF + k]], rows[k],
                                 sems[k])
        return 0

    lax.fori_loop(0, NCHUNK // NBUF, chunk, 0, unroll=False)

    def cloop(r, _):
        for c in range(HL // L):
            v = stage[r, pl.ds(c * L, L)]
            stage[r, pl.ds(c * L, L)] = jnp.minimum(jnp.maximum(v, -1.0), 1.0)
        return 0

    for p in range(SPASS):
        pltpu.sync_copy(
            acc.at[pl.ds(sid * NCHUNK * Q + p * SROWS, SROWS)], stage)
        lax.fori_loop(0, SROWS, cloop, 0, unroll=False)
        pltpu.sync_copy(
            stage, out.at[pl.ds(w * NCHUNK * Q + p * SROWS, SROWS)])


_sc_embed = functools.partial(
    pl.kernel,
    out_type=jax.ShapeDtypeStruct((2 * B * Q, HL), jnp.float32),
    mesh=plsc.VectorSubcoreMesh(
        core_axis_name="c", subcore_axis_name="s", num_cores=NC, num_subcores=NS
    ),
    compiler_params=pltpu.CompilerParams(needs_layout_passes=False),
    scratch_types=[
        pltpu.VMEM((2 * RPW * A,), jnp.int32),
        pltpu.VMEM((NCHUNK, GPC), jnp.int32),
        pltpu.VMEM((NCHUNK, GPC), jnp.int32),
        pltpu.VMEM((GPC, HL), jnp.float32),
        pltpu.VMEM((GPC, HL), jnp.float32),
        pltpu.VMEM((GPC, HL), jnp.float32),
        pltpu.VMEM((GPC, HL), jnp.float32),
        pltpu.VMEM((NCHUNK * Q // 4, HL), jnp.float32),
        pltpu.VMEM_SHARED((NS * NCHUNK * Q + Q, HL), jnp.float32),
        pltpu.SemaphoreType.DMA,
        pltpu.SemaphoreType.DMA,
        pltpu.SemaphoreType.DMA,
        pltpu.SemaphoreType.DMA,
    ],
)(_sc_embed_body)


def _mlp_body(x_ref, w1, b1, w2, b2, w3, b3, wo, o_ref):
    cdims = (((1,), (1,)), ((), ()))
    h = lax.dot_general(x_ref[...], w1[...], cdims,
                        preferred_element_type=jnp.float32)
    h = jnp.maximum(h + b1[...], 0.0)
    h = lax.dot_general(h, w2[...], cdims, preferred_element_type=jnp.float32)
    h = jnp.maximum(h + b2[...], 0.0)
    h = lax.dot_general(h, w3[...], cdims, preferred_element_type=jnp.float32)
    h = jnp.maximum(h + b3[...], 0.0)
    o_ref[...] = lax.dot_general(h, wo[...], cdims,
                                 preferred_element_type=jnp.float32)


def _mlp(x, W1, b1, W2, b2, W3, b3, W_out):
    BM = 1024
    full = lambda i: (0, 0)
    return pl.pallas_call(
        _mlp_body,
        grid=(B // BM,),
        in_specs=[
            pl.BlockSpec((BM, 2 * H), lambda i: (i, 0)),
            pl.BlockSpec((H, 2 * H), full),
            pl.BlockSpec((1, H), full),
            pl.BlockSpec((H // 2, H), full),
            pl.BlockSpec((1, H // 2), full),
            pl.BlockSpec((H // 4, H // 2), full),
            pl.BlockSpec((1, H // 4), full),
            pl.BlockSpec((1, H // 4), full),
        ],
        out_specs=pl.BlockSpec((BM, 1), lambda i: (i, 0)),
        out_shape=jax.ShapeDtypeStruct((B, 1), jnp.float32),
    )(x, W1, b1.reshape(1, H), W2, b2.reshape(1, H // 2),
      W3, b3.reshape(1, H // 4), W_out)


def kernel(white_indices, black_indices, W_ft, W1, b1, W2, b2, W3, b3, W_out, b_out):
    tab4 = W_ft.T.reshape(-1, HL)
    ft = _sc_embed(white_indices.astype(jnp.int32).reshape(-1),
                   black_indices.astype(jnp.int32).reshape(-1), tab4)
    x = ft.reshape(B, 2 * H)
    out = _mlp(x, W1, b1, W2, b2, W3, b3, W_out)
    return out[:, 0] + b_out

# --- scband reference (transcript-rebuilt; emitter-appended) ---
"""Pipeline reference for scband-nnue-16381005267418 (READ-ONLY COPY).

The authoritative reference and input builder live on the scoring server;
editing this copy changes nothing except your own understanding.
"""

import jax, jax.numpy as jnp
import numpy as np

B = 1024
A = 32
F = 41024
H = 512

def setup_inputs(seed: int = 0) -> dict:
    key = jax.random.key(seed)
    ks = jax.random.split(key, 12)
    white_indices = jax.random.randint(ks[0], (B, A), 0, F)
    black_indices = jax.random.randint(ks[1], (B, A), 0, F)
    W_ft = 0.1 * jax.random.normal(ks[2], (H, F), dtype=jnp.float32)
    W1 = 0.1 * jax.random.normal(ks[3], (H, 2 * H), dtype=jnp.float32)
    b1 = jnp.zeros((H,), dtype=jnp.float32)
    W2 = 0.1 * jax.random.normal(ks[4], (H // 2, H), dtype=jnp.float32)
    b2 = jnp.zeros((H // 2,), dtype=jnp.float32)
    W3 = 0.1 * jax.random.normal(ks[5], (H // 4, H // 2), dtype=jnp.float32)
    b3 = jnp.zeros((H // 4,), dtype=jnp.float32)
    W_out = 0.1 * jax.random.normal(ks[6], (1, H // 4), dtype=jnp.float32)
    b_out = jnp.zeros((1,), dtype=jnp.float32)
    return {"white_indices": white_indices, "black_indices": black_indices,
            "W_ft": W_ft, "W1": W1, "b1": b1, "W2": W2, "b2": b2,
            "W3": W3, "b3": b3, "W_out": W_out, "b_out": b_out}

def _create_features(indices, feature_count):
    bsz = indices.shape[0]
    feats = jnp.zeros((bsz, feature_count), dtype=jnp.float32)
    batch_idx = jnp.broadcast_to(jnp.arange(bsz)[:, None], indices.shape)
    return feats.at[batch_idx, indices].set(1.0)

def reference(white_indices, black_indices, W_ft, W1, b1, W2, b2, W3, b3, W_out, b_out):
    feature_count = W_ft.shape[1]
    white_features = _create_features(white_indices, feature_count)
    black_features = _create_features(black_indices, feature_count)
    white_transformed = white_features @ W_ft.T
    black_transformed = black_features @ W_ft.T
    white_transformed = jnp.clip(white_transformed, -1.0, 1.0)
    black_transformed = jnp.clip(black_transformed, -1.0, 1.0)
    combined = jnp.concatenate([white_transformed, black_transformed], axis=1)
    h = jax.nn.relu(combined @ W1.T + b1)
    h = jax.nn.relu(h @ W2.T + b2)
    h = jax.nn.relu(h @ W3.T + b3)
    out = h @ W_out.T + b_out
    return out.squeeze(-1)

if __name__ == "__main__":
    import jax
    _d = setup_inputs()
    print(jax.jit(kernel)(*tuple(_d.values())))

</pallas_src>

<mosaic_0001>
#map = affine_map<(d0, d1) -> (0)>
#map1 = affine_map<(d0, d1) -> (0, 0)>
module attributes {stable_mosaic.version = 14 : i64} {
  func.func @_sc_embed_body(%arg0: i32, %arg1: i32, %arg2: memref<32768xi32, #tpu.memory_space<hbm>>, %arg3: memref<32768xi32, #tpu.memory_space<hbm>>, %arg4: memref<164096x128xf32, #tpu.memory_space<hbm>>, %arg5: memref<8192x128xf32, #tpu.memory_space<hbm>>, %arg6: memref<2048xi32, #tpu.memory_space<vmem>>, %arg7: memref<64x128xi32, #tpu.memory_space<vmem>>, %arg8: memref<64x128xi32, #tpu.memory_space<vmem>>, %arg9: memref<128x128xf32, #tpu.memory_space<vmem>>, %arg10: memref<128x128xf32, #tpu.memory_space<vmem>>, %arg11: memref<128x128xf32, #tpu.memory_space<vmem>>, %arg12: memref<128x128xf32, #tpu.memory_space<vmem>>, %arg13: memref<64x128xf32, #tpu.memory_space<vmem>>, %arg14: memref<4100x128xf32, #tpu.memory_space<vmem_shared>>, %arg15: memref<!tpu.dma_semaphore, #tpu.memory_space<semaphore_mem>>, %arg16: memref<!tpu.dma_semaphore, #tpu.memory_space<semaphore_mem>>, %arg17: memref<!tpu.dma_semaphore, #tpu.memory_space<semaphore_mem>>, %arg18: memref<!tpu.dma_semaphore, #tpu.memory_space<semaphore_mem>>) attributes {dimension_semantics = [#tpu.dimension_semantics<core_parallel>, #tpu.dimension_semantics<subcore_parallel>], iteration_bounds = array<i64: 2, 16>, scalar_prefetch = 0 : i64, scratch_operands = 13 : i64, tpu.core_type = #tpu.core_type<sc_vector_subcore>, window_params = [{transform_indices = #map}, {transform_indices = #map}, {transform_indices = #map1}, {transform_indices = #map1}]} {
    %mul3A = arith.constant 16 : i32
    %mul3A_0 = arith.muli %arg0, %mul3A : i32
    %add3A = arith.addi %mul3A_0, %arg1 : i32
    %mul3A_1 = arith.constant 32 : i32
    %mul3A_2 = arith.muli %add3A, %mul3A_1 : i32
    %iota3A = tpu.iota {dimensions = array<i32: 0>} : vector<16xi32>
    %mul3A_3 = arith.constant 32 : i32
    %mul3A_4 = arith.muli %mul3A_2, %mul3A_3 : i32
    "tpu.region"() ({
      %run_scoped3A = tpu.sem_alloc : memref<!tpu.dma_semaphore, #tpu.memory_space<semaphore_mem>>
      %dma_start3A_155 = arith.constant 0 : i32
      %dma_start3A_156 = tpu.memref_slice %arg6[%dma_start3A_155] : memref<2048xi32, #tpu.memory_space<vmem>> -> memref<1024xi32, #tpu.memory_space<vmem>>
      %dma_start3A_157 = tpu.memref_slice %arg2[%mul3A_4] : memref<32768xi32, #tpu.memory_space<hbm>> -> memref<1024xi32, #tpu.memory_space<hbm>>
      %dma_start3A_158 = arith.constant 0 : i32
      %dma_start3A_159 = tpu.memref_slice %arg6[%dma_start3A_158] : memref<2048xi32, #tpu.memory_space<vmem>> -> memref<1024xi32, #tpu.memory_space<vmem>>
      %dma_start3A_160 = tpu.memref_slice %arg2[%mul3A_4] : memref<32768xi32, #tpu.memory_space<hbm>> -> memref<1024xi32, #tpu.memory_space<hbm>>
      tpu.enqueue_dma source(%dma_start3A_160 : memref<1024xi32, #tpu.memory_space<hbm>>) target(%dma_start3A_159 : memref<1024xi32, #tpu.memory_space<vmem>>) target_semaphore(%run_scoped3A : memref<!tpu.dma_semaphore, #tpu.memory_space<semaphore_mem>>)
      %dma_wait3A = arith.constant 0 : i32
      %dma_wait3A_161 = tpu.memref_slice %arg6[%dma_wait3A] : memref<2048xi32, #tpu.memory_space<vmem>> -> memref<1024xi32, #tpu.memory_space<vmem>>
      %dma_wait3A_162 = tpu.memref_slice %arg2[%mul3A_4] : memref<32768xi32, #tpu.memory_space<hbm>> -> memref<1024xi32, #tpu.memory_space<hbm>>
      %dma_wait3A_163 = arith.constant 0 : i32
      %dma_wait3A_164 = tpu.memref_slice %arg6[%dma_wait3A_163] : memref<2048xi32, #tpu.memory_space<vmem>> -> memref<1024xi32, #tpu.memory_space<vmem>>
      %dma_wait3A_165 = tpu.memref_slice %arg2[%mul3A_4] : memref<32768xi32, #tpu.memory_space<hbm>> -> memref<1024xi32, #tpu.memory_space<hbm>>
      tpu.wait_dma2 semaphore(%run_scoped3A : memref<!tpu.dma_semaphore, #tpu.memory_space<semaphore_mem>>) src(%dma_wait3A_165 : memref<1024xi32, #tpu.memory_space<hbm>>) dst(%dma_wait3A_164 : memref<1024xi32, #tpu.memory_space<vmem>>)
      tpu.yield
    }) : () -> ()
    %mul3A_5 = arith.constant 32 : i32
    %mul3A_6 = arith.muli %mul3A_2, %mul3A_5 : i32
    "tpu.region"() ({
      %run_scoped3A = tpu.sem_alloc : memref<!tpu.dma_semaphore, #tpu.memory_space<semaphore_mem>>
      %dma_start3A_155 = arith.constant 1024 : i32
      %dma_start3A_156 = tpu.memref_slice %arg6[%dma_start3A_155] : memref<2048xi32, #tpu.memory_space<vmem>> -> memref<1024xi32, #tpu.memory_space<vmem>>
      %dma_start3A_157 = tpu.memref_slice %arg3[%mul3A_6] : memref<32768xi32, #tpu.memory_space<hbm>> -> memref<1024xi32, #tpu.memory_space<hbm>>
      %dma_start3A_158 = arith.constant 1024 : i32
      %dma_start3A_159 = tpu.memref_slice %arg6[%dma_start3A_158] : memref<2048xi32, #tpu.memory_space<vmem>> -> memref<1024xi32, #tpu.memory_space<vmem>>
      %dma_start3A_160 = tpu.memref_slice %arg3[%mul3A_6] : memref<32768xi32, #tpu.memory_space<hbm>> -> memref<1024xi32, #tpu.memory_space<hbm>>
      tpu.enqueue_dma source(%dma_start3A_160 : memref<1024xi32, #tpu.memory_space<hbm>>) target(%dma_start3A_159 : memref<1024xi32, #tpu.memory_space<vmem>>) target_semaphore(%run_scoped3A : memref<!tpu.dma_semaphore, #tpu.memory_space<semaphore_mem>>)
      %dma_wait3A = arith.constant 1024 : i32
      %dma_wait3A_161 = tpu.memref_slice %arg6[%dma_wait3A] : memref<2048xi32, #tpu.memory_space<vmem>> -> memref<1024xi32, #tpu.memory_space<vmem>>
      %dma_wait3A_162 = tpu.memref_slice %arg3[%mul3A_6] : memref<32768xi32, #tpu.memory_space<hbm>> -> memref<1024xi32, #tpu.memory_space<hbm>>
      %dma_wait3A_163 = arith.constant 1024 : i32
      %dma_wait3A_164 = tpu.memref_slice %arg6[%dma_wait3A_163] : memref<2048xi32, #tpu.memory_space<vmem>> -> memref<1024xi32, #tpu.memory_space<vmem>>
      %dma_wait3A_165 = tpu.memref_slice %arg3[%mul3A_6] : memref<32768xi32, #tpu.memory_space<hbm>> -> memref<1024xi32, #tpu.memory_space<hbm>>
      tpu.wait_dma2 semaphore(%run_scoped3A : memref<!tpu.dma_semaphore, #tpu.memory_space<semaphore_mem>>) src(%dma_wait3A_165 : memref<1024xi32, #tpu.memory_space<hbm>>) dst(%dma_wait3A_164 : memref<1024xi32, #tpu.memory_space<vmem>>)
      tpu.yield
    }) : () -> ()
    %scan3A = arith.constant 0 : i32
    %scan3A_7 = arith.constant 0 : i32
    %scan3A_8 = arith.constant 4 : i32
    %scan3A_9 = arith.addi %scan3A_7, %scan3A_8 : i32
    %scan3A_10 = arith.constant 1 : i32
    %scan3A_11 = scf.for %scan3A_155 = %scan3A_7 to %scan3A_9 step %scan3A_10 iter_args(%scan3A_156 = %scan3A) -> (i32)  : i32 {
      %shift_right_arithmetic3A = arith.constant 1 : i32
      %shift_right_arithmetic3A_157 = arith.shrsi %scan3A_155, %shift_right_arithmetic3A : i32
      %and3A = arith.constant 1 : i32
      %and3A_158 = arith.andi %scan3A_155, %and3A : i32
      %mul3A_159 = arith.constant 16 : i32
      %mul3A_160 = arith.muli %shift_right_arithmetic3A_157, %mul3A_159 : i32
      %add3A_161 = vector.broadcast %mul3A_160 : i32 to vector<16xi32>
      %add3A_162 = arith.addi %add3A_161, %iota3A : vector<16xi32>
      %mul3A_163 = arith.constant 32 : i32
      %mul3A_164 = arith.muli %and3A_158, %mul3A_163 : i32
      %add3A_165 = vector.broadcast %mul3A_164 : i32 to vector<16xi32>
      %add3A_166 = arith.addi %add3A_165, %add3A_162 : vector<16xi32>
      %mul3A_167 = arith.constant 32 : i32
      %mul3A_168 = vector.broadcast %mul3A_167 : i32 to vector<16xi32>
      %mul3A_169 = arith.muli %add3A_166, %mul3A_168 : vector<16xi32>
      %add3A_170 = arith.constant 0 : i32
      %add3A_171 = vector.broadcast %add3A_170 : i32 to vector<16xi32>
      %add3A_172 = arith.addi %mul3A_169, %add3A_171 : vector<16xi32>
      %gather3A = tpu.vector_load_idx %arg6[%add3A_172] : memref<2048xi32, #tpu.memory_space<vmem>>[vector<16xi32>], vector<16xi32>,
      %add3A_173 = arith.constant 1 : i32
      %add3A_174 = vector.broadcast %add3A_173 : i32 to vector<16xi32>
      %add3A_175 = arith.addi %mul3A_169, %add3A_174 : vector<16xi32>
      %gather3A_176 = tpu.vector_load_idx %arg6[%add3A_175] : memref<2048xi32, #tpu.memory_space<vmem>>[vector<16xi32>], vector<16xi32>,
      %add3A_177 = arith.constant 2 : i32
      %add3A_178 = vector.broadcast %add3A_177 : i32 to vector<16xi32>
      %add3A_179 = arith.addi %mul3A_169, %add3A_178 : vector<16xi32>
      %gather3A_180 = tpu.vector_load_idx %arg6[%add3A_179] : memref<2048xi32, #tpu.memory_space<vmem>>[vector<16xi32>], vector<16xi32>,
      %add3A_181 = arith.constant 3 : i32
      %add3A_182 = vector.broadcast %add3A_181 : i32 to vector<16xi32>
      %add3A_183 = arith.addi %mul3A_169, %add3A_182 : vector<16xi32>
      %gather3A_184 = tpu.vector_load_idx %arg6[%add3A_183] : memref<2048xi32, #tpu.memory_space<vmem>>[vector<16xi32>], vector<16xi32>,
      %add3A_185 = arith.constant 4 : i32
      %add3A_186 = vector.broadcast %add3A_185 : i32 to vector<16xi32>
      %add3A_187 = arith.addi %mul3A_169, %add3A_186 : vector<16xi32>
      %gather3A_188 = tpu.vector_load_idx %arg6[%add3A_187] : memref<2048xi32, #tpu.memory_space<vmem>>[vector<16xi32>], vector<16xi32>,
      %add3A_189 = arith.constant 5 : i32
      %add3A_190 = vector.broadcast %add3A_189 : i32 to vector<16xi32>
      %add3A_191 = arith.addi %mul3A_169, %add3A_190 : vector<16xi32>
      %gather3A_192 = tpu.vector_load_idx %arg6[%add3A_191] : memref<2048xi32, #tpu.memory_space<vmem>>[vector<16xi32>], vector<16xi32>,
      %add3A_193 = arith.constant 6 : i32
      %add3A_194 = vector.broadcast %add3A_193 : i32 to vector<16xi32>
      %add3A_195 = arith.addi %mul3A_169, %add3A_194 : vector<16xi32>
      %gather3A_196 = tpu.vector_load_idx %arg6[%add3A_195] : memref<2048xi32, #tpu.memory_space<vmem>>[vector<16xi32>], vector<16xi32>,
      %add3A_197 = arith.constant 7 : i32
      %add3A_198 = vector.broadcast %add3A_197 : i32 to vector<16xi32>
      %add3A_199 = arith.addi %mul3A_169, %add3A_198 : vector<16xi32>
      %gather3A_200 = tpu.vector_load_idx %arg6[%add3A_199] : memref<2048xi32, #tpu.memory_space<vmem>>[vector<16xi32>], vector<16xi32>,
      %add3A_201 = arith.constant 8 : i32
      %add3A_202 = vector.broadcast %add3A_201 : i32 to vector<16xi32>
      %add3A_203 = arith.addi %mul3A_169, %add3A_202 : vector<16xi32>
      %gather3A_204 = tpu.vector_load_idx %arg6[%add3A_203] : memref<2048xi32, #tpu.memory_space<vmem>>[vector<16xi32>], vector<16xi32>,
      %add3A_205 = arith.constant 9 : i32
      %add3A_206 = vector.broadcast %add3A_205 : i32 to vector<16xi32>
      %add3A_207 = arith.addi %mul3A_169, %add3A_206 : vector<16xi32>
      %gather3A_208 = tpu.vector_load_idx %arg6[%add3A_207] : memref<2048xi32, #tpu.memory_space<vmem>>[vector<16xi32>], vector<16xi32>,
      %add3A_209 = arith.constant 10 : i32
      %add3A_210 = vector.broadcast %add3A_209 : i32 to vector<16xi32>
      %add3A_211 = arith.addi %mul3A_169, %add3A_210 : vector<16xi32>
      %gather3A_212 = tpu.vector_load_idx %arg6[%add3A_211] : memref<2048xi32, #tpu.memory_space<vmem>>[vector<16xi32>], vector<16xi32>,
      %add3A_213 = arith.constant 11 : i32
      %add3A_214 = vector.broadcast %add3A_213 : i32 to vector<16xi32>
      %add3A_215 = arith.addi %mul3A_169, %add3A_214 : vector<16xi32>
      %gather3A_216 = tpu.vector_load_idx %arg6[%add3A_215] : memref<2048xi32, #tpu.memory_space<vmem>>[vector<16xi32>], vector<16xi32>,
      %add3A_217 = arith.constant 12 : i32
      %add3A_218 = vector.broadcast %add3A_217 : i32 to vector<16xi32>
      %add3A_219 = arith.addi %mul3A_169, %add3A_218 : vector<16xi32>
      %gather3A_220 = tpu.vector_load_idx %arg6[%add3A_219] : memref<2048xi32, #tpu.memory_space<vmem>>[vector<16xi32>], vector<16xi32>,
      %add3A_221 = arith.constant 13 : i32
      %add3A_222 = vector.broadcast %add3A_221 : i32 to vector<16xi32>
      %add3A_223 = arith.addi %mul3A_169, %add3A_222 : vector<16xi32>
      %gather3A_224 = tpu.vector_load_idx %arg6[%add3A_223] : memref<2048xi32, #tpu.memory_space<vmem>>[vector<16xi32>], vector<16xi32>,
      %add3A_225 = arith.constant 14 : i32
      %add3A_226 = vector.broadcast %add3A_225 : i32 to vector<16xi32>
      %add3A_227 = arith.addi %mul3A_169, %add3A_226 : vector<16xi32>
      %gather3A_228 = tpu.vector_load_idx %arg6[%add3A_227] : memref<2048xi32, #tpu.memory_space<vmem>>[vector<16xi32>], vector<16xi32>,
      %add3A_229 = arith.constant 15 : i32
      %add3A_230 = vector.broadcast %add3A_229 : i32 to vector<16xi32>
      %add3A_231 = arith.addi %mul3A_169, %add3A_230 : vector<16xi32>
      %gather3A_232 = tpu.vector_load_idx %arg6[%add3A_231] : memref<2048xi32, #tpu.memory_space<vmem>>[vector<16xi32>], vector<16xi32>,
      %add3A_233 = arith.constant 16 : i32
      %add3A_234 = vector.broadcast %add3A_233 : i32 to vector<16xi32>
      %add3A_235 = arith.addi %mul3A_169, %add3A_234 : vector<16xi32>
      %gather3A_236 = tpu.vector_load_idx %arg6[%add3A_235] : memref<2048xi32, #tpu.memory_space<vmem>>[vector<16xi32>], vector<16xi32>,
      %add3A_237 = arith.constant 17 : i32
      %add3A_238 = vector.broadcast %add3A_237 : i32 to vector<16xi32>
      %add3A_239 = arith.addi %mul3A_169, %add3A_238 : vector<16xi32>
      %gather3A_240 = tpu.vector_load_idx %arg6[%add3A_239] : memref<2048xi32, #tpu.memory_space<vmem>>[vector<16xi32>], vector<16xi32>,
      %add3A_241 = arith.constant 18 : i32
      %add3A_242 = vector.broadcast %add3A_241 : i32 to vector<16xi32>
      %add3A_243 = arith.addi %mul3A_169, %add3A_242 : vector<16xi32>
      %gather3A_244 = tpu.vector_load_idx %arg6[%add3A_243] : memref<2048xi32, #tpu.memory_space<vmem>>[vector<16xi32>], vector<16xi32>,
      %add3A_245 = arith.constant 19 : i32
      %add3A_246 = vector.broadcast %add3A_245 : i32 to vector<16xi32>
      %add3A_247 = arith.addi %mul3A_169, %add3A_246 : vector<16xi32>
      %gather3A_248 = tpu.vector_load_idx %arg6[%add3A_247] : memref<2048xi32, #tpu.memory_space<vmem>>[vector<16xi32>], vector<16xi32>,
      %add3A_249 = arith.constant 20 : i32
      %add3A_250 = vector.broadcast %add3A_249 : i32 to vector<16xi32>
      %add3A_251 = arith.addi %mul3A_169, %add3A_250 : vector<16xi32>
      %gather3A_252 = tpu.vector_load_idx %arg6[%add3A_251] : memref<2048xi32, #tpu.memory_space<vmem>>[vector<16xi32>], vector<16xi32>,
      %add3A_253 = arith.constant 21 : i32
      %add3A_254 = vector.broadcast %add3A_253 : i32 to vector<16xi32>
      %add3A_255 = arith.addi %mul3A_169, %add3A_254 : vector<16xi32>
      %gather3A_256 = tpu.vector_load_idx %arg6[%add3A_255] : memref<2048xi32, #tpu.memory_space<vmem>>[vector<16xi32>], vector<16xi32>,
      %add3A_257 = arith.constant 22 : i32
      %add3A_258 = vector.broadcast %add3A_257 : i32 to vector<16xi32>
      %add3A_259 = arith.addi %mul3A_169, %add3A_258 : vector<16xi32>
      %gather3A_260 = tpu.vector_load_idx %arg6[%add3A_259] : memref<2048xi32, #tpu.memory_space<vmem>>[vector<16xi32>], vector<16xi32>,
      %add3A_261 = arith.constant 23 : i32
      %add3A_262 = vector.broadcast %add3A_261 : i32 to vector<16xi32>
      %add3A_263 = arith.addi %mul3A_169, %add3A_262 : vector<16xi32>
      %gather3A_264 = tpu.vector_load_idx %arg6[%add3A_263] : memref<2048xi32, #tpu.memory_space<vmem>>[vector<16xi32>], vector<16xi32>,
      %add3A_265 = arith.constant 24 : i32
      %add3A_266 = vector.broadcast %add3A_265 : i32 to vector<16xi32>
      %add3A_267 = arith.addi %mul3A_169, %add3A_266 : vector<16xi32>
      %gather3A_268 = tpu.vector_load_idx %arg6[%add3A_267] : memref<2048xi32, #tpu.memory_space<vmem>>[vector<16xi32>], vector<16xi32>,
      %add3A_269 = arith.constant 25 : i32
      %add3A_270 = vector.broadcast %add3A_269 : i32 to vector<16xi32>
      %add3A_271 = arith.addi %mul3A_169, %add3A_270 : vector<16xi32>
      %gather3A_272 = tpu.vector_load_idx %arg6[%add3A_271] : memref<2048xi32, #tpu.memory_space<vmem>>[vector<16xi32>], vector<16xi32>,
      %add3A_273 = arith.constant 26 : i32
      %add3A_274 = vector.broadcast %add3A_273 : i32 to vector<16xi32>
      %add3A_275 = arith.addi %mul3A_169, %add3A_274 : vector<16xi32>
      %gather3A_276 = tpu.vector_load_idx %arg6[%add3A_275] : memref<2048xi32, #tpu.memory_space<vmem>>[vector<16xi32>], vector<16xi32>,
      %add3A_277 = arith.constant 27 : i32
      %add3A_278 = vector.broadcast %add3A_277 : i32 to vector<16xi32>
      %add3A_279 = arith.addi %mul3A_169, %add3A_278 : vector<16xi32>
      %gather3A_280 = tpu.vector_load_idx %arg6[%add3A_279] : memref<2048xi32, #tpu.memory_space<vmem>>[vector<16xi32>], vector<16xi32>,
      %add3A_281 = arith.constant 28 : i32
      %add3A_282 = vector.broadcast %add3A_281 : i32 to vector<16xi32>
      %add3A_283 = arith.addi %mul3A_169, %add3A_282 : vector<16xi32>
      %gather3A_284 = tpu.vector_load_idx %arg6[%add3A_283] : memref<2048xi32, #tpu.memory_space<vmem>>[vector<16xi32>], vector<16xi32>,
      %add3A_285 = arith.constant 29 : i32
      %add3A_286 = vector.broadcast %add3A_285 : i32 to vector<16xi32>
      %add3A_287 = arith.addi %mul3A_169, %add3A_286 : vector<16xi32>
      %gather3A_288 = tpu.vector_load_idx %arg6[%add3A_287] : memref<2048xi32, #tpu.memory_space<vmem>>[vector<16xi32>], vector<16xi32>,
      %add3A_289 = arith.constant 30 : i32
      %add3A_290 = vector.broadcast %add3A_289 : i32 to vector<16xi32>
      %add3A_291 = arith.addi %mul3A_169, %add3A_290 : vector<16xi32>
      %gather3A_292 = tpu.vector_load_idx %arg6[%add3A_291] : memref<2048xi32, #tpu.memory_space<vmem>>[vector<16xi32>], vector<16xi32>,
      %add3A_293 = arith.constant 31 : i32
      %add3A_294 = vector.broadcast %add3A_293 : i32 to vector<16xi32>
      %add3A_295 = arith.addi %mul3A_169, %add3A_294 : vector<16xi32>
      %gather3A_296 = tpu.vector_load_idx %arg6[%add3A_295] : memref<2048xi32, #tpu.memory_space<vmem>>[vector<16xi32>], vector<16xi32>,
      %mul3A_297 = arith.constant 2 : i32
      %mul3A_298 = vector.broadcast %mul3A_297 : i32 to vector<16xi32>
      %mul3A_299 = arith.muli %add3A_162, %mul3A_298 : vector<16xi32>
      %add3A_300 = vector.broadcast %and3A_158 : i32 to vector<16xi32>
      %add3A_301 = arith.addi %mul3A_299, %add3A_300 : vector<16xi32>
      %mul3A_302 = arith.constant 64 : i32
      %mul3A_303 = arith.muli %arg1, %mul3A_302 : i32
      %add3A_304 = vector.broadcast %mul3A_303 : i32 to vector<16xi32>
      %add3A_305 = arith.addi %add3A_304, %add3A_301 : vector<16xi32>
      %eq3A = arith.cmpi eq, %gather3A_176, %gather3A : vector<16xi32>
      %jit3A = arith.constant 1024 : i32
      %broadcast_in_dim3A_306 = vector.broadcast %jit3A : i32 to vector<16xi32>
      %select_n3A = arith.select %eq3A, %broadcast_in_dim3A_306, %add3A_305 : vector<16xi1>, vector<16xi32>
      %eq3A_307 = arith.cmpi eq, %gather3A_180, %gather3A : vector<16xi32>
      %eq3A_308 = arith.cmpi eq, %gather3A_180, %gather3A_176 : vector<16xi32>
      %or3A = arith.ori %eq3A_307, %eq3A_308 : vector<16xi1>
      %jit3A_309 = arith.constant 1024 : i32
      %broadcast_in_dim3A_310 = vector.broadcast %jit3A_309 : i32 to vector<16xi32>
      %select_n3A_311 = arith.select %or3A, %broadcast_in_dim3A_310, %add3A_305 : vector<16xi1>, vector<16xi32>
      %eq3A_312 = arith.cmpi eq, %gather3A_184, %gather3A : vector<16xi32>
      %eq3A_313 = arith.cmpi eq, %gather3A_184, %gather3A_176 : vector<16xi32>
      %or3A_314 = arith.ori %eq3A_312, %eq3A_313 : vector<16xi1>
      %eq3A_315 = arith.cmpi eq, %gather3A_184, %gather3A_180 : vector<16xi32>
      %or3A_316 = arith.ori %or3A_314, %eq3A_315 : vector<16xi1>
      %jit3A_317 = arith.constant 1024 : i32
      %broadcast_in_dim3A_318 = vector.broadcast %jit3A_317 : i32 to vector<16xi32>
      %select_n3A_319 = arith.select %or3A_316, %broadcast_in_dim3A_318, %add3A_305 : vector<16xi1>, vector<16xi32>
      %eq3A_320 = arith.cmpi eq, %gather3A_188, %gather3A : vector<16xi32>
      %eq3A_321 = arith.cmpi eq, %gather3A_188, %gather3A_176 : vector<16xi32>
      %or3A_322 = arith.ori %eq3A_320, %eq3A_321 : vector<16xi1>
      %eq3A_323 = arith.cmpi eq, %gather3A_188, %gather3A_180 : vector<16xi32>
      %or3A_324 = arith.ori %or3A_322, %eq3A_323 : vector<16xi1>
      %eq3A_325 = arith.cmpi eq, %gather3A_188, %gather3A_184 : vector<16xi32>
      %or3A_326 = arith.ori %or3A_324, %eq3A_325 : vector<16xi1>
      %jit3A_327 = arith.constant 1024 : i32
      %broadcast_in_dim3A_328 = vector.broadcast %jit3A_327 : i32 to vector<16xi32>
      %select_n3A_329 = arith.select %or3A_326, %broadcast_in_dim3A_328, %add3A_305 : vector<16xi1>, vector<16xi32>
      %eq3A_330 = arith.cmpi eq, %gather3A_192, %gather3A : vector<16xi32>
      %eq3A_331 = arith.cmpi eq, %gather3A_192, %gather3A_176 : vector<16xi32>
      %or3A_332 = arith.ori %eq3A_330, %eq3A_331 : vector<16xi1>
      %eq3A_333 = arith.cmpi eq, %gather3A_192, %gather3A_180 : vector<16xi32>
      %or3A_334 = arith.ori %or3A_332, %eq3A_333 : vector<16xi1>
      %eq3A_335 = arith.cmpi eq, %gather3A_192, %gather3A_184 : vector<16xi32>
      %or3A_336 = arith.ori %or3A_334, %eq3A_335 : vector<16xi1>
      %eq3A_337 = arith.cmpi eq, %gather3A_192, %gather3A_188 : vector<16xi32>
      %or3A_338 = arith.ori %or3A_336, %eq3A_337 : vector<16xi1>
      %jit3A_339 = arith.constant 1024 : i32
      %broadcast_in_dim3A_340 = vector.broadcast %jit3A_339 : i32 to vector<16xi32>
      %select_n3A_341 = arith.select %or3A_338, %broadcast_in_dim3A_340, %add3A_305 : vector<16xi1>, vector<16xi32>
      %eq3A_342 = arith.cmpi eq, %gather3A_196, %gather3A : vector<16xi32>
      %eq3A_343 = arith.cmpi eq, %gather3A_196, %gather3A_176 : vector<16xi32>
      %or3A_344 = arith.ori %eq3A_342, %eq3A_343 : vector<16xi1>
      %eq3A_345 = arith.cmpi eq, %gather3A_196, %gather3A_180 : vector<16xi32>
      %or3A_346 = arith.ori %or3A_344, %eq3A_345 : vector<16xi1>
      %eq3A_347 = arith.cmpi eq, %gather3A_196, %gather3A_184 : vector<16xi32>
      %or3A_348 = arith.ori %or3A_346, %eq3A_347 : vector<16xi1>
      %eq3A_349 = arith.cmpi eq, %gather3A_196, %gather3A_188 : vector<16xi32>
      %or3A_350 = arith.ori %or3A_348, %eq3A_349 : vector<16xi1>
      %eq3A_351 = arith.cmpi eq, %gather3A_196, %gather3A_192 : vector<16xi32>
      %or3A_352 = arith.ori %or3A_350, %eq3A_351 : vector<16xi1>
      %jit3A_353 = arith.constant 1024 : i32
      %broadcast_in_dim3A_354 = vector.broadcast %jit3A_353 : i32 to vector<16xi32>
      %select_n3A_355 = arith.select %or3A_352, %broadcast_in_dim3A_354, %add3A_305 : vector<16xi1>, vector<16xi32>
      %eq3A_356 = arith.cmpi eq, %gather3A_200, %gather3A : vector<16xi32>
      %eq3A_357 = arith.cmpi eq, %gather3A_200, %gather3A_176 : vector<16xi32>
      %or3A_358 = arith.ori %eq3A_356, %eq3A_357 : vector<16xi1>
      %eq3A_359 = arith.cmpi eq, %gather3A_200, %gather3A_180 : vector<16xi32>
      %or3A_360 = arith.ori %or3A_358, %eq3A_359 : vector<16xi1>
      %eq3A_361 = arith.cmpi eq, %gather3A_200, %gather3A_184 : vector<16xi32>
      %or3A_362 = arith.ori %or3A_360, %eq3A_361 : vector<16xi1>
      %eq3A_363 = arith.cmpi eq, %gather3A_200, %gather3A_188 : vector<16xi32>
      %or3A_364 = arith.ori %or3A_362, %eq3A_363 : vector<16xi1>
      %eq3A_365 = arith.cmpi eq, %gather3A_200, %gather3A_192 : vector<16xi32>
      %or3A_366 = arith.ori %or3A_364, %eq3A_365 : vector<16xi1>
      %eq3A_367 = arith.cmpi eq, %gather3A_200, %gather3A_196 : vector<16xi32>
      %or3A_368 = arith.ori %or3A_366, %eq3A_367 : vector<16xi1>
      %jit3A_369 = arith.constant 1024 : i32
      %broadcast_in_dim3A_370 = vector.broadcast %jit3A_369 : i32 to vector<16xi32>
      %select_n3A_371 = arith.select %or3A_368, %broadcast_in_dim3A_370, %add3A_305 : vector<16xi1>, vector<16xi32>
      %eq3A_372 = arith.cmpi eq, %gather3A_204, %gather3A : vector<16xi32>
      %eq3A_373 = arith.cmpi eq, %gather3A_204, %gather3A_176 : vector<16xi32>
      %or3A_374 = arith.ori %eq3A_372, %eq3A_373 : vector<16xi1>
      %eq3A_375 = arith.cmpi eq, %gather3A_204, %gather3A_180 : vector<16xi32>
      %or3A_376 = arith.ori %or3A_374, %eq3A_375 : vector<16xi1>
      %eq3A_377 = arith.cmpi eq, %gather3A_204, %gather3A_184 : vector<16xi32>
      %or3A_378 = arith.ori %or3A_376, %eq3A_377 : vector<16xi1>
      %eq3A_379 = arith.cmpi eq, %gather3A_204, %gather3A_188 : vector<16xi32>
      %or3A_380 = arith.ori %or3A_378, %eq3A_379 : vector<16xi1>
      %eq3A_381 = arith.cmpi eq, %gather3A_204, %gather3A_192 : vector<16xi32>
      %or3A_382 = arith.ori %or3A_380, %eq3A_381 : vector<16xi1>
      %eq3A_383 = arith.cmpi eq, %gather3A_204, %gather3A_196 : vector<16xi32>
      %or3A_384 = arith.ori %or3A_382, %eq3A_383 : vector<16xi1>
      %eq3A_385 = arith.cmpi eq, %gather3A_204, %gather3A_200 : vector<16xi32>
      %or3A_386 = arith.ori %or3A_384, %eq3A_385 : vector<16xi1>
      %jit3A_387 = arith.constant 1024 : i32
      %broadcast_in_dim3A_388 = vector.broadcast %jit3A_387 : i32 to vector<16xi32>
      %select_n3A_389 = arith.select %or3A_386, %broadcast_in_dim3A_388, %add3A_305 : vector<16xi1>, vector<16xi32>
      %eq3A_390 = arith.cmpi eq, %gather3A_208, %gather3A : vector<16xi32>
      %eq3A_391 = arith.cmpi eq, %gather3A_208, %gather3A_176 : vector<16xi32>
      %or3A_392 = arith.ori %eq3A_390, %eq3A_391 : vector<16xi1>
      %eq3A_393 = arith.cmpi eq, %gather3A_208, %gather3A_180 : vector<16xi32>
      %or3A_394 = arith.ori %or3A_392, %eq3A_393 : vector<16xi1>
      %eq3A_395 = arith.cmpi eq, %gather3A_208, %gather3A_184 : vector<16xi32>
      %or3A_396 = arith.ori %or3A_394, %eq3A_395 : vector<16xi1>
      %eq3A_397 = arith.cmpi eq, %gather3A_208, %gather3A_188 : vector<16xi32>
      %or3A_398 = arith.ori %or3A_396, %eq3A_397 : vector<16xi1>
      %eq3A_399 = arith.cmpi eq, %gather3A_208, %gather3A_192 : vector<16xi32>
      %or3A_400 = arith.ori %or3A_398, %eq3A_399 : vector<16xi1>
      %eq3A_401 = arith.cmpi eq, %gather3A_208, %gather3A_196 : vector<16xi32>
      %or3A_402 = arith.ori %or3A_400, %eq3A_401 : vector<16xi1>
      %eq3A_403 = arith.cmpi eq, %gather3A_208, %gather3A_200 : vector<16xi32>
      %or3A_404 = arith.ori %or3A_402, %eq3A_403 : vector<16xi1>
      %eq3A_405 = arith.cmpi eq, %gather3A_208, %gather3A_204 : vector<16xi32>
      %or3A_406 = arith.ori %or3A_404, %eq3A_405 : vector<16xi1>
      %jit3A_407 = arith.constant 1024 : i32
      %broadcast_in_dim3A_408 = vector.broadcast %jit3A_407 : i32 to vector<16xi32>
      %select_n3A_409 = arith.select %or3A_406, %broadcast_in_dim3A_408, %add3A_305 : vector<16xi1>, vector<16xi32>
      %eq3A_410 = arith.cmpi eq, %gather3A_212, %gather3A : vector<16xi32>
      %eq3A_411 = arith.cmpi eq, %gather3A_212, %gather3A_176 : vector<16xi32>
      %or3A_412 = arith.ori %eq3A_410, %eq3A_411 : vector<16xi1>
      %eq3A_413 = arith.cmpi eq, %gather3A_212, %gather3A_180 : vector<16xi32>
      %or3A_414 = arith.ori %or3A_412, %eq3A_413 : vector<16xi1>
      %eq3A_415 = arith.cmpi eq, %gather3A_212, %gather3A_184 : vector<16xi32>
      %or3A_416 = arith.ori %or3A_414, %eq3A_415 : vector<16xi1>
      %eq3A_417 = arith.cmpi eq, %gather3A_212, %gather3A_188 : vector<16xi32>
      %or3A_418 = arith.ori %or3A_416, %eq3A_417 : vector<16xi1>
      %eq3A_419 = arith.cmpi eq, %gather3A_212, %gather3A_192 : vector<16xi32>
      %or3A_420 = arith.ori %or3A_418, %eq3A_419 : vector<16xi1>
      %eq3A_421 = arith.cmpi eq, %gather3A_212, %gather3A_196 : vector<16xi32>
      %or3A_422 = arith.ori %or3A_420, %eq3A_421 : vector<16xi1>
      %eq3A_423 = arith.cmpi eq, %gather3A_212, %gather3A_200 : vector<16xi32>
      %or3A_424 = arith.ori %or3A_422, %eq3A_423 : vector<16xi1>
      %eq3A_425 = arith.cmpi eq, %gather3A_212, %gather3A_204 : vector<16xi32>
      %or3A_426 = arith.ori %or3A_424, %eq3A_425 : vector<16xi1>
      %eq3A_427 = arith.cmpi eq, %gather3A_212, %gather3A_208 : vector<16xi32>
      %or3A_428 = arith.ori %or3A_426, %eq3A_427 : vector<16xi1>
      %jit3A_429 = arith.constant 1024 : i32
      %broadcast_in_dim3A_430 = vector.broadcast %jit3A_429 : i32 to vector<16xi32>
      %select_n3A_431 = arith.select %or3A_428, %broadcast_in_dim3A_430, %add3A_305 : vector<16xi1>, vector<16xi32>
      %eq3A_432 = arith.cmpi eq, %gather3A_216, %gather3A : vector<16xi32>
      %eq3A_433 = arith.cmpi eq, %gather3A_216, %gather3A_176 : vector<16xi32>
      %or3A_434 = arith.ori %eq3A_432, %eq3A_433 : vector<16xi1>
      %eq3A_435 = arith.cmpi eq, %gather3A_216, %gather3A_180 : vector<16xi32>
      %or3A_436 = arith.ori %or3A_434, %eq3A_435 : vector<16xi1>
      %eq3A_437 = arith.cmpi eq, %gather3A_216, %gather3A_184 : vector<16xi32>
      %or3A_438 = arith.ori %or3A_436, %eq3A_437 : vector<16xi1>
      %eq3A_439 = arith.cmpi eq, %gather3A_216, %gather3A_188 : vector<16xi32>
      %or3A_440 = arith.ori %or3A_438, %eq3A_439 : vector<16xi1>
      %eq3A_441 = arith.cmpi eq, %gather3A_216, %gather3A_192 : vector<16xi32>
      %or3A_442 = arith.ori %or3A_440, %eq3A_441 : vector<16xi1>
      %eq3A_443 = arith.cmpi eq, %gather3A_216, %gather3A_196 : vector<16xi32>
      %or3A_444 = arith.ori %or3A_442, %eq3A_443 : vector<16xi1>
      %eq3A_445 = arith.cmpi eq, %gather3A_216, %gather3A_200 : vector<16xi32>
      %or3A_446 = arith.ori %or3A_444, %eq3A_445 : vector<16xi1>
      %eq3A_447 = arith.cmpi eq, %gather3A_216, %gather3A_204 : vector<16xi32>
      %or3A_448 = arith.ori %or3A_446, %eq3A_447 : vector<16xi1>
      %eq3A_449 = arith.cmpi eq, %gather3A_216, %gather3A_208 : vector<16xi32>
      %or3A_450 = arith.ori %or3A_448, %eq3A_449 : vector<16xi1>
      %eq3A_451 = arith.cmpi eq, %gather3A_216, %gather3A_212 : vector<16xi32>
      %or3A_452 = arith.ori %or3A_450, %eq3A_451 : vector<16xi1>
      %jit3A_453 = arith.constant 1024 : i32
      %broadcast_in_dim3A_454 = vector.broadcast %jit3A_453 : i32 to vector<16xi32>
      %select_n3A_455 = arith.select %or3A_452, %broadcast_in_dim3A_454, %add3A_305 : vector<16xi1>, vector<16xi32>
      %eq3A_456 = arith.cmpi eq, %gather3A_220, %gather3A : vector<16xi32>
      %eq3A_457 = arith.cmpi eq, %gather3A_220, %gather3A_176 : vector<16xi32>
      %or3A_458 = arith.ori %eq3A_456, %eq3A_457 : vector<16xi1>
      %eq3A_459 = arith.cmpi eq, %gather3A_220, %gather3A_180 : vector<16xi32>
      %or3A_460 = arith.ori %or3A_458, %eq3A_459 : vector<16xi1>
      %eq3A_461 = arith.cmpi eq, %gather3A_220, %gather3A_184 : vector<16xi32>
      %or3A_462 = arith.ori %or3A_460, %eq3A_461 : vector<16xi1>
      %eq3A_463 = arith.cmpi eq, %gather3A_220, %gather3A_188 : vector<16xi32>
      %or3A_464 = arith.ori %or3A_462, %eq3A_463 : vector<16xi1>
      %eq3A_465 = arith.cmpi eq, %gather3A_220, %gather3A_192 : vector<16xi32>
      %or3A_466 = arith.ori %or3A_464, %eq3A_465 : vector<16xi1>
      %eq3A_467 = arith.cmpi eq, %gather3A_220, %gather3A_196 : vector<16xi32>
      %or3A_468 = arith.ori %or3A_466, %eq3A_467 : vector<16xi1>
      %eq3A_469 = arith.cmpi eq, %gather3A_220, %gather3A_200 : vector<16xi32>
      %or3A_470 = arith.ori %or3A_468, %eq3A_469 : vector<16xi1>
      %eq3A_471 = arith.cmpi eq, %gather3A_220, %gather3A_204 : vector<16xi32>
      %or3A_472 = arith.ori %or3A_470, %eq3A_471 : vector<16xi1>
      %eq3A_473 = arith.cmpi eq, %gather3A_220, %gather3A_208 : vector<16xi32>
      %or3A_474 = arith.ori %or3A_472, %eq3A_473 : vector<16xi1>
      %eq3A_475 = arith.cmpi eq, %gather3A_220, %gather3A_212 : vector<16xi32>
      %or3A_476 = arith.ori %or3A_474, %eq3A_475 : vector<16xi1>
      %eq3A_477 = arith.cmpi eq, %gather3A_220, %gather3A_216 : vector<16xi32>
      %or3A_478 = arith.ori %or3A_476, %eq3A_477 : vector<16xi1>
      %jit3A_479 = arith.constant 1024 : i32
      %broadcast_in_dim3A_480 = vector.broadcast %jit3A_479 : i32 to vector<16xi32>
      %select_n3A_481 = arith.select %or3A_478, %broadcast_in_dim3A_480, %add3A_305 : vector<16xi1>, vector<16xi32>
      %eq3A_482 = arith.cmpi eq, %gather3A_224, %gather3A : vector<16xi32>
      %eq3A_483 = arith.cmpi eq, %gather3A_224, %gather3A_176 : vector<16xi32>
      %or3A_484 = arith.ori %eq3A_482, %eq3A_483 : vector<16xi1>
      %eq3A_485 = arith.cmpi eq, %gather3A_224, %gather3A_180 : vector<16xi32>
      %or3A_486 = arith.ori %or3A_484, %eq3A_485 : vector<16xi1>
      %eq3A_487 = arith.cmpi eq, %gather3A_224, %gather3A_184 : vector<16xi32>
      %or3A_488 = arith.ori %or3A_486, %eq3A_487 : vector<16xi1>
      %eq3A_489 = arith.cmpi eq, %gather3A_224, %gather3A_188 : vector<16xi32>
      %or3A_490 = arith.ori %or3A_488, %eq3A_489 : vector<16xi1>
      %eq3A_491 = arith.cmpi eq, %gather3A_224, %gather3A_192 : vector<16xi32>
      %or3A_492 = arith.ori %or3A_490, %eq3A_491 : vector<16xi1>
      %eq3A_493 = arith.cmpi eq, %gather3A_224, %gather3A_196 : vector<16xi32>
      %or3A_494 = arith.ori %or3A_492, %eq3A_493 : vector<16xi1>
      %eq3A_495 = arith.cmpi eq, %gather3A_224, %gather3A_200 : vector<16xi32>
      %or3A_496 = arith.ori %or3A_494, %eq3A_495 : vector<16xi1>
      %eq3A_497 = arith.cmpi eq, %gather3A_224, %gather3A_204 : vector<16xi32>
      %or3A_498 = arith.ori %or3A_496, %eq3A_497 : vector<16xi1>
      %eq3A_499 = arith.cmpi eq, %gather3A_224, %gather3A_208 : vector<16xi32>
      %or3A_500 = arith.ori %or3A_498, %eq3A_499 : vector<16xi1>
      %eq3A_501 = arith.cmpi eq, %gather3A_224, %gather3A_212 : vector<16xi32>
      %or3A_502 = arith.ori %or3A_500, %eq3A_501 : vector<16xi1>
      %eq3A_503 = arith.cmpi eq, %gather3A_224, %gather3A_216 : vector<16xi32>
      %or3A_504 = arith.ori %or3A_502, %eq3A_503 : vector<16xi1>
      %eq3A_505 = arith.cmpi eq, %gather3A_224, %gather3A_220 : vector<16xi32>
      %or3A_506 = arith.ori %or3A_504, %eq3A_505 : vector<16xi1>
      %jit3A_507 = arith.constant 1024 : i32
      %broadcast_in_dim3A_508 = vector.broadcast %jit3A_507 : i32 to vector<16xi32>
      %select_n3A_509 = arith.select %or3A_506, %broadcast_in_dim3A_508, %add3A_305 : vector<16xi1>, vector<16xi32>
      %eq3A_510 = arith.cmpi eq, %gather3A_228, %gather3A : vector<16xi32>
      %eq3A_511 = arith.cmpi eq, %gather3A_228, %gather3A_176 : vector<16xi32>
      %or3A_512 = arith.ori %eq3A_510, %eq3A_511 : vector<16xi1>
      %eq3A_513 = arith.cmpi eq, %gather3A_228, %gather3A_180 : vector<16xi32>
      %or3A_514 = arith.ori %or3A_512, %eq3A_513 : vector<16xi1>
      %eq3A_515 = arith.cmpi eq, %gather3A_228, %gather3A_184 : vector<16xi32>
      %or3A_516 = arith.ori %or3A_514, %eq3A_515 : vector<16xi1>
      %eq3A_517 = arith.cmpi eq, %gather3A_228, %gather3A_188 : vector<16xi32>
      %or3A_518 = arith.ori %or3A_516, %eq3A_517 : vector<16xi1>
      %eq3A_519 = arith.cmpi eq, %gather3A_228, %gather3A_192 : vector<16xi32>
      %or3A_520 = arith.ori %or3A_518, %eq3A_519 : vector<16xi1>
      %eq3A_521 = arith.cmpi eq, %gather3A_228, %gather3A_196 : vector<16xi32>
      %or3A_522 = arith.ori %or3A_520, %eq3A_521 : vector<16xi1>
      %eq3A_523 = arith.cmpi eq, %gather3A_228, %gather3A_200 : vector<16xi32>
      %or3A_524 = arith.ori %or3A_522, %eq3A_523 : vector<16xi1>
      %eq3A_525 = arith.cmpi eq, %gather3A_228, %gather3A_204 : vector<16xi32>
      %or3A_526 = arith.ori %or3A_524, %eq3A_525 : vector<16xi1>
      %eq3A_527 = arith.cmpi eq, %gather3A_228, %gather3A_208 : vector<16xi32>
      %or3A_528 = arith.ori %or3A_526, %eq3A_527 : vector<16xi1>
      %eq3A_529 = arith.cmpi eq, %gather3A_228, %gather3A_212 : vector<16xi32>
      %or3A_530 = arith.ori %or3A_528, %eq3A_529 : vector<16xi1>
      %eq3A_531 = arith.cmpi eq, %gather3A_228, %gather3A_216 : vector<16xi32>
      %or3A_532 = arith.ori %or3A_530, %eq3A_531 : vector<16xi1>
      %eq3A_533 = arith.cmpi eq, %gather3A_228, %gather3A_220 : vector<16xi32>
      %or3A_534 = arith.ori %or3A_532, %eq3A_533 : vector<16xi1>
      %eq3A_535 = arith.cmpi eq, %gather3A_228, %gather3A_224 : vector<16xi32>
      %or3A_536 = arith.ori %or3A_534, %eq3A_535 : vector<16xi1>
      %jit3A_537 = arith.constant 1024 : i32
      %broadcast_in_dim3A_538 = vector.broadcast %jit3A_537 : i32 to vector<16xi32>
      %select_n3A_539 = arith.select %or3A_536, %broadcast_in_dim3A_538, %add3A_305 : vector<16xi1>, vector<16xi32>
      %eq3A_540 = arith.cmpi eq, %gather3A_232, %gather3A : vector<16xi32>
      %eq3A_541 = arith.cmpi eq, %gather3A_232, %gather3A_176 : vector<16xi32>
      %or3A_542 = arith.ori %eq3A_540, %eq3A_541 : vector<16xi1>
      %eq3A_543 = arith.cmpi eq, %gather3A_232, %gather3A_180 : vector<16xi32>
      %or3A_544 = arith.ori %or3A_542, %eq3A_543 : vector<16xi1>
      %eq3A_545 = arith.cmpi eq, %gather3A_232, %gather3A_184 : vector<16xi32>
      %or3A_546 = arith.ori %or3A_544, %eq3A_545 : vector<16xi1>
      %eq3A_547 = arith.cmpi eq, %gather3A_232, %gather3A_188 : vector<16xi32>
      %or3A_548 = arith.ori %or3A_546, %eq3A_547 : vector<16xi1>
      %eq3A_549 = arith.cmpi eq, %gather3A_232, %gather3A_192 : vector<16xi32>
      %or3A_550 = arith.ori %or3A_548, %eq3A_549 : vector<16xi1>
      %eq3A_551 = arith.cmpi eq, %gather3A_232, %gather3A_196 : vector<16xi32>
      %or3A_552 = arith.ori %or3A_550, %eq3A_551 : vector<16xi1>
      %eq3A_553 = arith.cmpi eq, %gather3A_232, %gather3A_200 : vector<16xi32>
      %or3A_554 = arith.ori %or3A_552, %eq3A_553 : vector<16xi1>
      %eq3A_555 = arith.cmpi eq, %gather3A_232, %gather3A_204 : vector<16xi32>
      %or3A_556 = arith.ori %or3A_554, %eq3A_555 : vector<16xi1>
      %eq3A_557 = arith.cmpi eq, %gather3A_232, %gather3A_208 : vector<16xi32>
      %or3A_558 = arith.ori %or3A_556, %eq3A_557 : vector<16xi1>
      %eq3A_559 = arith.cmpi eq, %gather3A_232, %gather3A_212 : vector<16xi32>
      %or3A_560 = arith.ori %or3A_558, %eq3A_559 : vector<16xi1>
      %eq3A_561 = arith.cmpi eq, %gather3A_232, %gather3A_216 : vector<16xi32>
      %or3A_562 = arith.ori %or3A_560, %eq3A_561 : vector<16xi1>
      %eq3A_563 = arith.cmpi eq, %gather3A_232, %gather3A_220 : vector<16xi32>
      %or3A_564 = arith.ori %or3A_562, %eq3A_563 : vector<16xi1>
      %eq3A_565 = arith.cmpi eq, %gather3A_232, %gather3A_224 : vector<16xi32>
      %or3A_566 = arith.ori %or3A_564, %eq3A_565 : vector<16xi1>
      %eq3A_567 = arith.cmpi eq, %gather3A_232, %gather3A_228 : vector<16xi32>
      %or3A_568 = arith.ori %or3A_566, %eq3A_567 : vector<16xi1>
      %jit3A_569 = arith.constant 1024 : i32
      %broadcast_in_dim3A_570 = vector.broadcast %jit3A_569 : i32 to vector<16xi32>
      %select_n3A_571 = arith.select %or3A_568, %broadcast_in_dim3A_570, %add3A_305 : vector<16xi1>, vector<16xi32>
      %eq3A_572 = arith.cmpi eq, %gather3A_236, %gather3A : vector<16xi32>
      %eq3A_573 = arith.cmpi eq, %gather3A_236, %gather3A_176 : vector<16xi32>
      %or3A_574 = arith.ori %eq3A_572, %eq3A_573 : vector<16xi1>
      %eq3A_575 = arith.cmpi eq, %gather3A_236, %gather3A_180 : vector<16xi32>
      %or3A_576 = arith.ori %or3A_574, %eq3A_575 : vector<16xi1>
      %eq3A_577 = arith.cmpi eq, %gather3A_236, %gather3A_184 : vector<16xi32>
      %or3A_578 = arith.ori %or3A_576, %eq3A_577 : vector<16xi1>
      %eq3A_579 = arith.cmpi eq, %gather3A_236, %gather3A_188 : vector<16xi32>
      %or3A_580 = arith.ori %or3A_578, %eq3A_579 : vector<16xi1>
      %eq3A_581 = arith.cmpi eq, %gather3A_236, %gather3A_192 : vector<16xi32>
      %or3A_582 = arith.ori %or3A_580, %eq3A_581 : vector<16xi1>
      %eq3A_583 = arith.cmpi eq, %gather3A_236, %gather3A_196 : vector<16xi32>
      %or3A_584 = arith.ori %or3A_582, %eq3A_583 : vector<16xi1>
      %eq3A_585 = arith.cmpi eq, %gather3A_236, %gather3A_200 : vector<16xi32>
      %or3A_586 = arith.ori %or3A_584, %eq3A_585 : vector<16xi1>
      %eq3A_587 = arith.cmpi eq, %gather3A_236, %gather3A_204 : vector<16xi32>
      %or3A_588 = arith.ori %or3A_586, %eq3A_587 : vector<16xi1>
      %eq3A_589 = arith.cmpi eq, %gather3A_236, %gather3A_208 : vector<16xi32>
      %or3A_590 = arith.ori %or3A_588, %eq3A_589 : vector<16xi1>
      %eq3A_591 = arith.cmpi eq, %gather3A_236, %gather3A_212 : vector<16xi32>
      %or3A_592 = arith.ori %or3A_590, %eq3A_591 : vector<16xi1>
      %eq3A_593 = arith.cmpi eq, %gather3A_236, %gather3A_216 : vector<16xi32>
      %or3A_594 = arith.ori %or3A_592, %eq3A_593 : vector<16xi1>
      %eq3A_595 = arith.cmpi eq, %gather3A_236, %gather3A_220 : vector<16xi32>
      %or3A_596 = arith.ori %or3A_594, %eq3A_595 : vector<16xi1>
      %eq3A_597 = arith.cmpi eq, %gather3A_236, %gather3A_224 : vector<16xi32>
      %or3A_598 = arith.ori %or3A_596, %eq3A_597 : vector<16xi1>
      %eq3A_599 = arith.cmpi eq, %gather3A_236, %gather3A_228 : vector<16xi32>
      %or3A_600 = arith.ori %or3A_598, %eq3A_599 : vector<16xi1>
      %eq3A_601 = arith.cmpi eq, %gather3A_236, %gather3A_232 : vector<16xi32>
      %or3A_602 = arith.ori %or3A_600, %eq3A_601 : vector<16xi1>
      %jit3A_603 = arith.constant 1024 : i32
      %broadcast_in_dim3A_604 = vector.broadcast %jit3A_603 : i32 to vector<16xi32>
      %select_n3A_605 = arith.select %or3A_602, %broadcast_in_dim3A_604, %add3A_305 : vector<16xi1>, vector<16xi32>
      %eq3A_606 = arith.cmpi eq, %gather3A_240, %gather3A : vector<16xi32>
      %eq3A_607 = arith.cmpi eq, %gather3A_240, %gather3A_176 : vector<16xi32>
      %or3A_608 = arith.ori %eq3A_606, %eq3A_607 : vector<16xi1>
      %eq3A_609 = arith.cmpi eq, %gather3A_240, %gather3A_180 : vector<16xi32>
      %or3A_610 = arith.ori %or3A_608, %eq3A_609 : vector<16xi1>
      %eq3A_611 = arith.cmpi eq, %gather3A_240, %gather3A_184 : vector<16xi32>
      %or3A_612 = arith.ori %or3A_610, %eq3A_611 : vector<16xi1>
      %eq3A_613 = arith.cmpi eq, %gather3A_240, %gather3A_188 : vector<16xi32>
      %or3A_614 = arith.ori %or3A_612, %eq3A_613 : vector<16xi1>
      %eq3A_615 = arith.cmpi eq, %gather3A_240, %gather3A_192 : vector<16xi32>
      %or3A_616 = arith.ori %or3A_614, %eq3A_615 : vector<16xi1>
      %eq3A_617 = arith.cmpi eq, %gather3A_240, %gather3A_196 : vector<16xi32>
      %or3A_618 = arith.ori %or3A_616, %eq3A_617 : vector<16xi1>
      %eq3A_619 = arith.cmpi eq, %gather3A_240, %gather3A_200 : vector<16xi32>
      %or3A_620 = arith.ori %or3A_618, %eq3A_619 : vector<16xi1>
      %eq3A_621 = arith.cmpi eq, %gather3A_240, %gather3A_204 : vector<16xi32>
      %or3A_622 = arith.ori %or3A_620, %eq3A_621 : vector<16xi1>
      %eq3A_623 = arith.cmpi eq, %gather3A_240, %gather3A_208 : vector<16xi32>
      %or3A_624 = arith.ori %or3A_622, %eq3A_623 : vector<16xi1>
      %eq3A_625 = arith.cmpi eq, %gather3A_240, %gather3A_212 : vector<16xi32>
      %or3A_626 = arith.ori %or3A_624, %eq3A_625 : vector<16xi1>
      %eq3A_627 = arith.cmpi eq, %gather3A_240, %gather3A_216 : vector<16xi32>
      %or3A_628 = arith.ori %or3A_626, %eq3A_627 : vector<16xi1>
      %eq3A_629 = arith.cmpi eq, %gather3A_240, %gather3A_220 : vector<16xi32>
      %or3A_630 = arith.ori %or3A_628, %eq3A_629 : vector<16xi1>
      %eq3A_631 = arith.cmpi eq, %gather3A_240, %gather3A_224 : vector<16xi32>
      %or3A_632 = arith.ori %or3A_630, %eq3A_631 : vector<16xi1>
      %eq3A_633 = arith.cmpi eq, %gather3A_240, %gather3A_228 : vector<16xi32>
      %or3A_634 = arith.ori %or3A_632, %eq3A_633 : vector<16xi1>
      %eq3A_635 = arith.cmpi eq, %gather3A_240, %gather3A_232 : vector<16xi32>
      %or3A_636 = arith.ori %or3A_634, %eq3A_635 : vector<16xi1>
      %eq3A_637 = arith.cmpi eq, %gather3A_240, %gather3A_236 : vector<16xi32>
      %or3A_638 = arith.ori %or3A_636, %eq3A_637 : vector<16xi1>
      %jit3A_639 = arith.constant 1024 : i32
      %broadcast_in_dim3A_640 = vector.broadcast %jit3A_639 : i32 to vector<16xi32>
      %select_n3A_641 = arith.select %or3A_638, %broadcast_in_dim3A_640, %add3A_305 : vector<16xi1>, vector<16xi32>
      %eq3A_642 = arith.cmpi eq, %gather3A_244, %gather3A : vector<16xi32>
      %eq3A_643 = arith.cmpi eq, %gather3A_244, %gather3A_176 : vector<16xi32>
      %or3A_644 = arith.ori %eq3A_642, %eq3A_643 : vector<16xi1>
      %eq3A_645 = arith.cmpi eq, %gather3A_244, %gather3A_180 : vector<16xi32>
      %or3A_646 = arith.ori %or3A_644, %eq3A_645 : vector<16xi1>
      %eq3A_647 = arith.cmpi eq, %gather3A_244, %gather3A_184 : vector<16xi32>
      %or3A_648 = arith.ori %or3A_646, %eq3A_647 : vector<16xi1>
      %eq3A_649 = arith.cmpi eq, %gather3A_244, %gather3A_188 : vector<16xi32>
      %or3A_650 = arith.ori %or3A_648, %eq3A_649 : vector<16xi1>
      %eq3A_651 = arith.cmpi eq, %gather3A_244, %gather3A_192 : vector<16xi32>
      %or3A_652 = arith.ori %or3A_650, %eq3A_651 : vector<16xi1>
      %eq3A_653 = arith.cmpi eq, %gather3A_244, %gather3A_196 : vector<16xi32>
      %or3A_654 = arith.ori %or3A_652, %eq3A_653 : vector<16xi1>
      %eq3A_655 = arith.cmpi eq, %gather3A_244, %gather3A_200 : vector<16xi32>
      %or3A_656 = arith.ori %or3A_654, %eq3A_655 : vector<16xi1>
      %eq3A_657 = arith.cmpi eq, %gather3A_244, %gather3A_204 : vector<16xi32>
      %or3A_658 = arith.ori %or3A_656, %eq3A_657 : vector<16xi1>
      %eq3A_659 = arith.cmpi eq, %gather3A_244, %gather3A_208 : vector<16xi32>
      %or3A_660 = arith.ori %or3A_658, %eq3A_659 : vector<16xi1>
      %eq3A_661 = arith.cmpi eq, %gather3A_244, %gather3A_212 : vector<16xi32>
      %or3A_662 = arith.ori %or3A_660, %eq3A_661 : vector<16xi1>
      %eq3A_663 = arith.cmpi eq, %gather3A_244, %gather3A_216 : vector<16xi32>
      %or3A_664 = arith.ori %or3A_662, %eq3A_663 : vector<16xi1>
      %eq3A_665 = arith.cmpi eq, %gather3A_244, %gather3A_220 : vector<16xi32>
      %or3A_666 = arith.ori %or3A_664, %eq3A_665 : vector<16xi1>
      %eq3A_667 = arith.cmpi eq, %gather3A_244, %gather3A_224 : vector<16xi32>
      %or3A_668 = arith.ori %or3A_666, %eq3A_667 : vector<16xi1>
      %eq3A_669 = arith.cmpi eq, %gather3A_244, %gather3A_228 : vector<16xi32>
      %or3A_670 = arith.ori %or3A_668, %eq3A_669 : vector<16xi1>
      %eq3A_671 = arith.cmpi eq, %gather3A_244, %gather3A_232 : vector<16xi32>
      %or3A_672 = arith.ori %or3A_670, %eq3A_671 : vector<16xi1>
      %eq3A_673 = arith.cmpi eq, %gather3A_244, %gather3A_236 : vector<16xi32>
      %or3A_674 = arith.ori %or3A_672, %eq3A_673 : vector<16xi1>
      %eq3A_675 = arith.cmpi eq, %gather3A_244, %gather3A_240 : vector<16xi32>
      %or3A_676 = arith.ori %or3A_674, %eq3A_675 : vector<16xi1>
      %jit3A_677 = arith.constant 1024 : i32
      %broadcast_in_dim3A_678 = vector.broadcast %jit3A_677 : i32 to vector<16xi32>
      %select_n3A_679 = arith.select %or3A_676, %broadcast_in_dim3A_678, %add3A_305 : vector<16xi1>, vector<16xi32>
      %eq3A_680 = arith.cmpi eq, %gather3A_248, %gather3A : vector<16xi32>
      %eq3A_681 = arith.cmpi eq, %gather3A_248, %gather3A_176 : vector<16xi32>
      %or3A_682 = arith.ori %eq3A_680, %eq3A_681 : vector<16xi1>
      %eq3A_683 = arith.cmpi eq, %gather3A_248, %gather3A_180 : vector<16xi32>
      %or3A_684 = arith.ori %or3A_682, %eq3A_683 : vector<16xi1>
      %eq3A_685 = arith.cmpi eq, %gather3A_248, %gather3A_184 : vector<16xi32>
      %or3A_686 = arith.ori %or3A_684, %eq3A_685 : vector<16xi1>
      %eq3A_687 = arith.cmpi eq, %gather3A_248, %gather3A_188 : vector<16xi32>
      %or3A_688 = arith.ori %or3A_686, %eq3A_687 : vector<16xi1>
      %eq3A_689 = arith.cmpi eq, %gather3A_248, %gather3A_192 : vector<16xi32>
      %or3A_690 = arith.ori %or3A_688, %eq3A_689 : vector<16xi1>
      %eq3A_691 = arith.cmpi eq, %gather3A_248, %gather3A_196 : vector<16xi32>
      %or3A_692 = arith.ori %or3A_690, %eq3A_691 : vector<16xi1>
      %eq3A_693 = arith.cmpi eq, %gather3A_248, %gather3A_200 : vector<16xi32>
      %or3A_694 = arith.ori %or3A_692, %eq3A_693 : vector<16xi1>
      %eq3A_695 = arith.cmpi eq, %gather3A_248, %gather3A_204 : vector<16xi32>
      %or3A_696 = arith.ori %or3A_694, %eq3A_695 : vector<16xi1>
      %eq3A_697 = arith.cmpi eq, %gather3A_248, %gather3A_208 : vector<16xi32>
      %or3A_698 = arith.ori %or3A_696, %eq3A_697 : vector<16xi1>
      %eq3A_699 = arith.cmpi eq, %gather3A_248, %gather3A_212 : vector<16xi32>
      %or3A_700 = arith.ori %or3A_698, %eq3A_699 : vector<16xi1>
      %eq3A_701 = arith.cmpi eq, %gather3A_248, %gather3A_216 : vector<16xi32>
      %or3A_702 = arith.ori %or3A_700, %eq3A_701 : vector<16xi1>
      %eq3A_703 = arith.cmpi eq, %gather3A_248, %gather3A_220 : vector<16xi32>
      %or3A_704 = arith.ori %or3A_702, %eq3A_703 : vector<16xi1>
      %eq3A_705 = arith.cmpi eq, %gather3A_248, %gather3A_224 : vector<16xi32>
      %or3A_706 = arith.ori %or3A_704, %eq3A_705 : vector<16xi1>
      %eq3A_707 = arith.cmpi eq, %gather3A_248, %gather3A_228 : vector<16xi32>
      %or3A_708 = arith.ori %or3A_706, %eq3A_707 : vector<16xi1>
      %eq3A_709 = arith.cmpi eq, %gather3A_248, %gather3A_232 : vector<16xi32>
      %or3A_710 = arith.ori %or3A_708, %eq3A_709 : vector<16xi1>
      %eq3A_711 = arith.cmpi eq, %gather3A_248, %gather3A_236 : vector<16xi32>
      %or3A_712 = arith.ori %or3A_710, %eq3A_711 : vector<16xi1>
      %eq3A_713 = arith.cmpi eq, %gather3A_248, %gather3A_240 : vector<16xi32>
      %or3A_714 = arith.ori %or3A_712, %eq3A_713 : vector<16xi1>
      %eq3A_715 = arith.cmpi eq, %gather3A_248, %gather3A_244 : vector<16xi32>
      %or3A_716 = arith.ori %or3A_714, %eq3A_715 : vector<16xi1>
      %jit3A_717 = arith.constant 1024 : i32
      %broadcast_in_dim3A_718 = vector.broadcast %jit3A_717 : i32 to vector<16xi32>
      %select_n3A_719 = arith.select %or3A_716, %broadcast_in_dim3A_718, %add3A_305 : vector<16xi1>, vector<16xi32>
      %eq3A_720 = arith.cmpi eq, %gather3A_252, %gather3A : vector<16xi32>
      %eq3A_721 = arith.cmpi eq, %gather3A_252, %gather3A_176 : vector<16xi32>
      %or3A_722 = arith.ori %eq3A_720, %eq3A_721 : vector<16xi1>
      %eq3A_723 = arith.cmpi eq, %gather3A_252, %gather3A_180 : vector<16xi32>
      %or3A_724 = arith.ori %or3A_722, %eq3A_723 : vector<16xi1>
      %eq3A_725 = arith.cmpi eq, %gather3A_252, %gather3A_184 : vector<16xi32>
      %or3A_726 = arith.ori %or3A_724, %eq3A_725 : vector<16xi1>
      %eq3A_727 = arith.cmpi eq, %gather3A_252, %gather3A_188 : vector<16xi32>
      %or3A_728 = arith.ori %or3A_726, %eq3A_727 : vector<16xi1>
      %eq3A_729 = arith.cmpi eq, %gather3A_252, %gather3A_192 : vector<16xi32>
      %or3A_730 = arith.ori %or3A_728, %eq3A_729 : vector<16xi1>
      %eq3A_731 = arith.cmpi eq, %gather3A_252, %gather3A_196 : vector<16xi32>
      %or3A_732 = arith.ori %or3A_730, %eq3A_731 : vector<16xi1>
      %eq3A_733 = arith.cmpi eq, %gather3A_252, %gather3A_200 : vector<16xi32>
      %or3A_734 = arith.ori %or3A_732, %eq3A_733 : vector<16xi1>
      %eq3A_735 = arith.cmpi eq, %gather3A_252, %gather3A_204 : vector<16xi32>
      %or3A_736 = arith.ori %or3A_734, %eq3A_735 : vector<16xi1>
      %eq3A_737 = arith.cmpi eq, %gather3A_252, %gather3A_208 : vector<16xi32>
      %or3A_738 = arith.ori %or3A_736, %eq3A_737 : vector<16xi1>
      %eq3A_739 = arith.cmpi eq, %gather3A_252, %gather3A_212 : vector<16xi32>
      %or3A_740 = arith.ori %or3A_738, %eq3A_739 : vector<16xi1>
      %eq3A_741 = arith.cmpi eq, %gather3A_252, %gather3A_216 : vector<16xi32>
      %or3A_742 = arith.ori %or3A_740, %eq3A_741 : vector<16xi1>
      %eq3A_743 = arith.cmpi eq, %gather3A_252, %gather3A_220 : vector<16xi32>
      %or3A_744 = arith.ori %or3A_742, %eq3A_743 : vector<16xi1>
      %eq3A_745 = arith.cmpi eq, %gather3A_252, %gather3A_224 : vector<16xi32>
      %or3A_746 = arith.ori %or3A_744, %eq3A_745 : vector<16xi1>
      %eq3A_747 = arith.cmpi eq, %gather3A_252, %gather3A_228 : vector<16xi32>
      %or3A_748 = arith.ori %or3A_746, %eq3A_747 : vector<16xi1>
      %eq3A_749 = arith.cmpi eq, %gather3A_252, %gather3A_232 : vector<16xi32>
      %or3A_750 = arith.ori %or3A_748, %eq3A_749 : vector<16xi1>
      %eq3A_751 = arith.cmpi eq, %gather3A_252, %gather3A_236 : vector<16xi32>
      %or3A_752 = arith.ori %or3A_750, %eq3A_751 : vector<16xi1>
      %eq3A_753 = arith.cmpi eq, %gather3A_252, %gather3A_240 : vector<16xi32>
      %or3A_754 = arith.ori %or3A_752, %eq3A_753 : vector<16xi1>
      %eq3A_755 = arith.cmpi eq, %gather3A_252, %gather3A_244 : vector<16xi32>
      %or3A_756 = arith.ori %or3A_754, %eq3A_755 : vector<16xi1>
      %eq3A_757 = arith.cmpi eq, %gather3A_252, %gather3A_248 : vector<16xi32>
      %or3A_758 = arith.ori %or3A_756, %eq3A_757 : vector<16xi1>
      %jit3A_759 = arith.constant 1024 : i32
      %broadcast_in_dim3A_760 = vector.broadcast %jit3A_759 : i32 to vector<16xi32>
      %select_n3A_761 = arith.select %or3A_758, %broadcast_in_dim3A_760, %add3A_305 : vector<16xi1>, vector<16xi32>
      %eq3A_762 = arith.cmpi eq, %gather3A_256, %gather3A : vector<16xi32>
      %eq3A_763 = arith.cmpi eq, %gather3A_256, %gather3A_176 : vector<16xi32>
      %or3A_764 = arith.ori %eq3A_762, %eq3A_763 : vector<16xi1>
      %eq3A_765 = arith.cmpi eq, %gather3A_256, %gather3A_180 : vector<16xi32>
      %or3A_766 = arith.ori %or3A_764, %eq3A_765 : vector<16xi1>
      %eq3A_767 = arith.cmpi eq, %gather3A_256, %gather3A_184 : vector<16xi32>
      %or3A_768 = arith.ori %or3A_766, %eq3A_767 : vector<16xi1>
      %eq3A_769 = arith.cmpi eq, %gather3A_256, %gather3A_188 : vector<16xi32>
      %or3A_770 = arith.ori %or3A_768, %eq3A_769 : vector<16xi1>
      %eq3A_771 = arith.cmpi eq, %gather3A_256, %gather3A_192 : vector<16xi32>
      %or3A_772 = arith.ori %or3A_770, %eq3A_771 : vector<16xi1>
      %eq3A_773 = arith.cmpi eq, %gather3A_256, %gather3A_196 : vector<16xi32>
      %or3A_774 = arith.ori %or3A_772, %eq3A_773 : vector<16xi1>
      %eq3A_775 = arith.cmpi eq, %gather3A_256, %gather3A_200 : vector<16xi32>
      %or3A_776 = arith.ori %or3A_774, %eq3A_775 : vector<16xi1>
      %eq3A_777 = arith.cmpi eq, %gather3A_256, %gather3A_204 : vector<16xi32>
      %or3A_778 = arith.ori %or3A_776, %eq3A_777 : vector<16xi1>
      %eq3A_779 = arith.cmpi eq, %gather3A_256, %gather3A_208 : vector<16xi32>
      %or3A_780 = arith.ori %or3A_778, %eq3A_779 : vector<16xi1>
      %eq3A_781 = arith.cmpi eq, %gather3A_256, %gather3A_212 : vector<16xi32>
      %or3A_782 = arith.ori %or3A_780, %eq3A_781 : vector<16xi1>
      %eq3A_783 = arith.cmpi eq, %gather3A_256, %gather3A_216 : vector<16xi32>
      %or3A_784 = arith.ori %or3A_782, %eq3A_783 : vector<16xi1>
      %eq3A_785 = arith.cmpi eq, %gather3A_256, %gather3A_220 : vector<16xi32>
      %or3A_786 = arith.ori %or3A_784, %eq3A_785 : vector<16xi1>
      %eq3A_787 = arith.cmpi eq, %gather3A_256, %gather3A_224 : vector<16xi32>
      %or3A_788 = arith.ori %or3A_786, %eq3A_787 : vector<16xi1>
      %eq3A_789 = arith.cmpi eq, %gather3A_256, %gather3A_228 : vector<16xi32>
      %or3A_790 = arith.ori %or3A_788, %eq3A_789 : vector<16xi1>
      %eq3A_791 = arith.cmpi eq, %gather3A_256, %gather3A_232 : vector<16xi32>
      %or3A_792 = arith.ori %or3A_790, %eq3A_791 : vector<16xi1>
      %eq3A_793 = arith.cmpi eq, %gather3A_256, %gather3A_236 : vector<16xi32>
      %or3A_794 = arith.ori %or3A_792, %eq3A_793 : vector<16xi1>
      %eq3A_795 = arith.cmpi eq, %gather3A_256, %gather3A_240 : vector<16xi32>
      %or3A_796 = arith.ori %or3A_794, %eq3A_795 : vector<16xi1>
      %eq3A_797 = arith.cmpi eq, %gather3A_256, %gather3A_244 : vector<16xi32>
      %or3A_798 = arith.ori %or3A_796, %eq3A_797 : vector<16xi1>
      %eq3A_799 = arith.cmpi eq, %gather3A_256, %gather3A_248 : vector<16xi32>
      %or3A_800 = arith.ori %or3A_798, %eq3A_799 : vector<16xi1>
      %eq3A_801 = arith.cmpi eq, %gather3A_256, %gather3A_252 : vector<16xi32>
      %or3A_802 = arith.ori %or3A_800, %eq3A_801 : vector<16xi1>
      %jit3A_803 = arith.constant 1024 : i32
      %broadcast_in_dim3A_804 = vector.broadcast %jit3A_803 : i32 to vector<16xi32>
      %select_n3A_805 = arith.select %or3A_802, %broadcast_in_dim3A_804, %add3A_305 : vector<16xi1>, vector<16xi32>
      %eq3A_806 = arith.cmpi eq, %gather3A_260, %gather3A : vector<16xi32>
      %eq3A_807 = arith.cmpi eq, %gather3A_260, %gather3A_176 : vector<16xi32>
      %or3A_808 = arith.ori %eq3A_806, %eq3A_807 : vector<16xi1>
      %eq3A_809 = arith.cmpi eq, %gather3A_260, %gather3A_180 : vector<16xi32>
      %or3A_810 = arith.ori %or3A_808, %eq3A_809 : vector<16xi1>
      %eq3A_811 = arith.cmpi eq, %gather3A_260, %gather3A_184 : vector<16xi32>
      %or3A_812 = arith.ori %or3A_810, %eq3A_811 : vector<16xi1>
      %eq3A_813 = arith.cmpi eq, %gather3A_260, %gather3A_188 : vector<16xi32>
      %or3A_814 = arith.ori %or3A_812, %eq3A_813 : vector<16xi1>
      %eq3A_815 = arith.cmpi eq, %gather3A_260, %gather3A_192 : vector<16xi32>
      %or3A_816 = arith.ori %or3A_814, %eq3A_815 : vector<16xi1>
      %eq3A_817 = arith.cmpi eq, %gather3A_260, %gather3A_196 : vector<16xi32>
      %or3A_818 = arith.ori %or3A_816, %eq3A_817 : vector<16xi1>
      %eq3A_819 = arith.cmpi eq, %gather3A_260, %gather3A_200 : vector<16xi32>
      %or3A_820 = arith.ori %or3A_818, %eq3A_819 : vector<16xi1>
      %eq3A_821 = arith.cmpi eq, %gather3A_260, %gather3A_204 : vector<16xi32>
      %or3A_822 = arith.ori %or3A_820, %eq3A_821 : vector<16xi1>
      %eq3A_823 = arith.cmpi eq, %gather3A_260, %gather3A_208 : vector<16xi32>
      %or3A_824 = arith.ori %or3A_822, %eq3A_823 : vector<16xi1>
      %eq3A_825 = arith.cmpi eq, %gather3A_260, %gather3A_212 : vector<16xi32>
      %or3A_826 = arith.ori %or3A_824, %eq3A_825 : vector<16xi1>
      %eq3A_827 = arith.cmpi eq, %gather3A_260, %gather3A_216 : vector<16xi32>
      %or3A_828 = arith.ori %or3A_826, %eq3A_827 : vector<16xi1>
      %eq3A_829 = arith.cmpi eq, %gather3A_260, %gather3A_220 : vector<16xi32>
      %or3A_830 = arith.ori %or3A_828, %eq3A_829 : vector<16xi1>
      %eq3A_831 = arith.cmpi eq, %gather3A_260, %gather3A_224 : vector<16xi32>
      %or3A_832 = arith.ori %or3A_830, %eq3A_831 : vector<16xi1>
      %eq3A_833 = arith.cmpi eq, %gather3A_260, %gather3A_228 : vector<16xi32>
      %or3A_834 = arith.ori %or3A_832, %eq3A_833 : vector<16xi1>
      %eq3A_835 = arith.cmpi eq, %gather3A_260, %gather3A_232 : vector<16xi32>
      %or3A_836 = arith.ori %or3A_834, %eq3A_835 : vector<16xi1>
      %eq3A_837 = arith.cmpi eq, %gather3A_260, %gather3A_236 : vector<16xi32>
      %or3A_838 = arith.ori %or3A_836, %eq3A_837 : vector<16xi1>
      %eq3A_839 = arith.cmpi eq, %gather3A_260, %gather3A_240 : vector<16xi32>
      %or3A_840 = arith.ori %or3A_838, %eq3A_839 : vector<16xi1>
      %eq3A_841 = arith.cmpi eq, %gather3A_260, %gather3A_244 : vector<16xi32>
      %or3A_842 = arith.ori %or3A_840, %eq3A_841 : vector<16xi1>
      %eq3A_843 = arith.cmpi eq, %gather3A_260, %gather3A_248 : vector<16xi32>
      %or3A_844 = arith.ori %or3A_842, %eq3A_843 : vector<16xi1>
      %eq3A_845 = arith.cmpi eq, %gather3A_260, %gather3A_252 : vector<16xi32>
      %or3A_846 = arith.ori %or3A_844, %eq3A_845 : vector<16xi1>
      %eq3A_847 = arith.cmpi eq, %gather3A_260, %gather3A_256 : vector<16xi32>
      %or3A_848 = arith.ori %or3A_846, %eq3A_847 : vector<16xi1>
      %jit3A_849 = arith.constant 1024 : i32
      %broadcast_in_dim3A_850 = vector.broadcast %jit3A_849 : i32 to vector<16xi32>
      %select_n3A_851 = arith.select %or3A_848, %broadcast_in_dim3A_850, %add3A_305 : vector<16xi1>, vector<16xi32>
      %eq3A_852 = arith.cmpi eq, %gather3A_264, %gather3A : vector<16xi32>
      %eq3A_853 = arith.cmpi eq, %gather3A_264, %gather3A_176 : vector<16xi32>
      %or3A_854 = arith.ori %eq3A_852, %eq3A_853 : vector<16xi1>
      %eq3A_855 = arith.cmpi eq, %gather3A_264, %gather3A_180 : vector<16xi32>
      %or3A_856 = arith.ori %or3A_854, %eq3A_855 : vector<16xi1>
      %eq3A_857 = arith.cmpi eq, %gather3A_264, %gather3A_184 : vector<16xi32>
      %or3A_858 = arith.ori %or3A_856, %eq3A_857 : vector<16xi1>
      %eq3A_859 = arith.cmpi eq, %gather3A_264, %gather3A_188 : vector<16xi32>
      %or3A_860 = arith.ori %or3A_858, %eq3A_859 : vector<16xi1>
      %eq3A_861 = arith.cmpi eq, %gather3A_264, %gather3A_192 : vector<16xi32>
      %or3A_862 = arith.ori %or3A_860, %eq3A_861 : vector<16xi1>
      %eq3A_863 = arith.cmpi eq, %gather3A_264, %gather3A_196 : vector<16xi32>
      %or3A_864 = arith.ori %or3A_862, %eq3A_863 : vector<16xi1>
      %eq3A_865 = arith.cmpi eq, %gather3A_264, %gather3A_200 : vector<16xi32>
      %or3A_866 = arith.ori %or3A_864, %eq3A_865 : vector<16xi1>
      %eq3A_867 = arith.cmpi eq, %gather3A_264, %gather3A_204 : vector<16xi32>
      %or3A_868 = arith.ori %or3A_866, %eq3A_867 : vector<16xi1>
      %eq3A_869 = arith.cmpi eq, %gather3A_264, %gather3A_208 : vector<16xi32>
      %or3A_870 = arith.ori %or3A_868, %eq3A_869 : vector<16xi1>
      %eq3A_871 = arith.cmpi eq, %gather3A_264, %gather3A_212 : vector<16xi32>
      %or3A_872 = arith.ori %or3A_870, %eq3A_871 : vector<16xi1>
      %eq3A_873 = arith.cmpi eq, %gather3A_264, %gather3A_216 : vector<16xi32>
      %or3A_874 = arith.ori %or3A_872, %eq3A_873 : vector<16xi1>
      %eq3A_875 = arith.cmpi eq, %gather3A_264, %gather3A_220 : vector<16xi32>
      %or3A_876 = arith.ori %or3A_874, %eq3A_875 : vector<16xi1>
      %eq3A_877 = arith.cmpi eq, %gather3A_264, %gather3A_224 : vector<16xi32>
      %or3A_878 = arith.ori %or3A_876, %eq3A_877 : vector<16xi1>
      %eq3A_879 = arith.cmpi eq, %gather3A_264, %gather3A_228 : vector<16xi32>
      %or3A_880 = arith.ori %or3A_878, %eq3A_879 : vector<16xi1>
      %eq3A_881 = arith.cmpi eq, %gather3A_264, %gather3A_232 : vector<16xi32>
      %or3A_882 = arith.ori %or3A_880, %eq3A_881 : vector<16xi1>
      %eq3A_883 = arith.cmpi eq, %gather3A_264, %gather3A_236 : vector<16xi32>
      %or3A_884 = arith.ori %or3A_882, %eq3A_883 : vector<16xi1>
      %eq3A_885 = arith.cmpi eq, %gather3A_264, %gather3A_240 : vector<16xi32>
      %or3A_886 = arith.ori %or3A_884, %eq3A_885 : vector<16xi1>
      %eq3A_887 = arith.cmpi eq, %gather3A_264, %gather3A_244 : vector<16xi32>
      %or3A_888 = arith.ori %or3A_886, %eq3A_887 : vector<16xi1>
      %eq3A_889 = arith.cmpi eq, %gather3A_264, %gather3A_248 : vector<16xi32>
      %or3A_890 = arith.ori %or3A_888, %eq3A_889 : vector<16xi1>
      %eq3A_891 = arith.cmpi eq, %gather3A_264, %gather3A_252 : vector<16xi32>
      %or3A_892 = arith.ori %or3A_890, %eq3A_891 : vector<16xi1>
      %eq3A_893 = arith.cmpi eq, %gather3A_264, %gather3A_256 : vector<16xi32>
      %or3A_894 = arith.ori %or3A_892, %eq3A_893 : vector<16xi1>
      %eq3A_895 = arith.cmpi eq, %gather3A_264, %gather3A_260 : vector<16xi32>
      %or3A_896 = arith.ori %or3A_894, %eq3A_895 : vector<16xi1>
      %jit3A_897 = arith.constant 1024 : i32
      %broadcast_in_dim3A_898 = vector.broadcast %jit3A_897 : i32 to vector<16xi32>
      %select_n3A_899 = arith.select %or3A_896, %broadcast_in_dim3A_898, %add3A_305 : vector<16xi1>, vector<16xi32>
      %eq3A_900 = arith.cmpi eq, %gather3A_268, %gather3A : vector<16xi32>
      %eq3A_901 = arith.cmpi eq, %gather3A_268, %gather3A_176 : vector<16xi32>
      %or3A_902 = arith.ori %eq3A_900, %eq3A_901 : vector<16xi1>
      %eq3A_903 = arith.cmpi eq, %gather3A_268, %gather3A_180 : vector<16xi32>
      %or3A_904 = arith.ori %or3A_902, %eq3A_903 : vector<16xi1>
      %eq3A_905 = arith.cmpi eq, %gather3A_268, %gather3A_184 : vector<16xi32>
      %or3A_906 = arith.ori %or3A_904, %eq3A_905 : vector<16xi1>
      %eq3A_907 = arith.cmpi eq, %gather3A_268, %gather3A_188 : vector<16xi32>
      %or3A_908 = arith.ori %or3A_906, %eq3A_907 : vector<16xi1>
      %eq3A_909 = arith.cmpi eq, %gather3A_268, %gather3A_192 : vector<16xi32>
      %or3A_910 = arith.ori %or3A_908, %eq3A_909 : vector<16xi1>
      %eq3A_911 = arith.cmpi eq, %gather3A_268, %gather3A_196 : vector<16xi32>
      %or3A_912 = arith.ori %or3A_910, %eq3A_911 : vector<16xi1>
      %eq3A_913 = arith.cmpi eq, %gather3A_268, %gather3A_200 : vector<16xi32>
      %or3A_914 = arith.ori %or3A_912, %eq3A_913 : vector<16xi1>
      %eq3A_915 = arith.cmpi eq, %gather3A_268, %gather3A_204 : vector<16xi32>
      %or3A_916 = arith.ori %or3A_914, %eq3A_915 : vector<16xi1>
      %eq3A_917 = arith.cmpi eq, %gather3A_268, %gather3A_208 : vector<16xi32>
      %or3A_918 = arith.ori %or3A_916, %eq3A_917 : vector<16xi1>
      %eq3A_919 = arith.cmpi eq, %gather3A_268, %gather3A_212 : vector<16xi32>
      %or3A_920 = arith.ori %or3A_918, %eq3A_919 : vector<16xi1>
      %eq3A_921 = arith.cmpi eq, %gather3A_268, %gather3A_216 : vector<16xi32>
      %or3A_922 = arith.ori %or3A_920, %eq3A_921 : vector<16xi1>
      %eq3A_923 = arith.cmpi eq, %gather3A_268, %gather3A_220 : vector<16xi32>
      %or3A_924 = arith.ori %or3A_922, %eq3A_923 : vector<16xi1>
      %eq3A_925 = arith.cmpi eq, %gather3A_268, %gather3A_224 : vector<16xi32>
      %or3A_926 = arith.ori %or3A_924, %eq3A_925 : vector<16xi1>
      %eq3A_927 = arith.cmpi eq, %gather3A_268, %gather3A_228 : vector<16xi32>
      %or3A_928 = arith.ori %or3A_926, %eq3A_927 : vector<16xi1>
      %eq3A_929 = arith.cmpi eq, %gather3A_268, %gather3A_232 : vector<16xi32>
      %or3A_930 = arith.ori %or3A_928, %eq3A_929 : vector<16xi1>
      %eq3A_931 = arith.cmpi eq, %gather3A_268, %gather3A_236 : vector<16xi32>
      %or3A_932 = arith.ori %or3A_930, %eq3A_931 : vector<16xi1>
      %eq3A_933 = arith.cmpi eq, %gather3A_268, %gather3A_240 : vector<16xi32>
      %or3A_934 = arith.ori %or3A_932, %eq3A_933 : vector<16xi1>
      %eq3A_935 = arith.cmpi eq, %gather3A_268, %gather3A_244 : vector<16xi32>
      %or3A_936 = arith.ori %or3A_934, %eq3A_935 : vector<16xi1>
      %eq3A_937 = arith.cmpi eq, %gather3A_268, %gather3A_248 : vector<16xi32>
      %or3A_938 = arith.ori %or3A_936, %eq3A_937 : vector<16xi1>
      %eq3A_939 = arith.cmpi eq, %gather3A_268, %gather3A_252 : vector<16xi32>
      %or3A_940 = arith.ori %or3A_938, %eq3A_939 : vector<16xi1>
      %eq3A_941 = arith.cmpi eq, %gather3A_268, %gather3A_256 : vector<16xi32>
      %or3A_942 = arith.ori %or3A_940, %eq3A_941 : vector<16xi1>
      %eq3A_943 = arith.cmpi eq, %gather3A_268, %gather3A_260 : vector<16xi32>
      %or3A_944 = arith.ori %or3A_942, %eq3A_943 : vector<16xi1>
      %eq3A_945 = arith.cmpi eq, %gather3A_268, %gather3A_264 : vector<16xi32>
      %or3A_946 = arith.ori %or3A_944, %eq3A_945 : vector<16xi1>
      %jit3A_947 = arith.constant 1024 : i32
      %broadcast_in_dim3A_948 = vector.broadcast %jit3A_947 : i32 to vector<16xi32>
      %select_n3A_949 = arith.select %or3A_946, %broadcast_in_dim3A_948, %add3A_305 : vector<16xi1>, vector<16xi32>
      %eq3A_950 = arith.cmpi eq, %gather3A_272, %gather3A : vector<16xi32>
      %eq3A_951 = arith.cmpi eq, %gather3A_272, %gather3A_176 : vector<16xi32>
      %or3A_952 = arith.ori %eq3A_950, %eq3A_951 : vector<16xi1>
      %eq3A_953 = arith.cmpi eq, %gather3A_272, %gather3A_180 : vector<16xi32>
      %or3A_954 = arith.ori %or3A_952, %eq3A_953 : vector<16xi1>
      %eq3A_955 = arith.cmpi eq, %gather3A_272, %gather3A_184 : vector<16xi32>
      %or3A_956 = arith.ori %or3A_954, %eq3A_955 : vector<16xi1>
      %eq3A_957 = arith.cmpi eq, %gather3A_272, %gather3A_188 : vector<16xi32>
      %or3A_958 = arith.ori %or3A_956, %eq3A_957 : vector<16xi1>
      %eq3A_959 = arith.cmpi eq, %gather3A_272, %gather3A_192 : vector<16xi32>
      %or3A_960 = arith.ori %or3A_958, %eq3A_959 : vector<16xi1>
      %eq3A_961 = arith.cmpi eq, %gather3A_272, %gather3A_196 : vector<16xi32>
      %or3A_962 = arith.ori %or3A_960, %eq3A_961 : vector<16xi1>
      %eq3A_963 = arith.cmpi eq, %gather3A_272, %gather3A_200 : vector<16xi32>
      %or3A_964 = arith.ori %or3A_962, %eq3A_963 : vector<16xi1>
      %eq3A_965 = arith.cmpi eq, %gather3A_272, %gather3A_204 : vector<16xi32>
      %or3A_966 = arith.ori %or3A_964, %eq3A_965 : vector<16xi1>
      %eq3A_967 = arith.cmpi eq, %gather3A_272, %gather3A_208 : vector<16xi32>
      %or3A_968 = arith.ori %or3A_966, %eq3A_967 : vector<16xi1>
      %eq3A_969 = arith.cmpi eq, %gather3A_272, %gather3A_212 : vector<16xi32>
      %or3A_970 = arith.ori %or3A_968, %eq3A_969 : vector<16xi1>
      %eq3A_971 = arith.cmpi eq, %gather3A_272, %gather3A_216 : vector<16xi32>
      %or3A_972 = arith.ori %or3A_970, %eq3A_971 : vector<16xi1>
      %eq3A_973 = arith.cmpi eq, %gather3A_272, %gather3A_220 : vector<16xi32>
      %or3A_974 = arith.ori %or3A_972, %eq3A_973 : vector<16xi1>
      %eq3A_975 = arith.cmpi eq, %gather3A_272, %gather3A_224 : vector<16xi32>
      %or3A_976 = arith.ori %or3A_974, %eq3A_975 : vector<16xi1>
      %eq3A_977 = arith.cmpi eq, %gather3A_272, %gather3A_228 : vector<16xi32>
      %or3A_978 = arith.ori %or3A_976, %eq3A_977 : vector<16xi1>
      %eq3A_979 = arith.cmpi eq, %gather3A_272, %gather3A_232 : vector<16xi32>
      %or3A_980 = arith.ori %or3A_978, %eq3A_979 : vector<16xi1>
      %eq3A_981 = arith.cmpi eq, %gather3A_272, %gather3A_236 : vector<16xi32>
      %or3A_982 = arith.ori %or3A_980, %eq3A_981 : vector<16xi1>
      %eq3A_983 = arith.cmpi eq, %gather3A_272, %gather3A_240 : vector<16xi32>
      %or3A_984 = arith.ori %or3A_982, %eq3A_983 : vector<16xi1>
      %eq3A_985 = arith.cmpi eq, %gather3A_272, %gather3A_244 : vector<16xi32>
      %or3A_986 = arith.ori %or3A_984, %eq3A_985 : vector<16xi1>
      %eq3A_987 = arith.cmpi eq, %gather3A_272, %gather3A_248 : vector<16xi32>
      %or3A_988 = arith.ori %or3A_986, %eq3A_987 : vector<16xi1>
      %eq3A_989 = arith.cmpi eq, %gather3A_272, %gather3A_252 : vector<16xi32>
      %or3A_990 = arith.ori %or3A_988, %eq3A_989 : vector<16xi1>
      %eq3A_991 = arith.cmpi eq, %gather3A_272, %gather3A_256 : vector<16xi32>
      %or3A_992 = arith.ori %or3A_990, %eq3A_991 : vector<16xi1>
      %eq3A_993 = arith.cmpi eq, %gather3A_272, %gather3A_260 : vector<16xi32>
      %or3A_994 = arith.ori %or3A_992, %eq3A_993 : vector<16xi1>
      %eq3A_995 = arith.cmpi eq, %gather3A_272, %gather3A_264 : vector<16xi32>
      %or3A_996 = arith.ori %or3A_994, %eq3A_995 : vector<16xi1>
      %eq3A_997 = arith.cmpi eq, %gather3A_272, %gather3A_268 : vector<16xi32>
      %or3A_998 = arith.ori %or3A_996, %eq3A_997 : vector<16xi1>
      %jit3A_999 = arith.constant 1024 : i32
      %broadcast_in_dim3A_1000 = vector.broadcast %jit3A_999 : i32 to vector<16xi32>
      %select_n3A_1001 = arith.select %or3A_998, %broadcast_in_dim3A_1000, %add3A_305 : vector<16xi1>, vector<16xi32>
      %eq3A_1002 = arith.cmpi eq, %gather3A_276, %gather3A : vector<16xi32>
      %eq3A_1003 = arith.cmpi eq, %gather3A_276, %gather3A_176 : vector<16xi32>
      %or3A_1004 = arith.ori %eq3A_1002, %eq3A_1003 : vector<16xi1>
      %eq3A_1005 = arith.cmpi eq, %gather3A_276, %gather3A_180 : vector<16xi32>
      %or3A_1006 = arith.ori %or3A_1004, %eq3A_1005 : vector<16xi1>
      %eq3A_1007 = arith.cmpi eq, %gather3A_276, %gather3A_184 : vector<16xi32>
      %or3A_1008 = arith.ori %or3A_1006, %eq3A_1007 : vector<16xi1>
      %eq3A_1009 = arith.cmpi eq, %gather3A_276, %gather3A_188 : vector<16xi32>
      %or3A_1010 = arith.ori %or3A_1008, %eq3A_1009 : vector<16xi1>
      %eq3A_1011 = arith.cmpi eq, %gather3A_276, %gather3A_192 : vector<16xi32>
      %or3A_1012 = arith.ori %or3A_1010, %eq3A_1011 : vector<16xi1>
      %eq3A_1013 = arith.cmpi eq, %gather3A_276, %gather3A_196 : vector<16xi32>
      %or3A_1014 = arith.ori %or3A_1012, %eq3A_1013 : vector<16xi1>
      %eq3A_1015 = arith.cmpi eq, %gather3A_276, %gather3A_200 : vector<16xi32>
      %or3A_1016 = arith.ori %or3A_1014, %eq3A_1015 : vector<16xi1>
      %eq3A_1017 = arith.cmpi eq, %gather3A_276, %gather3A_204 : vector<16xi32>
      %or3A_1018 = arith.ori %or3A_1016, %eq3A_1017 : vector<16xi1>
      %eq3A_1019 = arith.cmpi eq, %gather3A_276, %gather3A_208 : vector<16xi32>
      %or3A_1020 = arith.ori %or3A_1018, %eq3A_1019 : vector<16xi1>
      %eq3A_1021 = arith.cmpi eq, %gather3A_276, %gather3A_212 : vector<16xi32>
      %or3A_1022 = arith.ori %or3A_1020, %eq3A_1021 : vector<16xi1>
      %eq3A_1023 = arith.cmpi eq, %gather3A_276, %gather3A_216 : vector<16xi32>
      %or3A_1024 = arith.ori %or3A_1022, %eq3A_1023 : vector<16xi1>
      %eq3A_1025 = arith.cmpi eq, %gather3A_276, %gather3A_220 : vector<16xi32>
      %or3A_1026 = arith.ori %or3A_1024, %eq3A_1025 : vector<16xi1>
      %eq3A_1027 = arith.cmpi eq, %gather3A_276, %gather3A_224 : vector<16xi32>
      %or3A_1028 = arith.ori %or3A_1026, %eq3A_1027 : vector<16xi1>
      %eq3A_1029 = arith.cmpi eq, %gather3A_276, %gather3A_228 : vector<16xi32>
      %or3A_1030 = arith.ori %or3A_1028, %eq3A_1029 : vector<16xi1>
      %eq3A_1031 = arith.cmpi eq, %gather3A_276, %gather3A_232 : vector<16xi32>
      %or3A_1032 = arith.ori %or3A_1030, %eq3A_1031 : vector<16xi1>
      %eq3A_1033 = arith.cmpi eq, %gather3A_276, %gather3A_236 : vector<16xi32>
      %or3A_1034 = arith.ori %or3A_1032, %eq3A_1033 : vector<16xi1>
      %eq3A_1035 = arith.cmpi eq, %gather3A_276, %gather3A_240 : vector<16xi32>
      %or3A_1036 = arith.ori %or3A_1034, %eq3A_1035 : vector<16xi1>
      %eq3A_1037 = arith.cmpi eq, %gather3A_276, %gather3A_244 : vector<16xi32>
      %or3A_1038 = arith.ori %or3A_1036, %eq3A_1037 : vector<16xi1>
      %eq3A_1039 = arith.cmpi eq, %gather3A_276, %gather3A_248 : vector<16xi32>
      %or3A_1040 = arith.ori %or3A_1038, %eq3A_1039 : vector<16xi1>
      %eq3A_1041 = arith.cmpi eq, %gather3A_276, %gather3A_252 : vector<16xi32>
      %or3A_1042 = arith.ori %or3A_1040, %eq3A_1041 : vector<16xi1>
      %eq3A_1043 = arith.cmpi eq, %gather3A_276, %gather3A_256 : vector<16xi32>
      %or3A_1044 = arith.ori %or3A_1042, %eq3A_1043 : vector<16xi1>
      %eq3A_1045 = arith.cmpi eq, %gather3A_276, %gather3A_260 : vector<16xi32>
      %or3A_1046 = arith.ori %or3A_1044, %eq3A_1045 : vector<16xi1>
      %eq3A_1047 = arith.cmpi eq, %gather3A_276, %gather3A_264 : vector<16xi32>
      %or3A_1048 = arith.ori %or3A_1046, %eq3A_1047 : vector<16xi1>
      %eq3A_1049 = arith.cmpi eq, %gather3A_276, %gather3A_268 : vector<16xi32>
      %or3A_1050 = arith.ori %or3A_1048, %eq3A_1049 : vector<16xi1>
      %eq3A_1051 = arith.cmpi eq, %gather3A_276, %gather3A_272 : vector<16xi32>
      %or3A_1052 = arith.ori %or3A_1050, %eq3A_1051 : vector<16xi1>
      %jit3A_1053 = arith.constant 1024 : i32
      %broadcast_in_dim3A_1054 = vector.broadcast %jit3A_1053 : i32 to vector<16xi32>
      %select_n3A_1055 = arith.select %or3A_1052, %broadcast_in_dim3A_1054, %add3A_305 : vector<16xi1>, vector<16xi32>
      %eq3A_1056 = arith.cmpi eq, %gather3A_280, %gather3A : vector<16xi32>
      %eq3A_1057 = arith.cmpi eq, %gather3A_280, %gather3A_176 : vector<16xi32>
      %or3A_1058 = arith.ori %eq3A_1056, %eq3A_1057 : vector<16xi1>
      %eq3A_1059 = arith.cmpi eq, %gather3A_280, %gather3A_180 : vector<16xi32>
      %or3A_1060 = arith.ori %or3A_1058, %eq3A_1059 : vector<16xi1>
      %eq3A_1061 = arith.cmpi eq, %gather3A_280, %gather3A_184 : vector<16xi32>
      %or3A_1062 = arith.ori %or3A_1060, %eq3A_1061 : vector<16xi1>
      %eq3A_1063 = arith.cmpi eq, %gather3A_280, %gather3A_188 : vector<16xi32>
      %or3A_1064 = arith.ori %or3A_1062, %eq3A_1063 : vector<16xi1>
      %eq3A_1065 = arith.cmpi eq, %gather3A_280, %gather3A_192 : vector<16xi32>
      %or3A_1066 = arith.ori %or3A_1064, %eq3A_1065 : vector<16xi1>
      %eq3A_1067 = arith.cmpi eq, %gather3A_280, %gather3A_196 : vector<16xi32>
      %or3A_1068 = arith.ori %or3A_1066, %eq3A_1067 : vector<16xi1>
      %eq3A_1069 = arith.cmpi eq, %gather3A_280, %gather3A_200 : vector<16xi32>
      %or3A_1070 = arith.ori %or3A_1068, %eq3A_1069 : vector<16xi1>
      %eq3A_1071 = arith.cmpi eq, %gather3A_280, %gather3A_204 : vector<16xi32>
      %or3A_1072 = arith.ori %or3A_1070, %eq3A_1071 : vector<16xi1>
      %eq3A_1073 = arith.cmpi eq, %gather3A_280, %gather3A_208 : vector<16xi32>
      %or3A_1074 = arith.ori %or3A_1072, %eq3A_1073 : vector<16xi1>
      %eq3A_1075 = arith.cmpi eq, %gather3A_280, %gather3A_212 : vector<16xi32>
      %or3A_1076 = arith.ori %or3A_1074, %eq3A_1075 : vector<16xi1>
      %eq3A_1077 = arith.cmpi eq, %gather3A_280, %gather3A_216 : vector<16xi32>
      %or3A_1078 = arith.ori %or3A_1076, %eq3A_1077 : vector<16xi1>
      %eq3A_1079 = arith.cmpi eq, %gather3A_280, %gather3A_220 : vector<16xi32>
      %or3A_1080 = arith.ori %or3A_1078, %eq3A_1079 : vector<16xi1>
      %eq3A_1081 = arith.cmpi eq, %gather3A_280, %gather3A_224 : vector<16xi32>
      %or3A_1082 = arith.ori %or3A_1080, %eq3A_1081 : vector<16xi1>
      %eq3A_1083 = arith.cmpi eq, %gather3A_280, %gather3A_228 : vector<16xi32>
      %or3A_1084 = arith.ori %or3A_1082, %eq3A_1083 : vector<16xi1>
      %eq3A_1085 = arith.cmpi eq, %gather3A_280, %gather3A_232 : vector<16xi32>
      %or3A_1086 = arith.ori %or3A_1084, %eq3A_1085 : vector<16xi1>
      %eq3A_1087 = arith.cmpi eq, %gather3A_280, %gather3A_236 : vector<16xi32>
      %or3A_1088 = arith.ori %or3A_1086, %eq3A_1087 : vector<16xi1>
      %eq3A_1089 = arith.cmpi eq, %gather3A_280, %gather3A_240 : vector<16xi32>
      %or3A_1090 = arith.ori %or3A_1088, %eq3A_1089 : vector<16xi1>
      %eq3A_1091 = arith.cmpi eq, %gather3A_280, %gather3A_244 : vector<16xi32>
      %or3A_1092 = arith.ori %or3A_1090, %eq3A_1091 : vector<16xi1>
      %eq3A_1093 = arith.cmpi eq, %gather3A_280, %gather3A_248 : vector<16xi32>
      %or3A_1094 = arith.ori %or3A_1092, %eq3A_1093 : vector<16xi1>
      %eq3A_1095 = arith.cmpi eq, %gather3A_280, %gather3A_252 : vector<16xi32>
      %or3A_1096 = arith.ori %or3A_1094, %eq3A_1095 : vector<16xi1>
      %eq3A_1097 = arith.cmpi eq, %gather3A_280, %gather3A_256 : vector<16xi32>
      %or3A_1098 = arith.ori %or3A_1096, %eq3A_1097 : vector<16xi1>
      %eq3A_1099 = arith.cmpi eq, %gather3A_280, %gather3A_260 : vector<16xi32>
      %or3A_1100 = arith.ori %or3A_1098, %eq3A_1099 : vector<16xi1>
      %eq3A_1101 = arith.cmpi eq, %gather3A_280, %gather3A_264 : vector<16xi32>
      %or3A_1102 = arith.ori %or3A_1100, %eq3A_1101 : vector<16xi1>
      %eq3A_1103 = arith.cmpi eq, %gather3A_280, %gather3A_268 : vector<16xi32>
      %or3A_1104 = arith.ori %or3A_1102, %eq3A_1103 : vector<16xi1>
      %eq3A_1105 = arith.cmpi eq, %gather3A_280, %gather3A_272 : vector<16xi32>
      %or3A_1106 = arith.ori %or3A_1104, %eq3A_1105 : vector<16xi1>
      %eq3A_1107 = arith.cmpi eq, %gather3A_280, %gather3A_276 : vector<16xi32>
      %or3A_1108 = arith.ori %or3A_1106, %eq3A_1107 : vector<16xi1>
      %jit3A_1109 = arith.constant 1024 : i32
      %broadcast_in_dim3A_1110 = vector.broadcast %jit3A_1109 : i32 to vector<16xi32>
      %select_n3A_1111 = arith.select %or3A_1108, %broadcast_in_dim3A_1110, %add3A_305 : vector<16xi1>, vector<16xi32>
      %eq3A_1112 = arith.cmpi eq, %gather3A_284, %gather3A : vector<16xi32>
      %eq3A_1113 = arith.cmpi eq, %gather3A_284, %gather3A_176 : vector<16xi32>
      %or3A_1114 = arith.ori %eq3A_1112, %eq3A_1113 : vector<16xi1>
      %eq3A_1115 = arith.cmpi eq, %gather3A_284, %gather3A_180 : vector<16xi32>
      %or3A_1116 = arith.ori %or3A_1114, %eq3A_1115 : vector<16xi1>
      %eq3A_1117 = arith.cmpi eq, %gather3A_284, %gather3A_184 : vector<16xi32>
      %or3A_1118 = arith.ori %or3A_1116, %eq3A_1117 : vector<16xi1>
      %eq3A_1119 = arith.cmpi eq, %gather3A_284, %gather3A_188 : vector<16xi32>
      %or3A_1120 = arith.ori %or3A_1118, %eq3A_1119 : vector<16xi1>
      %eq3A_1121 = arith.cmpi eq, %gather3A_284, %gather3A_192 : vector<16xi32>
      %or3A_1122 = arith.ori %or3A_1120, %eq3A_1121 : vector<16xi1>
      %eq3A_1123 = arith.cmpi eq, %gather3A_284, %gather3A_196 : vector<16xi32>
      %or3A_1124 = arith.ori %or3A_1122, %eq3A_1123 : vector<16xi1>
      %eq3A_1125 = arith.cmpi eq, %gather3A_284, %gather3A_200 : vector<16xi32>
      %or3A_1126 = arith.ori %or3A_1124, %eq3A_1125 : vector<16xi1>
      %eq3A_1127 = arith.cmpi eq, %gather3A_284, %gather3A_204 : vector<16xi32>
      %or3A_1128 = arith.ori %or3A_1126, %eq3A_1127 : vector<16xi1>
      %eq3A_1129 = arith.cmpi eq, %gather3A_284, %gather3A_208 : vector<16xi32>
      %or3A_1130 = arith.ori %or3A_1128, %eq3A_1129 : vector<16xi1>
      %eq3A_1131 = arith.cmpi eq, %gather3A_284, %gather3A_212 : vector<16xi32>
      %or3A_1132 = arith.ori %or3A_1130, %eq3A_1131 : vector<16xi1>
      %eq3A_1133 = arith.cmpi eq, %gather3A_284, %gather3A_216 : vector<16xi32>
      %or3A_1134 = arith.ori %or3A_1132, %eq3A_1133 : vector<16xi1>
      %eq3A_1135 = arith.cmpi eq, %gather3A_284, %gather3A_220 : vector<16xi32>
      %or3A_1136 = arith.ori %or3A_1134, %eq3A_1135 : vector<16xi1>
      %eq3A_1137 = arith.cmpi eq, %gather3A_284, %gather3A_224 : vector<16xi32>
      %or3A_1138 = arith.ori %or3A_1136, %eq3A_1137 : vector<16xi1>
      %eq3A_1139 = arith.cmpi eq, %gather3A_284, %gather3A_228 : vector<16xi32>
      %or3A_1140 = arith.ori %or3A_1138, %eq3A_1139 : vector<16xi1>
      %eq3A_1141 = arith.cmpi eq, %gather3A_284, %gather3A_232 : vector<16xi32>
      %or3A_1142 = arith.ori %or3A_1140, %eq3A_1141 : vector<16xi1>
      %eq3A_1143 = arith.cmpi eq, %gather3A_284, %gather3A_236 : vector<16xi32>
      %or3A_1144 = arith.ori %or3A_1142, %eq3A_1143 : vector<16xi1>
      %eq3A_1145 = arith.cmpi eq, %gather3A_284, %gather3A_240 : vector<16xi32>
      %or3A_1146 = arith.ori %or3A_1144, %eq3A_1145 : vector<16xi1>
      %eq3A_1147 = arith.cmpi eq, %gather3A_284, %gather3A_244 : vector<16xi32>
      %or3A_1148 = arith.ori %or3A_1146, %eq3A_1147 : vector<16xi1>
      %eq3A_1149 = arith.cmpi eq, %gather3A_284, %gather3A_248 : vector<16xi32>
      %or3A_1150 = arith.ori %or3A_1148, %eq3A_1149 : vector<16xi1>
      %eq3A_1151 = arith.cmpi eq, %gather3A_284, %gather3A_252 : vector<16xi32>
      %or3A_1152 = arith.ori %or3A_1150, %eq3A_1151 : vector<16xi1>
      %eq3A_1153 = arith.cmpi eq, %gather3A_284, %gather3A_256 : vector<16xi32>
      %or3A_1154 = arith.ori %or3A_1152, %eq3A_1153 : vector<16xi1>
      %eq3A_1155 = arith.cmpi eq, %gather3A_284, %gather3A_260 : vector<16xi32>
      %or3A_1156 = arith.ori %or3A_1154, %eq3A_1155 : vector<16xi1>
      %eq3A_1157 = arith.cmpi eq, %gather3A_284, %gather3A_264 : vector<16xi32>
      %or3A_1158 = arith.ori %or3A_1156, %eq3A_1157 : vector<16xi1>
      %eq3A_1159 = arith.cmpi eq, %gather3A_284, %gather3A_268 : vector<16xi32>
      %or3A_1160 = arith.ori %or3A_1158, %eq3A_1159 : vector<16xi1>
      %eq3A_1161 = arith.cmpi eq, %gather3A_284, %gather3A_272 : vector<16xi32>
      %or3A_1162 = arith.ori %or3A_1160, %eq3A_1161 : vector<16xi1>
      %eq3A_1163 = arith.cmpi eq, %gather3A_284, %gather3A_276 : vector<16xi32>
      %or3A_1164 = arith.ori %or3A_1162, %eq3A_1163 : vector<16xi1>
      %eq3A_1165 = arith.cmpi eq, %gather3A_284, %gather3A_280 : vector<16xi32>
      %or3A_1166 = arith.ori %or3A_1164, %eq3A_1165 : vector<16xi1>
      %jit3A_1167 = arith.constant 1024 : i32
      %broadcast_in_dim3A_1168 = vector.broadcast %jit3A_1167 : i32 to vector<16xi32>
      %select_n3A_1169 = arith.select %or3A_1166, %broadcast_in_dim3A_1168, %add3A_305 : vector<16xi1>, vector<16xi32>
      %eq3A_1170 = arith.cmpi eq, %gather3A_288, %gather3A : vector<16xi32>
      %eq3A_1171 = arith.cmpi eq, %gather3A_288, %gather3A_176 : vector<16xi32>
      %or3A_1172 = arith.ori %eq3A_1170, %eq3A_1171 : vector<16xi1>
      %eq3A_1173 = arith.cmpi eq, %gather3A_288, %gather3A_180 : vector<16xi32>
      %or3A_1174 = arith.ori %or3A_1172, %eq3A_1173 : vector<16xi1>
      %eq3A_1175 = arith.cmpi eq, %gather3A_288, %gather3A_184 : vector<16xi32>
      %or3A_1176 = arith.ori %or3A_1174, %eq3A_1175 : vector<16xi1>
      %eq3A_1177 = arith.cmpi eq, %gather3A_288, %gather3A_188 : vector<16xi32>
      %or3A_1178 = arith.ori %or3A_1176, %eq3A_1177 : vector<16xi1>
      %eq3A_1179 = arith.cmpi eq, %gather3A_288, %gather3A_192 : vector<16xi32>
      %or3A_1180 = arith.ori %or3A_1178, %eq3A_1179 : vector<16xi1>
      %eq3A_1181 = arith.cmpi eq, %gather3A_288, %gather3A_196 : vector<16xi32>
      %or3A_1182 = arith.ori %or3A_1180, %eq3A_1181 : vector<16xi1>
      %eq3A_1183 = arith.cmpi eq, %gather3A_288, %gather3A_200 : vector<16xi32>
      %or3A_1184 = arith.ori %or3A_1182, %eq3A_1183 : vector<16xi1>
      %eq3A_1185 = arith.cmpi eq, %gather3A_288, %gather3A_204 : vector<16xi32>
      %or3A_1186 = arith.ori %or3A_1184, %eq3A_1185 : vector<16xi1>
      %eq3A_1187 = arith.cmpi eq, %gather3A_288, %gather3A_208 : vector<16xi32>
      %or3A_1188 = arith.ori %or3A_1186, %eq3A_1187 : vector<16xi1>
      %eq3A_1189 = arith.cmpi eq, %gather3A_288, %gather3A_212 : vector<16xi32>
      %or3A_1190 = arith.ori %or3A_1188, %eq3A_1189 : vector<16xi1>
      %eq3A_1191 = arith.cmpi eq, %gather3A_288, %gather3A_216 : vector<16xi32>
      %or3A_1192 = arith.ori %or3A_1190, %eq3A_1191 : vector<16xi1>
      %eq3A_1193 = arith.cmpi eq, %gather3A_288, %gather3A_220 : vector<16xi32>
      %or3A_1194 = arith.ori %or3A_1192, %eq3A_1193 : vector<16xi1>
      %eq3A_1195 = arith.cmpi eq, %gather3A_288, %gather3A_224 : vector<16xi32>
      %or3A_1196 = arith.ori %or3A_1194, %eq3A_1195 : vector<16xi1>
      %eq3A_1197 = arith.cmpi eq, %gather3A_288, %gather3A_228 : vector<16xi32>
      %or3A_1198 = arith.ori %or3A_1196, %eq3A_1197 : vector<16xi1>
      %eq3A_1199 = arith.cmpi eq, %gather3A_288, %gather3A_232 : vector<16xi32>
      %or3A_1200 = arith.ori %or3A_1198, %eq3A_1199 : vector<16xi1>
      %eq3A_1201 = arith.cmpi eq, %gather3A_288, %gather3A_236 : vector<16xi32>
      %or3A_1202 = arith.ori %or3A_1200, %eq3A_1201 : vector<16xi1>
      %eq3A_1203 = arith.cmpi eq, %gather3A_288, %gather3A_240 : vector<16xi32>
      %or3A_1204 = arith.ori %or3A_1202, %eq3A_1203 : vector<16xi1>
      %eq3A_1205 = arith.cmpi eq, %gather3A_288, %gather3A_244 : vector<16xi32>
      %or3A_1206 = arith.ori %or3A_1204, %eq3A_1205 : vector<16xi1>
      %eq3A_1207 = arith.cmpi eq, %gather3A_288, %gather3A_248 : vector<16xi32>
      %or3A_1208 = arith.ori %or3A_1206, %eq3A_1207 : vector<16xi1>
      %eq3A_1209 = arith.cmpi eq, %gather3A_288, %gather3A_252 : vector<16xi32>
      %or3A_1210 = arith.ori %or3A_1208, %eq3A_1209 : vector<16xi1>
      %eq3A_1211 = arith.cmpi eq, %gather3A_288, %gather3A_256 : vector<16xi32>
      %or3A_1212 = arith.ori %or3A_1210, %eq3A_1211 : vector<16xi1>
      %eq3A_1213 = arith.cmpi eq, %gather3A_288, %gather3A_260 : vector<16xi32>
      %or3A_1214 = arith.ori %or3A_1212, %eq3A_1213 : vector<16xi1>
      %eq3A_1215 = arith.cmpi eq, %gather3A_288, %gather3A_264 : vector<16xi32>
      %or3A_1216 = arith.ori %or3A_1214, %eq3A_1215 : vector<16xi1>
      %eq3A_1217 = arith.cmpi eq, %gather3A_288, %gather3A_268 : vector<16xi32>
      %or3A_1218 = arith.ori %or3A_1216, %eq3A_1217 : vector<16xi1>
      %eq3A_1219 = arith.cmpi eq, %gather3A_288, %gather3A_272 : vector<16xi32>
      %or3A_1220 = arith.ori %or3A_1218, %eq3A_1219 : vector<16xi1>
      %eq3A_1221 = arith.cmpi eq, %gather3A_288, %gather3A_276 : vector<16xi32>
      %or3A_1222 = arith.ori %or3A_1220, %eq3A_1221 : vector<16xi1>
      %eq3A_1223 = arith.cmpi eq, %gather3A_288, %gather3A_280 : vector<16xi32>
      %or3A_1224 = arith.ori %or3A_1222, %eq3A_1223 : vector<16xi1>
      %eq3A_1225 = arith.cmpi eq, %gather3A_288, %gather3A_284 : vector<16xi32>
      %or3A_1226 = arith.ori %or3A_1224, %eq3A_1225 : vector<16xi1>
      %jit3A_1227 = arith.constant 1024 : i32
      %broadcast_in_dim3A_1228 = vector.broadcast %jit3A_1227 : i32 to vector<16xi32>
      %select_n3A_1229 = arith.select %or3A_1226, %broadcast_in_dim3A_1228, %add3A_305 : vector<16xi1>, vector<16xi32>
      %eq3A_1230 = arith.cmpi eq, %gather3A_292, %gather3A : vector<16xi32>
      %eq3A_1231 = arith.cmpi eq, %gather3A_292, %gather3A_176 : vector<16xi32>
      %or3A_1232 = arith.ori %eq3A_1230, %eq3A_1231 : vector<16xi1>
      %eq3A_1233 = arith.cmpi eq, %gather3A_292, %gather3A_180 : vector<16xi32>
      %or3A_1234 = arith.ori %or3A_1232, %eq3A_1233 : vector<16xi1>
      %eq3A_1235 = arith.cmpi eq, %gather3A_292, %gather3A_184 : vector<16xi32>
      %or3A_1236 = arith.ori %or3A_1234, %eq3A_1235 : vector<16xi1>
      %eq3A_1237 = arith.cmpi eq, %gather3A_292, %gather3A_188 : vector<16xi32>
      %or3A_1238 = arith.ori %or3A_1236, %eq3A_1237 : vector<16xi1>
      %eq3A_1239 = arith.cmpi eq, %gather3A_292, %gather3A_192 : vector<16xi32>
      %or3A_1240 = arith.ori %or3A_1238, %eq3A_1239 : vector<16xi1>
      %eq3A_1241 = arith.cmpi eq, %gather3A_292, %gather3A_196 : vector<16xi32>
      %or3A_1242 = arith.ori %or3A_1240, %eq3A_1241 : vector<16xi1>
      %eq3A_1243 = arith.cmpi eq, %gather3A_292, %gather3A_200 : vector<16xi32>
      %or3A_1244 = arith.ori %or3A_1242, %eq3A_1243 : vector<16xi1>
      %eq3A_1245 = arith.cmpi eq, %gather3A_292, %gather3A_204 : vector<16xi32>
      %or3A_1246 = arith.ori %or3A_1244, %eq3A_1245 : vector<16xi1>
      %eq3A_1247 = arith.cmpi eq, %gather3A_292, %gather3A_208 : vector<16xi32>
      %or3A_1248 = arith.ori %or3A_1246, %eq3A_1247 : vector<16xi1>
      %eq3A_1249 = arith.cmpi eq, %gather3A_292, %gather3A_212 : vector<16xi32>
      %or3A_1250 = arith.ori %or3A_1248, %eq3A_1249 : vector<16xi1>
      %eq3A_1251 = arith.cmpi eq, %gather3A_292, %gather3A_216 : vector<16xi32>
      %or3A_1252 = arith.ori %or3A_1250, %eq3A_1251 : vector<16xi1>
      %eq3A_1253 = arith.cmpi eq, %gather3A_292, %gather3A_220 : vector<16xi32>
      %or3A_1254 = arith.ori %or3A_1252, %eq3A_1253 : vector<16xi1>
      %eq3A_1255 = arith.cmpi eq, %gather3A_292, %gather3A_224 : vector<16xi32>
      %or3A_1256 = arith.ori %or3A_1254, %eq3A_1255 : vector<16xi1>
      %eq3A_1257 = arith.cmpi eq, %gather3A_292, %gather3A_228 : vector<16xi32>
      %or3A_1258 = arith.ori %or3A_1256, %eq3A_1257 : vector<16xi1>
      %eq3A_1259 = arith.cmpi eq, %gather3A_292, %gather3A_232 : vector<16xi32>
      %or3A_1260 = arith.ori %or3A_1258, %eq3A_1259 : vector<16xi1>
      %eq3A_1261 = arith.cmpi eq, %gather3A_292, %gather3A_236 : vector<16xi32>
      %or3A_1262 = arith.ori %or3A_1260, %eq3A_1261 : vector<16xi1>
      %eq3A_1263 = arith.cmpi eq, %gather3A_292, %gather3A_240 : vector<16xi32>
      %or3A_1264 = arith.ori %or3A_1262, %eq3A_1263 : vector<16xi1>
      %eq3A_1265 = arith.cmpi eq, %gather3A_292, %gather3A_244 : vector<16xi32>
      %or3A_1266 = arith.ori %or3A_1264, %eq3A_1265 : vector<16xi1>
      %eq3A_1267 = arith.cmpi eq, %gather3A_292, %gather3A_248 : vector<16xi32>
      %or3A_1268 = arith.ori %or3A_1266, %eq3A_1267 : vector<16xi1>
      %eq3A_1269 = arith.cmpi eq, %gather3A_292, %gather3A_252 : vector<16xi32>
      %or3A_1270 = arith.ori %or3A_1268, %eq3A_1269 : vector<16xi1>
      %eq3A_1271 = arith.cmpi eq, %gather3A_292, %gather3A_256 : vector<16xi32>
      %or3A_1272 = arith.ori %or3A_1270, %eq3A_1271 : vector<16xi1>
      %eq3A_1273 = arith.cmpi eq, %gather3A_292, %gather3A_260 : vector<16xi32>
      %or3A_1274 = arith.ori %or3A_1272, %eq3A_1273 : vector<16xi1>
      %eq3A_1275 = arith.cmpi eq, %gather3A_292, %gather3A_264 : vector<16xi32>
      %or3A_1276 = arith.ori %or3A_1274, %eq3A_1275 : vector<16xi1>
      %eq3A_1277 = arith.cmpi eq, %gather3A_292, %gather3A_268 : vector<16xi32>
      %or3A_1278 = arith.ori %or3A_1276, %eq3A_1277 : vector<16xi1>
      %eq3A_1279 = arith.cmpi eq, %gather3A_292, %gather3A_272 : vector<16xi32>
      %or3A_1280 = arith.ori %or3A_1278, %eq3A_1279 : vector<16xi1>
      %eq3A_1281 = arith.cmpi eq, %gather3A_292, %gather3A_276 : vector<16xi32>
      %or3A_1282 = arith.ori %or3A_1280, %eq3A_1281 : vector<16xi1>
      %eq3A_1283 = arith.cmpi eq, %gather3A_292, %gather3A_280 : vector<16xi32>
      %or3A_1284 = arith.ori %or3A_1282, %eq3A_1283 : vector<16xi1>
      %eq3A_1285 = arith.cmpi eq, %gather3A_292, %gather3A_284 : vector<16xi32>
      %or3A_1286 = arith.ori %or3A_1284, %eq3A_1285 : vector<16xi1>
      %eq3A_1287 = arith.cmpi eq, %gather3A_292, %gather3A_288 : vector<16xi32>
      %or3A_1288 = arith.ori %or3A_1286, %eq3A_1287 : vector<16xi1>
      %jit3A_1289 = arith.constant 1024 : i32
      %broadcast_in_dim3A_1290 = vector.broadcast %jit3A_1289 : i32 to vector<16xi32>
      %select_n3A_1291 = arith.select %or3A_1288, %broadcast_in_dim3A_1290, %add3A_305 : vector<16xi1>, vector<16xi32>
      %eq3A_1292 = arith.cmpi eq, %gather3A_296, %gather3A : vector<16xi32>
      %eq3A_1293 = arith.cmpi eq, %gather3A_296, %gather3A_176 : vector<16xi32>
      %or3A_1294 = arith.ori %eq3A_1292, %eq3A_1293 : vector<16xi1>
      %eq3A_1295 = arith.cmpi eq, %gather3A_296, %gather3A_180 : vector<16xi32>
      %or3A_1296 = arith.ori %or3A_1294, %eq3A_1295 : vector<16xi1>
      %eq3A_1297 = arith.cmpi eq, %gather3A_296, %gather3A_184 : vector<16xi32>
      %or3A_1298 = arith.ori %or3A_1296, %eq3A_1297 : vector<16xi1>
      %eq3A_1299 = arith.cmpi eq, %gather3A_296, %gather3A_188 : vector<16xi32>
      %or3A_1300 = arith.ori %or3A_1298, %eq3A_1299 : vector<16xi1>
      %eq3A_1301 = arith.cmpi eq, %gather3A_296, %gather3A_192 : vector<16xi32>
      %or3A_1302 = arith.ori %or3A_1300, %eq3A_1301 : vector<16xi1>
      %eq3A_1303 = arith.cmpi eq, %gather3A_296, %gather3A_196 : vector<16xi32>
      %or3A_1304 = arith.ori %or3A_1302, %eq3A_1303 : vector<16xi1>
      %eq3A_1305 = arith.cmpi eq, %gather3A_296, %gather3A_200 : vector<16xi32>
      %or3A_1306 = arith.ori %or3A_1304, %eq3A_1305 : vector<16xi1>
      %eq3A_1307 = arith.cmpi eq, %gather3A_296, %gather3A_204 : vector<16xi32>
      %or3A_1308 = arith.ori %or3A_1306, %eq3A_1307 : vector<16xi1>
      %eq3A_1309 = arith.cmpi eq, %gather3A_296, %gather3A_208 : vector<16xi32>
      %or3A_1310 = arith.ori %or3A_1308, %eq3A_1309 : vector<16xi1>
      %eq3A_1311 = arith.cmpi eq, %gather3A_296, %gather3A_212 : vector<16xi32>
      %or3A_1312 = arith.ori %or3A_1310, %eq3A_1311 : vector<16xi1>
      %eq3A_1313 = arith.cmpi eq, %gather3A_296, %gather3A_216 : vector<16xi32>
      %or3A_1314 = arith.ori %or3A_1312, %eq3A_1313 : vector<16xi1>
      %eq3A_1315 = arith.cmpi eq, %gather3A_296, %gather3A_220 : vector<16xi32>
      %or3A_1316 = arith.ori %or3A_1314, %eq3A_1315 : vector<16xi1>
      %eq3A_1317 = arith.cmpi eq, %gather3A_296, %gather3A_224 : vector<16xi32>
      %or3A_1318 = arith.ori %or3A_1316, %eq3A_1317 : vector<16xi1>
      %eq3A_1319 = arith.cmpi eq, %gather3A_296, %gather3A_228 : vector<16xi32>
      %or3A_1320 = arith.ori %or3A_1318, %eq3A_1319 : vector<16xi1>
      %eq3A_1321 = arith.cmpi eq, %gather3A_296, %gather3A_232 : vector<16xi32>
      %or3A_1322 = arith.ori %or3A_1320, %eq3A_1321 : vector<16xi1>
      %eq3A_1323 = arith.cmpi eq, %gather3A_296, %gather3A_236 : vector<16xi32>
      %or3A_1324 = arith.ori %or3A_1322, %eq3A_1323 : vector<16xi1>
      %eq3A_1325 = arith.cmpi eq, %gather3A_296, %gather3A_240 : vector<16xi32>
      %or3A_1326 = arith.ori %or3A_1324, %eq3A_1325 : vector<16xi1>
      %eq3A_1327 = arith.cmpi eq, %gather3A_296, %gather3A_244 : vector<16xi32>
      %or3A_1328 = arith.ori %or3A_1326, %eq3A_1327 : vector<16xi1>
      %eq3A_1329 = arith.cmpi eq, %gather3A_296, %gather3A_248 : vector<16xi32>
      %or3A_1330 = arith.ori %or3A_1328, %eq3A_1329 : vector<16xi1>
      %eq3A_1331 = arith.cmpi eq, %gather3A_296, %gather3A_252 : vector<16xi32>
      %or3A_1332 = arith.ori %or3A_1330, %eq3A_1331 : vector<16xi1>
      %eq3A_1333 = arith.cmpi eq, %gather3A_296, %gather3A_256 : vector<16xi32>
      %or3A_1334 = arith.ori %or3A_1332, %eq3A_1333 : vector<16xi1>
      %eq3A_1335 = arith.cmpi eq, %gather3A_296, %gather3A_260 : vector<16xi32>
      %or3A_1336 = arith.ori %or3A_1334, %eq3A_1335 : vector<16xi1>
      %eq3A_1337 = arith.cmpi eq, %gather3A_296, %gather3A_264 : vector<16xi32>
      %or3A_1338 = arith.ori %or3A_1336, %eq3A_1337 : vector<16xi1>
      %eq3A_1339 = arith.cmpi eq, %gather3A_296, %gather3A_268 : vector<16xi32>
      %or3A_1340 = arith.ori %or3A_1338, %eq3A_1339 : vector<16xi1>
      %eq3A_1341 = arith.cmpi eq, %gather3A_296, %gather3A_272 : vector<16xi32>
      %or3A_1342 = arith.ori %or3A_1340, %eq3A_1341 : vector<16xi1>
      %eq3A_1343 = arith.cmpi eq, %gather3A_296, %gather3A_276 : vector<16xi32>
      %or3A_1344 = arith.ori %or3A_1342, %eq3A_1343 : vector<16xi1>
      %eq3A_1345 = arith.cmpi eq, %gather3A_296, %gather3A_280 : vector<16xi32>
      %or3A_1346 = arith.ori %or3A_1344, %eq3A_1345 : vector<16xi1>
      %eq3A_1347 = arith.cmpi eq, %gather3A_296, %gather3A_284 : vector<16xi32>
      %or3A_1348 = arith.ori %or3A_1346, %eq3A_1347 : vector<16xi1>
      %eq3A_1349 = arith.cmpi eq, %gather3A_296, %gather3A_288 : vector<16xi32>
      %or3A_1350 = arith.ori %or3A_1348, %eq3A_1349 : vector<16xi1>
      %eq3A_1351 = arith.cmpi eq, %gather3A_296, %gather3A_292 : vector<16xi32>
      %or3A_1352 = arith.ori %or3A_1350, %eq3A_1351 : vector<16xi1>
      %jit3A_1353 = arith.constant 1024 : i32
      %broadcast_in_dim3A_1354 = vector.broadcast %jit3A_1353 : i32 to vector<16xi32>
      %select_n3A_1355 = arith.select %or3A_1352, %broadcast_in_dim3A_1354, %add3A_305 : vector<16xi1>, vector<16xi32>
      %mul3A_1356 = arith.constant 4 : i32
      %mul3A_1357 = vector.broadcast %mul3A_1356 : i32 to vector<16xi32>
      %mul3A_1358 = arith.muli %gather3A, %mul3A_1357 : vector<16xi32>
      %mul3A_1359 = arith.constant 4 : i32
      %mul3A_1360 = vector.broadcast %mul3A_1359 : i32 to vector<16xi32>
      %mul3A_1361 = arith.muli %add3A_305, %mul3A_1360 : vector<16xi32>
      %broadcast_in_dim3A_1362 = arith.constant 0 : i32
      %broadcast_in_dim3A_1363 = vector.broadcast %broadcast_in_dim3A_1362 : i32 to vector<16xi32>
      %add3A_1364 = arith.constant 0 : i32
      %add3A_1365 = vector.broadcast %add3A_1364 : i32 to vector<16xi32>
      %add3A_1366 = arith.addi %mul3A_1358, %add3A_1365 : vector<16xi32>
      tpu.vector_store_idx %arg7[%add3A_301, %broadcast_in_dim3A_1363], %add3A_1366 : memref<64x128xi32, #tpu.memory_space<vmem>>[vector<16xi32>, vector<16xi32>], vector<16xi32>,
      %add3A_1367 = arith.constant 0 : i32
      %add3A_1368 = vector.broadcast %add3A_1367 : i32 to vector<16xi32>
      %add3A_1369 = arith.addi %mul3A_1361, %add3A_1368 : vector<16xi32>
      tpu.vector_store_idx %arg8[%add3A_301, %broadcast_in_dim3A_1363], %add3A_1369 : memref<64x128xi32, #tpu.memory_space<vmem>>[vector<16xi32>, vector<16xi32>], vector<16xi32>,
      %broadcast_in_dim3A_1370 = arith.constant 1 : i32
      %broadcast_in_dim3A_1371 = vector.broadcast %broadcast_in_dim3A_1370 : i32 to vector<16xi32>
      %add3A_1372 = arith.constant 1 : i32
      %add3A_1373 = vector.broadcast %add3A_1372 : i32 to vector<16xi32>
      %add3A_1374 = arith.addi %mul3A_1358, %add3A_1373 : vector<16xi32>
      tpu.vector_store_idx %arg7[%add3A_301, %broadcast_in_dim3A_1371], %add3A_1374 : memref<64x128xi32, #tpu.memory_space<vmem>>[vector<16xi32>, vector<16xi32>], vector<16xi32>,
      %add3A_1375 = arith.constant 1 : i32
      %add3A_1376 = vector.broadcast %add3A_1375 : i32 to vector<16xi32>
      %add3A_1377 = arith.addi %mul3A_1361, %add3A_1376 : vector<16xi32>
      tpu.vector_store_idx %arg8[%add3A_301, %broadcast_in_dim3A_1371], %add3A_1377 : memref<64x128xi32, #tpu.memory_space<vmem>>[vector<16xi32>, vector<16xi32>], vector<16xi32>,
      %broadcast_in_dim3A_1378 = arith.constant 2 : i32
      %broadcast_in_dim3A_1379 = vector.broadcast %broadcast_in_dim3A_1378 : i32 to vector<16xi32>
      %add3A_1380 = arith.constant 2 : i32
      %add3A_1381 = vector.broadcast %add3A_1380 : i32 to vector<16xi32>
      %add3A_1382 = arith.addi %mul3A_1358, %add3A_1381 : vector<16xi32>
      tpu.vector_store_idx %arg7[%add3A_301, %broadcast_in_dim3A_1379], %add3A_1382 : memref<64x128xi32, #tpu.memory_space<vmem>>[vector<16xi32>, vector<16xi32>], vector<16xi32>,
      %add3A_1383 = arith.constant 2 : i32
      %add3A_1384 = vector.broadcast %add3A_1383 : i32 to vector<16xi32>
      %add3A_1385 = arith.addi %mul3A_1361, %add3A_1384 : vector<16xi32>
      tpu.vector_store_idx %arg8[%add3A_301, %broadcast_in_dim3A_1379], %add3A_1385 : memref<64x128xi32, #tpu.memory_space<vmem>>[vector<16xi32>, vector<16xi32>], vector<16xi32>,
      %broadcast_in_dim3A_1386 = arith.constant 3 : i32
      %broadcast_in_dim3A_1387 = vector.broadcast %broadcast_in_dim3A_1386 : i32 to vector<16xi32>
      %add3A_1388 = arith.constant 3 : i32
      %add3A_1389 = vector.broadcast %add3A_1388 : i32 to vector<16xi32>
      %add3A_1390 = arith.addi %mul3A_1358, %add3A_1389 : vector<16xi32>
      tpu.vector_store_idx %arg7[%add3A_301, %broadcast_in_dim3A_1387], %add3A_1390 : memref<64x128xi32, #tpu.memory_space<vmem>>[vector<16xi32>, vector<16xi32>], vector<16xi32>,
      %add3A_1391 = arith.constant 3 : i32
      %add3A_1392 = vector.broadcast %add3A_1391 : i32 to vector<16xi32>
      %add3A_1393 = arith.addi %mul3A_1361, %add3A_1392 : vector<16xi32>
      tpu.vector_store_idx %arg8[%add3A_301, %broadcast_in_dim3A_1387], %add3A_1393 : memref<64x128xi32, #tpu.memory_space<vmem>>[vector<16xi32>, vector<16xi32>], vector<16xi32>,
      %mul3A_1394 = arith.constant 4 : i32
      %mul3A_1395 = vector.broadcast %mul3A_1394 : i32 to vector<16xi32>
      %mul3A_1396 = arith.muli %gather3A_176, %mul3A_1395 : vector<16xi32>
      %mul3A_1397 = arith.constant 4 : i32
      %mul3A_1398 = vector.broadcast %mul3A_1397 : i32 to vector<16xi32>
      %mul3A_1399 = arith.muli %select_n3A, %mul3A_1398 : vector<16xi32>
      %broadcast_in_dim3A_1400 = arith.constant 4 : i32
      %broadcast_in_dim3A_1401 = vector.broadcast %broadcast_in_dim3A_1400 : i32 to vector<16xi32>
      %add3A_1402 = arith.constant 0 : i32
      %add3A_1403 = vector.broadcast %add3A_1402 : i32 to vector<16xi32>
      %add3A_1404 = arith.addi %mul3A_1396, %add3A_1403 : vector<16xi32>
      tpu.vector_store_idx %arg7[%add3A_301, %broadcast_in_dim3A_1401], %add3A_1404 : memref<64x128xi32, #tpu.memory_space<vmem>>[vector<16xi32>, vector<16xi32>], vector<16xi32>,
      %add3A_1405 = arith.constant 0 : i32
      %add3A_1406 = vector.broadcast %add3A_1405 : i32 to vector<16xi32>
      %add3A_1407 = arith.addi %mul3A_1399, %add3A_1406 : vector<16xi32>
      tpu.vector_store_idx %arg8[%add3A_301, %broadcast_in_dim3A_1401], %add3A_1407 : memref<64x128xi32, #tpu.memory_space<vmem>>[vector<16xi32>, vector<16xi32>], vector<16xi32>,
      %broadcast_in_dim3A_1408 = arith.constant 5 : i32
      %broadcast_in_dim3A_1409 = vector.broadcast %broadcast_in_dim3A_1408 : i32 to vector<16xi32>
      %add3A_1410 = arith.constant 1 : i32
      %add3A_1411 = vector.broadcast %add3A_1410 : i32 to vector<16xi32>
      %add3A_1412 = arith.addi %mul3A_1396, %add3A_1411 : vector<16xi32>
      tpu.vector_store_idx %arg7[%add3A_301, %broadcast_in_dim3A_1409], %add3A_1412 : memref<64x128xi32, #tpu.memory_space<vmem>>[vector<16xi32>, vector<16xi32>], vector<16xi32>,
      %add3A_1413 = arith.constant 1 : i32
      %add3A_1414 = vector.broadcast %add3A_1413 : i32 to vector<16xi32>
      %add3A_1415 = arith.addi %mul3A_1399, %add3A_1414 : vector<16xi32>
      tpu.vector_store_idx %arg8[%add3A_301, %broadcast_in_dim3A_1409], %add3A_1415 : memref<64x128xi32, #tpu.memory_space<vmem>>[vector<16xi32>, vector<16xi32>], vector<16xi32>,
      %broadcast_in_dim3A_1416 = arith.constant 6 : i32
      %broadcast_in_dim3A_1417 = vector.broadcast %broadcast_in_dim3A_1416 : i32 to vector<16xi32>
      %add3A_1418 = arith.constant 2 : i32
      %add3A_1419 = vector.broadcast %add3A_1418 : i32 to vector<16xi32>
      %add3A_1420 = arith.addi %mul3A_1396, %add3A_1419 : vector<16xi32>
      tpu.vector_store_idx %arg7[%add3A_301, %broadcast_in_dim3A_1417], %add3A_1420 : memref<64x128xi32, #tpu.memory_space<vmem>>[vector<16xi32>, vector<16xi32>], vector<16xi32>,
      %add3A_1421 = arith.constant 2 : i32
      %add3A_1422 = vector.broadcast %add3A_1421 : i32 to vector<16xi32>
      %add3A_1423 = arith.addi %mul3A_1399, %add3A_1422 : vector<16xi32>
      tpu.vector_store_idx %arg8[%add3A_301, %broadcast_in_dim3A_1417], %add3A_1423 : memref<64x128xi32, #tpu.memory_space<vmem>>[vector<16xi32>, vector<16xi32>], vector<16xi32>,
      %broadcast_in_dim3A_1424 = arith.constant 7 : i32
      %broadcast_in_dim3A_1425 = vector.broadcast %broadcast_in_dim3A_1424 : i32 to vector<16xi32>
      %add3A_1426 = arith.constant 3 : i32
      %add3A_1427 = vector.broadcast %add3A_1426 : i32 to vector<16xi32>
      %add3A_1428 = arith.addi %mul3A_1396, %add3A_1427 : vector<16xi32>
      tpu.vector_store_idx %arg7[%add3A_301, %broadcast_in_dim3A_1425], %add3A_1428 : memref<64x128xi32, #tpu.memory_space<vmem>>[vector<16xi32>, vector<16xi32>], vector<16xi32>,
      %add3A_1429 = arith.constant 3 : i32
      %add3A_1430 = vector.broadcast %add3A_1429 : i32 to vector<16xi32>
      %add3A_1431 = arith.addi %mul3A_1399, %add3A_1430 : vector<16xi32>
      tpu.vector_store_idx %arg8[%add3A_301, %broadcast_in_dim3A_1425], %add3A_1431 : memref<64x128xi32, #tpu.memory_space<vmem>>[vector<16xi32>, vector<16xi32>], vector<16xi32>,
      %mul3A_1432 = arith.constant 4 : i32
      %mul3A_1433 = vector.broadcast %mul3A_1432 : i32 to vector<16xi32>
      %mul3A_1434 = arith.muli %gather3A_180, %mul3A_1433 : vector<16xi32>
      %mul3A_1435 = arith.constant 4 : i32
      %mul3A_1436 = vector.broadcast %mul3A_1435 : i32 to vector<16xi32>
      %mul3A_1437 = arith.muli %select_n3A_311, %mul3A_1436 : vector<16xi32>
      %broadcast_in_dim3A_1438 = arith.constant 8 : i32
      %broadcast_in_dim3A_1439 = vector.broadcast %broadcast_in_dim3A_1438 : i32 to vector<16xi32>
      %add3A_1440 = arith.constant 0 : i32
      %add3A_1441 = vector.broadcast %add3A_1440 : i32 to vector<16xi32>
      %add3A_1442 = arith.addi %mul3A_1434, %add3A_1441 : vector<16xi32>
      tpu.vector_store_idx %arg7[%add3A_301, %broadcast_in_dim3A_1439], %add3A_1442 : memref<64x128xi32, #tpu.memory_space<vmem>>[vector<16xi32>, vector<16xi32>], vector<16xi32>,
      %add3A_1443 = arith.constant 0 : i32
      %add3A_1444 = vector.broadcast %add3A_1443 : i32 to vector<16xi32>
      %add3A_1445 = arith.addi %mul3A_1437, %add3A_1444 : vector<16xi32>
      tpu.vector_store_idx %arg8[%add3A_301, %broadcast_in_dim3A_1439], %add3A_1445 : memref<64x128xi32, #tpu.memory_space<vmem>>[vector<16xi32>, vector<16xi32>], vector<16xi32>,
      %broadcast_in_dim3A_1446 = arith.constant 9 : i32
      %broadcast_in_dim3A_1447 = vector.broadcast %broadcast_in_dim3A_1446 : i32 to vector<16xi32>
      %add3A_1448 = arith.constant 1 : i32
      %add3A_1449 = vector.broadcast %add3A_1448 : i32 to vector<16xi32>
      %add3A_1450 = arith.addi %mul3A_1434, %add3A_1449 : vector<16xi32>
      tpu.vector_store_idx %arg7[%add3A_301, %broadcast_in_dim3A_1447], %add3A_1450 : memref<64x128xi32, #tpu.memory_space<vmem>>[vector<16xi32>, vector<16xi32>], vector<16xi32>,
      %add3A_1451 = arith.constant 1 : i32
      %add3A_1452 = vector.broadcast %add3A_1451 : i32 to vector<16xi32>
      %add3A_1453 = arith.addi %mul3A_1437, %add3A_1452 : vector<16xi32>
      tpu.vector_store_idx %arg8[%add3A_301, %broadcast_in_dim3A_1447], %add3A_1453 : memref<64x128xi32, #tpu.memory_space<vmem>>[vector<16xi32>, vector<16xi32>], vector<16xi32>,
      %broadcast_in_dim3A_1454 = arith.constant 10 : i32
      %broadcast_in_dim3A_1455 = vector.broadcast %broadcast_in_dim3A_1454 : i32 to vector<16xi32>
      %add3A_1456 = arith.constant 2 : i32
      %add3A_1457 = vector.broadcast %add3A_1456 : i32 to vector<16xi32>
      %add3A_1458 = arith.addi %mul3A_1434, %add3A_1457 : vector<16xi32>
      tpu.vector_store_idx %arg7[%add3A_301, %broadcast_in_dim3A_1455], %add3A_1458 : memref<64x128xi32, #tpu.memory_space<vmem>>[vector<16xi32>, vector<16xi32>], vector<16xi32>,
      %add3A_1459 = arith.constant 2 : i32
      %add3A_1460 = vector.broadcast %add3A_1459 : i32 to vector<16xi32>
      %add3A_1461 = arith.addi %mul3A_1437, %add3A_1460 : vector<16xi32>
      tpu.vector_store_idx %arg8[%add3A_301, %broadcast_in_dim3A_1455], %add3A_1461 : memref<64x128xi32, #tpu.memory_space<vmem>>[vector<16xi32>, vector<16xi32>], vector<16xi32>,
      %broadcast_in_dim3A_1462 = arith.constant 11 : i32
      %broadcast_in_dim3A_1463 = vector.broadcast %broadcast_in_dim3A_1462 : i32 to vector<16xi32>
      %add3A_1464 = arith.constant 3 : i32
      %add3A_1465 = vector.broadcast %add3A_1464 : i32 to vector<16xi32>
      %add3A_1466 = arith.addi %mul3A_1434, %add3A_1465 : vector<16xi32>
      tpu.vector_store_idx %arg7[%add3A_301, %broadcast_in_dim3A_1463], %add3A_1466 : memref<64x128xi32, #tpu.memory_space<vmem>>[vector<16xi32>, vector<16xi32>], vector<16xi32>,
      %add3A_1467 = arith.constant 3 : i32
      %add3A_1468 = vector.broadcast %add3A_1467 : i32 to vector<16xi32>
      %add3A_1469 = arith.addi %mul3A_1437, %add3A_1468 : vector<16xi32>
      tpu.vector_store_idx %arg8[%add3A_301, %broadcast_in_dim3A_1463], %add3A_1469 : memref<64x128xi32, #tpu.memory_space<vmem>>[vector<16xi32>, vector<16xi32>], vector<16xi32>,
      %mul3A_1470 = arith.constant 4 : i32
      %mul3A_1471 = vector.broadcast %mul3A_1470 : i32 to vector<16xi32>
      %mul3A_1472 = arith.muli %gather3A_184, %mul3A_1471 : vector<16xi32>
      %mul3A_1473 = arith.constant 4 : i32
      %mul3A_1474 = vector.broadcast %mul3A_1473 : i32 to vector<16xi32>
      %mul3A_1475 = arith.muli %select_n3A_319, %mul3A_1474 : vector<16xi32>
      %broadcast_in_dim3A_1476 = arith.constant 12 : i32
      %broadcast_in_dim3A_1477 = vector.broadcast %broadcast_in_dim3A_1476 : i32 to vector<16xi32>
      %add3A_1478 = arith.constant 0 : i32
      %add3A_1479 = vector.broadcast %add3A_1478 : i32 to vector<16xi32>
      %add3A_1480 = arith.addi %mul3A_1472, %add3A_1479 : vector<16xi32>
      tpu.vector_store_idx %arg7[%add3A_301, %broadcast_in_dim3A_1477], %add3A_1480 : memref<64x128xi32, #tpu.memory_space<vmem>>[vector<16xi32>, vector<16xi32>], vector<16xi32>,
      %add3A_1481 = arith.constant 0 : i32
      %add3A_1482 = vector.broadcast %add3A_1481 : i32 to vector<16xi32>
      %add3A_1483 = arith.addi %mul3A_1475, %add3A_1482 : vector<16xi32>
      tpu.vector_store_idx %arg8[%add3A_301, %broadcast_in_dim3A_1477], %add3A_1483 : memref<64x128xi32, #tpu.memory_space<vmem>>[vector<16xi32>, vector<16xi32>], vector<16xi32>,
      %broadcast_in_dim3A_1484 = arith.constant 13 : i32
      %broadcast_in_dim3A_1485 = vector.broadcast %broadcast_in_dim3A_1484 : i32 to vector<16xi32>
      %add3A_1486 = arith.constant 1 : i32
      %add3A_1487 = vector.broadcast %add3A_1486 : i32 to vector<16xi32>
      %add3A_1488 = arith.addi %mul3A_1472, %add3A_1487 : vector<16xi32>
      tpu.vector_store_idx %arg7[%add3A_301, %broadcast_in_dim3A_1485], %add3A_1488 : memref<64x128xi32, #tpu.memory_space<vmem>>[vector<16xi32>, vector<16xi32>], vector<16xi32>,
      %add3A_1489 = arith.constant 1 : i32
      %add3A_1490 = vector.broadcast %add3A_1489 : i32 to vector<16xi32>
      %add3A_1491 = arith.addi %mul3A_1475, %add3A_1490 : vector<16xi32>
      tpu.vector_store_idx %arg8[%add3A_301, %broadcast_in_dim3A_1485], %add3A_1491 : memref<64x128xi32, #tpu.memory_space<vmem>>[vector<16xi32>, vector<16xi32>], vector<16xi32>,
      %broadcast_in_dim3A_1492 = arith.constant 14 : i32
      %broadcast_in_dim3A_1493 = vector.broadcast %broadcast_in_dim3A_1492 : i32 to vector<16xi32>
      %add3A_1494 = arith.constant 2 : i32
      %add3A_1495 = vector.broadcast %add3A_1494 : i32 to vector<16xi32>
      %add3A_1496 = arith.addi %mul3A_1472, %add3A_1495 : vector<16xi32>
      tpu.vector_store_idx %arg7[%add3A_301, %broadcast_in_dim3A_1493], %add3A_1496 : memref<64x128xi32, #tpu.memory_space<vmem>>[vector<16xi32>, vector<16xi32>], vector<16xi32>,
      %add3A_1497 = arith.constant 2 : i32
      %add3A_1498 = vector.broadcast %add3A_1497 : i32 to vector<16xi32>
      %add3A_1499 = arith.addi %mul3A_1475, %add3A_1498 : vector<16xi32>
      tpu.vector_store_idx %arg8[%add3A_301, %broadcast_in_dim3A_1493], %add3A_1499 : memref<64x128xi32, #tpu.memory_space<vmem>>[vector<16xi32>, vector<16xi32>], vector<16xi32>,
      %broadcast_in_dim3A_1500 = arith.constant 15 : i32
      %broadcast_in_dim3A_1501 = vector.broadcast %broadcast_in_dim3A_1500 : i32 to vector<16xi32>
      %add3A_1502 = arith.constant 3 : i32
      %add3A_1503 = vector.broadcast %add3A_1502 : i32 to vector<16xi32>
      %add3A_1504 = arith.addi %mul3A_1472, %add3A_1503 : vector<16xi32>
      tpu.vector_store_idx %arg7[%add3A_301, %broadcast_in_dim3A_1501], %add3A_1504 : memref<64x128xi32, #tpu.memory_space<vmem>>[vector<16xi32>, vector<16xi32>], vector<16xi32>,
      %add3A_1505 = arith.constant 3 : i32
      %add3A_1506 = vector.broadcast %add3A_1505 : i32 to vector<16xi32>
      %add3A_1507 = arith.addi %mul3A_1475, %add3A_1506 : vector<16xi32>
      tpu.vector_store_idx %arg8[%add3A_301, %broadcast_in_dim3A_1501], %add3A_1507 : memref<64x128xi32, #tpu.memory_space<vmem>>[vector<16xi32>, vector<16xi32>], vector<16xi32>,
      %mul3A_1508 = arith.constant 4 : i32
      %mul3A_1509 = vector.broadcast %mul3A_1508 : i32 to vector<16xi32>
      %mul3A_1510 = arith.muli %gather3A_188, %mul3A_1509 : vector<16xi32>
      %mul3A_1511 = arith.constant 4 : i32
      %mul3A_1512 = vector.broadcast %mul3A_1511 : i32 to vector<16xi32>
      %mul3A_1513 = arith.muli %select_n3A_329, %mul3A_1512 : vector<16xi32>
      %broadcast_in_dim3A_1514 = arith.constant 16 : i32
      %broadcast_in_dim3A_1515 = vector.broadcast %broadcast_in_dim3A_1514 : i32 to vector<16xi32>
      %add3A_1516 = arith.constant 0 : i32
      %add3A_1517 = vector.broadcast %add3A_1516 : i32 to vector<16xi32>
      %add3A_1518 = arith.addi %mul3A_1510, %add3A_1517 : vector<16xi32>
      tpu.vector_store_idx %arg7[%add3A_301, %broadcast_in_dim3A_1515], %add3A_1518 : memref<64x128xi32, #tpu.memory_space<vmem>>[vector<16xi32>, vector<16xi32>], vector<16xi32>,
      %add3A_1519 = arith.constant 0 : i32
      %add3A_1520 = vector.broadcast %add3A_1519 : i32 to vector<16xi32>
      %add3A_1521 = arith.addi %mul3A_1513, %add3A_1520 : vector<16xi32>
      tpu.vector_store_idx %arg8[%add3A_301, %broadcast_in_dim3A_1515], %add3A_1521 : memref<64x128xi32, #tpu.memory_space<vmem>>[vector<16xi32>, vector<16xi32>], vector<16xi32>,
      %broadcast_in_dim3A_1522 = arith.constant 17 : i32
      %broadcast_in_dim3A_1523 = vector.broadcast %broadcast_in_dim3A_1522 : i32 to vector<16xi32>
      %add3A_1524 = arith.constant 1 : i32
      %add3A_1525 = vector.broadcast %add3A_1524 : i32 to vector<16xi32>
      %add3A_1526 = arith.addi %mul3A_1510, %add3A_1525 : vector<16xi32>
      tpu.vector_store_idx %arg7[%add3A_301, %broadcast_in_dim3A_1523], %add3A_1526 : memref<64x128xi32, #tpu.memory_space<vmem>>[vector<16xi32>, vector<16xi32>], vector<16xi32>,
      %add3A_1527 = arith.constant 1 : i32
      %add3A_1528 = vector.broadcast %add3A_1527 : i32 to vector<16xi32>
      %add3A_1529 = arith.addi %mul3A_1513, %add3A_1528 : vector<16xi32>
      tpu.vector_store_idx %arg8[%add3A_301, %broadcast_in_dim3A_1523], %add3A_1529 : memref<64x128xi32, #tpu.memory_space<vmem>>[vector<16xi32>, vector<16xi32>], vector<16xi32>,
      %broadcast_in_dim3A_1530 = arith.constant 18 : i32
      %broadcast_in_dim3A_1531 = vector.broadcast %broadcast_in_dim3A_1530 : i32 to vector<16xi32>
      %add3A_1532 = arith.constant 2 : i32
      %add3A_1533 = vector.broadcast %add3A_1532 : i32 to vector<16xi32>
      %add3A_1534 = arith.addi %mul3A_1510, %add3A_1533 : vector<16xi32>
      tpu.vector_store_idx %arg7[%add3A_301, %broadcast_in_dim3A_1531], %add3A_1534 : memref<64x128xi32, #tpu.memory_space<vmem>>[vector<16xi32>, vector<16xi32>], vector<16xi32>,
      %add3A_1535 = arith.constant 2 : i32
      %add3A_1536 = vector.broadcast %add3A_1535 : i32 to vector<16xi32>
      %add3A_1537 = arith.addi %mul3A_1513, %add3A_1536 : vector<16xi32>
      tpu.vector_store_idx %arg8[%add3A_301, %broadcast_in_dim3A_1531], %add3A_1537 : memref<64x128xi32, #tpu.memory_space<vmem>>[vector<16xi32>, vector<16xi32>], vector<16xi32>,
      %broadcast_in_dim3A_1538 = arith.constant 19 : i32
      %broadcast_in_dim3A_1539 = vector.broadcast %broadcast_in_dim3A_1538 : i32 to vector<16xi32>
      %add3A_1540 = arith.constant 3 : i32
      %add3A_1541 = vector.broadcast %add3A_1540 : i32 to vector<16xi32>
      %add3A_1542 = arith.addi %mul3A_1510, %add3A_1541 : vector<16xi32>
      tpu.vector_store_idx %arg7[%add3A_301, %broadcast_in_dim3A_1539], %add3A_1542 : memref<64x128xi32, #tpu.memory_space<vmem>>[vector<16xi32>, vector<16xi32>], vector<16xi32>,
      %add3A_1543 = arith.constant 3 : i32
      %add3A_1544 = vector.broadcast %add3A_1543 : i32 to vector<16xi32>
      %add3A_1545 = arith.addi %mul3A_1513, %add3A_1544 : vector<16xi32>
      tpu.vector_store_idx %arg8[%add3A_301, %broadcast_in_dim3A_1539], %add3A_1545 : memref<64x128xi32, #tpu.memory_space<vmem>>[vector<16xi32>, vector<16xi32>], vector<16xi32>,
      %mul3A_1546 = arith.constant 4 : i32
      %mul3A_1547 = vector.broadcast %mul3A_1546 : i32 to vector<16xi32>
      %mul3A_1548 = arith.muli %gather3A_192, %mul3A_1547 : vector<16xi32>
      %mul3A_1549 = arith.constant 4 : i32
      %mul3A_1550 = vector.broadcast %mul3A_1549 : i32 to vector<16xi32>
      %mul3A_1551 = arith.muli %select_n3A_341, %mul3A_1550 : vector<16xi32>
      %broadcast_in_dim3A_1552 = arith.constant 20 : i32
      %broadcast_in_dim3A_1553 = vector.broadcast %broadcast_in_dim3A_1552 : i32 to vector<16xi32>
      %add3A_1554 = arith.constant 0 : i32
      %add3A_1555 = vector.broadcast %add3A_1554 : i32 to vector<16xi32>
      %add3A_1556 = arith.addi %mul3A_1548, %add3A_1555 : vector<16xi32>
      tpu.vector_store_idx %arg7[%add3A_301, %broadcast_in_dim3A_1553], %add3A_1556 : memref<64x128xi32, #tpu.memory_space<vmem>>[vector<16xi32>, vector<16xi32>], vector<16xi32>,
      %add3A_1557 = arith.constant 0 : i32
      %add3A_1558 = vector.broadcast %add3A_1557 : i32 to vector<16xi32>
      %add3A_1559 = arith.addi %mul3A_1551, %add3A_1558 : vector<16xi32>
      tpu.vector_store_idx %arg8[%add3A_301, %broadcast_in_dim3A_1553], %add3A_1559 : memref<64x128xi32, #tpu.memory_space<vmem>>[vector<16xi32>, vector<16xi32>], vector<16xi32>,
      %broadcast_in_dim3A_1560 = arith.constant 21 : i32
      %broadcast_in_dim3A_1561 = vector.broadcast %broadcast_in_dim3A_1560 : i32 to vector<16xi32>
      %add3A_1562 = arith.constant 1 : i32
      %add3A_1563 = vector.broadcast %add3A_1562 : i32 to vector<16xi32>
      %add3A_1564 = arith.addi %mul3A_1548, %add3A_1563 : vector<16xi32>
      tpu.vector_store_idx %arg7[%add3A_301, %broadcast_in_dim3A_1561], %add3A_1564 : memref<64x128xi32, #tpu.memory_space<vmem>>[vector<16xi32>, vector<16xi32>], vector<16xi32>,
      %add3A_1565 = arith.constant 1 : i32
      %add3A_1566 = vector.broadcast %add3A_1565 : i32 to vector<16xi32>
      %add3A_1567 = arith.addi %mul3A_1551, %add3A_1566 : vector<16xi32>
      tpu.vector_store_idx %arg8[%add3A_301, %broadcast_in_dim3A_1561], %add3A_1567 : memref<64x128xi32, #tpu.memory_space<vmem>>[vector<16xi32>, vector<16xi32>], vector<16xi32>,
      %broadcast_in_dim3A_1568 = arith.constant 22 : i32
      %broadcast_in_dim3A_1569 = vector.broadcast %broadcast_in_dim3A_1568 : i32 to vector<16xi32>
      %add3A_1570 = arith.constant 2 : i32
      %add3A_1571 = vector.broadcast %add3A_1570 : i32 to vector<16xi32>
      %add3A_1572 = arith.addi %mul3A_1548, %add3A_1571 : vector<16xi32>
      tpu.vector_store_idx %arg7[%add3A_301, %broadcast_in_dim3A_1569], %add3A_1572 : memref<64x128xi32, #tpu.memory_space<vmem>>[vector<16xi32>, vector<16xi32>], vector<16xi32>,
      %add3A_1573 = arith.constant 2 : i32
      %add3A_1574 = vector.broadcast %add3A_1573 : i32 to vector<16xi32>
      %add3A_1575 = arith.addi %mul3A_1551, %add3A_1574 : vector<16xi32>
      tpu.vector_store_idx %arg8[%add3A_301, %broadcast_in_dim3A_1569], %add3A_1575 : memref<64x128xi32, #tpu.memory_space<vmem>>[vector<16xi32>, vector<16xi32>], vector<16xi32>,
      %broadcast_in_dim3A_1576 = arith.constant 23 : i32
      %broadcast_in_dim3A_1577 = vector.broadcast %broadcast_in_dim3A_1576 : i32 to vector<16xi32>
      %add3A_1578 = arith.constant 3 : i32
      %add3A_1579 = vector.broadcast %add3A_1578 : i32 to vector<16xi32>
      %add3A_1580 = arith.addi %mul3A_1548, %add3A_1579 : vector<16xi32>
      tpu.vector_store_idx %arg7[%add3A_301, %broadcast_in_dim3A_1577], %add3A_1580 : memref<64x128xi32, #tpu.memory_space<vmem>>[vector<16xi32>, vector<16xi32>], vector<16xi32>,
      %add3A_1581 = arith.constant 3 : i32
      %add3A_1582 = vector.broadcast %add3A_1581 : i32 to vector<16xi32>
      %add3A_1583 = arith.addi %mul3A_1551, %add3A_1582 : vector<16xi32>
      tpu.vector_store_idx %arg8[%add3A_301, %broadcast_in_dim3A_1577], %add3A_1583 : memref<64x128xi32, #tpu.memory_space<vmem>>[vector<16xi32>, vector<16xi32>], vector<16xi32>,
      %mul3A_1584 = arith.constant 4 : i32
      %mul3A_1585 = vector.broadcast %mul3A_1584 : i32 to vector<16xi32>
      %mul3A_1586 = arith.muli %gather3A_196, %mul3A_1585 : vector<16xi32>
      %mul3A_1587 = arith.constant 4 : i32
      %mul3A_1588 = vector.broadcast %mul3A_1587 : i32 to vector<16xi32>
      %mul3A_1589 = arith.muli %select_n3A_355, %mul3A_1588 : vector<16xi32>
      %broadcast_in_dim3A_1590 = arith.constant 24 : i32
      %broadcast_in_dim3A_1591 = vector.broadcast %broadcast_in_dim3A_1590 : i32 to vector<16xi32>
      %add3A_1592 = arith.constant 0 : i32
      %add3A_1593 = vector.broadcast %add3A_1592 : i32 to vector<16xi32>
      %add3A_1594 = arith.addi %mul3A_1586, %add3A_1593 : vector<16xi32>
      tpu.vector_store_idx %arg7[%add3A_301, %broadcast_in_dim3A_1591], %add3A_1594 : memref<64x128xi32, #tpu.memory_space<vmem>>[vector<16xi32>, vector<16xi32>], vector<16xi32>,
      %add3A_1595 = arith.constant 0 : i32
      %add3A_1596 = vector.broadcast %add3A_1595 : i32 to vector<16xi32>
      %add3A_1597 = arith.addi %mul3A_1589, %add3A_1596 : vector<16xi32>
      tpu.vector_store_idx %arg8[%add3A_301, %broadcast_in_dim3A_1591], %add3A_1597 : memref<64x128xi32, #tpu.memory_space<vmem>>[vector<16xi32>, vector<16xi32>], vector<16xi32>,
      %broadcast_in_dim3A_1598 = arith.constant 25 : i32
      %broadcast_in_dim3A_1599 = vector.broadcast %broadcast_in_dim3A_1598 : i32 to vector<16xi32>
      %add3A_1600 = arith.constant 1 : i32
      %add3A_1601 = vector.broadcast %add3A_1600 : i32 to vector<16xi32>
      %add3A_1602 = arith.addi %mul3A_1586, %add3A_1601 : vector<16xi32>
      tpu.vector_store_idx %arg7[%add3A_301, %broadcast_in_dim3A_1599], %add3A_1602 : memref<64x128xi32, #tpu.memory_space<vmem>>[vector<16xi32>, vector<16xi32>], vector<16xi32>,
      %add3A_1603 = arith.constant 1 : i32
      %add3A_1604 = vector.broadcast %add3A_1603 : i32 to vector<16xi32>
      %add3A_1605 = arith.addi %mul3A_1589, %add3A_1604 : vector<16xi32>
      tpu.vector_store_idx %arg8[%add3A_301, %broadcast_in_dim3A_1599], %add3A_1605 : memref<64x128xi32, #tpu.memory_space<vmem>>[vector<16xi32>, vector<16xi32>], vector<16xi32>,
      %broadcast_in_dim3A_1606 = arith.constant 26 : i32
      %broadcast_in_dim3A_1607 = vector.broadcast %broadcast_in_dim3A_1606 : i32 to vector<16xi32>
      %add3A_1608 = arith.constant 2 : i32
      %add3A_1609 = vector.broadcast %add3A_1608 : i32 to vector<16xi32>
      %add3A_1610 = arith.addi %mul3A_1586, %add3A_1609 : vector<16xi32>
      tpu.vector_store_idx %arg7[%add3A_301, %broadcast_in_dim3A_1607], %add3A_1610 : memref<64x128xi32, #tpu.memory_space<vmem>>[vector<16xi32>, vector<16xi32>], vector<16xi32>,
      %add3A_1611 = arith.constant 2 : i32
      %add3A_1612 = vector.broadcast %add3A_1611 : i32 to vector<16xi32>
      %add3A_1613 = arith.addi %mul3A_1589, %add3A_1612 : vector<16xi32>
      tpu.vector_store_idx %arg8[%add3A_301, %broadcast_in_dim3A_1607], %add3A_1613 : memref<64x128xi32, #tpu.memory_space<vmem>>[vector<16xi32>, vector<16xi32>], vector<16xi32>,
      %broadcast_in_dim3A_1614 = arith.constant 27 : i32
      %broadcast_in_dim3A_1615 = vector.broadcast %broadcast_in_dim3A_1614 : i32 to vector<16xi32>
      %add3A_1616 = arith.constant 3 : i32
      %add3A_1617 = vector.broadcast %add3A_1616 : i32 to vector<16xi32>
      %add3A_1618 = arith.addi %mul3A_1586, %add3A_1617 : vector<16xi32>
      tpu.vector_store_idx %arg7[%add3A_301, %broadcast_in_dim3A_1615], %add3A_1618 : memref<64x128xi32, #tpu.memory_space<vmem>>[vector<16xi32>, vector<16xi32>], vector<16xi32>,
      %add3A_1619 = arith.constant 3 : i32
      %add3A_1620 = vector.broadcast %add3A_1619 : i32 to vector<16xi32>
      %add3A_1621 = arith.addi %mul3A_1589, %add3A_1620 : vector<16xi32>
      tpu.vector_store_idx %arg8[%add3A_301, %broadcast_in_dim3A_1615], %add3A_1621 : memref<64x128xi32, #tpu.memory_space<vmem>>[vector<16xi32>, vector<16xi32>], vector<16xi32>,
      %mul3A_1622 = arith.constant 4 : i32
      %mul3A_1623 = vector.broadcast %mul3A_1622 : i32 to vector<16xi32>
      %mul3A_1624 = arith.muli %gather3A_200, %mul3A_1623 : vector<16xi32>
      %mul3A_1625 = arith.constant 4 : i32
      %mul3A_1626 = vector.broadcast %mul3A_1625 : i32 to vector<16xi32>
      %mul3A_1627 = arith.muli %select_n3A_371, %mul3A_1626 : vector<16xi32>
      %broadcast_in_dim3A_1628 = arith.constant 28 : i32
      %broadcast_in_dim3A_1629 = vector.broadcast %broadcast_in_dim3A_1628 : i32 to vector<16xi32>
      %add3A_1630 = arith.constant 0 : i32
      %add3A_1631 = vector.broadcast %add3A_1630 : i32 to vector<16xi32>
      %add3A_1632 = arith.addi %mul3A_1624, %add3A_1631 : vector<16xi32>
      tpu.vector_store_idx %arg7[%add3A_301, %broadcast_in_dim3A_1629], %add3A_1632 : memref<64x128xi32, #tpu.memory_space<vmem>>[vector<16xi32>, vector<16xi32>], vector<16xi32>,
      %add3A_1633 = arith.constant 0 : i32
      %add3A_1634 = vector.broadcast %add3A_1633 : i32 to vector<16xi32>
      %add3A_1635 = arith.addi %mul3A_1627, %add3A_1634 : vector<16xi32>
      tpu.vector_store_idx %arg8[%add3A_301, %broadcast_in_dim3A_1629], %add3A_1635 : memref<64x128xi32, #tpu.memory_space<vmem>>[vector<16xi32>, vector<16xi32>], vector<16xi32>,
      %broadcast_in_dim3A_1636 = arith.constant 29 : i32
      %broadcast_in_dim3A_1637 = vector.broadcast %broadcast_in_dim3A_1636 : i32 to vector<16xi32>
      %add3A_1638 = arith.constant 1 : i32
      %add3A_1639 = vector.broadcast %add3A_1638 : i32 to vector<16xi32>
      %add3A_1640 = arith.addi %mul3A_1624, %add3A_1639 : vector<16xi32>
      tpu.vector_store_idx %arg7[%add3A_301, %broadcast_in_dim3A_1637], %add3A_1640 : memref<64x128xi32, #tpu.memory_space<vmem>>[vector<16xi32>, vector<16xi32>], vector<16xi32>,
      %add3A_1641 = arith.constant 1 : i32
      %add3A_1642 = vector.broadcast %add3A_1641 : i32 to vector<16xi32>
      %add3A_1643 = arith.addi %mul3A_1627, %add3A_1642 : vector<16xi32>
      tpu.vector_store_idx %arg8[%add3A_301, %broadcast_in_dim3A_1637], %add3A_1643 : memref<64x128xi32, #tpu.memory_space<vmem>>[vector<16xi32>, vector<16xi32>], vector<16xi32>,
      %broadcast_in_dim3A_1644 = arith.constant 30 : i32
      %broadcast_in_dim3A_1645 = vector.broadcast %broadcast_in_dim3A_1644 : i32 to vector<16xi32>
      %add3A_1646 = arith.constant 2 : i32
      %add3A_1647 = vector.broadcast %add3A_1646 : i32 to vector<16xi32>
      %add3A_1648 = arith.addi %mul3A_1624, %add3A_1647 : vector<16xi32>
      tpu.vector_store_idx %arg7[%add3A_301, %broadcast_in_dim3A_1645], %add3A_1648 : memref<64x128xi32, #tpu.memory_space<vmem>>[vector<16xi32>, vector<16xi32>], vector<16xi32>,
      %add3A_1649 = arith.constant 2 : i32
      %add3A_1650 = vector.broadcast %add3A_1649 : i32 to vector<16xi32>
      %add3A_1651 = arith.addi %mul3A_1627, %add3A_1650 : vector<16xi32>
      tpu.vector_store_idx %arg8[%add3A_301, %broadcast_in_dim3A_1645], %add3A_1651 : memref<64x128xi32, #tpu.memory_space<vmem>>[vector<16xi32>, vector<16xi32>], vector<16xi32>,
      %broadcast_in_dim3A_1652 = arith.constant 31 : i32
      %broadcast_in_dim3A_1653 = vector.broadcast %broadcast_in_dim3A_1652 : i32 to vector<16xi32>
      %add3A_1654 = arith.constant 3 : i32
      %add3A_1655 = vector.broadcast %add3A_1654 : i32 to vector<16xi32>
      %add3A_1656 = arith.addi %mul3A_1624, %add3A_1655 : vector<16xi32>
      tpu.vector_store_idx %arg7[%add3A_301, %broadcast_in_dim3A_1653], %add3A_1656 : memref<64x128xi32, #tpu.memory_space<vmem>>[vector<16xi32>, vector<16xi32>], vector<16xi32>,
      %add3A_1657 = arith.constant 3 : i32
      %add3A_1658 = vector.broadcast %add3A_1657 : i32 to vector<16xi32>
      %add3A_1659 = arith.addi %mul3A_1627, %add3A_1658 : vector<16xi32>
      tpu.vector_store_idx %arg8[%add3A_301, %broadcast_in_dim3A_1653], %add3A_1659 : memref<64x128xi32, #tpu.memory_space<vmem>>[vector<16xi32>, vector<16xi32>], vector<16xi32>,
      %mul3A_1660 = arith.constant 4 : i32
      %mul3A_1661 = vector.broadcast %mul3A_1660 : i32 to vector<16xi32>
      %mul3A_1662 = arith.muli %gather3A_204, %mul3A_1661 : vector<16xi32>
      %mul3A_1663 = arith.constant 4 : i32
      %mul3A_1664 = vector.broadcast %mul3A_1663 : i32 to vector<16xi32>
      %mul3A_1665 = arith.muli %select_n3A_389, %mul3A_1664 : vector<16xi32>
      %broadcast_in_dim3A_1666 = arith.constant 32 : i32
      %broadcast_in_dim3A_1667 = vector.broadcast %broadcast_in_dim3A_1666 : i32 to vector<16xi32>
      %add3A_1668 = arith.constant 0 : i32
      %add3A_1669 = vector.broadcast %add3A_1668 : i32 to vector<16xi32>
      %add3A_1670 = arith.addi %mul3A_1662, %add3A_1669 : vector<16xi32>
      tpu.vector_store_idx %arg7[%add3A_301, %broadcast_in_dim3A_1667], %add3A_1670 : memref<64x128xi32, #tpu.memory_space<vmem>>[vector<16xi32>, vector<16xi32>], vector<16xi32>,
      %add3A_1671 = arith.constant 0 : i32
      %add3A_1672 = vector.broadcast %add3A_1671 : i32 to vector<16xi32>
      %add3A_1673 = arith.addi %mul3A_1665, %add3A_1672 : vector<16xi32>
      tpu.vector_store_idx %arg8[%add3A_301, %broadcast_in_dim3A_1667], %add3A_1673 : memref<64x128xi32, #tpu.memory_space<vmem>>[vector<16xi32>, vector<16xi32>], vector<16xi32>,
      %broadcast_in_dim3A_1674 = arith.constant 33 : i32
      %broadcast_in_dim3A_1675 = vector.broadcast %broadcast_in_dim3A_1674 : i32 to vector<16xi32>
      %add3A_1676 = arith.constant 1 : i32
      %add3A_1677 = vector.broadcast %add3A_1676 : i32 to vector<16xi32>
      %add3A_1678 = arith.addi %mul3A_1662, %add3A_1677 : vector<16xi32>
      tpu.vector_store_idx %arg7[%add3A_301, %broadcast_in_dim3A_1675], %add3A_1678 : memref<64x128xi32, #tpu.memory_space<vmem>>[vector<16xi32>, vector<16xi32>], vector<16xi32>,
      %add3A_1679 = arith.constant 1 : i32
      %add3A_1680 = vector.broadcast %add3A_1679 : i32 to vector<16xi32>
      %add3A_1681 = arith.addi %mul3A_1665, %add3A_1680 : vector<16xi32>
      tpu.vector_store_idx %arg8[%add3A_301, %broadcast_in_dim3A_1675], %add3A_1681 : memref<64x128xi32, #tpu.memory_space<vmem>>[vector<16xi32>, vector<16xi32>], vector<16xi32>,
      %broadcast_in_dim3A_1682 = arith.constant 34 : i32
      %broadcast_in_dim3A_1683 = vector.broadcast %broadcast_in_dim3A_1682 : i32 to vector<16xi32>
      %add3A_1684 = arith.constant 2 : i32
      %add3A_1685 = vector.broadcast %add3A_1684 : i32 to vector<16xi32>
      %add3A_1686 = arith.addi %mul3A_1662, %add3A_1685 : vector<16xi32>
      tpu.vector_store_idx %arg7[%add3A_301, %broadcast_in_dim3A_1683], %add3A_1686 : memref<64x128xi32, #tpu.memory_space<vmem>>[vector<16xi32>, vector<16xi32>], vector<16xi32>,
      %add3A_1687 = arith.constant 2 : i32
      %add3A_1688 = vector.broadcast %add3A_1687 : i32 to vector<16xi32>
      %add3A_1689 = arith.addi %mul3A_1665, %add3A_1688 : vector<16xi32>
      tpu.vector_store_idx %arg8[%add3A_301, %broadcast_in_dim3A_1683], %add3A_1689 : memref<64x128xi32, #tpu.memory_space<vmem>>[vector<16xi32>, vector<16xi32>], vector<16xi32>,
      %broadcast_in_dim3A_1690 = arith.constant 35 : i32
      %broadcast_in_dim3A_1691 = vector.broadcast %broadcast_in_dim3A_1690 : i32 to vector<16xi32>
      %add3A_1692 = arith.constant 3 : i32
      %add3A_1693 = vector.broadcast %add3A_1692 : i32 to vector<16xi32>
      %add3A_1694 = arith.addi %mul3A_1662, %add3A_1693 : vector<16xi32>
      tpu.vector_store_idx %arg7[%add3A_301, %broadcast_in_dim3A_1691], %add3A_1694 : memref<64x128xi32, #tpu.memory_space<vmem>>[vector<16xi32>, vector<16xi32>], vector<16xi32>,
      %add3A_1695 = arith.constant 3 : i32
      %add3A_1696 = vector.broadcast %add3A_1695 : i32 to vector<16xi32>
      %add3A_1697 = arith.addi %mul3A_1665, %add3A_1696 : vector<16xi32>
      tpu.vector_store_idx %arg8[%add3A_301, %broadcast_in_dim3A_1691], %add3A_1697 : memref<64x128xi32, #tpu.memory_space<vmem>>[vector<16xi32>, vector<16xi32>], vector<16xi32>,
      %mul3A_1698 = arith.constant 4 : i32
      %mul3A_1699 = vector.broadcast %mul3A_1698 : i32 to vector<16xi32>
      %mul3A_1700 = arith.muli %gather3A_208, %mul3A_1699 : vector<16xi32>
      %mul3A_1701 = arith.constant 4 : i32
      %mul3A_1702 = vector.broadcast %mul3A_1701 : i32 to vector<16xi32>
      %mul3A_1703 = arith.muli %select_n3A_409, %mul3A_1702 : vector<16xi32>
      %broadcast_in_dim3A_1704 = arith.constant 36 : i32
      %broadcast_in_dim3A_1705 = vector.broadcast %broadcast_in_dim3A_1704 : i32 to vector<16xi32>
      %add3A_1706 = arith.constant 0 : i32
      %add3A_1707 = vector.broadcast %add3A_1706 : i32 to vector<16xi32>
      %add3A_1708 = arith.addi %mul3A_1700, %add3A_1707 : vector<16xi32>
      tpu.vector_store_idx %arg7[%add3A_301, %broadcast_in_dim3A_1705], %add3A_1708 : memref<64x128xi32, #tpu.memory_space<vmem>>[vector<16xi32>, vector<16xi32>], vector<16xi32>,
      %add3A_1709 = arith.constant 0 : i32
      %add3A_1710 = vector.broadcast %add3A_1709 : i32 to vector<16xi32>
      %add3A_1711 = arith.addi %mul3A_1703, %add3A_1710 : vector<16xi32>
      tpu.vector_store_idx %arg8[%add3A_301, %broadcast_in_dim3A_1705], %add3A_1711 : memref<64x128xi32, #tpu.memory_space<vmem>>[vector<16xi32>, vector<16xi32>], vector<16xi32>,
      %broadcast_in_dim3A_1712 = arith.constant 37 : i32
      %broadcast_in_dim3A_1713 = vector.broadcast %broadcast_in_dim3A_1712 : i32 to vector<16xi32>
      %add3A_1714 = arith.constant 1 : i32
      %add3A_1715 = vector.broadcast %add3A_1714 : i32 to vector<16xi32>
      %add3A_1716 = arith.addi %mul3A_1700, %add3A_1715 : vector<16xi32>
      tpu.vector_store_idx %arg7[%add3A_301, %broadcast_in_dim3A_1713], %add3A_1716 : memref<64x128xi32, #tpu.memory_space<vmem>>[vector<16xi32>, vector<16xi32>], vector<16xi32>,
      %add3A_1717 = arith.constant 1 : i32
      %add3A_1718 = vector.broadcast %add3A_1717 : i32 to vector<16xi32>
      %add3A_1719 = arith.addi %mul3A_1703, %add3A_1718 : vector<16xi32>
      tpu.vector_store_idx %arg8[%add3A_301, %broadcast_in_dim3A_1713], %add3A_1719 : memref<64x128xi32, #tpu.memory_space<vmem>>[vector<16xi32>, vector<16xi32>], vector<16xi32>,
      %broadcast_in_dim3A_1720 = arith.constant 38 : i32
      %broadcast_in_dim3A_1721 = vector.broadcast %broadcast_in_dim3A_1720 : i32 to vector<16xi32>
      %add3A_1722 = arith.constant 2 : i32
      %add3A_1723 = vector.broadcast %add3A_1722 : i32 to vector<16xi32>
      %add3A_1724 = arith.addi %mul3A_1700, %add3A_1723 : vector<16xi32>
      tpu.vector_store_idx %arg7[%add3A_301, %broadcast_in_dim3A_1721], %add3A_1724 : memref<64x128xi32, #tpu.memory_space<vmem>>[vector<16xi32>, vector<16xi32>], vector<16xi32>,
      %add3A_1725 = arith.constant 2 : i32
      %add3A_1726 = vector.broadcast %add3A_1725 : i32 to vector<16xi32>
      %add3A_1727 = arith.addi %mul3A_1703, %add3A_1726 : vector<16xi32>
      tpu.vector_store_idx %arg8[%add3A_301, %broadcast_in_dim3A_1721], %add3A_1727 : memref<64x128xi32, #tpu.memory_space<vmem>>[vector<16xi32>, vector<16xi32>], vector<16xi32>,
      %broadcast_in_dim3A_1728 = arith.constant 39 : i32
      %broadcast_in_dim3A_1729 = vector.broadcast %broadcast_in_dim3A_1728 : i32 to vector<16xi32>
      %add3A_1730 = arith.constant 3 : i32
      %add3A_1731 = vector.broadcast %add3A_1730 : i32 to vector<16xi32>
      %add3A_1732 = arith.addi %mul3A_1700, %add3A_1731 : vector<16xi32>
      tpu.vector_store_idx %arg7[%add3A_301, %broadcast_in_dim3A_1729], %add3A_1732 : memref<64x128xi32, #tpu.memory_space<vmem>>[vector<16xi32>, vector<16xi32>], vector<16xi32>,
      %add3A_1733 = arith.constant 3 : i32
      %add3A_1734 = vector.broadcast %add3A_1733 : i32 to vector<16xi32>
      %add3A_1735 = arith.addi %mul3A_1703, %add3A_1734 : vector<16xi32>
      tpu.vector_store_idx %arg8[%add3A_301, %broadcast_in_dim3A_1729], %add3A_1735 : memref<64x128xi32, #tpu.memory_space<vmem>>[vector<16xi32>, vector<16xi32>], vector<16xi32>,
      %mul3A_1736 = arith.constant 4 : i32
      %mul3A_1737 = vector.broadcast %mul3A_1736 : i32 to vector<16xi32>
      %mul3A_1738 = arith.muli %gather3A_212, %mul3A_1737 : vector<16xi32>
      %mul3A_1739 = arith.constant 4 : i32
      %mul3A_1740 = vector.broadcast %mul3A_1739 : i32 to vector<16xi32>
      %mul3A_1741 = arith.muli %select_n3A_431, %mul3A_1740 : vector<16xi32>
      %broadcast_in_dim3A_1742 = arith.constant 40 : i32
      %broadcast_in_dim3A_1743 = vector.broadcast %broadcast_in_dim3A_1742 : i32 to vector<16xi32>
      %add3A_1744 = arith.constant 0 : i32
      %add3A_1745 = vector.broadcast %add3A_1744 : i32 to vector<16xi32>
      %add3A_1746 = arith.addi %mul3A_1738, %add3A_1745 : vector<16xi32>
      tpu.vector_store_idx %arg7[%add3A_301, %broadcast_in_dim3A_1743], %add3A_1746 : memref<64x128xi32, #tpu.memory_space<vmem>>[vector<16xi32>, vector<16xi32>], vector<16xi32>,
      %add3A_1747 = arith.constant 0 : i32
      %add3A_1748 = vector.broadcast %add3A_1747 : i32 to vector<16xi32>
      %add3A_1749 = arith.addi %mul3A_1741, %add3A_1748 : vector<16xi32>
      tpu.vector_store_idx %arg8[%add3A_301, %broadcast_in_dim3A_1743], %add3A_1749 : memref<64x128xi32, #tpu.memory_space<vmem>>[vector<16xi32>, vector<16xi32>], vector<16xi32>,
      %broadcast_in_dim3A_1750 = arith.constant 41 : i32
      %broadcast_in_dim3A_1751 = vector.broadcast %broadcast_in_dim3A_1750 : i32 to vector<16xi32>
      %add3A_1752 = arith.constant 1 : i32
      %add3A_1753 = vector.broadcast %add3A_1752 : i32 to vector<16xi32>
      %add3A_1754 = arith.addi %mul3A_1738, %add3A_1753 : vector<16xi32>
      tpu.vector_store_idx %arg7[%add3A_301, %broadcast_in_dim3A_1751], %add3A_1754 : memref<64x128xi32, #tpu.memory_space<vmem>>[vector<16xi32>, vector<16xi32>], vector<16xi32>,
      %add3A_1755 = arith.constant 1 : i32
      %add3A_1756 = vector.broadcast %add3A_1755 : i32 to vector<16xi32>
      %add3A_1757 = arith.addi %mul3A_1741, %add3A_1756 : vector<16xi32>
      tpu.vector_store_idx %arg8[%add3A_301, %broadcast_in_dim3A_1751], %add3A_1757 : memref<64x128xi32, #tpu.memory_space<vmem>>[vector<16xi32>, vector<16xi32>], vector<16xi32>,
      %broadcast_in_dim3A_1758 = arith.constant 42 : i32
      %broadcast_in_dim3A_1759 = vector.broadcast %broadcast_in_dim3A_1758 : i32 to vector<16xi32>
      %add3A_1760 = arith.constant 2 : i32
      %add3A_1761 = vector.broadcast %add3A_1760 : i32 to vector<16xi32>
      %add3A_1762 = arith.addi %mul3A_1738, %add3A_1761 : vector<16xi32>
      tpu.vector_store_idx %arg7[%add3A_301, %broadcast_in_dim3A_1759], %add3A_1762 : memref<64x128xi32, #tpu.memory_space<vmem>>[vector<16xi32>, vector<16xi32>], vector<16xi32>,
      %add3A_1763 = arith.constant 2 : i32
      %add3A_1764 = vector.broadcast %add3A_1763 : i32 to vector<16xi32>
      %add3A_1765 = arith.addi %mul3A_1741, %add3A_1764 : vector<16xi32>
      tpu.vector_store_idx %arg8[%add3A_301, %broadcast_in_dim3A_1759], %add3A_1765 : memref<64x128xi32, #tpu.memory_space<vmem>>[vector<16xi32>, vector<16xi32>], vector<16xi32>,
      %broadcast_in_dim3A_1766 = arith.constant 43 : i32
      %broadcast_in_dim3A_1767 = vector.broadcast %broadcast_in_dim3A_1766 : i32 to vector<16xi32>
      %add3A_1768 = arith.constant 3 : i32
      %add3A_1769 = vector.broadcast %add3A_1768 : i32 to vector<16xi32>
      %add3A_1770 = arith.addi %mul3A_1738, %add3A_1769 : vector<16xi32>
      tpu.vector_store_idx %arg7[%add3A_301, %broadcast_in_dim3A_1767], %add3A_1770 : memref<64x128xi32, #tpu.memory_space<vmem>>[vector<16xi32>, vector<16xi32>], vector<16xi32>,
      %add3A_1771 = arith.constant 3 : i32
      %add3A_1772 = vector.broadcast %add3A_1771 : i32 to vector<16xi32>
      %add3A_1773 = arith.addi %mul3A_1741, %add3A_1772 : vector<16xi32>
      tpu.vector_store_idx %arg8[%add3A_301, %broadcast_in_dim3A_1767], %add3A_1773 : memref<64x128xi32, #tpu.memory_space<vmem>>[vector<16xi32>, vector<16xi32>], vector<16xi32>,
      %mul3A_1774 = arith.constant 4 : i32
      %mul3A_1775 = vector.broadcast %mul3A_1774 : i32 to vector<16xi32>
      %mul3A_1776 = arith.muli %gather3A_216, %mul3A_1775 : vector<16xi32>
      %mul3A_1777 = arith.constant 4 : i32
      %mul3A_1778 = vector.broadcast %mul3A_1777 : i32 to vector<16xi32>
      %mul3A_1779 = arith.muli %select_n3A_455, %mul3A_1778 : vector<16xi32>
      %broadcast_in_dim3A_1780 = arith.constant 44 : i32
      %broadcast_in_dim3A_1781 = vector.broadcast %broadcast_in_dim3A_1780 : i32 to vector<16xi32>
      %add3A_1782 = arith.constant 0 : i32
      %add3A_1783 = vector.broadcast %add3A_1782 : i32 to vector<16xi32>
      %add3A_1784 = arith.addi %mul3A_1776, %add3A_1783 : vector<16xi32>
      tpu.vector_store_idx %arg7[%add3A_301, %broadcast_in_dim3A_1781], %add3A_1784 : memref<64x128xi32, #tpu.memory_space<vmem>>[vector<16xi32>, vector<16xi32>], vector<16xi32>,
      %add3A_1785 = arith.constant 0 : i32
      %add3A_1786 = vector.broadcast %add3A_1785 : i32 to vector<16xi32>
      %add3A_1787 = arith.addi %mul3A_1779, %add3A_1786 : vector<16xi32>
      tpu.vector_store_idx %arg8[%add3A_301, %broadcast_in_dim3A_1781], %add3A_1787 : memref<64x128xi32, #tpu.memory_space<vmem>>[vector<16xi32>, vector<16xi32>], vector<16xi32>,
      %broadcast_in_dim3A_1788 = arith.constant 45 : i32
      %broadcast_in_dim3A_1789 = vector.broadcast %broadcast_in_dim3A_1788 : i32 to vector<16xi32>
      %add3A_1790 = arith.constant 1 : i32
      %add3A_1791 = vector.broadcast %add3A_1790 : i32 to vector<16xi32>
      %add3A_1792 = arith.addi %mul3A_1776, %add3A_1791 : vector<16xi32>
      tpu.vector_store_idx %arg7[%add3A_301, %broadcast_in_dim3A_1789], %add3A_1792 : memref<64x128xi32, #tpu.memory_space<vmem>>[vector<16xi32>, vector<16xi32>], vector<16xi32>,
      %add3A_1793 = arith.constant 1 : i32
      %add3A_1794 = vector.broadcast %add3A_1793 : i32 to vector<16xi32>
      %add3A_1795 = arith.addi %mul3A_1779, %add3A_1794 : vector<16xi32>
      tpu.vector_store_idx %arg8[%add3A_301, %broadcast_in_dim3A_1789], %add3A_1795 : memref<64x128xi32, #tpu.memory_space<vmem>>[vector<16xi32>, vector<16xi32>], vector<16xi32>,
      %broadcast_in_dim3A_1796 = arith.constant 46 : i32
      %broadcast_in_dim3A_1797 = vector.broadcast %broadcast_in_dim3A_1796 : i32 to vector<16xi32>
      %add3A_1798 = arith.constant 2 : i32
      %add3A_1799 = vector.broadcast %add3A_1798 : i32 to vector<16xi32>
      %add3A_1800 = arith.addi %mul3A_1776, %add3A_1799 : vector<16xi32>
      tpu.vector_store_idx %arg7[%add3A_301, %broadcast_in_dim3A_1797], %add3A_1800 : memref<64x128xi32, #tpu.memory_space<vmem>>[vector<16xi32>, vector<16xi32>], vector<16xi32>,
      %add3A_1801 = arith.constant 2 : i32
      %add3A_1802 = vector.broadcast %add3A_1801 : i32 to vector<16xi32>
      %add3A_1803 = arith.addi %mul3A_1779, %add3A_1802 : vector<16xi32>
      tpu.vector_store_idx %arg8[%add3A_301, %broadcast_in_dim3A_1797], %add3A_1803 : memref<64x128xi32, #tpu.memory_space<vmem>>[vector<16xi32>, vector<16xi32>], vector<16xi32>,
      %broadcast_in_dim3A_1804 = arith.constant 47 : i32
      %broadcast_in_dim3A_1805 = vector.broadcast %broadcast_in_dim3A_1804 : i32 to vector<16xi32>
      %add3A_1806 = arith.constant 3 : i32
      %add3A_1807 = vector.broadcast %add3A_1806 : i32 to vector<16xi32>
      %add3A_1808 = arith.addi %mul3A_1776, %add3A_1807 : vector<16xi32>
      tpu.vector_store_idx %arg7[%add3A_301, %broadcast_in_dim3A_1805], %add3A_1808 : memref<64x128xi32, #tpu.memory_space<vmem>>[vector<16xi32>, vector<16xi32>], vector<16xi32>,
      %add3A_1809 = arith.constant 3 : i32
      %add3A_1810 = vector.broadcast %add3A_1809 : i32 to vector<16xi32>
      %add3A_1811 = arith.addi %mul3A_1779, %add3A_1810 : vector<16xi32>
      tpu.vector_store_idx %arg8[%add3A_301, %broadcast_in_dim3A_1805], %add3A_1811 : memref<64x128xi32, #tpu.memory_space<vmem>>[vector<16xi32>, vector<16xi32>], vector<16xi32>,
      %mul3A_1812 = arith.constant 4 : i32
      %mul3A_1813 = vector.broadcast %mul3A_1812 : i32 to vector<16xi32>
      %mul3A_1814 = arith.muli %gather3A_220, %mul3A_1813 : vector<16xi32>
      %mul3A_1815 = arith.constant 4 : i32
      %mul3A_1816 = vector.broadcast %mul3A_1815 : i32 to vector<16xi32>
      %mul3A_1817 = arith.muli %select_n3A_481, %mul3A_1816 : vector<16xi32>
      %broadcast_in_dim3A_1818 = arith.constant 48 : i32
      %broadcast_in_dim3A_1819 = vector.broadcast %broadcast_in_dim3A_1818 : i32 to vector<16xi32>
      %add3A_1820 = arith.constant 0 : i32
      %add3A_1821 = vector.broadcast %add3A_1820 : i32 to vector<16xi32>
      %add3A_1822 = arith.addi %mul3A_1814, %add3A_1821 : vector<16xi32>
      tpu.vector_store_idx %arg7[%add3A_301, %broadcast_in_dim3A_1819], %add3A_1822 : memref<64x128xi32, #tpu.memory_space<vmem>>[vector<16xi32>, vector<16xi32>], vector<16xi32>,
      %add3A_1823 = arith.constant 0 : i32
      %add3A_1824 = vector.broadcast %add3A_1823 : i32 to vector<16xi32>
      %add3A_1825 = arith.addi %mul3A_1817, %add3A_1824 : vector<16xi32>
      tpu.vector_store_idx %arg8[%add3A_301, %broadcast_in_dim3A_1819], %add3A_1825 : memref<64x128xi32, #tpu.memory_space<vmem>>[vector<16xi32>, vector<16xi32>], vector<16xi32>,
      %broadcast_in_dim3A_1826 = arith.constant 49 : i32
      %broadcast_in_dim3A_1827 = vector.broadcast %broadcast_in_dim3A_1826 : i32 to vector<16xi32>
      %add3A_1828 = arith.constant 1 : i32
      %add3A_1829 = vector.broadcast %add3A_1828 : i32 to vector<16xi32>
      %add3A_1830 = arith.addi %mul3A_1814, %add3A_1829 : vector<16xi32>
      tpu.vector_store_idx %arg7[%add3A_301, %broadcast_in_dim3A_1827], %add3A_1830 : memref<64x128xi32, #tpu.memory_space<vmem>>[vector<16xi32>, vector<16xi32>], vector<16xi32>,
      %add3A_1831 = arith.constant 1 : i32
      %add3A_1832 = vector.broadcast %add3A_1831 : i32 to vector<16xi32>
      %add3A_1833 = arith.addi %mul3A_1817, %add3A_1832 : vector<16xi32>
      tpu.vector_store_idx %arg8[%add3A_301, %broadcast_in_dim3A_1827], %add3A_1833 : memref<64x128xi32, #tpu.memory_space<vmem>>[vector<16xi32>, vector<16xi32>], vector<16xi32>,
      %broadcast_in_dim3A_1834 = arith.constant 50 : i32
      %broadcast_in_dim3A_1835 = vector.broadcast %broadcast_in_dim3A_1834 : i32 to vector<16xi32>
      %add3A_1836 = arith.constant 2 : i32
      %add3A_1837 = vector.broadcast %add3A_1836 : i32 to vector<16xi32>
      %add3A_1838 = arith.addi %mul3A_1814, %add3A_1837 : vector<16xi32>
      tpu.vector_store_idx %arg7[%add3A_301, %broadcast_in_dim3A_1835], %add3A_1838 : memref<64x128xi32, #tpu.memory_space<vmem>>[vector<16xi32>, vector<16xi32>], vector<16xi32>,
      %add3A_1839 = arith.constant 2 : i32
      %add3A_1840 = vector.broadcast %add3A_1839 : i32 to vector<16xi32>
      %add3A_1841 = arith.addi %mul3A_1817, %add3A_1840 : vector<16xi32>
      tpu.vector_store_idx %arg8[%add3A_301, %broadcast_in_dim3A_1835], %add3A_1841 : memref<64x128xi32, #tpu.memory_space<vmem>>[vector<16xi32>, vector<16xi32>], vector<16xi32>,
      %broadcast_in_dim3A_1842 = arith.constant 51 : i32
      %broadcast_in_dim3A_1843 = vector.broadcast %broadcast_in_dim3A_1842 : i32 to vector<16xi32>
      %add3A_1844 = arith.constant 3 : i32
      %add3A_1845 = vector.broadcast %add3A_1844 : i32 to vector<16xi32>
      %add3A_1846 = arith.addi %mul3A_1814, %add3A_1845 : vector<16xi32>
      tpu.vector_store_idx %arg7[%add3A_301, %broadcast_in_dim3A_1843], %add3A_1846 : memref<64x128xi32, #tpu.memory_space<vmem>>[vector<16xi32>, vector<16xi32>], vector<16xi32>,
      %add3A_1847 = arith.constant 3 : i32
      %add3A_1848 = vector.broadcast %add3A_1847 : i32 to vector<16xi32>
      %add3A_1849 = arith.addi %mul3A_1817, %add3A_1848 : vector<16xi32>
      tpu.vector_store_idx %arg8[%add3A_301, %broadcast_in_dim3A_1843], %add3A_1849 : memref<64x128xi32, #tpu.memory_space<vmem>>[vector<16xi32>, vector<16xi32>], vector<16xi32>,
      %mul3A_1850 = arith.constant 4 : i32
      %mul3A_1851 = vector.broadcast %mul3A_1850 : i32 to vector<16xi32>
      %mul3A_1852 = arith.muli %gather3A_224, %mul3A_1851 : vector<16xi32>
      %mul3A_1853 = arith.constant 4 : i32
      %mul3A_1854 = vector.broadcast %mul3A_1853 : i32 to vector<16xi32>
      %mul3A_1855 = arith.muli %select_n3A_509, %mul3A_1854 : vector<16xi32>
      %broadcast_in_dim3A_1856 = arith.constant 52 : i32
      %broadcast_in_dim3A_1857 = vector.broadcast %broadcast_in_dim3A_1856 : i32 to vector<16xi32>
      %add3A_1858 = arith.constant 0 : i32
      %add3A_1859 = vector.broadcast %add3A_1858 : i32 to vector<16xi32>
      %add3A_1860 = arith.addi %mul3A_1852, %add3A_1859 : vector<16xi32>
      tpu.vector_store_idx %arg7[%add3A_301, %broadcast_in_dim3A_1857], %add3A_1860 : memref<64x128xi32, #tpu.memory_space<vmem>>[vector<16xi32>, vector<16xi32>], vector<16xi32>,
      %add3A_1861 = arith.constant 0 : i32
      %add3A_1862 = vector.broadcast %add3A_1861 : i32 to vector<16xi32>
      %add3A_1863 = arith.addi %mul3A_1855, %add3A_1862 : vector<16xi32>
      tpu.vector_store_idx %arg8[%add3A_301, %broadcast_in_dim3A_1857], %add3A_1863 : memref<64x128xi32, #tpu.memory_space<vmem>>[vector<16xi32>, vector<16xi32>], vector<16xi32>,
      %broadcast_in_dim3A_1864 = arith.constant 53 : i32
      %broadcast_in_dim3A_1865 = vector.broadcast %broadcast_in_dim3A_1864 : i32 to vector<16xi32>
      %add3A_1866 = arith.constant 1 : i32
      %add3A_1867 = vector.broadcast %add3A_1866 : i32 to vector<16xi32>
      %add3A_1868 = arith.addi %mul3A_1852, %add3A_1867 : vector<16xi32>
      tpu.vector_store_idx %arg7[%add3A_301, %broadcast_in_dim3A_1865], %add3A_1868 : memref<64x128xi32, #tpu.memory_space<vmem>>[vector<16xi32>, vector<16xi32>], vector<16xi32>,
      %add3A_1869 = arith.constant 1 : i32
      %add3A_1870 = vector.broadcast %add3A_1869 : i32 to vector<16xi32>
      %add3A_1871 = arith.addi %mul3A_1855, %add3A_1870 : vector<16xi32>
      tpu.vector_store_idx %arg8[%add3A_301, %broadcast_in_dim3A_1865], %add3A_1871 : memref<64x128xi32, #tpu.memory_space<vmem>>[vector<16xi32>, vector<16xi32>], vector<16xi32>,
      %broadcast_in_dim3A_1872 = arith.constant 54 : i32
      %broadcast_in_dim3A_1873 = vector.broadcast %broadcast_in_dim3A_1872 : i32 to vector<16xi32>
      %add3A_1874 = arith.constant 2 : i32
      %add3A_1875 = vector.broadcast %add3A_1874 : i32 to vector<16xi32>
      %add3A_1876 = arith.addi %mul3A_1852, %add3A_1875 : vector<16xi32>
      tpu.vector_store_idx %arg7[%add3A_301, %broadcast_in_dim3A_1873], %add3A_1876 : memref<64x128xi32, #tpu.memory_space<vmem>>[vector<16xi32>, vector<16xi32>], vector<16xi32>,
      %add3A_1877 = arith.constant 2 : i32
      %add3A_1878 = vector.broadcast %add3A_1877 : i32 to vector<16xi32>
      %add3A_1879 = arith.addi %mul3A_1855, %add3A_1878 : vector<16xi32>
      tpu.vector_store_idx %arg8[%add3A_301, %broadcast_in_dim3A_1873], %add3A_1879 : memref<64x128xi32, #tpu.memory_space<vmem>>[vector<16xi32>, vector<16xi32>], vector<16xi32>,
      %broadcast_in_dim3A_1880 = arith.constant 55 : i32
      %broadcast_in_dim3A_1881 = vector.broadcast %broadcast_in_dim3A_1880 : i32 to vector<16xi32>
      %add3A_1882 = arith.constant 3 : i32
      %add3A_1883 = vector.broadcast %add3A_1882 : i32 to vector<16xi32>
      %add3A_1884 = arith.addi %mul3A_1852, %add3A_1883 : vector<16xi32>
      tpu.vector_store_idx %arg7[%add3A_301, %broadcast_in_dim3A_1881], %add3A_1884 : memref<64x128xi32, #tpu.memory_space<vmem>>[vector<16xi32>, vector<16xi32>], vector<16xi32>,
      %add3A_1885 = arith.constant 3 : i32
      %add3A_1886 = vector.broadcast %add3A_1885 : i32 to vector<16xi32>
      %add3A_1887 = arith.addi %mul3A_1855, %add3A_1886 : vector<16xi32>
      tpu.vector_store_idx %arg8[%add3A_301, %broadcast_in_dim3A_1881], %add3A_1887 : memref<64x128xi32, #tpu.memory_space<vmem>>[vector<16xi32>, vector<16xi32>], vector<16xi32>,
      %mul3A_1888 = arith.constant 4 : i32
      %mul3A_1889 = vector.broadcast %mul3A_1888 : i32 to vector<16xi32>
      %mul3A_1890 = arith.muli %gather3A_228, %mul3A_1889 : vector<16xi32>
      %mul3A_1891 = arith.constant 4 : i32
      %mul3A_1892 = vector.broadcast %mul3A_1891 : i32 to vector<16xi32>
      %mul3A_1893 = arith.muli %select_n3A_539, %mul3A_1892 : vector<16xi32>
      %broadcast_in_dim3A_1894 = arith.constant 56 : i32
      %broadcast_in_dim3A_1895 = vector.broadcast %broadcast_in_dim3A_1894 : i32 to vector<16xi32>
      %add3A_1896 = arith.constant 0 : i32
      %add3A_1897 = vector.broadcast %add3A_1896 : i32 to vector<16xi32>
      %add3A_1898 = arith.addi %mul3A_1890, %add3A_1897 : vector<16xi32>
      tpu.vector_store_idx %arg7[%add3A_301, %broadcast_in_dim3A_1895], %add3A_1898 : memref<64x128xi32, #tpu.memory_space<vmem>>[vector<16xi32>, vector<16xi32>], vector<16xi32>,
      %add3A_1899 = arith.constant 0 : i32
      %add3A_1900 = vector.broadcast %add3A_1899 : i32 to vector<16xi32>
      %add3A_1901 = arith.addi %mul3A_1893, %add3A_1900 : vector<16xi32>
      tpu.vector_store_idx %arg8[%add3A_301, %broadcast_in_dim3A_1895], %add3A_1901 : memref<64x128xi32, #tpu.memory_space<vmem>>[vector<16xi32>, vector<16xi32>], vector<16xi32>,
      %broadcast_in_dim3A_1902 = arith.constant 57 : i32
      %broadcast_in_dim3A_1903 = vector.broadcast %broadcast_in_dim3A_1902 : i32 to vector<16xi32>
      %add3A_1904 = arith.constant 1 : i32
      %add3A_1905 = vector.broadcast %add3A_1904 : i32 to vector<16xi32>
      %add3A_1906 = arith.addi %mul3A_1890, %add3A_1905 : vector<16xi32>
      tpu.vector_store_idx %arg7[%add3A_301, %broadcast_in_dim3A_1903], %add3A_1906 : memref<64x128xi32, #tpu.memory_space<vmem>>[vector<16xi32>, vector<16xi32>], vector<16xi32>,
      %add3A_1907 = arith.constant 1 : i32
      %add3A_1908 = vector.broadcast %add3A_1907 : i32 to vector<16xi32>
      %add3A_1909 = arith.addi %mul3A_1893, %add3A_1908 : vector<16xi32>
      tpu.vector_store_idx %arg8[%add3A_301, %broadcast_in_dim3A_1903], %add3A_1909 : memref<64x128xi32, #tpu.memory_space<vmem>>[vector<16xi32>, vector<16xi32>], vector<16xi32>,
      %broadcast_in_dim3A_1910 = arith.constant 58 : i32
      %broadcast_in_dim3A_1911 = vector.broadcast %broadcast_in_dim3A_1910 : i32 to vector<16xi32>
      %add3A_1912 = arith.constant 2 : i32
      %add3A_1913 = vector.broadcast %add3A_1912 : i32 to vector<16xi32>
      %add3A_1914 = arith.addi %mul3A_1890, %add3A_1913 : vector<16xi32>
      tpu.vector_store_idx %arg7[%add3A_301, %broadcast_in_dim3A_1911], %add3A_1914 : memref<64x128xi32, #tpu.memory_space<vmem>>[vector<16xi32>, vector<16xi32>], vector<16xi32>,
      %add3A_1915 = arith.constant 2 : i32
      %add3A_1916 = vector.broadcast %add3A_1915 : i32 to vector<16xi32>
      %add3A_1917 = arith.addi %mul3A_1893, %add3A_1916 : vector<16xi32>
      tpu.vector_store_idx %arg8[%add3A_301, %broadcast_in_dim3A_1911], %add3A_1917 : memref<64x128xi32, #tpu.memory_space<vmem>>[vector<16xi32>, vector<16xi32>], vector<16xi32>,
      %broadcast_in_dim3A_1918 = arith.constant 59 : i32
      %broadcast_in_dim3A_1919 = vector.broadcast %broadcast_in_dim3A_1918 : i32 to vector<16xi32>
      %add3A_1920 = arith.constant 3 : i32
      %add3A_1921 = vector.broadcast %add3A_1920 : i32 to vector<16xi32>
      %add3A_1922 = arith.addi %mul3A_1890, %add3A_1921 : vector<16xi32>
      tpu.vector_store_idx %arg7[%add3A_301, %broadcast_in_dim3A_1919], %add3A_1922 : memref<64x128xi32, #tpu.memory_space<vmem>>[vector<16xi32>, vector<16xi32>], vector<16xi32>,
      %add3A_1923 = arith.constant 3 : i32
      %add3A_1924 = vector.broadcast %add3A_1923 : i32 to vector<16xi32>
      %add3A_1925 = arith.addi %mul3A_1893, %add3A_1924 : vector<16xi32>
      tpu.vector_store_idx %arg8[%add3A_301, %broadcast_in_dim3A_1919], %add3A_1925 : memref<64x128xi32, #tpu.memory_space<vmem>>[vector<16xi32>, vector<16xi32>], vector<16xi32>,
      %mul3A_1926 = arith.constant 4 : i32
      %mul3A_1927 = vector.broadcast %mul3A_1926 : i32 to vector<16xi32>
      %mul3A_1928 = arith.muli %gather3A_232, %mul3A_1927 : vector<16xi32>
      %mul3A_1929 = arith.constant 4 : i32
      %mul3A_1930 = vector.broadcast %mul3A_1929 : i32 to vector<16xi32>
      %mul3A_1931 = arith.muli %select_n3A_571, %mul3A_1930 : vector<16xi32>
      %broadcast_in_dim3A_1932 = arith.constant 60 : i32
      %broadcast_in_dim3A_1933 = vector.broadcast %broadcast_in_dim3A_1932 : i32 to vector<16xi32>
      %add3A_1934 = arith.constant 0 : i32
      %add3A_1935 = vector.broadcast %add3A_1934 : i32 to vector<16xi32>
      %add3A_1936 = arith.addi %mul3A_1928, %add3A_1935 : vector<16xi32>
      tpu.vector_store_idx %arg7[%add3A_301, %broadcast_in_dim3A_1933], %add3A_1936 : memref<64x128xi32, #tpu.memory_space<vmem>>[vector<16xi32>, vector<16xi32>], vector<16xi32>,
      %add3A_1937 = arith.constant 0 : i32
      %add3A_1938 = vector.broadcast %add3A_1937 : i32 to vector<16xi32>
      %add3A_1939 = arith.addi %mul3A_1931, %add3A_1938 : vector<16xi32>
      tpu.vector_store_idx %arg8[%add3A_301, %broadcast_in_dim3A_1933], %add3A_1939 : memref<64x128xi32, #tpu.memory_space<vmem>>[vector<16xi32>, vector<16xi32>], vector<16xi32>,
      %broadcast_in_dim3A_1940 = arith.constant 61 : i32
      %broadcast_in_dim3A_1941 = vector.broadcast %broadcast_in_dim3A_1940 : i32 to vector<16xi32>
      %add3A_1942 = arith.constant 1 : i32
      %add3A_1943 = vector.broadcast %add3A_1942 : i32 to vector<16xi32>
      %add3A_1944 = arith.addi %mul3A_1928, %add3A_1943 : vector<16xi32>
      tpu.vector_store_idx %arg7[%add3A_301, %broadcast_in_dim3A_1941], %add3A_1944 : memref<64x128xi32, #tpu.memory_space<vmem>>[vector<16xi32>, vector<16xi32>], vector<16xi32>,
      %add3A_1945 = arith.constant 1 : i32
      %add3A_1946 = vector.broadcast %add3A_1945 : i32 to vector<16xi32>
      %add3A_1947 = arith.addi %mul3A_1931, %add3A_1946 : vector<16xi32>
      tpu.vector_store_idx %arg8[%add3A_301, %broadcast_in_dim3A_1941], %add3A_1947 : memref<64x128xi32, #tpu.memory_space<vmem>>[vector<16xi32>, vector<16xi32>], vector<16xi32>,
      %broadcast_in_dim3A_1948 = arith.constant 62 : i32
      %broadcast_in_dim3A_1949 = vector.broadcast %broadcast_in_dim3A_1948 : i32 to vector<16xi32>
      %add3A_1950 = arith.constant 2 : i32
      %add3A_1951 = vector.broadcast %add3A_1950 : i32 to vector<16xi32>
      %add3A_1952 = arith.addi %mul3A_1928, %add3A_1951 : vector<16xi32>
      tpu.vector_store_idx %arg7[%add3A_301, %broadcast_in_dim3A_1949], %add3A_1952 : memref<64x128xi32, #tpu.memory_space<vmem>>[vector<16xi32>, vector<16xi32>], vector<16xi32>,
      %add3A_1953 = arith.constant 2 : i32
      %add3A_1954 = vector.broadcast %add3A_1953 : i32 to vector<16xi32>
      %add3A_1955 = arith.addi %mul3A_1931, %add3A_1954 : vector<16xi32>
      tpu.vector_store_idx %arg8[%add3A_301, %broadcast_in_dim3A_1949], %add3A_1955 : memref<64x128xi32, #tpu.memory_space<vmem>>[vector<16xi32>, vector<16xi32>], vector<16xi32>,
      %broadcast_in_dim3A_1956 = arith.constant 63 : i32
      %broadcast_in_dim3A_1957 = vector.broadcast %broadcast_in_dim3A_1956 : i32 to vector<16xi32>
      %add3A_1958 = arith.constant 3 : i32
      %add3A_1959 = vector.broadcast %add3A_1958 : i32 to vector<16xi32>
      %add3A_1960 = arith.addi %mul3A_1928, %add3A_1959 : vector<16xi32>
      tpu.vector_store_idx %arg7[%add3A_301, %broadcast_in_dim3A_1957], %add3A_1960 : memref<64x128xi32, #tpu.memory_space<vmem>>[vector<16xi32>, vector<16xi32>], vector<16xi32>,
      %add3A_1961 = arith.constant 3 : i32
      %add3A_1962 = vector.broadcast %add3A_1961 : i32 to vector<16xi32>
      %add3A_1963 = arith.addi %mul3A_1931, %add3A_1962 : vector<16xi32>
      tpu.vector_store_idx %arg8[%add3A_301, %broadcast_in_dim3A_1957], %add3A_1963 : memref<64x128xi32, #tpu.memory_space<vmem>>[vector<16xi32>, vector<16xi32>], vector<16xi32>,
      %mul3A_1964 = arith.constant 4 : i32
      %mul3A_1965 = vector.broadcast %mul3A_1964 : i32 to vector<16xi32>
      %mul3A_1966 = arith.muli %gather3A_236, %mul3A_1965 : vector<16xi32>
      %mul3A_1967 = arith.constant 4 : i32
      %mul3A_1968 = vector.broadcast %mul3A_1967 : i32 to vector<16xi32>
      %mul3A_1969 = arith.muli %select_n3A_605, %mul3A_1968 : vector<16xi32>
      %broadcast_in_dim3A_1970 = arith.constant 64 : i32
      %broadcast_in_dim3A_1971 = vector.broadcast %broadcast_in_dim3A_1970 : i32 to vector<16xi32>
      %add3A_1972 = arith.constant 0 : i32
      %add3A_1973 = vector.broadcast %add3A_1972 : i32 to vector<16xi32>
      %add3A_1974 = arith.addi %mul3A_1966, %add3A_1973 : vector<16xi32>
      tpu.vector_store_idx %arg7[%add3A_301, %broadcast_in_dim3A_1971], %add3A_1974 : memref<64x128xi32, #tpu.memory_space<vmem>>[vector<16xi32>, vector<16xi32>], vector<16xi32>,
      %add3A_1975 = arith.constant 0 : i32
      %add3A_1976 = vector.broadcast %add3A_1975 : i32 to vector<16xi32>
      %add3A_1977 = arith.addi %mul3A_1969, %add3A_1976 : vector<16xi32>
      tpu.vector_store_idx %arg8[%add3A_301, %broadcast_in_dim3A_1971], %add3A_1977 : memref<64x128xi32, #tpu.memory_space<vmem>>[vector<16xi32>, vector<16xi32>], vector<16xi32>,
      %broadcast_in_dim3A_1978 = arith.constant 65 : i32
      %broadcast_in_dim3A_1979 = vector.broadcast %broadcast_in_dim3A_1978 : i32 to vector<16xi32>
      %add3A_1980 = arith.constant 1 : i32
      %add3A_1981 = vector.broadcast %add3A_1980 : i32 to vector<16xi32>
      %add3A_1982 = arith.addi %mul3A_1966, %add3A_1981 : vector<16xi32>
      tpu.vector_store_idx %arg7[%add3A_301, %broadcast_in_dim3A_1979], %add3A_1982 : memref<64x128xi32, #tpu.memory_space<vmem>>[vector<16xi32>, vector<16xi32>], vector<16xi32>,
      %add3A_1983 = arith.constant 1 : i32
      %add3A_1984 = vector.broadcast %add3A_1983 : i32 to vector<16xi32>
      %add3A_1985 = arith.addi %mul3A_1969, %add3A_1984 : vector<16xi32>
      tpu.vector_store_idx %arg8[%add3A_301, %broadcast_in_dim3A_1979], %add3A_1985 : memref<64x128xi32, #tpu.memory_space<vmem>>[vector<16xi32>, vector<16xi32>], vector<16xi32>,
      %broadcast_in_dim3A_1986 = arith.constant 66 : i32
      %broadcast_in_dim3A_1987 = vector.broadcast %broadcast_in_dim3A_1986 : i32 to vector<16xi32>
      %add3A_1988 = arith.constant 2 : i32
      %add3A_1989 = vector.broadcast %add3A_1988 : i32 to vector<16xi32>
      %add3A_1990 = arith.addi %mul3A_1966, %add3A_1989 : vector<16xi32>
      tpu.vector_store_idx %arg7[%add3A_301, %broadcast_in_dim3A_1987], %add3A_1990 : memref<64x128xi32, #tpu.memory_space<vmem>>[vector<16xi32>, vector<16xi32>], vector<16xi32>,
      %add3A_1991 = arith.constant 2 : i32
      %add3A_1992 = vector.broadcast %add3A_1991 : i32 to vector<16xi32>
      %add3A_1993 = arith.addi %mul3A_1969, %add3A_1992 : vector<16xi32>
      tpu.vector_store_idx %arg8[%add3A_301, %broadcast_in_dim3A_1987], %add3A_1993 : memref<64x128xi32, #tpu.memory_space<vmem>>[vector<16xi32>, vector<16xi32>], vector<16xi32>,
      %broadcast_in_dim3A_1994 = arith.constant 67 : i32
      %broadcast_in_dim3A_1995 = vector.broadcast %broadcast_in_dim3A_1994 : i32 to vector<16xi32>
      %add3A_1996 = arith.constant 3 : i32
      %add3A_1997 = vector.broadcast %add3A_1996 : i32 to vector<16xi32>
      %add3A_1998 = arith.addi %mul3A_1966, %add3A_1997 : vector<16xi32>
      tpu.vector_store_idx %arg7[%add3A_301, %broadcast_in_dim3A_1995], %add3A_1998 : memref<64x128xi32, #tpu.memory_space<vmem>>[vector<16xi32>, vector<16xi32>], vector<16xi32>,
      %add3A_1999 = arith.constant 3 : i32
      %add3A_2000 = vector.broadcast %add3A_1999 : i32 to vector<16xi32>
      %add3A_2001 = arith.addi %mul3A_1969, %add3A_2000 : vector<16xi32>
      tpu.vector_store_idx %arg8[%add3A_301, %broadcast_in_dim3A_1995], %add3A_2001 : memref<64x128xi32, #tpu.memory_space<vmem>>[vector<16xi32>, vector<16xi32>], vector<16xi32>,
      %mul3A_2002 = arith.constant 4 : i32
      %mul3A_2003 = vector.broadcast %mul3A_2002 : i32 to vector<16xi32>
      %mul3A_2004 = arith.muli %gather3A_240, %mul3A_2003 : vector<16xi32>
      %mul3A_2005 = arith.constant 4 : i32
      %mul3A_2006 = vector.broadcast %mul3A_2005 : i32 to vector<16xi32>
      %mul3A_2007 = arith.muli %select_n3A_641, %mul3A_2006 : vector<16xi32>
      %broadcast_in_dim3A_2008 = arith.constant 68 : i32
      %broadcast_in_dim3A_2009 = vector.broadcast %broadcast_in_dim3A_2008 : i32 to vector<16xi32>
      %add3A_2010 = arith.constant 0 : i32
      %add3A_2011 = vector.broadcast %add3A_2010 : i32 to vector<16xi32>
      %add3A_2012 = arith.addi %mul3A_2004, %add3A_2011 : vector<16xi32>
      tpu.vector_store_idx %arg7[%add3A_301, %broadcast_in_dim3A_2009], %add3A_2012 : memref<64x128xi32, #tpu.memory_space<vmem>>[vector<16xi32>, vector<16xi32>], vector<16xi32>,
      %add3A_2013 = arith.constant 0 : i32
      %add3A_2014 = vector.broadcast %add3A_2013 : i32 to vector<16xi32>
      %add3A_2015 = arith.addi %mul3A_2007, %add3A_2014 : vector<16xi32>
      tpu.vector_store_idx %arg8[%add3A_301, %broadcast_in_dim3A_2009], %add3A_2015 : memref<64x128xi32, #tpu.memory_space<vmem>>[vector<16xi32>, vector<16xi32>], vector<16xi32>,
      %broadcast_in_dim3A_2016 = arith.constant 69 : i32
      %broadcast_in_dim3A_2017 = vector.broadcast %broadcast_in_dim3A_2016 : i32 to vector<16xi32>
      %add3A_2018 = arith.constant 1 : i32
      %add3A_2019 = vector.broadcast %add3A_2018 : i32 to vector<16xi32>
      %add3A_2020 = arith.addi %mul3A_2004, %add3A_2019 : vector<16xi32>
      tpu.vector_store_idx %arg7[%add3A_301, %broadcast_in_dim3A_2017], %add3A_2020 : memref<64x128xi32, #tpu.memory_space<vmem>>[vector<16xi32>, vector<16xi32>], vector<16xi32>,
      %add3A_2021 = arith.constant 1 : i32
      %add3A_2022 = vector.broadcast %add3A_2021 : i32 to vector<16xi32>
      %add3A_2023 = arith.addi %mul3A_2007, %add3A_2022 : vector<16xi32>
      tpu.vector_store_idx %arg8[%add3A_301, %broadcast_in_dim3A_2017], %add3A_2023 : memref<64x128xi32, #tpu.memory_space<vmem>>[vector<16xi32>, vector<16xi32>], vector<16xi32>,
      %broadcast_in_dim3A_2024 = arith.constant 70 : i32
      %broadcast_in_dim3A_2025 = vector.broadcast %broadcast_in_dim3A_2024 : i32 to vector<16xi32>
      %add3A_2026 = arith.constant 2 : i32
      %add3A_2027 = vector.broadcast %add3A_2026 : i32 to vector<16xi32>
      %add3A_2028 = arith.addi %mul3A_2004, %add3A_2027 : vector<16xi32>
      tpu.vector_store_idx %arg7[%add3A_301, %broadcast_in_dim3A_2025], %add3A_2028 : memref<64x128xi32, #tpu.memory_space<vmem>>[vector<16xi32>, vector<16xi32>], vector<16xi32>,
      %add3A_2029 = arith.constant 2 : i32
      %add3A_2030 = vector.broadcast %add3A_2029 : i32 to vector<16xi32>
      %add3A_2031 = arith.addi %mul3A_2007, %add3A_2030 : vector<16xi32>
      tpu.vector_store_idx %arg8[%add3A_301, %broadcast_in_dim3A_2025], %add3A_2031 : memref<64x128xi32, #tpu.memory_space<vmem>>[vector<16xi32>, vector<16xi32>], vector<16xi32>,
      %broadcast_in_dim3A_2032 = arith.constant 71 : i32
      %broadcast_in_dim3A_2033 = vector.broadcast %broadcast_in_dim3A_2032 : i32 to vector<16xi32>
      %add3A_2034 = arith.constant 3 : i32
      %add3A_2035 = vector.broadcast %add3A_2034 : i32 to vector<16xi32>
      %add3A_2036 = arith.addi %mul3A_2004, %add3A_2035 : vector<16xi32>
      tpu.vector_store_idx %arg7[%add3A_301, %broadcast_in_dim3A_2033], %add3A_2036 : memref<64x128xi32, #tpu.memory_space<vmem>>[vector<16xi32>, vector<16xi32>], vector<16xi32>,
      %add3A_2037 = arith.constant 3 : i32
      %add3A_2038 = vector.broadcast %add3A_2037 : i32 to vector<16xi32>
      %add3A_2039 = arith.addi %mul3A_2007, %add3A_2038 : vector<16xi32>
      tpu.vector_store_idx %arg8[%add3A_301, %broadcast_in_dim3A_2033], %add3A_2039 : memref<64x128xi32, #tpu.memory_space<vmem>>[vector<16xi32>, vector<16xi32>], vector<16xi32>,
      %mul3A_2040 = arith.constant 4 : i32
      %mul3A_2041 = vector.broadcast %mul3A_2040 : i32 to vector<16xi32>
      %mul3A_2042 = arith.muli %gather3A_244, %mul3A_2041 : vector<16xi32>
      %mul3A_2043 = arith.constant 4 : i32
      %mul3A_2044 = vector.broadcast %mul3A_2043 : i32 to vector<16xi32>
      %mul3A_2045 = arith.muli %select_n3A_679, %mul3A_2044 : vector<16xi32>
      %broadcast_in_dim3A_2046 = arith.constant 72 : i32
      %broadcast_in_dim3A_2047 = vector.broadcast %broadcast_in_dim3A_2046 : i32 to vector<16xi32>
      %add3A_2048 = arith.constant 0 : i32
      %add3A_2049 = vector.broadcast %add3A_2048 : i32 to vector<16xi32>
      %add3A_2050 = arith.addi %mul3A_2042, %add3A_2049 : vector<16xi32>
      tpu.vector_store_idx %arg7[%add3A_301, %broadcast_in_dim3A_2047], %add3A_2050 : memref<64x128xi32, #tpu.memory_space<vmem>>[vector<16xi32>, vector<16xi32>], vector<16xi32>,
      %add3A_2051 = arith.constant 0 : i32
      %add3A_2052 = vector.broadcast %add3A_2051 : i32 to vector<16xi32>
      %add3A_2053 = arith.addi %mul3A_2045, %add3A_2052 : vector<16xi32>
      tpu.vector_store_idx %arg8[%add3A_301, %broadcast_in_dim3A_2047], %add3A_2053 : memref<64x128xi32, #tpu.memory_space<vmem>>[vector<16xi32>, vector<16xi32>], vector<16xi32>,
      %broadcast_in_dim3A_2054 = arith.constant 73 : i32
      %broadcast_in_dim3A_2055 = vector.broadcast %broadcast_in_dim3A_2054 : i32 to vector<16xi32>
      %add3A_2056 = arith.constant 1 : i32
      %add3A_2057 = vector.broadcast %add3A_2056 : i32 to vector<16xi32>
      %add3A_2058 = arith.addi %mul3A_2042, %add3A_2057 : vector<16xi32>
      tpu.vector_store_idx %arg7[%add3A_301, %broadcast_in_dim3A_2055], %add3A_2058 : memref<64x128xi32, #tpu.memory_space<vmem>>[vector<16xi32>, vector<16xi32>], vector<16xi32>,
      %add3A_2059 = arith.constant 1 : i32
      %add3A_2060 = vector.broadcast %add3A_2059 : i32 to vector<16xi32>
      %add3A_2061 = arith.addi %mul3A_2045, %add3A_2060 : vector<16xi32>
      tpu.vector_store_idx %arg8[%add3A_301, %broadcast_in_dim3A_2055], %add3A_2061 : memref<64x128xi32, #tpu.memory_space<vmem>>[vector<16xi32>, vector<16xi32>], vector<16xi32>,
      %broadcast_in_dim3A_2062 = arith.constant 74 : i32
      %broadcast_in_dim3A_2063 = vector.broadcast %broadcast_in_dim3A_2062 : i32 to vector<16xi32>
      %add3A_2064 = arith.constant 2 : i32
      %add3A_2065 = vector.broadcast %add3A_2064 : i32 to vector<16xi32>
      %add3A_2066 = arith.addi %mul3A_2042, %add3A_2065 : vector<16xi32>
      tpu.vector_store_idx %arg7[%add3A_301, %broadcast_in_dim3A_2063], %add3A_2066 : memref<64x128xi32, #tpu.memory_space<vmem>>[vector<16xi32>, vector<16xi32>], vector<16xi32>,
      %add3A_2067 = arith.constant 2 : i32
      %add3A_2068 = vector.broadcast %add3A_2067 : i32 to vector<16xi32>
      %add3A_2069 = arith.addi %mul3A_2045, %add3A_2068 : vector<16xi32>
      tpu.vector_store_idx %arg8[%add3A_301, %broadcast_in_dim3A_2063], %add3A_2069 : memref<64x128xi32, #tpu.memory_space<vmem>>[vector<16xi32>, vector<16xi32>], vector<16xi32>,
      %broadcast_in_dim3A_2070 = arith.constant 75 : i32
      %broadcast_in_dim3A_2071 = vector.broadcast %broadcast_in_dim3A_2070 : i32 to vector<16xi32>
      %add3A_2072 = arith.constant 3 : i32
      %add3A_2073 = vector.broadcast %add3A_2072 : i32 to vector<16xi32>
      %add3A_2074 = arith.addi %mul3A_2042, %add3A_2073 : vector<16xi32>
      tpu.vector_store_idx %arg7[%add3A_301, %broadcast_in_dim3A_2071], %add3A_2074 : memref<64x128xi32, #tpu.memory_space<vmem>>[vector<16xi32>, vector<16xi32>], vector<16xi32>,
      %add3A_2075 = arith.constant 3 : i32
      %add3A_2076 = vector.broadcast %add3A_2075 : i32 to vector<16xi32>
      %add3A_2077 = arith.addi %mul3A_2045, %add3A_2076 : vector<16xi32>
      tpu.vector_store_idx %arg8[%add3A_301, %broadcast_in_dim3A_2071], %add3A_2077 : memref<64x128xi32, #tpu.memory_space<vmem>>[vector<16xi32>, vector<16xi32>], vector<16xi32>,
      %mul3A_2078 = arith.constant 4 : i32
      %mul3A_2079 = vector.broadcast %mul3A_2078 : i32 to vector<16xi32>
      %mul3A_2080 = arith.muli %gather3A_248, %mul3A_2079 : vector<16xi32>
      %mul3A_2081 = arith.constant 4 : i32
      %mul3A_2082 = vector.broadcast %mul3A_2081 : i32 to vector<16xi32>
      %mul3A_2083 = arith.muli %select_n3A_719, %mul3A_2082 : vector<16xi32>
      %broadcast_in_dim3A_2084 = arith.constant 76 : i32
      %broadcast_in_dim3A_2085 = vector.broadcast %broadcast_in_dim3A_2084 : i32 to vector<16xi32>
      %add3A_2086 = arith.constant 0 : i32
      %add3A_2087 = vector.broadcast %add3A_2086 : i32 to vector<16xi32>
      %add3A_2088 = arith.addi %mul3A_2080, %add3A_2087 : vector<16xi32>
      tpu.vector_store_idx %arg7[%add3A_301, %broadcast_in_dim3A_2085], %add3A_2088 : memref<64x128xi32, #tpu.memory_space<vmem>>[vector<16xi32>, vector<16xi32>], vector<16xi32>,
      %add3A_2089 = arith.constant 0 : i32
      %add3A_2090 = vector.broadcast %add3A_2089 : i32 to vector<16xi32>
      %add3A_2091 = arith.addi %mul3A_2083, %add3A_2090 : vector<16xi32>
      tpu.vector_store_idx %arg8[%add3A_301, %broadcast_in_dim3A_2085], %add3A_2091 : memref<64x128xi32, #tpu.memory_space<vmem>>[vector<16xi32>, vector<16xi32>], vector<16xi32>,
      %broadcast_in_dim3A_2092 = arith.constant 77 : i32
      %broadcast_in_dim3A_2093 = vector.broadcast %broadcast_in_dim3A_2092 : i32 to vector<16xi32>
      %add3A_2094 = arith.constant 1 : i32
      %add3A_2095 = vector.broadcast %add3A_2094 : i32 to vector<16xi32>
      %add3A_2096 = arith.addi %mul3A_2080, %add3A_2095 : vector<16xi32>
      tpu.vector_store_idx %arg7[%add3A_301, %broadcast_in_dim3A_2093], %add3A_2096 : memref<64x128xi32, #tpu.memory_space<vmem>>[vector<16xi32>, vector<16xi32>], vector<16xi32>,
      %add3A_2097 = arith.constant 1 : i32
      %add3A_2098 = vector.broadcast %add3A_2097 : i32 to vector<16xi32>
      %add3A_2099 = arith.addi %mul3A_2083, %add3A_2098 : vector<16xi32>
      tpu.vector_store_idx %arg8[%add3A_301, %broadcast_in_dim3A_2093], %add3A_2099 : memref<64x128xi32, #tpu.memory_space<vmem>>[vector<16xi32>, vector<16xi32>], vector<16xi32>,
      %broadcast_in_dim3A_2100 = arith.constant 78 : i32
      %broadcast_in_dim3A_2101 = vector.broadcast %broadcast_in_dim3A_2100 : i32 to vector<16xi32>
      %add3A_2102 = arith.constant 2 : i32
      %add3A_2103 = vector.broadcast %add3A_2102 : i32 to vector<16xi32>
      %add3A_2104 = arith.addi %mul3A_2080, %add3A_2103 : vector<16xi32>
      tpu.vector_store_idx %arg7[%add3A_301, %broadcast_in_dim3A_2101], %add3A_2104 : memref<64x128xi32, #tpu.memory_space<vmem>>[vector<16xi32>, vector<16xi32>], vector<16xi32>,
      %add3A_2105 = arith.constant 2 : i32
      %add3A_2106 = vector.broadcast %add3A_2105 : i32 to vector<16xi32>
      %add3A_2107 = arith.addi %mul3A_2083, %add3A_2106 : vector<16xi32>
      tpu.vector_store_idx %arg8[%add3A_301, %broadcast_in_dim3A_2101], %add3A_2107 : memref<64x128xi32, #tpu.memory_space<vmem>>[vector<16xi32>, vector<16xi32>], vector<16xi32>,
      %broadcast_in_dim3A_2108 = arith.constant 79 : i32
      %broadcast_in_dim3A_2109 = vector.broadcast %broadcast_in_dim3A_2108 : i32 to vector<16xi32>
      %add3A_2110 = arith.constant 3 : i32
      %add3A_2111 = vector.broadcast %add3A_2110 : i32 to vector<16xi32>
      %add3A_2112 = arith.addi %mul3A_2080, %add3A_2111 : vector<16xi32>
      tpu.vector_store_idx %arg7[%add3A_301, %broadcast_in_dim3A_2109], %add3A_2112 : memref<64x128xi32, #tpu.memory_space<vmem>>[vector<16xi32>, vector<16xi32>], vector<16xi32>,
      %add3A_2113 = arith.constant 3 : i32
      %add3A_2114 = vector.broadcast %add3A_2113 : i32 to vector<16xi32>
      %add3A_2115 = arith.addi %mul3A_2083, %add3A_2114 : vector<16xi32>
      tpu.vector_store_idx %arg8[%add3A_301, %broadcast_in_dim3A_2109], %add3A_2115 : memref<64x128xi32, #tpu.memory_space<vmem>>[vector<16xi32>, vector<16xi32>], vector<16xi32>,
      %mul3A_2116 = arith.constant 4 : i32
      %mul3A_2117 = vector.broadcast %mul3A_2116 : i32 to vector<16xi32>
      %mul3A_2118 = arith.muli %gather3A_252, %mul3A_2117 : vector<16xi32>
      %mul3A_2119 = arith.constant 4 : i32
      %mul3A_2120 = vector.broadcast %mul3A_2119 : i32 to vector<16xi32>
      %mul3A_2121 = arith.muli %select_n3A_761, %mul3A_2120 : vector<16xi32>
      %broadcast_in_dim3A_2122 = arith.constant 80 : i32
      %broadcast_in_dim3A_2123 = vector.broadcast %broadcast_in_dim3A_2122 : i32 to vector<16xi32>
      %add3A_2124 = arith.constant 0 : i32
      %add3A_2125 = vector.broadcast %add3A_2124 : i32 to vector<16xi32>
      %add3A_2126 = arith.addi %mul3A_2118, %add3A_2125 : vector<16xi32>
      tpu.vector_store_idx %arg7[%add3A_301, %broadcast_in_dim3A_2123], %add3A_2126 : memref<64x128xi32, #tpu.memory_space<vmem>>[vector<16xi32>, vector<16xi32>], vector<16xi32>,
      %add3A_2127 = arith.constant 0 : i32
      %add3A_2128 = vector.broadcast %add3A_2127 : i32 to vector<16xi32>
      %add3A_2129 = arith.addi %mul3A_2121, %add3A_2128 : vector<16xi32>
      tpu.vector_store_idx %arg8[%add3A_301, %broadcast_in_dim3A_2123], %add3A_2129 : memref<64x128xi32, #tpu.memory_space<vmem>>[vector<16xi32>, vector<16xi32>], vector<16xi32>,
      %broadcast_in_dim3A_2130 = arith.constant 81 : i32
      %broadcast_in_dim3A_2131 = vector.broadcast %broadcast_in_dim3A_2130 : i32 to vector<16xi32>
      %add3A_2132 = arith.constant 1 : i32
      %add3A_2133 = vector.broadcast %add3A_2132 : i32 to vector<16xi32>
      %add3A_2134 = arith.addi %mul3A_2118, %add3A_2133 : vector<16xi32>
      tpu.vector_store_idx %arg7[%add3A_301, %broadcast_in_dim3A_2131], %add3A_2134 : memref<64x128xi32, #tpu.memory_space<vmem>>[vector<16xi32>, vector<16xi32>], vector<16xi32>,
      %add3A_2135 = arith.constant 1 : i32
      %add3A_2136 = vector.broadcast %add3A_2135 : i32 to vector<16xi32>
      %add3A_2137 = arith.addi %mul3A_2121, %add3A_2136 : vector<16xi32>
      tpu.vector_store_idx %arg8[%add3A_301, %broadcast_in_dim3A_2131], %add3A_2137 : memref<64x128xi32, #tpu.memory_space<vmem>>[vector<16xi32>, vector<16xi32>], vector<16xi32>,
      %broadcast_in_dim3A_2138 = arith.constant 82 : i32
      %broadcast_in_dim3A_2139 = vector.broadcast %broadcast_in_dim3A_2138 : i32 to vector<16xi32>
      %add3A_2140 = arith.constant 2 : i32
      %add3A_2141 = vector.broadcast %add3A_2140 : i32 to vector<16xi32>
      %add3A_2142 = arith.addi %mul3A_2118, %add3A_2141 : vector<16xi32>
      tpu.vector_store_idx %arg7[%add3A_301, %broadcast_in_dim3A_2139], %add3A_2142 : memref<64x128xi32, #tpu.memory_space<vmem>>[vector<16xi32>, vector<16xi32>], vector<16xi32>,
      %add3A_2143 = arith.constant 2 : i32
      %add3A_2144 = vector.broadcast %add3A_2143 : i32 to vector<16xi32>
      %add3A_2145 = arith.addi %mul3A_2121, %add3A_2144 : vector<16xi32>
      tpu.vector_store_idx %arg8[%add3A_301, %broadcast_in_dim3A_2139], %add3A_2145 : memref<64x128xi32, #tpu.memory_space<vmem>>[vector<16xi32>, vector<16xi32>], vector<16xi32>,
      %broadcast_in_dim3A_2146 = arith.constant 83 : i32
      %broadcast_in_dim3A_2147 = vector.broadcast %broadcast_in_dim3A_2146 : i32 to vector<16xi32>
      %add3A_2148 = arith.constant 3 : i32
      %add3A_2149 = vector.broadcast %add3A_2148 : i32 to vector<16xi32>
      %add3A_2150 = arith.addi %mul3A_2118, %add3A_2149 : vector<16xi32>
      tpu.vector_store_idx %arg7[%add3A_301, %broadcast_in_dim3A_2147], %add3A_2150 : memref<64x128xi32, #tpu.memory_space<vmem>>[vector<16xi32>, vector<16xi32>], vector<16xi32>,
      %add3A_2151 = arith.constant 3 : i32
      %add3A_2152 = vector.broadcast %add3A_2151 : i32 to vector<16xi32>
      %add3A_2153 = arith.addi %mul3A_2121, %add3A_2152 : vector<16xi32>
      tpu.vector_store_idx %arg8[%add3A_301, %broadcast_in_dim3A_2147], %add3A_2153 : memref<64x128xi32, #tpu.memory_space<vmem>>[vector<16xi32>, vector<16xi32>], vector<16xi32>,
      %mul3A_2154 = arith.constant 4 : i32
      %mul3A_2155 = vector.broadcast %mul3A_2154 : i32 to vector<16xi32>
      %mul3A_2156 = arith.muli %gather3A_256, %mul3A_2155 : vector<16xi32>
      %mul3A_2157 = arith.constant 4 : i32
      %mul3A_2158 = vector.broadcast %mul3A_2157 : i32 to vector<16xi32>
      %mul3A_2159 = arith.muli %select_n3A_805, %mul3A_2158 : vector<16xi32>
      %broadcast_in_dim3A_2160 = arith.constant 84 : i32
      %broadcast_in_dim3A_2161 = vector.broadcast %broadcast_in_dim3A_2160 : i32 to vector<16xi32>
      %add3A_2162 = arith.constant 0 : i32
      %add3A_2163 = vector.broadcast %add3A_2162 : i32 to vector<16xi32>
      %add3A_2164 = arith.addi %mul3A_2156, %add3A_2163 : vector<16xi32>
      tpu.vector_store_idx %arg7[%add3A_301, %broadcast_in_dim3A_2161], %add3A_2164 : memref<64x128xi32, #tpu.memory_space<vmem>>[vector<16xi32>, vector<16xi32>], vector<16xi32>,
      %add3A_2165 = arith.constant 0 : i32
      %add3A_2166 = vector.broadcast %add3A_2165 : i32 to vector<16xi32>
      %add3A_2167 = arith.addi %mul3A_2159, %add3A_2166 : vector<16xi32>
      tpu.vector_store_idx %arg8[%add3A_301, %broadcast_in_dim3A_2161], %add3A_2167 : memref<64x128xi32, #tpu.memory_space<vmem>>[vector<16xi32>, vector<16xi32>], vector<16xi32>,
      %broadcast_in_dim3A_2168 = arith.constant 85 : i32
      %broadcast_in_dim3A_2169 = vector.broadcast %broadcast_in_dim3A_2168 : i32 to vector<16xi32>
      %add3A_2170 = arith.constant 1 : i32
      %add3A_2171 = vector.broadcast %add3A_2170 : i32 to vector<16xi32>
      %add3A_2172 = arith.addi %mul3A_2156, %add3A_2171 : vector<16xi32>
      tpu.vector_store_idx %arg7[%add3A_301, %broadcast_in_dim3A_2169], %add3A_2172 : memref<64x128xi32, #tpu.memory_space<vmem>>[vector<16xi32>, vector<16xi32>], vector<16xi32>,
      %add3A_2173 = arith.constant 1 : i32
      %add3A_2174 = vector.broadcast %add3A_2173 : i32 to vector<16xi32>
      %add3A_2175 = arith.addi %mul3A_2159, %add3A_2174 : vector<16xi32>
      tpu.vector_store_idx %arg8[%add3A_301, %broadcast_in_dim3A_2169], %add3A_2175 : memref<64x128xi32, #tpu.memory_space<vmem>>[vector<16xi32>, vector<16xi32>], vector<16xi32>,
      %broadcast_in_dim3A_2176 = arith.constant 86 : i32
      %broadcast_in_dim3A_2177 = vector.broadcast %broadcast_in_dim3A_2176 : i32 to vector<16xi32>
      %add3A_2178 = arith.constant 2 : i32
      %add3A_2179 = vector.broadcast %add3A_2178 : i32 to vector<16xi32>
      %add3A_2180 = arith.addi %mul3A_2156, %add3A_2179 : vector<16xi32>
      tpu.vector_store_idx %arg7[%add3A_301, %broadcast_in_dim3A_2177], %add3A_2180 : memref<64x128xi32, #tpu.memory_space<vmem>>[vector<16xi32>, vector<16xi32>], vector<16xi32>,
      %add3A_2181 = arith.constant 2 : i32
      %add3A_2182 = vector.broadcast %add3A_2181 : i32 to vector<16xi32>
      %add3A_2183 = arith.addi %mul3A_2159, %add3A_2182 : vector<16xi32>
      tpu.vector_store_idx %arg8[%add3A_301, %broadcast_in_dim3A_2177], %add3A_2183 : memref<64x128xi32, #tpu.memory_space<vmem>>[vector<16xi32>, vector<16xi32>], vector<16xi32>,
      %broadcast_in_dim3A_2184 = arith.constant 87 : i32
      %broadcast_in_dim3A_2185 = vector.broadcast %broadcast_in_dim3A_2184 : i32 to vector<16xi32>
      %add3A_2186 = arith.constant 3 : i32
      %add3A_2187 = vector.broadcast %add3A_2186 : i32 to vector<16xi32>
      %add3A_2188 = arith.addi %mul3A_2156, %add3A_2187 : vector<16xi32>
      tpu.vector_store_idx %arg7[%add3A_301, %broadcast_in_dim3A_2185], %add3A_2188 : memref<64x128xi32, #tpu.memory_space<vmem>>[vector<16xi32>, vector<16xi32>], vector<16xi32>,
      %add3A_2189 = arith.constant 3 : i32
      %add3A_2190 = vector.broadcast %add3A_2189 : i32 to vector<16xi32>
      %add3A_2191 = arith.addi %mul3A_2159, %add3A_2190 : vector<16xi32>
      tpu.vector_store_idx %arg8[%add3A_301, %broadcast_in_dim3A_2185], %add3A_2191 : memref<64x128xi32, #tpu.memory_space<vmem>>[vector<16xi32>, vector<16xi32>], vector<16xi32>,
      %mul3A_2192 = arith.constant 4 : i32
      %mul3A_2193 = vector.broadcast %mul3A_2192 : i32 to vector<16xi32>
      %mul3A_2194 = arith.muli %gather3A_260, %mul3A_2193 : vector<16xi32>
      %mul3A_2195 = arith.constant 4 : i32
      %mul3A_2196 = vector.broadcast %mul3A_2195 : i32 to vector<16xi32>
      %mul3A_2197 = arith.muli %select_n3A_851, %mul3A_2196 : vector<16xi32>
      %broadcast_in_dim3A_2198 = arith.constant 88 : i32
      %broadcast_in_dim3A_2199 = vector.broadcast %broadcast_in_dim3A_2198 : i32 to vector<16xi32>
      %add3A_2200 = arith.constant 0 : i32
      %add3A_2201 = vector.broadcast %add3A_2200 : i32 to vector<16xi32>
      %add3A_2202 = arith.addi %mul3A_2194, %add3A_2201 : vector<16xi32>
      tpu.vector_store_idx %arg7[%add3A_301, %broadcast_in_dim3A_2199], %add3A_2202 : memref<64x128xi32, #tpu.memory_space<vmem>>[vector<16xi32>, vector<16xi32>], vector<16xi32>,
      %add3A_2203 = arith.constant 0 : i32
      %add3A_2204 = vector.broadcast %add3A_2203 : i32 to vector<16xi32>
      %add3A_2205 = arith.addi %mul3A_2197, %add3A_2204 : vector<16xi32>
      tpu.vector_store_idx %arg8[%add3A_301, %broadcast_in_dim3A_2199], %add3A_2205 : memref<64x128xi32, #tpu.memory_space<vmem>>[vector<16xi32>, vector<16xi32>], vector<16xi32>,
      %broadcast_in_dim3A_2206 = arith.constant 89 : i32
      %broadcast_in_dim3A_2207 = vector.broadcast %broadcast_in_dim3A_2206 : i32 to vector<16xi32>
      %add3A_2208 = arith.constant 1 : i32
      %add3A_2209 = vector.broadcast %add3A_2208 : i32 to vector<16xi32>
      %add3A_2210 = arith.addi %mul3A_2194, %add3A_2209 : vector<16xi32>
      tpu.vector_store_idx %arg7[%add3A_301, %broadcast_in_dim3A_2207], %add3A_2210 : memref<64x128xi32, #tpu.memory_space<vmem>>[vector<16xi32>, vector<16xi32>], vector<16xi32>,
      %add3A_2211 = arith.constant 1 : i32
      %add3A_2212 = vector.broadcast %add3A_2211 : i32 to vector<16xi32>
      %add3A_2213 = arith.addi %mul3A_2197, %add3A_2212 : vector<16xi32>
      tpu.vector_store_idx %arg8[%add3A_301, %broadcast_in_dim3A_2207], %add3A_2213 : memref<64x128xi32, #tpu.memory_space<vmem>>[vector<16xi32>, vector<16xi32>], vector<16xi32>,
      %broadcast_in_dim3A_2214 = arith.constant 90 : i32
      %broadcast_in_dim3A_2215 = vector.broadcast %broadcast_in_dim3A_2214 : i32 to vector<16xi32>
      %add3A_2216 = arith.constant 2 : i32
      %add3A_2217 = vector.broadcast %add3A_2216 : i32 to vector<16xi32>
      %add3A_2218 = arith.addi %mul3A_2194, %add3A_2217 : vector<16xi32>
      tpu.vector_store_idx %arg7[%add3A_301, %broadcast_in_dim3A_2215], %add3A_2218 : memref<64x128xi32, #tpu.memory_space<vmem>>[vector<16xi32>, vector<16xi32>], vector<16xi32>,
      %add3A_2219 = arith.constant 2 : i32
      %add3A_2220 = vector.broadcast %add3A_2219 : i32 to vector<16xi32>
      %add3A_2221 = arith.addi %mul3A_2197, %add3A_2220 : vector<16xi32>
      tpu.vector_store_idx %arg8[%add3A_301, %broadcast_in_dim3A_2215], %add3A_2221 : memref<64x128xi32, #tpu.memory_space<vmem>>[vector<16xi32>, vector<16xi32>], vector<16xi32>,
      %broadcast_in_dim3A_2222 = arith.constant 91 : i32
      %broadcast_in_dim3A_2223 = vector.broadcast %broadcast_in_dim3A_2222 : i32 to vector<16xi32>
      %add3A_2224 = arith.constant 3 : i32
      %add3A_2225 = vector.broadcast %add3A_2224 : i32 to vector<16xi32>
      %add3A_2226 = arith.addi %mul3A_2194, %add3A_2225 : vector<16xi32>
      tpu.vector_store_idx %arg7[%add3A_301, %broadcast_in_dim3A_2223], %add3A_2226 : memref<64x128xi32, #tpu.memory_space<vmem>>[vector<16xi32>, vector<16xi32>], vector<16xi32>,
      %add3A_2227 = arith.constant 3 : i32
      %add3A_2228 = vector.broadcast %add3A_2227 : i32 to vector<16xi32>
      %add3A_2229 = arith.addi %mul3A_2197, %add3A_2228 : vector<16xi32>
      tpu.vector_store_idx %arg8[%add3A_301, %broadcast_in_dim3A_2223], %add3A_2229 : memref<64x128xi32, #tpu.memory_space<vmem>>[vector<16xi32>, vector<16xi32>], vector<16xi32>,
      %mul3A_2230 = arith.constant 4 : i32
      %mul3A_2231 = vector.broadcast %mul3A_2230 : i32 to vector<16xi32>
      %mul3A_2232 = arith.muli %gather3A_264, %mul3A_2231 : vector<16xi32>
      %mul3A_2233 = arith.constant 4 : i32
      %mul3A_2234 = vector.broadcast %mul3A_2233 : i32 to vector<16xi32>
      %mul3A_2235 = arith.muli %select_n3A_899, %mul3A_2234 : vector<16xi32>
      %broadcast_in_dim3A_2236 = arith.constant 92 : i32
      %broadcast_in_dim3A_2237 = vector.broadcast %broadcast_in_dim3A_2236 : i32 to vector<16xi32>
      %add3A_2238 = arith.constant 0 : i32
      %add3A_2239 = vector.broadcast %add3A_2238 : i32 to vector<16xi32>
      %add3A_2240 = arith.addi %mul3A_2232, %add3A_2239 : vector<16xi32>
      tpu.vector_store_idx %arg7[%add3A_301, %broadcast_in_dim3A_2237], %add3A_2240 : memref<64x128xi32, #tpu.memory_space<vmem>>[vector<16xi32>, vector<16xi32>], vector<16xi32>,
      %add3A_2241 = arith.constant 0 : i32
      %add3A_2242 = vector.broadcast %add3A_2241 : i32 to vector<16xi32>
      %add3A_2243 = arith.addi %mul3A_2235, %add3A_2242 : vector<16xi32>
      tpu.vector_store_idx %arg8[%add3A_301, %broadcast_in_dim3A_2237], %add3A_2243 : memref<64x128xi32, #tpu.memory_space<vmem>>[vector<16xi32>, vector<16xi32>], vector<16xi32>,
      %broadcast_in_dim3A_2244 = arith.constant 93 : i32
      %broadcast_in_dim3A_2245 = vector.broadcast %broadcast_in_dim3A_2244 : i32 to vector<16xi32>
      %add3A_2246 = arith.constant 1 : i32
      %add3A_2247 = vector.broadcast %add3A_2246 : i32 to vector<16xi32>
      %add3A_2248 = arith.addi %mul3A_2232, %add3A_2247 : vector<16xi32>
      tpu.vector_store_idx %arg7[%add3A_301, %broadcast_in_dim3A_2245], %add3A_2248 : memref<64x128xi32, #tpu.memory_space<vmem>>[vector<16xi32>, vector<16xi32>], vector<16xi32>,
      %add3A_2249 = arith.constant 1 : i32
      %add3A_2250 = vector.broadcast %add3A_2249 : i32 to vector<16xi32>
      %add3A_2251 = arith.addi %mul3A_2235, %add3A_2250 : vector<16xi32>
      tpu.vector_store_idx %arg8[%add3A_301, %broadcast_in_dim3A_2245], %add3A_2251 : memref<64x128xi32, #tpu.memory_space<vmem>>[vector<16xi32>, vector<16xi32>], vector<16xi32>,
      %broadcast_in_dim3A_2252 = arith.constant 94 : i32
      %broadcast_in_dim3A_2253 = vector.broadcast %broadcast_in_dim3A_2252 : i32 to vector<16xi32>
      %add3A_2254 = arith.constant 2 : i32
      %add3A_2255 = vector.broadcast %add3A_2254 : i32 to vector<16xi32>
      %add3A_2256 = arith.addi %mul3A_2232, %add3A_2255 : vector<16xi32>
      tpu.vector_store_idx %arg7[%add3A_301, %broadcast_in_dim3A_2253], %add3A_2256 : memref<64x128xi32, #tpu.memory_space<vmem>>[vector<16xi32>, vector<16xi32>], vector<16xi32>,
      %add3A_2257 = arith.constant 2 : i32
      %add3A_2258 = vector.broadcast %add3A_2257 : i32 to vector<16xi32>
      %add3A_2259 = arith.addi %mul3A_2235, %add3A_2258 : vector<16xi32>
      tpu.vector_store_idx %arg8[%add3A_301, %broadcast_in_dim3A_2253], %add3A_2259 : memref<64x128xi32, #tpu.memory_space<vmem>>[vector<16xi32>, vector<16xi32>], vector<16xi32>,
      %broadcast_in_dim3A_2260 = arith.constant 95 : i32
      %broadcast_in_dim3A_2261 = vector.broadcast %broadcast_in_dim3A_2260 : i32 to vector<16xi32>
      %add3A_2262 = arith.constant 3 : i32
      %add3A_2263 = vector.broadcast %add3A_2262 : i32 to vector<16xi32>
      %add3A_2264 = arith.addi %mul3A_2232, %add3A_2263 : vector<16xi32>
      tpu.vector_store_idx %arg7[%add3A_301, %broadcast_in_dim3A_2261], %add3A_2264 : memref<64x128xi32, #tpu.memory_space<vmem>>[vector<16xi32>, vector<16xi32>], vector<16xi32>,
      %add3A_2265 = arith.constant 3 : i32
      %add3A_2266 = vector.broadcast %add3A_2265 : i32 to vector<16xi32>
      %add3A_2267 = arith.addi %mul3A_2235, %add3A_2266 : vector<16xi32>
      tpu.vector_store_idx %arg8[%add3A_301, %broadcast_in_dim3A_2261], %add3A_2267 : memref<64x128xi32, #tpu.memory_space<vmem>>[vector<16xi32>, vector<16xi32>], vector<16xi32>,
      %mul3A_2268 = arith.constant 4 : i32
      %mul3A_2269 = vector.broadcast %mul3A_2268 : i32 to vector<16xi32>
      %mul3A_2270 = arith.muli %gather3A_268, %mul3A_2269 : vector<16xi32>
      %mul3A_2271 = arith.constant 4 : i32
      %mul3A_2272 = vector.broadcast %mul3A_2271 : i32 to vector<16xi32>
      %mul3A_2273 = arith.muli %select_n3A_949, %mul3A_2272 : vector<16xi32>
      %broadcast_in_dim3A_2274 = arith.constant 96 : i32
      %broadcast_in_dim3A_2275 = vector.broadcast %broadcast_in_dim3A_2274 : i32 to vector<16xi32>
      %add3A_2276 = arith.constant 0 : i32
      %add3A_2277 = vector.broadcast %add3A_2276 : i32 to vector<16xi32>
      %add3A_2278 = arith.addi %mul3A_2270, %add3A_2277 : vector<16xi32>
      tpu.vector_store_idx %arg7[%add3A_301, %broadcast_in_dim3A_2275], %add3A_2278 : memref<64x128xi32, #tpu.memory_space<vmem>>[vector<16xi32>, vector<16xi32>], vector<16xi32>,
      %add3A_2279 = arith.constant 0 : i32
      %add3A_2280 = vector.broadcast %add3A_2279 : i32 to vector<16xi32>
      %add3A_2281 = arith.addi %mul3A_2273, %add3A_2280 : vector<16xi32>
      tpu.vector_store_idx %arg8[%add3A_301, %broadcast_in_dim3A_2275], %add3A_2281 : memref<64x128xi32, #tpu.memory_space<vmem>>[vector<16xi32>, vector<16xi32>], vector<16xi32>,
      %broadcast_in_dim3A_2282 = arith.constant 97 : i32
      %broadcast_in_dim3A_2283 = vector.broadcast %broadcast_in_dim3A_2282 : i32 to vector<16xi32>
      %add3A_2284 = arith.constant 1 : i32
      %add3A_2285 = vector.broadcast %add3A_2284 : i32 to vector<16xi32>
      %add3A_2286 = arith.addi %mul3A_2270, %add3A_2285 : vector<16xi32>
      tpu.vector_store_idx %arg7[%add3A_301, %broadcast_in_dim3A_2283], %add3A_2286 : memref<64x128xi32, #tpu.memory_space<vmem>>[vector<16xi32>, vector<16xi32>], vector<16xi32>,
      %add3A_2287 = arith.constant 1 : i32
      %add3A_2288 = vector.broadcast %add3A_2287 : i32 to vector<16xi32>
      %add3A_2289 = arith.addi %mul3A_2273, %add3A_2288 : vector<16xi32>
      tpu.vector_store_idx %arg8[%add3A_301, %broadcast_in_dim3A_2283], %add3A_2289 : memref<64x128xi32, #tpu.memory_space<vmem>>[vector<16xi32>, vector<16xi32>], vector<16xi32>,
      %broadcast_in_dim3A_2290 = arith.constant 98 : i32
      %broadcast_in_dim3A_2291 = vector.broadcast %broadcast_in_dim3A_2290 : i32 to vector<16xi32>
      %add3A_2292 = arith.constant 2 : i32
      %add3A_2293 = vector.broadcast %add3A_2292 : i32 to vector<16xi32>
      %add3A_2294 = arith.addi %mul3A_2270, %add3A_2293 : vector<16xi32>
      tpu.vector_store_idx %arg7[%add3A_301, %broadcast_in_dim3A_2291], %add3A_2294 : memref<64x128xi32, #tpu.memory_space<vmem>>[vector<16xi32>, vector<16xi32>], vector<16xi32>,
      %add3A_2295 = arith.constant 2 : i32
      %add3A_2296 = vector.broadcast %add3A_2295 : i32 to vector<16xi32>
      %add3A_2297 = arith.addi %mul3A_2273, %add3A_2296 : vector<16xi32>
      tpu.vector_store_idx %arg8[%add3A_301, %broadcast_in_dim3A_2291], %add3A_2297 : memref<64x128xi32, #tpu.memory_space<vmem>>[vector<16xi32>, vector<16xi32>], vector<16xi32>,
      %broadcast_in_dim3A_2298 = arith.constant 99 : i32
      %broadcast_in_dim3A_2299 = vector.broadcast %broadcast_in_dim3A_2298 : i32 to vector<16xi32>
      %add3A_2300 = arith.constant 3 : i32
      %add3A_2301 = vector.broadcast %add3A_2300 : i32 to vector<16xi32>
      %add3A_2302 = arith.addi %mul3A_2270, %add3A_2301 : vector<16xi32>
      tpu.vector_store_idx %arg7[%add3A_301, %broadcast_in_dim3A_2299], %add3A_2302 : memref<64x128xi32, #tpu.memory_space<vmem>>[vector<16xi32>, vector<16xi32>], vector<16xi32>,
      %add3A_2303 = arith.constant 3 : i32
      %add3A_2304 = vector.broadcast %add3A_2303 : i32 to vector<16xi32>
      %add3A_2305 = arith.addi %mul3A_2273, %add3A_2304 : vector<16xi32>
      tpu.vector_store_idx %arg8[%add3A_301, %broadcast_in_dim3A_2299], %add3A_2305 : memref<64x128xi32, #tpu.memory_space<vmem>>[vector<16xi32>, vector<16xi32>], vector<16xi32>,
      %mul3A_2306 = arith.constant 4 : i32
      %mul3A_2307 = vector.broadcast %mul3A_2306 : i32 to vector<16xi32>
      %mul3A_2308 = arith.muli %gather3A_272, %mul3A_2307 : vector<16xi32>
      %mul3A_2309 = arith.constant 4 : i32
      %mul3A_2310 = vector.broadcast %mul3A_2309 : i32 to vector<16xi32>
      %mul3A_2311 = arith.muli %select_n3A_1001, %mul3A_2310 : vector<16xi32>
      %broadcast_in_dim3A_2312 = arith.constant 100 : i32
      %broadcast_in_dim3A_2313 = vector.broadcast %broadcast_in_dim3A_2312 : i32 to vector<16xi32>
      %add3A_2314 = arith.constant 0 : i32
      %add3A_2315 = vector.broadcast %add3A_2314 : i32 to vector<16xi32>
      %add3A_2316 = arith.addi %mul3A_2308, %add3A_2315 : vector<16xi32>
      tpu.vector_store_idx %arg7[%add3A_301, %broadcast_in_dim3A_2313], %add3A_2316 : memref<64x128xi32, #tpu.memory_space<vmem>>[vector<16xi32>, vector<16xi32>], vector<16xi32>,
      %add3A_2317 = arith.constant 0 : i32
      %add3A_2318 = vector.broadcast %add3A_2317 : i32 to vector<16xi32>
      %add3A_2319 = arith.addi %mul3A_2311, %add3A_2318 : vector<16xi32>
      tpu.vector_store_idx %arg8[%add3A_301, %broadcast_in_dim3A_2313], %add3A_2319 : memref<64x128xi32, #tpu.memory_space<vmem>>[vector<16xi32>, vector<16xi32>], vector<16xi32>,
      %broadcast_in_dim3A_2320 = arith.constant 101 : i32
      %broadcast_in_dim3A_2321 = vector.broadcast %broadcast_in_dim3A_2320 : i32 to vector<16xi32>
      %add3A_2322 = arith.constant 1 : i32
      %add3A_2323 = vector.broadcast %add3A_2322 : i32 to vector<16xi32>
      %add3A_2324 = arith.addi %mul3A_2308, %add3A_2323 : vector<16xi32>
      tpu.vector_store_idx %arg7[%add3A_301, %broadcast_in_dim3A_2321], %add3A_2324 : memref<64x128xi32, #tpu.memory_space<vmem>>[vector<16xi32>, vector<16xi32>], vector<16xi32>,
      %add3A_2325 = arith.constant 1 : i32
      %add3A_2326 = vector.broadcast %add3A_2325 : i32 to vector<16xi32>
      %add3A_2327 = arith.addi %mul3A_2311, %add3A_2326 : vector<16xi32>
      tpu.vector_store_idx %arg8[%add3A_301, %broadcast_in_dim3A_2321], %add3A_2327 : memref<64x128xi32, #tpu.memory_space<vmem>>[vector<16xi32>, vector<16xi32>], vector<16xi32>,
      %broadcast_in_dim3A_2328 = arith.constant 102 : i32
      %broadcast_in_dim3A_2329 = vector.broadcast %broadcast_in_dim3A_2328 : i32 to vector<16xi32>
      %add3A_2330 = arith.constant 2 : i32
      %add3A_2331 = vector.broadcast %add3A_2330 : i32 to vector<16xi32>
      %add3A_2332 = arith.addi %mul3A_2308, %add3A_2331 : vector<16xi32>
      tpu.vector_store_idx %arg7[%add3A_301, %broadcast_in_dim3A_2329], %add3A_2332 : memref<64x128xi32, #tpu.memory_space<vmem>>[vector<16xi32>, vector<16xi32>], vector<16xi32>,
      %add3A_2333 = arith.constant 2 : i32
      %add3A_2334 = vector.broadcast %add3A_2333 : i32 to vector<16xi32>
      %add3A_2335 = arith.addi %mul3A_2311, %add3A_2334 : vector<16xi32>
      tpu.vector_store_idx %arg8[%add3A_301, %broadcast_in_dim3A_2329], %add3A_2335 : memref<64x128xi32, #tpu.memory_space<vmem>>[vector<16xi32>, vector<16xi32>], vector<16xi32>,
      %broadcast_in_dim3A_2336 = arith.constant 103 : i32
      %broadcast_in_dim3A_2337 = vector.broadcast %broadcast_in_dim3A_2336 : i32 to vector<16xi32>
      %add3A_2338 = arith.constant 3 : i32
      %add3A_2339 = vector.broadcast %add3A_2338 : i32 to vector<16xi32>
      %add3A_2340 = arith.addi %mul3A_2308, %add3A_2339 : vector<16xi32>
      tpu.vector_store_idx %arg7[%add3A_301, %broadcast_in_dim3A_2337], %add3A_2340 : memref<64x128xi32, #tpu.memory_space<vmem>>[vector<16xi32>, vector<16xi32>], vector<16xi32>,
      %add3A_2341 = arith.constant 3 : i32
      %add3A_2342 = vector.broadcast %add3A_2341 : i32 to vector<16xi32>
      %add3A_2343 = arith.addi %mul3A_2311, %add3A_2342 : vector<16xi32>
      tpu.vector_store_idx %arg8[%add3A_301, %broadcast_in_dim3A_2337], %add3A_2343 : memref<64x128xi32, #tpu.memory_space<vmem>>[vector<16xi32>, vector<16xi32>], vector<16xi32>,
      %mul3A_2344 = arith.constant 4 : i32
      %mul3A_2345 = vector.broadcast %mul3A_2344 : i32 to vector<16xi32>
      %mul3A_2346 = arith.muli %gather3A_276, %mul3A_2345 : vector<16xi32>
      %mul3A_2347 = arith.constant 4 : i32
      %mul3A_2348 = vector.broadcast %mul3A_2347 : i32 to vector<16xi32>
      %mul3A_2349 = arith.muli %select_n3A_1055, %mul3A_2348 : vector<16xi32>
      %broadcast_in_dim3A_2350 = arith.constant 104 : i32
      %broadcast_in_dim3A_2351 = vector.broadcast %broadcast_in_dim3A_2350 : i32 to vector<16xi32>
      %add3A_2352 = arith.constant 0 : i32
      %add3A_2353 = vector.broadcast %add3A_2352 : i32 to vector<16xi32>
      %add3A_2354 = arith.addi %mul3A_2346, %add3A_2353 : vector<16xi32>
      tpu.vector_store_idx %arg7[%add3A_301, %broadcast_in_dim3A_2351], %add3A_2354 : memref<64x128xi32, #tpu.memory_space<vmem>>[vector<16xi32>, vector<16xi32>], vector<16xi32>,
      %add3A_2355 = arith.constant 0 : i32
      %add3A_2356 = vector.broadcast %add3A_2355 : i32 to vector<16xi32>
      %add3A_2357 = arith.addi %mul3A_2349, %add3A_2356 : vector<16xi32>
      tpu.vector_store_idx %arg8[%add3A_301, %broadcast_in_dim3A_2351], %add3A_2357 : memref<64x128xi32, #tpu.memory_space<vmem>>[vector<16xi32>, vector<16xi32>], vector<16xi32>,
      %broadcast_in_dim3A_2358 = arith.constant 105 : i32
      %broadcast_in_dim3A_2359 = vector.broadcast %broadcast_in_dim3A_2358 : i32 to vector<16xi32>
      %add3A_2360 = arith.constant 1 : i32
      %add3A_2361 = vector.broadcast %add3A_2360 : i32 to vector<16xi32>
      %add3A_2362 = arith.addi %mul3A_2346, %add3A_2361 : vector<16xi32>
      tpu.vector_store_idx %arg7[%add3A_301, %broadcast_in_dim3A_2359], %add3A_2362 : memref<64x128xi32, #tpu.memory_space<vmem>>[vector<16xi32>, vector<16xi32>], vector<16xi32>,
      %add3A_2363 = arith.constant 1 : i32
      %add3A_2364 = vector.broadcast %add3A_2363 : i32 to vector<16xi32>
      %add3A_2365 = arith.addi %mul3A_2349, %add3A_2364 : vector<16xi32>
      tpu.vector_store_idx %arg8[%add3A_301, %broadcast_in_dim3A_2359], %add3A_2365 : memref<64x128xi32, #tpu.memory_space<vmem>>[vector<16xi32>, vector<16xi32>], vector<16xi32>,
      %broadcast_in_dim3A_2366 = arith.constant 106 : i32
      %broadcast_in_dim3A_2367 = vector.broadcast %broadcast_in_dim3A_2366 : i32 to vector<16xi32>
      %add3A_2368 = arith.constant 2 : i32
      %add3A_2369 = vector.broadcast %add3A_2368 : i32 to vector<16xi32>
      %add3A_2370 = arith.addi %mul3A_2346, %add3A_2369 : vector<16xi32>
      tpu.vector_store_idx %arg7[%add3A_301, %broadcast_in_dim3A_2367], %add3A_2370 : memref<64x128xi32, #tpu.memory_space<vmem>>[vector<16xi32>, vector<16xi32>], vector<16xi32>,
      %add3A_2371 = arith.constant 2 : i32
      %add3A_2372 = vector.broadcast %add3A_2371 : i32 to vector<16xi32>
      %add3A_2373 = arith.addi %mul3A_2349, %add3A_2372 : vector<16xi32>
      tpu.vector_store_idx %arg8[%add3A_301, %broadcast_in_dim3A_2367], %add3A_2373 : memref<64x128xi32, #tpu.memory_space<vmem>>[vector<16xi32>, vector<16xi32>], vector<16xi32>,
      %broadcast_in_dim3A_2374 = arith.constant 107 : i32
      %broadcast_in_dim3A_2375 = vector.broadcast %broadcast_in_dim3A_2374 : i32 to vector<16xi32>
      %add3A_2376 = arith.constant 3 : i32
      %add3A_2377 = vector.broadcast %add3A_2376 : i32 to vector<16xi32>
      %add3A_2378 = arith.addi %mul3A_2346, %add3A_2377 : vector<16xi32>
      tpu.vector_store_idx %arg7[%add3A_301, %broadcast_in_dim3A_2375], %add3A_2378 : memref<64x128xi32, #tpu.memory_space<vmem>>[vector<16xi32>, vector<16xi32>], vector<16xi32>,
      %add3A_2379 = arith.constant 3 : i32
      %add3A_2380 = vector.broadcast %add3A_2379 : i32 to vector<16xi32>
      %add3A_2381 = arith.addi %mul3A_2349, %add3A_2380 : vector<16xi32>
      tpu.vector_store_idx %arg8[%add3A_301, %broadcast_in_dim3A_2375], %add3A_2381 : memref<64x128xi32, #tpu.memory_space<vmem>>[vector<16xi32>, vector<16xi32>], vector<16xi32>,
      %mul3A_2382 = arith.constant 4 : i32
      %mul3A_2383 = vector.broadcast %mul3A_2382 : i32 to vector<16xi32>
      %mul3A_2384 = arith.muli %gather3A_280, %mul3A_2383 : vector<16xi32>
      %mul3A_2385 = arith.constant 4 : i32
      %mul3A_2386 = vector.broadcast %mul3A_2385 : i32 to vector<16xi32>
      %mul3A_2387 = arith.muli %select_n3A_1111, %mul3A_2386 : vector<16xi32>
      %broadcast_in_dim3A_2388 = arith.constant 108 : i32
      %broadcast_in_dim3A_2389 = vector.broadcast %broadcast_in_dim3A_2388 : i32 to vector<16xi32>
      %add3A_2390 = arith.constant 0 : i32
      %add3A_2391 = vector.broadcast %add3A_2390 : i32 to vector<16xi32>
      %add3A_2392 = arith.addi %mul3A_2384, %add3A_2391 : vector<16xi32>
      tpu.vector_store_idx %arg7[%add3A_301, %broadcast_in_dim3A_2389], %add3A_2392 : memref<64x128xi32, #tpu.memory_space<vmem>>[vector<16xi32>, vector<16xi32>], vector<16xi32>,
      %add3A_2393 = arith.constant 0 : i32
      %add3A_2394 = vector.broadcast %add3A_2393 : i32 to vector<16xi32>
      %add3A_2395 = arith.addi %mul3A_2387, %add3A_2394 : vector<16xi32>
      tpu.vector_store_idx %arg8[%add3A_301, %broadcast_in_dim3A_2389], %add3A_2395 : memref<64x128xi32, #tpu.memory_space<vmem>>[vector<16xi32>, vector<16xi32>], vector<16xi32>,
      %broadcast_in_dim3A_2396 = arith.constant 109 : i32
      %broadcast_in_dim3A_2397 = vector.broadcast %broadcast_in_dim3A_2396 : i32 to vector<16xi32>
      %add3A_2398 = arith.constant 1 : i32
      %add3A_2399 = vector.broadcast %add3A_2398 : i32 to vector<16xi32>
      %add3A_2400 = arith.addi %mul3A_2384, %add3A_2399 : vector<16xi32>
      tpu.vector_store_idx %arg7[%add3A_301, %broadcast_in_dim3A_2397], %add3A_2400 : memref<64x128xi32, #tpu.memory_space<vmem>>[vector<16xi32>, vector<16xi32>], vector<16xi32>,
      %add3A_2401 = arith.constant 1 : i32
      %add3A_2402 = vector.broadcast %add3A_2401 : i32 to vector<16xi32>
      %add3A_2403 = arith.addi %mul3A_2387, %add3A_2402 : vector<16xi32>
      tpu.vector_store_idx %arg8[%add3A_301, %broadcast_in_dim3A_2397], %add3A_2403 : memref<64x128xi32, #tpu.memory_space<vmem>>[vector<16xi32>, vector<16xi32>], vector<16xi32>,
      %broadcast_in_dim3A_2404 = arith.constant 110 : i32
      %broadcast_in_dim3A_2405 = vector.broadcast %broadcast_in_dim3A_2404 : i32 to vector<16xi32>
      %add3A_2406 = arith.constant 2 : i32
      %add3A_2407 = vector.broadcast %add3A_2406 : i32 to vector<16xi32>
      %add3A_2408 = arith.addi %mul3A_2384, %add3A_2407 : vector<16xi32>
      tpu.vector_store_idx %arg7[%add3A_301, %broadcast_in_dim3A_2405], %add3A_2408 : memref<64x128xi32, #tpu.memory_space<vmem>>[vector<16xi32>, vector<16xi32>], vector<16xi32>,
      %add3A_2409 = arith.constant 2 : i32
      %add3A_2410 = vector.broadcast %add3A_2409 : i32 to vector<16xi32>
      %add3A_2411 = arith.addi %mul3A_2387, %add3A_2410 : vector<16xi32>
      tpu.vector_store_idx %arg8[%add3A_301, %broadcast_in_dim3A_2405], %add3A_2411 : memref<64x128xi32, #tpu.memory_space<vmem>>[vector<16xi32>, vector<16xi32>], vector<16xi32>,
      %broadcast_in_dim3A_2412 = arith.constant 111 : i32
      %broadcast_in_dim3A_2413 = vector.broadcast %broadcast_in_dim3A_2412 : i32 to vector<16xi32>
      %add3A_2414 = arith.constant 3 : i32
      %add3A_2415 = vector.broadcast %add3A_2414 : i32 to vector<16xi32>
      %add3A_2416 = arith.addi %mul3A_2384, %add3A_2415 : vector<16xi32>
      tpu.vector_store_idx %arg7[%add3A_301, %broadcast_in_dim3A_2413], %add3A_2416 : memref<64x128xi32, #tpu.memory_space<vmem>>[vector<16xi32>, vector<16xi32>], vector<16xi32>,
      %add3A_2417 = arith.constant 3 : i32
      %add3A_2418 = vector.broadcast %add3A_2417 : i32 to vector<16xi32>
      %add3A_2419 = arith.addi %mul3A_2387, %add3A_2418 : vector<16xi32>
      tpu.vector_store_idx %arg8[%add3A_301, %broadcast_in_dim3A_2413], %add3A_2419 : memref<64x128xi32, #tpu.memory_space<vmem>>[vector<16xi32>, vector<16xi32>], vector<16xi32>,
      %mul3A_2420 = arith.constant 4 : i32
      %mul3A_2421 = vector.broadcast %mul3A_2420 : i32 to vector<16xi32>
      %mul3A_2422 = arith.muli %gather3A_284, %mul3A_2421 : vector<16xi32>
      %mul3A_2423 = arith.constant 4 : i32
      %mul3A_2424 = vector.broadcast %mul3A_2423 : i32 to vector<16xi32>
      %mul3A_2425 = arith.muli %select_n3A_1169, %mul3A_2424 : vector<16xi32>
      %broadcast_in_dim3A_2426 = arith.constant 112 : i32
      %broadcast_in_dim3A_2427 = vector.broadcast %broadcast_in_dim3A_2426 : i32 to vector<16xi32>
      %add3A_2428 = arith.constant 0 : i32
      %add3A_2429 = vector.broadcast %add3A_2428 : i32 to vector<16xi32>
      %add3A_2430 = arith.addi %mul3A_2422, %add3A_2429 : vector<16xi32>
      tpu.vector_store_idx %arg7[%add3A_301, %broadcast_in_dim3A_2427], %add3A_2430 : memref<64x128xi32, #tpu.memory_space<vmem>>[vector<16xi32>, vector<16xi32>], vector<16xi32>,
      %add3A_2431 = arith.constant 0 : i32
      %add3A_2432 = vector.broadcast %add3A_2431 : i32 to vector<16xi32>
      %add3A_2433 = arith.addi %mul3A_2425, %add3A_2432 : vector<16xi32>
      tpu.vector_store_idx %arg8[%add3A_301, %broadcast_in_dim3A_2427], %add3A_2433 : memref<64x128xi32, #tpu.memory_space<vmem>>[vector<16xi32>, vector<16xi32>], vector<16xi32>,
      %broadcast_in_dim3A_2434 = arith.constant 113 : i32
      %broadcast_in_dim3A_2435 = vector.broadcast %broadcast_in_dim3A_2434 : i32 to vector<16xi32>
      %add3A_2436 = arith.constant 1 : i32
      %add3A_2437 = vector.broadcast %add3A_2436 : i32 to vector<16xi32>
      %add3A_2438 = arith.addi %mul3A_2422, %add3A_2437 : vector<16xi32>
      tpu.vector_store_idx %arg7[%add3A_301, %broadcast_in_dim3A_2435], %add3A_2438 : memref<64x128xi32, #tpu.memory_space<vmem>>[vector<16xi32>, vector<16xi32>], vector<16xi32>,
      %add3A_2439 = arith.constant 1 : i32
      %add3A_2440 = vector.broadcast %add3A_2439 : i32 to vector<16xi32>
      %add3A_2441 = arith.addi %mul3A_2425, %add3A_2440 : vector<16xi32>
      tpu.vector_store_idx %arg8[%add3A_301, %broadcast_in_dim3A_2435], %add3A_2441 : memref<64x128xi32, #tpu.memory_space<vmem>>[vector<16xi32>, vector<16xi32>], vector<16xi32>,
      %broadcast_in_dim3A_2442 = arith.constant 114 : i32
      %broadcast_in_dim3A_2443 = vector.broadcast %broadcast_in_dim3A_2442 : i32 to vector<16xi32>
      %add3A_2444 = arith.constant 2 : i32
      %add3A_2445 = vector.broadcast %add3A_2444 : i32 to vector<16xi32>
      %add3A_2446 = arith.addi %mul3A_2422, %add3A_2445 : vector<16xi32>
      tpu.vector_store_idx %arg7[%add3A_301, %broadcast_in_dim3A_2443], %add3A_2446 : memref<64x128xi32, #tpu.memory_space<vmem>>[vector<16xi32>, vector<16xi32>], vector<16xi32>,
      %add3A_2447 = arith.constant 2 : i32
      %add3A_2448 = vector.broadcast %add3A_2447 : i32 to vector<16xi32>
      %add3A_2449 = arith.addi %mul3A_2425, %add3A_2448 : vector<16xi32>
      tpu.vector_store_idx %arg8[%add3A_301, %broadcast_in_dim3A_2443], %add3A_2449 : memref<64x128xi32, #tpu.memory_space<vmem>>[vector<16xi32>, vector<16xi32>], vector<16xi32>,
      %broadcast_in_dim3A_2450 = arith.constant 115 : i32
      %broadcast_in_dim3A_2451 = vector.broadcast %broadcast_in_dim3A_2450 : i32 to vector<16xi32>
      %add3A_2452 = arith.constant 3 : i32
      %add3A_2453 = vector.broadcast %add3A_2452 : i32 to vector<16xi32>
      %add3A_2454 = arith.addi %mul3A_2422, %add3A_2453 : vector<16xi32>
      tpu.vector_store_idx %arg7[%add3A_301, %broadcast_in_dim3A_2451], %add3A_2454 : memref<64x128xi32, #tpu.memory_space<vmem>>[vector<16xi32>, vector<16xi32>], vector<16xi32>,
      %add3A_2455 = arith.constant 3 : i32
      %add3A_2456 = vector.broadcast %add3A_2455 : i32 to vector<16xi32>
      %add3A_2457 = arith.addi %mul3A_2425, %add3A_2456 : vector<16xi32>
      tpu.vector_store_idx %arg8[%add3A_301, %broadcast_in_dim3A_2451], %add3A_2457 : memref<64x128xi32, #tpu.memory_space<vmem>>[vector<16xi32>, vector<16xi32>], vector<16xi32>,
      %mul3A_2458 = arith.constant 4 : i32
      %mul3A_2459 = vector.broadcast %mul3A_2458 : i32 to vector<16xi32>
      %mul3A_2460 = arith.muli %gather3A_288, %mul3A_2459 : vector<16xi32>
      %mul3A_2461 = arith.constant 4 : i32
      %mul3A_2462 = vector.broadcast %mul3A_2461 : i32 to vector<16xi32>
      %mul3A_2463 = arith.muli %select_n3A_1229, %mul3A_2462 : vector<16xi32>
      %broadcast_in_dim3A_2464 = arith.constant 116 : i32
      %broadcast_in_dim3A_2465 = vector.broadcast %broadcast_in_dim3A_2464 : i32 to vector<16xi32>
      %add3A_2466 = arith.constant 0 : i32
      %add3A_2467 = vector.broadcast %add3A_2466 : i32 to vector<16xi32>
      %add3A_2468 = arith.addi %mul3A_2460, %add3A_2467 : vector<16xi32>
      tpu.vector_store_idx %arg7[%add3A_301, %broadcast_in_dim3A_2465], %add3A_2468 : memref<64x128xi32, #tpu.memory_space<vmem>>[vector<16xi32>, vector<16xi32>], vector<16xi32>,
      %add3A_2469 = arith.constant 0 : i32
      %add3A_2470 = vector.broadcast %add3A_2469 : i32 to vector<16xi32>
      %add3A_2471 = arith.addi %mul3A_2463, %add3A_2470 : vector<16xi32>
      tpu.vector_store_idx %arg8[%add3A_301, %broadcast_in_dim3A_2465], %add3A_2471 : memref<64x128xi32, #tpu.memory_space<vmem>>[vector<16xi32>, vector<16xi32>], vector<16xi32>,
      %broadcast_in_dim3A_2472 = arith.constant 117 : i32
      %broadcast_in_dim3A_2473 = vector.broadcast %broadcast_in_dim3A_2472 : i32 to vector<16xi32>
      %add3A_2474 = arith.constant 1 : i32
      %add3A_2475 = vector.broadcast %add3A_2474 : i32 to vector<16xi32>
      %add3A_2476 = arith.addi %mul3A_2460, %add3A_2475 : vector<16xi32>
      tpu.vector_store_idx %arg7[%add3A_301, %broadcast_in_dim3A_2473], %add3A_2476 : memref<64x128xi32, #tpu.memory_space<vmem>>[vector<16xi32>, vector<16xi32>], vector<16xi32>,
      %add3A_2477 = arith.constant 1 : i32
      %add3A_2478 = vector.broadcast %add3A_2477 : i32 to vector<16xi32>
      %add3A_2479 = arith.addi %mul3A_2463, %add3A_2478 : vector<16xi32>
      tpu.vector_store_idx %arg8[%add3A_301, %broadcast_in_dim3A_2473], %add3A_2479 : memref<64x128xi32, #tpu.memory_space<vmem>>[vector<16xi32>, vector<16xi32>], vector<16xi32>,
      %broadcast_in_dim3A_2480 = arith.constant 118 : i32
      %broadcast_in_dim3A_2481 = vector.broadcast %broadcast_in_dim3A_2480 : i32 to vector<16xi32>
      %add3A_2482 = arith.constant 2 : i32
      %add3A_2483 = vector.broadcast %add3A_2482 : i32 to vector<16xi32>
      %add3A_2484 = arith.addi %mul3A_2460, %add3A_2483 : vector<16xi32>
      tpu.vector_store_idx %arg7[%add3A_301, %broadcast_in_dim3A_2481], %add3A_2484 : memref<64x128xi32, #tpu.memory_space<vmem>>[vector<16xi32>, vector<16xi32>], vector<16xi32>,
      %add3A_2485 = arith.constant 2 : i32
      %add3A_2486 = vector.broadcast %add3A_2485 : i32 to vector<16xi32>
      %add3A_2487 = arith.addi %mul3A_2463, %add3A_2486 : vector<16xi32>
      tpu.vector_store_idx %arg8[%add3A_301, %broadcast_in_dim3A_2481], %add3A_2487 : memref<64x128xi32, #tpu.memory_space<vmem>>[vector<16xi32>, vector<16xi32>], vector<16xi32>,
      %broadcast_in_dim3A_2488 = arith.constant 119 : i32
      %broadcast_in_dim3A_2489 = vector.broadcast %broadcast_in_dim3A_2488 : i32 to vector<16xi32>
      %add3A_2490 = arith.constant 3 : i32
      %add3A_2491 = vector.broadcast %add3A_2490 : i32 to vector<16xi32>
      %add3A_2492 = arith.addi %mul3A_2460, %add3A_2491 : vector<16xi32>
      tpu.vector_store_idx %arg7[%add3A_301, %broadcast_in_dim3A_2489], %add3A_2492 : memref<64x128xi32, #tpu.memory_space<vmem>>[vector<16xi32>, vector<16xi32>], vector<16xi32>,
      %add3A_2493 = arith.constant 3 : i32
      %add3A_2494 = vector.broadcast %add3A_2493 : i32 to vector<16xi32>
      %add3A_2495 = arith.addi %mul3A_2463, %add3A_2494 : vector<16xi32>
      tpu.vector_store_idx %arg8[%add3A_301, %broadcast_in_dim3A_2489], %add3A_2495 : memref<64x128xi32, #tpu.memory_space<vmem>>[vector<16xi32>, vector<16xi32>], vector<16xi32>,
      %mul3A_2496 = arith.constant 4 : i32
      %mul3A_2497 = vector.broadcast %mul3A_2496 : i32 to vector<16xi32>
      %mul3A_2498 = arith.muli %gather3A_292, %mul3A_2497 : vector<16xi32>
      %mul3A_2499 = arith.constant 4 : i32
      %mul3A_2500 = vector.broadcast %mul3A_2499 : i32 to vector<16xi32>
      %mul3A_2501 = arith.muli %select_n3A_1291, %mul3A_2500 : vector<16xi32>
      %broadcast_in_dim3A_2502 = arith.constant 120 : i32
      %broadcast_in_dim3A_2503 = vector.broadcast %broadcast_in_dim3A_2502 : i32 to vector<16xi32>
      %add3A_2504 = arith.constant 0 : i32
      %add3A_2505 = vector.broadcast %add3A_2504 : i32 to vector<16xi32>
      %add3A_2506 = arith.addi %mul3A_2498, %add3A_2505 : vector<16xi32>
      tpu.vector_store_idx %arg7[%add3A_301, %broadcast_in_dim3A_2503], %add3A_2506 : memref<64x128xi32, #tpu.memory_space<vmem>>[vector<16xi32>, vector<16xi32>], vector<16xi32>,
      %add3A_2507 = arith.constant 0 : i32
      %add3A_2508 = vector.broadcast %add3A_2507 : i32 to vector<16xi32>
      %add3A_2509 = arith.addi %mul3A_2501, %add3A_2508 : vector<16xi32>
      tpu.vector_store_idx %arg8[%add3A_301, %broadcast_in_dim3A_2503], %add3A_2509 : memref<64x128xi32, #tpu.memory_space<vmem>>[vector<16xi32>, vector<16xi32>], vector<16xi32>,
      %broadcast_in_dim3A_2510 = arith.constant 121 : i32
      %broadcast_in_dim3A_2511 = vector.broadcast %broadcast_in_dim3A_2510 : i32 to vector<16xi32>
      %add3A_2512 = arith.constant 1 : i32
      %add3A_2513 = vector.broadcast %add3A_2512 : i32 to vector<16xi32>
      %add3A_2514 = arith.addi %mul3A_2498, %add3A_2513 : vector<16xi32>
      tpu.vector_store_idx %arg7[%add3A_301, %broadcast_in_dim3A_2511], %add3A_2514 : memref<64x128xi32, #tpu.memory_space<vmem>>[vector<16xi32>, vector<16xi32>], vector<16xi32>,
      %add3A_2515 = arith.constant 1 : i32
      %add3A_2516 = vector.broadcast %add3A_2515 : i32 to vector<16xi32>
      %add3A_2517 = arith.addi %mul3A_2501, %add3A_2516 : vector<16xi32>
      tpu.vector_store_idx %arg8[%add3A_301, %broadcast_in_dim3A_2511], %add3A_2517 : memref<64x128xi32, #tpu.memory_space<vmem>>[vector<16xi32>, vector<16xi32>], vector<16xi32>,
      %broadcast_in_dim3A_2518 = arith.constant 122 : i32
      %broadcast_in_dim3A_2519 = vector.broadcast %broadcast_in_dim3A_2518 : i32 to vector<16xi32>
      %add3A_2520 = arith.constant 2 : i32
      %add3A_2521 = vector.broadcast %add3A_2520 : i32 to vector<16xi32>
      %add3A_2522 = arith.addi %mul3A_2498, %add3A_2521 : vector<16xi32>
      tpu.vector_store_idx %arg7[%add3A_301, %broadcast_in_dim3A_2519], %add3A_2522 : memref<64x128xi32, #tpu.memory_space<vmem>>[vector<16xi32>, vector<16xi32>], vector<16xi32>,
      %add3A_2523 = arith.constant 2 : i32
      %add3A_2524 = vector.broadcast %add3A_2523 : i32 to vector<16xi32>
      %add3A_2525 = arith.addi %mul3A_2501, %add3A_2524 : vector<16xi32>
      tpu.vector_store_idx %arg8[%add3A_301, %broadcast_in_dim3A_2519], %add3A_2525 : memref<64x128xi32, #tpu.memory_space<vmem>>[vector<16xi32>, vector<16xi32>], vector<16xi32>,
      %broadcast_in_dim3A_2526 = arith.constant 123 : i32
      %broadcast_in_dim3A_2527 = vector.broadcast %broadcast_in_dim3A_2526 : i32 to vector<16xi32>
      %add3A_2528 = arith.constant 3 : i32
      %add3A_2529 = vector.broadcast %add3A_2528 : i32 to vector<16xi32>
      %add3A_2530 = arith.addi %mul3A_2498, %add3A_2529 : vector<16xi32>
      tpu.vector_store_idx %arg7[%add3A_301, %broadcast_in_dim3A_2527], %add3A_2530 : memref<64x128xi32, #tpu.memory_space<vmem>>[vector<16xi32>, vector<16xi32>], vector<16xi32>,
      %add3A_2531 = arith.constant 3 : i32
      %add3A_2532 = vector.broadcast %add3A_2531 : i32 to vector<16xi32>
      %add3A_2533 = arith.addi %mul3A_2501, %add3A_2532 : vector<16xi32>
      tpu.vector_store_idx %arg8[%add3A_301, %broadcast_in_dim3A_2527], %add3A_2533 : memref<64x128xi32, #tpu.memory_space<vmem>>[vector<16xi32>, vector<16xi32>], vector<16xi32>,
      %mul3A_2534 = arith.constant 4 : i32
      %mul3A_2535 = vector.broadcast %mul3A_2534 : i32 to vector<16xi32>
      %mul3A_2536 = arith.muli %gather3A_296, %mul3A_2535 : vector<16xi32>
      %mul3A_2537 = arith.constant 4 : i32
      %mul3A_2538 = vector.broadcast %mul3A_2537 : i32 to vector<16xi32>
      %mul3A_2539 = arith.muli %select_n3A_1355, %mul3A_2538 : vector<16xi32>
      %broadcast_in_dim3A_2540 = arith.constant 124 : i32
      %broadcast_in_dim3A_2541 = vector.broadcast %broadcast_in_dim3A_2540 : i32 to vector<16xi32>
      %add3A_2542 = arith.constant 0 : i32
      %add3A_2543 = vector.broadcast %add3A_2542 : i32 to vector<16xi32>
      %add3A_2544 = arith.addi %mul3A_2536, %add3A_2543 : vector<16xi32>
      tpu.vector_store_idx %arg7[%add3A_301, %broadcast_in_dim3A_2541], %add3A_2544 : memref<64x128xi32, #tpu.memory_space<vmem>>[vector<16xi32>, vector<16xi32>], vector<16xi32>,
      %add3A_2545 = arith.constant 0 : i32
      %add3A_2546 = vector.broadcast %add3A_2545 : i32 to vector<16xi32>
      %add3A_2547 = arith.addi %mul3A_2539, %add3A_2546 : vector<16xi32>
      tpu.vector_store_idx %arg8[%add3A_301, %broadcast_in_dim3A_2541], %add3A_2547 : memref<64x128xi32, #tpu.memory_space<vmem>>[vector<16xi32>, vector<16xi32>], vector<16xi32>,
      %broadcast_in_dim3A_2548 = arith.constant 125 : i32
      %broadcast_in_dim3A_2549 = vector.broadcast %broadcast_in_dim3A_2548 : i32 to vector<16xi32>
      %add3A_2550 = arith.constant 1 : i32
      %add3A_2551 = vector.broadcast %add3A_2550 : i32 to vector<16xi32>
      %add3A_2552 = arith.addi %mul3A_2536, %add3A_2551 : vector<16xi32>
      tpu.vector_store_idx %arg7[%add3A_301, %broadcast_in_dim3A_2549], %add3A_2552 : memref<64x128xi32, #tpu.memory_space<vmem>>[vector<16xi32>, vector<16xi32>], vector<16xi32>,
      %add3A_2553 = arith.constant 1 : i32
      %add3A_2554 = vector.broadcast %add3A_2553 : i32 to vector<16xi32>
      %add3A_2555 = arith.addi %mul3A_2539, %add3A_2554 : vector<16xi32>
      tpu.vector_store_idx %arg8[%add3A_301, %broadcast_in_dim3A_2549], %add3A_2555 : memref<64x128xi32, #tpu.memory_space<vmem>>[vector<16xi32>, vector<16xi32>], vector<16xi32>,
      %broadcast_in_dim3A_2556 = arith.constant 126 : i32
      %broadcast_in_dim3A_2557 = vector.broadcast %broadcast_in_dim3A_2556 : i32 to vector<16xi32>
      %add3A_2558 = arith.constant 2 : i32
      %add3A_2559 = vector.broadcast %add3A_2558 : i32 to vector<16xi32>
      %add3A_2560 = arith.addi %mul3A_2536, %add3A_2559 : vector<16xi32>
      tpu.vector_store_idx %arg7[%add3A_301, %broadcast_in_dim3A_2557], %add3A_2560 : memref<64x128xi32, #tpu.memory_space<vmem>>[vector<16xi32>, vector<16xi32>], vector<16xi32>,
      %add3A_2561 = arith.constant 2 : i32
      %add3A_2562 = vector.broadcast %add3A_2561 : i32 to vector<16xi32>
      %add3A_2563 = arith.addi %mul3A_2539, %add3A_2562 : vector<16xi32>
      tpu.vector_store_idx %arg8[%add3A_301, %broadcast_in_dim3A_2557], %add3A_2563 : memref<64x128xi32, #tpu.memory_space<vmem>>[vector<16xi32>, vector<16xi32>], vector<16xi32>,
      %broadcast_in_dim3A_2564 = arith.constant 127 : i32
      %broadcast_in_dim3A_2565 = vector.broadcast %broadcast_in_dim3A_2564 : i32 to vector<16xi32>
      %add3A_2566 = arith.constant 3 : i32
      %add3A_2567 = vector.broadcast %add3A_2566 : i32 to vector<16xi32>
      %add3A_2568 = arith.addi %mul3A_2536, %add3A_2567 : vector<16xi32>
      tpu.vector_store_idx %arg7[%add3A_301, %broadcast_in_dim3A_2565], %add3A_2568 : memref<64x128xi32, #tpu.memory_space<vmem>>[vector<16xi32>, vector<16xi32>], vector<16xi32>,
      %add3A_2569 = arith.constant 3 : i32
      %add3A_2570 = vector.broadcast %add3A_2569 : i32 to vector<16xi32>
      %add3A_2571 = arith.addi %mul3A_2539, %add3A_2570 : vector<16xi32>
      tpu.vector_store_idx %arg8[%add3A_301, %broadcast_in_dim3A_2565], %add3A_2571 : memref<64x128xi32, #tpu.memory_space<vmem>>[vector<16xi32>, vector<16xi32>], vector<16xi32>,
      %scan3A_2572 = arith.constant 0 : i32
      scf.yield %scan3A_2572 : i32
    }
    %scan3A_12 = arith.constant 4 : i32
    %broadcast_in_dim3A = arith.constant 0.000000e+00 : f32
    %broadcast_in_dim3A_13 = vector.broadcast %broadcast_in_dim3A : f32 to vector<16xf32>
    %scan3A_14 = arith.constant 0 : i32
    %scan3A_15 = arith.constant 0 : i32
    %scan3A_16 = arith.constant 64 : i32
    %scan3A_17 = arith.addi %scan3A_15, %scan3A_16 : i32
    %scan3A_18 = arith.constant 1 : i32
    %scan3A_19 = scf.for %scan3A_155 = %scan3A_15 to %scan3A_17 step %scan3A_18 iter_args(%scan3A_156 = %scan3A_14) -> (i32)  : i32 {
      %swap3A = arith.index_cast %scan3A_155 : i32 to index
      %swap3A_157 = arith.constant 0 : index
      %swap3A_158 = tpu.vector_load %arg13[%swap3A, %swap3A_157] {strides = array<i32>} : memref<64x128xf32, #tpu.memory_space<vmem>>, vector<16xf32>,
      tpu.vector_store %arg13[%swap3A, %swap3A_157], %broadcast_in_dim3A_13 {strides = array<i32>} : memref<64x128xf32, #tpu.memory_space<vmem>>, vector<16xf32>,
      %swap3A_159 = arith.index_cast %scan3A_155 : i32 to index
      %swap3A_160 = arith.constant 16 : index
      %swap3A_161 = tpu.vector_load %arg13[%swap3A_159, %swap3A_160] {strides = array<i32>} : memref<64x128xf32, #tpu.memory_space<vmem>>, vector<16xf32>,
      tpu.vector_store %arg13[%swap3A_159, %swap3A_160], %broadcast_in_dim3A_13 {strides = array<i32>} : memref<64x128xf32, #tpu.memory_space<vmem>>, vector<16xf32>,
      %swap3A_162 = arith.index_cast %scan3A_155 : i32 to index
      %swap3A_163 = arith.constant 32 : index
      %swap3A_164 = tpu.vector_load %arg13[%swap3A_162, %swap3A_163] {strides = array<i32>} : memref<64x128xf32, #tpu.memory_space<vmem>>, vector<16xf32>,
      tpu.vector_store %arg13[%swap3A_162, %swap3A_163], %broadcast_in_dim3A_13 {strides = array<i32>} : memref<64x128xf32, #tpu.memory_space<vmem>>, vector<16xf32>,
      %swap3A_165 = arith.index_cast %scan3A_155 : i32 to index
      %swap3A_166 = arith.constant 48 : index
      %swap3A_167 = tpu.vector_load %arg13[%swap3A_165, %swap3A_166] {strides = array<i32>} : memref<64x128xf32, #tpu.memory_space<vmem>>, vector<16xf32>,
      tpu.vector_store %arg13[%swap3A_165, %swap3A_166], %broadcast_in_dim3A_13 {strides = array<i32>} : memref<64x128xf32, #tpu.memory_space<vmem>>, vector<16xf32>,
      %swap3A_168 = arith.index_cast %scan3A_155 : i32 to index
      %swap3A_169 = arith.constant 64 : index
      %swap3A_170 = tpu.vector_load %arg13[%swap3A_168, %swap3A_169] {strides = array<i32>} : memref<64x128xf32, #tpu.memory_space<vmem>>, vector<16xf32>,
      tpu.vector_store %arg13[%swap3A_168, %swap3A_169], %broadcast_in_dim3A_13 {strides = array<i32>} : memref<64x128xf32, #tpu.memory_space<vmem>>, vector<16xf32>,
      %swap3A_171 = arith.index_cast %scan3A_155 : i32 to index
      %swap3A_172 = arith.constant 80 : index
      %swap3A_173 = tpu.vector_load %arg13[%swap3A_171, %swap3A_172] {strides = array<i32>} : memref<64x128xf32, #tpu.memory_space<vmem>>, vector<16xf32>,
      tpu.vector_store %arg13[%swap3A_171, %swap3A_172], %broadcast_in_dim3A_13 {strides = array<i32>} : memref<64x128xf32, #tpu.memory_space<vmem>>, vector<16xf32>,
      %swap3A_174 = arith.index_cast %scan3A_155 : i32 to index
      %swap3A_175 = arith.constant 96 : index
      %swap3A_176 = tpu.vector_load %arg13[%swap3A_174, %swap3A_175] {strides = array<i32>} : memref<64x128xf32, #tpu.memory_space<vmem>>, vector<16xf32>,
      tpu.vector_store %arg13[%swap3A_174, %swap3A_175], %broadcast_in_dim3A_13 {strides = array<i32>} : memref<64x128xf32, #tpu.memory_space<vmem>>, vector<16xf32>,
      %swap3A_177 = arith.index_cast %scan3A_155 : i32 to index
      %swap3A_178 = arith.constant 112 : index
      %swap3A_179 = tpu.vector_load %arg13[%swap3A_177, %swap3A_178] {strides = array<i32>} : memref<64x128xf32, #tpu.memory_space<vmem>>, vector<16xf32>,
      tpu.vector_store %arg13[%swap3A_177, %swap3A_178], %broadcast_in_dim3A_13 {strides = array<i32>} : memref<64x128xf32, #tpu.memory_space<vmem>>, vector<16xf32>,
      %scan3A_180 = arith.constant 0 : i32
      scf.yield %scan3A_180 : i32
    }
    %scan3A_20 = arith.constant 64 : i32
    %mul3A_21 = arith.constant 64 : i32
    %mul3A_22 = arith.muli %arg1, %mul3A_21 : i32
    %mul3A_23 = arith.constant 4 : i32
    %mul3A_24 = arith.muli %mul3A_22, %mul3A_23 : i32
    %add3A_25 = arith.constant 0 : i32
    %add3A_26 = arith.addi %mul3A_24, %add3A_25 : i32
    "tpu.region"() ({
      %run_scoped3A = tpu.sem_alloc : memref<!tpu.dma_semaphore, #tpu.memory_space<semaphore_mem>>
      %dma_start3A_155 = arith.constant 0 : i32
      %dma_start3A_156 = tpu.memref_slice %arg14[%add3A_26, %dma_start3A_155] : memref<4100x128xf32, #tpu.memory_space<vmem_shared>> -> memref<64x128xf32, #tpu.memory_space<vmem_shared>>
      %dma_start3A_157 = arith.constant 0 : i32
      %dma_start3A_158 = tpu.memref_slice %arg14[%add3A_26, %dma_start3A_157] : memref<4100x128xf32, #tpu.memory_space<vmem_shared>> -> memref<64x128xf32, #tpu.memory_space<vmem_shared>>
      tpu.enqueue_dma source(%arg13 : memref<64x128xf32, #tpu.memory_space<vmem>>) target(%dma_start3A_158 : memref<64x128xf32, #tpu.memory_space<vmem_shared>>) target_semaphore(%run_scoped3A : memref<!tpu.dma_semaphore, #tpu.memory_space<semaphore_mem>>)
      %dma_wait3A = arith.constant 0 : i32
      %dma_wait3A_159 = tpu.memref_slice %arg14[%add3A_26, %dma_wait3A] : memref<4100x128xf32, #tpu.memory_space<vmem_shared>> -> memref<64x128xf32, #tpu.memory_space<vmem_shared>>
      %dma_wait3A_160 = arith.constant 0 : i32
      %dma_wait3A_161 = tpu.memref_slice %arg14[%add3A_26, %dma_wait3A_160] : memref<4100x128xf32, #tpu.memory_space<vmem_shared>> -> memref<64x128xf32, #tpu.memory_space<vmem_shared>>
      tpu.wait_dma2 semaphore(%run_scoped3A : memref<!tpu.dma_semaphore, #tpu.memory_space<semaphore_mem>>) src(%arg13 : memref<64x128xf32, #tpu.memory_space<vmem>>) dst(%dma_wait3A_161 : memref<64x128xf32, #tpu.memory_space<vmem_shared>>)
      tpu.yield
    }) : () -> ()
    %mul3A_27 = arith.constant 64 : i32
    %mul3A_28 = arith.muli %arg1, %mul3A_27 : i32
    %mul3A_29 = arith.constant 4 : i32
    %mul3A_30 = arith.muli %mul3A_28, %mul3A_29 : i32
    %add3A_31 = arith.constant 64 : i32
    %add3A_32 = arith.addi %mul3A_30, %add3A_31 : i32
    "tpu.region"() ({
      %run_scoped3A = tpu.sem_alloc : memref<!tpu.dma_semaphore, #tpu.memory_space<semaphore_mem>>
      %dma_start3A_155 = arith.constant 0 : i32
      %dma_start3A_156 = tpu.memref_slice %arg14[%add3A_32, %dma_start3A_155] : memref<4100x128xf32, #tpu.memory_space<vmem_shared>> -> memref<64x128xf32, #tpu.memory_space<vmem_shared>>
      %dma_start3A_157 = arith.constant 0 : i32
      %dma_start3A_158 = tpu.memref_slice %arg14[%add3A_32, %dma_start3A_157] : memref<4100x128xf32, #tpu.memory_space<vmem_shared>> -> memref<64x128xf32, #tpu.memory_space<vmem_shared>>
      tpu.enqueue_dma source(%arg13 : memref<64x128xf32, #tpu.memory_space<vmem>>) target(%dma_start3A_158 : memref<64x128xf32, #tpu.memory_space<vmem_shared>>) target_semaphore(%run_scoped3A : memref<!tpu.dma_semaphore, #tpu.memory_space<semaphore_mem>>)
      %dma_wait3A = arith.constant 0 : i32
      %dma_wait3A_159 = tpu.memref_slice %arg14[%add3A_32, %dma_wait3A] : memref<4100x128xf32, #tpu.memory_space<vmem_shared>> -> memref<64x128xf32, #tpu.memory_space<vmem_shared>>
      %dma_wait3A_160 = arith.constant 0 : i32
      %dma_wait3A_161 = tpu.memref_slice %arg14[%add3A_32, %dma_wait3A_160] : memref<4100x128xf32, #tpu.memory_space<vmem_shared>> -> memref<64x128xf32, #tpu.memory_space<vmem_shared>>
      tpu.wait_dma2 semaphore(%run_scoped3A : memref<!tpu.dma_semaphore, #tpu.memory_space<semaphore_mem>>) src(%arg13 : memref<64x128xf32, #tpu.memory_space<vmem>>) dst(%dma_wait3A_161 : memref<64x128xf32, #tpu.memory_space<vmem_shared>>)
      tpu.yield
    }) : () -> ()
    %mul3A_33 = arith.constant 64 : i32
    %mul3A_34 = arith.muli %arg1, %mul3A_33 : i32
    %mul3A_35 = arith.constant 4 : i32
    %mul3A_36 = arith.muli %mul3A_34, %mul3A_35 : i32
    %add3A_37 = arith.constant 128 : i32
    %add3A_38 = arith.addi %mul3A_36, %add3A_37 : i32
    "tpu.region"() ({
      %run_scoped3A = tpu.sem_alloc : memref<!tpu.dma_semaphore, #tpu.memory_space<semaphore_mem>>
      %dma_start3A_155 = arith.constant 0 : i32
      %dma_start3A_156 = tpu.memref_slice %arg14[%add3A_38, %dma_start3A_155] : memref<4100x128xf32, #tpu.memory_space<vmem_shared>> -> memref<64x128xf32, #tpu.memory_space<vmem_shared>>
      %dma_start3A_157 = arith.constant 0 : i32
      %dma_start3A_158 = tpu.memref_slice %arg14[%add3A_38, %dma_start3A_157] : memref<4100x128xf32, #tpu.memory_space<vmem_shared>> -> memref<64x128xf32, #tpu.memory_space<vmem_shared>>
      tpu.enqueue_dma source(%arg13 : memref<64x128xf32, #tpu.memory_space<vmem>>) target(%dma_start3A_158 : memref<64x128xf32, #tpu.memory_space<vmem_shared>>) target_semaphore(%run_scoped3A : memref<!tpu.dma_semaphore, #tpu.memory_space<semaphore_mem>>)
      %dma_wait3A = arith.constant 0 : i32
      %dma_wait3A_159 = tpu.memref_slice %arg14[%add3A_38, %dma_wait3A] : memref<4100x128xf32, #tpu.memory_space<vmem_shared>> -> memref<64x128xf32, #tpu.memory_space<vmem_shared>>
      %dma_wait3A_160 = arith.constant 0 : i32
      %dma_wait3A_161 = tpu.memref_slice %arg14[%add3A_38, %dma_wait3A_160] : memref<4100x128xf32, #tpu.memory_space<vmem_shared>> -> memref<64x128xf32, #tpu.memory_space<vmem_shared>>
      tpu.wait_dma2 semaphore(%run_scoped3A : memref<!tpu.dma_semaphore, #tpu.memory_space<semaphore_mem>>) src(%arg13 : memref<64x128xf32, #tpu.memory_space<vmem>>) dst(%dma_wait3A_161 : memref<64x128xf32, #tpu.memory_space<vmem_shared>>)
      tpu.yield
    }) : () -> ()
    %mul3A_39 = arith.constant 64 : i32
    %mul3A_40 = arith.muli %arg1, %mul3A_39 : i32
    %mul3A_41 = arith.constant 4 : i32
    %mul3A_42 = arith.muli %mul3A_40, %mul3A_41 : i32
    %add3A_43 = arith.constant 192 : i32
    %add3A_44 = arith.addi %mul3A_42, %add3A_43 : i32
    "tpu.region"() ({
      %run_scoped3A = tpu.sem_alloc : memref<!tpu.dma_semaphore, #tpu.memory_space<semaphore_mem>>
      %dma_start3A_155 = arith.constant 0 : i32
      %dma_start3A_156 = tpu.memref_slice %arg14[%add3A_44, %dma_start3A_155] : memref<4100x128xf32, #tpu.memory_space<vmem_shared>> -> memref<64x128xf32, #tpu.memory_space<vmem_shared>>
      %dma_start3A_157 = arith.constant 0 : i32
      %dma_start3A_158 = tpu.memref_slice %arg14[%add3A_44, %dma_start3A_157] : memref<4100x128xf32, #tpu.memory_space<vmem_shared>> -> memref<64x128xf32, #tpu.memory_space<vmem_shared>>
      tpu.enqueue_dma source(%arg13 : memref<64x128xf32, #tpu.memory_space<vmem>>) target(%dma_start3A_158 : memref<64x128xf32, #tpu.memory_space<vmem_shared>>) target_semaphore(%run_scoped3A : memref<!tpu.dma_semaphore, #tpu.memory_space<semaphore_mem>>)
      %dma_wait3A = arith.constant 0 : i32
      %dma_wait3A_159 = tpu.memref_slice %arg14[%add3A_44, %dma_wait3A] : memref<4100x128xf32, #tpu.memory_space<vmem_shared>> -> memref<64x128xf32, #tpu.memory_space<vmem_shared>>
      %dma_wait3A_160 = arith.constant 0 : i32
      %dma_wait3A_161 = tpu.memref_slice %arg14[%add3A_44, %dma_wait3A_160] : memref<4100x128xf32, #tpu.memory_space<vmem_shared>> -> memref<64x128xf32, #tpu.memory_space<vmem_shared>>
      tpu.wait_dma2 semaphore(%run_scoped3A : memref<!tpu.dma_semaphore, #tpu.memory_space<semaphore_mem>>) src(%arg13 : memref<64x128xf32, #tpu.memory_space<vmem>>) dst(%dma_wait3A_161 : memref<64x128xf32, #tpu.memory_space<vmem_shared>>)
      tpu.yield
    }) : () -> ()
    %dma_start3A = arith.constant 0 : i32
    %dma_start3A_45 = arith.constant 0 : i32
    %dma_start3A_46 = tpu.memref_slice %arg7[%dma_start3A, %dma_start3A_45] : memref<64x128xi32, #tpu.memory_space<vmem>> -> memref<1x128xi32, #tpu.memory_space<vmem>>
    %dma_start3A_47 = tpu.memref_squeeze %dma_start3A_46 : memref<1x128xi32, #tpu.memory_space<vmem>> -> memref<128xi32, #tpu.memory_space<vmem>>
    %dma_start3A_48 = arith.constant 0 : i32
    %dma_start3A_49 = arith.constant 0 : i32
    %dma_start3A_50 = tpu.memref_slice %arg4[%dma_start3A_48, %dma_start3A_49] : memref<164096x128xf32, #tpu.memory_space<hbm>> -> memref<164096x128xf32, #tpu.memory_space<hbm>>
    tpu.enqueue_indirect_dma source(%dma_start3A_50 : memref<164096x128xf32, #tpu.memory_space<hbm>>) target(%arg9 : memref<128x128xf32, #tpu.memory_space<vmem>>) offsets(%dma_start3A_47 : memref<128xi32, #tpu.memory_space<vmem>>) semaphore(%arg15 : memref<!tpu.dma_semaphore, #tpu.memory_space<semaphore_mem>>)
    %dma_start3A_51 = arith.constant 1 : i32
    %dma_start3A_52 = arith.constant 0 : i32
    %dma_start3A_53 = tpu.memref_slice %arg7[%dma_start3A_51, %dma_start3A_52] : memref<64x128xi32, #tpu.memory_space<vmem>> -> memref<1x128xi32, #tpu.memory_space<vmem>>
    %dma_start3A_54 = tpu.memref_squeeze %dma_start3A_53 : memref<1x128xi32, #tpu.memory_space<vmem>> -> memref<128xi32, #tpu.memory_space<vmem>>
    %dma_start3A_55 = arith.constant 0 : i32
    %dma_start3A_56 = arith.constant 0 : i32
    %dma_start3A_57 = tpu.memref_slice %arg4[%dma_start3A_55, %dma_start3A_56] : memref<164096x128xf32, #tpu.memory_space<hbm>> -> memref<164096x128xf32, #tpu.memory_space<hbm>>
    tpu.enqueue_indirect_dma source(%dma_start3A_57 : memref<164096x128xf32, #tpu.memory_space<hbm>>) target(%arg10 : memref<128x128xf32, #tpu.memory_space<vmem>>) offsets(%dma_start3A_54 : memref<128xi32, #tpu.memory_space<vmem>>) semaphore(%arg16 : memref<!tpu.dma_semaphore, #tpu.memory_space<semaphore_mem>>)
    %dma_start3A_58 = arith.constant 2 : i32
    %dma_start3A_59 = arith.constant 0 : i32
    %dma_start3A_60 = tpu.memref_slice %arg7[%dma_start3A_58, %dma_start3A_59] : memref<64x128xi32, #tpu.memory_space<vmem>> -> memref<1x128xi32, #tpu.memory_space<vmem>>
    %dma_start3A_61 = tpu.memref_squeeze %dma_start3A_60 : memref<1x128xi32, #tpu.memory_space<vmem>> -> memref<128xi32, #tpu.memory_space<vmem>>
    %dma_start3A_62 = arith.constant 0 : i32
    %dma_start3A_63 = arith.constant 0 : i32
    %dma_start3A_64 = tpu.memref_slice %arg4[%dma_start3A_62, %dma_start3A_63] : memref<164096x128xf32, #tpu.memory_space<hbm>> -> memref<164096x128xf32, #tpu.memory_space<hbm>>
    tpu.enqueue_indirect_dma source(%dma_start3A_64 : memref<164096x128xf32, #tpu.memory_space<hbm>>) target(%arg11 : memref<128x128xf32, #tpu.memory_space<vmem>>) offsets(%dma_start3A_61 : memref<128xi32, #tpu.memory_space<vmem>>) semaphore(%arg17 : memref<!tpu.dma_semaphore, #tpu.memory_space<semaphore_mem>>)
    %dma_start3A_65 = arith.constant 3 : i32
    %dma_start3A_66 = arith.constant 0 : i32
    %dma_start3A_67 = tpu.memref_slice %arg7[%dma_start3A_65, %dma_start3A_66] : memref<64x128xi32, #tpu.memory_space<vmem>> -> memref<1x128xi32, #tpu.memory_space<vmem>>
    %dma_start3A_68 = tpu.memref_squeeze %dma_start3A_67 : memref<1x128xi32, #tpu.memory_space<vmem>> -> memref<128xi32, #tpu.memory_space<vmem>>
    %dma_start3A_69 = arith.constant 0 : i32
    %dma_start3A_70 = arith.constant 0 : i32
    %dma_start3A_71 = tpu.memref_slice %arg4[%dma_start3A_69, %dma_start3A_70] : memref<164096x128xf32, #tpu.memory_space<hbm>> -> memref<164096x128xf32, #tpu.memory_space<hbm>>
    tpu.enqueue_indirect_dma source(%dma_start3A_71 : memref<164096x128xf32, #tpu.memory_space<hbm>>) target(%arg12 : memref<128x128xf32, #tpu.memory_space<vmem>>) offsets(%dma_start3A_68 : memref<128xi32, #tpu.memory_space<vmem>>) semaphore(%arg18 : memref<!tpu.dma_semaphore, #tpu.memory_space<semaphore_mem>>)
    %scan3A_72 = arith.constant 0 : i32
    %scan3A_73 = arith.constant 0 : i32
    %scan3A_74 = arith.constant 16 : i32
    %scan3A_75 = arith.addi %scan3A_73, %scan3A_74 : i32
    %scan3A_76 = arith.constant 1 : i32
    %scan3A_77 = scf.for %scan3A_155 = %scan3A_73 to %scan3A_75 step %scan3A_76 iter_args(%scan3A_156 = %scan3A_72) -> (i32)  : i32 {
      %mul3A_157 = arith.constant 4 : i32
      %mul3A_158 = arith.muli %scan3A_155, %mul3A_157 : i32
      %add3A_159 = arith.constant 0 : i32
      %add3A_160 = arith.addi %mul3A_158, %add3A_159 : i32
      %dma_wait3A = arith.constant 0 : i32
      %dma_wait3A_161 = tpu.memref_slice %arg7[%add3A_160, %dma_wait3A] : memref<64x128xi32, #tpu.memory_space<vmem>> -> memref<1x128xi32, #tpu.memory_space<vmem>>
      %dma_wait3A_162 = tpu.memref_squeeze %dma_wait3A_161 : memref<1x128xi32, #tpu.memory_space<vmem>> -> memref<128xi32, #tpu.memory_space<vmem>>
      %dma_wait3A_163 = arith.constant 0 : i32
      %dma_wait3A_164 = arith.constant 0 : i32
      %dma_wait3A_165 = tpu.memref_slice %arg4[%dma_wait3A_163, %dma_wait3A_164] : memref<164096x128xf32, #tpu.memory_space<hbm>> -> memref<164096x128xf32, #tpu.memory_space<hbm>>
      tpu.wait_indirect_dma semaphore(%arg15 : memref<!tpu.dma_semaphore, #tpu.memory_space<semaphore_mem>>) src(%dma_wait3A_165 : memref<164096x128xf32, #tpu.memory_space<hbm>>) dst(%arg9 : memref<128x128xf32, #tpu.memory_space<vmem>>)
      %add3A_166 = arith.constant 0 : i32
      %add3A_167 = arith.addi %mul3A_158, %add3A_166 : i32
      "tpu.region"() ({
        %run_scoped3A = tpu.sem_alloc : memref<!tpu.dma_semaphore, #tpu.memory_space<semaphore_mem>>
        %dma_start3A_216 = arith.constant 0 : i32
        %dma_start3A_217 = tpu.memref_slice %arg8[%add3A_167, %dma_start3A_216] : memref<64x128xi32, #tpu.memory_space<vmem>> -> memref<1x128xi32, #tpu.memory_space<vmem>>
        %dma_start3A_218 = tpu.memref_squeeze %dma_start3A_217 : memref<1x128xi32, #tpu.memory_space<vmem>> -> memref<128xi32, #tpu.memory_space<vmem>>
        %dma_start3A_219 = arith.constant 0 : i32
        %dma_start3A_220 = arith.constant 0 : i32
        %dma_start3A_221 = tpu.memref_slice %arg14[%dma_start3A_219, %dma_start3A_220] : memref<4100x128xf32, #tpu.memory_space<vmem_shared>> -> memref<4100x128xf32, #tpu.memory_space<vmem_shared>>
        tpu.enqueue_indirect_dma source(%arg9 : memref<128x128xf32, #tpu.memory_space<vmem>>) target(%dma_start3A_221 : memref<4100x128xf32, #tpu.memory_space<vmem_shared>>) offsets(%dma_start3A_218 : memref<128xi32, #tpu.memory_space<vmem>>) semaphore(%run_scoped3A : memref<!tpu.dma_semaphore, #tpu.memory_space<semaphore_mem>>) {add = true}
        %dma_wait3A_222 = arith.constant 0 : i32
        %dma_wait3A_223 = tpu.memref_slice %arg8[%add3A_167, %dma_wait3A_222] : memref<64x128xi32, #tpu.memory_space<vmem>> -> memref<1x128xi32, #tpu.memory_space<vmem>>
        %dma_wait3A_224 = tpu.memref_squeeze %dma_wait3A_223 : memref<1x128xi32, #tpu.memory_space<vmem>> -> memref<128xi32, #tpu.memory_space<vmem>>
        %dma_wait3A_225 = arith.constant 0 : i32
        %dma_wait3A_226 = arith.constant 0 : i32
        %dma_wait3A_227 = tpu.memref_slice %arg14[%dma_wait3A_225, %dma_wait3A_226] : memref<4100x128xf32, #tpu.memory_space<vmem_shared>> -> memref<4100x128xf32, #tpu.memory_space<vmem_shared>>
        tpu.wait_indirect_dma semaphore(%run_scoped3A : memref<!tpu.dma_semaphore, #tpu.memory_space<semaphore_mem>>) src(%arg9 : memref<128x128xf32, #tpu.memory_space<vmem>>) dst(%dma_wait3A_227 : memref<4100x128xf32, #tpu.memory_space<vmem_shared>>)
        tpu.yield
      }) : () -> ()
      %lt3A = arith.constant 15 : i32
      %lt3A_168 = arith.cmpi slt, %scan3A_155, %lt3A : i32
      %convert_element_type3A = arith.extui %lt3A_168 : i1 to i32
      %cond3A = arith.constant 0 : i32
      %cond3A_169 = arith.cmpi ne, %convert_element_type3A, %cond3A : i32
      scf.if %cond3A_169 {
        %add3A_216 = arith.constant 4 : i32
        %add3A_217 = arith.addi %mul3A_158, %add3A_216 : i32
        %add3A_218 = arith.constant 0 : i32
        %add3A_219 = arith.addi %add3A_217, %add3A_218 : i32
        %dma_start3A_220 = arith.constant 0 : i32
        %dma_start3A_221 = tpu.memref_slice %arg7[%add3A_219, %dma_start3A_220] : memref<64x128xi32, #tpu.memory_space<vmem>> -> memref<1x128xi32, #tpu.memory_space<vmem>>
        %dma_start3A_222 = tpu.memref_squeeze %dma_start3A_221 : memref<1x128xi32, #tpu.memory_space<vmem>> -> memref<128xi32, #tpu.memory_space<vmem>>
        %dma_start3A_223 = arith.constant 0 : i32
        %dma_start3A_224 = arith.constant 0 : i32
        %dma_start3A_225 = tpu.memref_slice %arg4[%dma_start3A_223, %dma_start3A_224] : memref<164096x128xf32, #tpu.memory_space<hbm>> -> memref<164096x128xf32, #tpu.memory_space<hbm>>
        tpu.enqueue_indirect_dma source(%dma_start3A_225 : memref<164096x128xf32, #tpu.memory_space<hbm>>) target(%arg9 : memref<128x128xf32, #tpu.memory_space<vmem>>) offsets(%dma_start3A_222 : memref<128xi32, #tpu.memory_space<vmem>>) semaphore(%arg15 : memref<!tpu.dma_semaphore, #tpu.memory_space<semaphore_mem>>)
      } else {
      }
      %add3A_170 = arith.constant 1 : i32
      %add3A_171 = arith.addi %mul3A_158, %add3A_170 : i32
      %dma_wait3A_172 = arith.constant 0 : i32
      %dma_wait3A_173 = tpu.memref_slice %arg7[%add3A_171, %dma_wait3A_172] : memref<64x128xi32, #tpu.memory_space<vmem>> -> memref<1x128xi32, #tpu.memory_space<vmem>>
      %dma_wait3A_174 = tpu.memref_squeeze %dma_wait3A_173 : memref<1x128xi32, #tpu.memory_space<vmem>> -> memref<128xi32, #tpu.memory_space<vmem>>
      %dma_wait3A_175 = arith.constant 0 : i32
      %dma_wait3A_176 = arith.constant 0 : i32
      %dma_wait3A_177 = tpu.memref_slice %arg4[%dma_wait3A_175, %dma_wait3A_176] : memref<164096x128xf32, #tpu.memory_space<hbm>> -> memref<164096x128xf32, #tpu.memory_space<hbm>>
      tpu.wait_indirect_dma semaphore(%arg16 : memref<!tpu.dma_semaphore, #tpu.memory_space<semaphore_mem>>) src(%dma_wait3A_177 : memref<164096x128xf32, #tpu.memory_space<hbm>>) dst(%arg10 : memref<128x128xf32, #tpu.memory_space<vmem>>)
      %add3A_178 = arith.constant 1 : i32
      %add3A_179 = arith.addi %mul3A_158, %add3A_178 : i32
      "tpu.region"() ({
        %run_scoped3A = tpu.sem_alloc : memref<!tpu.dma_semaphore, #tpu.memory_space<semaphore_mem>>
        %dma_start3A_216 = arith.constant 0 : i32
        %dma_start3A_217 = tpu.memref_slice %arg8[%add3A_179, %dma_start3A_216] : memref<64x128xi32, #tpu.memory_space<vmem>> -> memref<1x128xi32, #tpu.memory_space<vmem>>
        %dma_start3A_218 = tpu.memref_squeeze %dma_start3A_217 : memref<1x128xi32, #tpu.memory_space<vmem>> -> memref<128xi32, #tpu.memory_space<vmem>>
        %dma_start3A_219 = arith.constant 0 : i32
        %dma_start3A_220 = arith.constant 0 : i32
        %dma_start3A_221 = tpu.memref_slice %arg14[%dma_start3A_219, %dma_start3A_220] : memref<4100x128xf32, #tpu.memory_space<vmem_shared>> -> memref<4100x128xf32, #tpu.memory_space<vmem_shared>>
        tpu.enqueue_indirect_dma source(%arg10 : memref<128x128xf32, #tpu.memory_space<vmem>>) target(%dma_start3A_221 : memref<4100x128xf32, #tpu.memory_space<vmem_shared>>) offsets(%dma_start3A_218 : memref<128xi32, #tpu.memory_space<vmem>>) semaphore(%run_scoped3A : memref<!tpu.dma_semaphore, #tpu.memory_space<semaphore_mem>>) {add = true}
        %dma_wait3A_222 = arith.constant 0 : i32
        %dma_wait3A_223 = tpu.memref_slice %arg8[%add3A_179, %dma_wait3A_222] : memref<64x128xi32, #tpu.memory_space<vmem>> -> memref<1x128xi32, #tpu.memory_space<vmem>>
        %dma_wait3A_224 = tpu.memref_squeeze %dma_wait3A_223 : memref<1x128xi32, #tpu.memory_space<vmem>> -> memref<128xi32, #tpu.memory_space<vmem>>
        %dma_wait3A_225 = arith.constant 0 : i32
        %dma_wait3A_226 = arith.constant 0 : i32
        %dma_wait3A_227 = tpu.memref_slice %arg14[%dma_wait3A_225, %dma_wait3A_226] : memref<4100x128xf32, #tpu.memory_space<vmem_shared>> -> memref<4100x128xf32, #tpu.memory_space<vmem_shared>>
        tpu.wait_indirect_dma semaphore(%run_scoped3A : memref<!tpu.dma_semaphore, #tpu.memory_space<semaphore_mem>>) src(%arg10 : memref<128x128xf32, #tpu.memory_space<vmem>>) dst(%dma_wait3A_227 : memref<4100x128xf32, #tpu.memory_space<vmem_shared>>)
        tpu.yield
      }) : () -> ()
      %lt3A_180 = arith.constant 15 : i32
      %lt3A_181 = arith.cmpi slt, %scan3A_155, %lt3A_180 : i32
      %convert_element_type3A_182 = arith.extui %lt3A_181 : i1 to i32
      %cond3A_183 = arith.constant 0 : i32
      %cond3A_184 = arith.cmpi ne, %convert_element_type3A_182, %cond3A_183 : i32
      scf.if %cond3A_184 {
        %add3A_216 = arith.constant 4 : i32
        %add3A_217 = arith.addi %mul3A_158, %add3A_216 : i32
        %add3A_218 = arith.constant 1 : i32
        %add3A_219 = arith.addi %add3A_217, %add3A_218 : i32
        %dma_start3A_220 = arith.constant 0 : i32
        %dma_start3A_221 = tpu.memref_slice %arg7[%add3A_219, %dma_start3A_220] : memref<64x128xi32, #tpu.memory_space<vmem>> -> memref<1x128xi32, #tpu.memory_space<vmem>>
        %dma_start3A_222 = tpu.memref_squeeze %dma_start3A_221 : memref<1x128xi32, #tpu.memory_space<vmem>> -> memref<128xi32, #tpu.memory_space<vmem>>
        %dma_start3A_223 = arith.constant 0 : i32
        %dma_start3A_224 = arith.constant 0 : i32
        %dma_start3A_225 = tpu.memref_slice %arg4[%dma_start3A_223, %dma_start3A_224] : memref<164096x128xf32, #tpu.memory_space<hbm>> -> memref<164096x128xf32, #tpu.memory_space<hbm>>
        tpu.enqueue_indirect_dma source(%dma_start3A_225 : memref<164096x128xf32, #tpu.memory_space<hbm>>) target(%arg10 : memref<128x128xf32, #tpu.memory_space<vmem>>) offsets(%dma_start3A_222 : memref<128xi32, #tpu.memory_space<vmem>>) semaphore(%arg16 : memref<!tpu.dma_semaphore, #tpu.memory_space<semaphore_mem>>)
      } else {
      }
      %add3A_185 = arith.constant 2 : i32
      %add3A_186 = arith.addi %mul3A_158, %add3A_185 : i32
      %dma_wait3A_187 = arith.constant 0 : i32
      %dma_wait3A_188 = tpu.memref_slice %arg7[%add3A_186, %dma_wait3A_187] : memref<64x128xi32, #tpu.memory_space<vmem>> -> memref<1x128xi32, #tpu.memory_space<vmem>>
      %dma_wait3A_189 = tpu.memref_squeeze %dma_wait3A_188 : memref<1x128xi32, #tpu.memory_space<vmem>> -> memref<128xi32, #tpu.memory_space<vmem>>
      %dma_wait3A_190 = arith.constant 0 : i32
      %dma_wait3A_191 = arith.constant 0 : i32
      %dma_wait3A_192 = tpu.memref_slice %arg4[%dma_wait3A_190, %dma_wait3A_191] : memref<164096x128xf32, #tpu.memory_space<hbm>> -> memref<164096x128xf32, #tpu.memory_space<hbm>>
      tpu.wait_indirect_dma semaphore(%arg17 : memref<!tpu.dma_semaphore, #tpu.memory_space<semaphore_mem>>) src(%dma_wait3A_192 : memref<164096x128xf32, #tpu.memory_space<hbm>>) dst(%arg11 : memref<128x128xf32, #tpu.memory_space<vmem>>)
      %add3A_193 = arith.constant 2 : i32
      %add3A_194 = arith.addi %mul3A_158, %add3A_193 : i32
      "tpu.region"() ({
        %run_scoped3A = tpu.sem_alloc : memref<!tpu.dma_semaphore, #tpu.memory_space<semaphore_mem>>
        %dma_start3A_216 = arith.constant 0 : i32
        %dma_start3A_217 = tpu.memref_slice %arg8[%add3A_194, %dma_start3A_216] : memref<64x128xi32, #tpu.memory_space<vmem>> -> memref<1x128xi32, #tpu.memory_space<vmem>>
        %dma_start3A_218 = tpu.memref_squeeze %dma_start3A_217 : memref<1x128xi32, #tpu.memory_space<vmem>> -> memref<128xi32, #tpu.memory_space<vmem>>
        %dma_start3A_219 = arith.constant 0 : i32
        %dma_start3A_220 = arith.constant 0 : i32
        %dma_start3A_221 = tpu.memref_slice %arg14[%dma_start3A_219, %dma_start3A_220] : memref<4100x128xf32, #tpu.memory_space<vmem_shared>> -> memref<4100x128xf32, #tpu.memory_space<vmem_shared>>
        tpu.enqueue_indirect_dma source(%arg11 : memref<128x128xf32, #tpu.memory_space<vmem>>) target(%dma_start3A_221 : memref<4100x128xf32, #tpu.memory_space<vmem_shared>>) offsets(%dma_start3A_218 : memref<128xi32, #tpu.memory_space<vmem>>) semaphore(%run_scoped3A : memref<!tpu.dma_semaphore, #tpu.memory_space<semaphore_mem>>) {add = true}
        %dma_wait3A_222 = arith.constant 0 : i32
        %dma_wait3A_223 = tpu.memref_slice %arg8[%add3A_194, %dma_wait3A_222] : memref<64x128xi32, #tpu.memory_space<vmem>> -> memref<1x128xi32, #tpu.memory_space<vmem>>
        %dma_wait3A_224 = tpu.memref_squeeze %dma_wait3A_223 : memref<1x128xi32, #tpu.memory_space<vmem>> -> memref<128xi32, #tpu.memory_space<vmem>>
        %dma_wait3A_225 = arith.constant 0 : i32
        %dma_wait3A_226 = arith.constant 0 : i32
        %dma_wait3A_227 = tpu.memref_slice %arg14[%dma_wait3A_225, %dma_wait3A_226] : memref<4100x128xf32, #tpu.memory_space<vmem_shared>> -> memref<4100x128xf32, #tpu.memory_space<vmem_shared>>
        tpu.wait_indirect_dma semaphore(%run_scoped3A : memref<!tpu.dma_semaphore, #tpu.memory_space<semaphore_mem>>) src(%arg11 : memref<128x128xf32, #tpu.memory_space<vmem>>) dst(%dma_wait3A_227 : memref<4100x128xf32, #tpu.memory_space<vmem_shared>>)
        tpu.yield
      }) : () -> ()
      %lt3A_195 = arith.constant 15 : i32
      %lt3A_196 = arith.cmpi slt, %scan3A_155, %lt3A_195 : i32
      %convert_element_type3A_197 = arith.extui %lt3A_196 : i1 to i32
      %cond3A_198 = arith.constant 0 : i32
      %cond3A_199 = arith.cmpi ne, %convert_element_type3A_197, %cond3A_198 : i32
      scf.if %cond3A_199 {
        %add3A_216 = arith.constant 4 : i32
        %add3A_217 = arith.addi %mul3A_158, %add3A_216 : i32
        %add3A_218 = arith.constant 2 : i32
        %add3A_219 = arith.addi %add3A_217, %add3A_218 : i32
        %dma_start3A_220 = arith.constant 0 : i32
        %dma_start3A_221 = tpu.memref_slice %arg7[%add3A_219, %dma_start3A_220] : memref<64x128xi32, #tpu.memory_space<vmem>> -> memref<1x128xi32, #tpu.memory_space<vmem>>
        %dma_start3A_222 = tpu.memref_squeeze %dma_start3A_221 : memref<1x128xi32, #tpu.memory_space<vmem>> -> memref<128xi32, #tpu.memory_space<vmem>>
        %dma_start3A_223 = arith.constant 0 : i32
        %dma_start3A_224 = arith.constant 0 : i32
        %dma_start3A_225 = tpu.memref_slice %arg4[%dma_start3A_223, %dma_start3A_224] : memref<164096x128xf32, #tpu.memory_space<hbm>> -> memref<164096x128xf32, #tpu.memory_space<hbm>>
        tpu.enqueue_indirect_dma source(%dma_start3A_225 : memref<164096x128xf32, #tpu.memory_space<hbm>>) target(%arg11 : memref<128x128xf32, #tpu.memory_space<vmem>>) offsets(%dma_start3A_222 : memref<128xi32, #tpu.memory_space<vmem>>) semaphore(%arg17 : memref<!tpu.dma_semaphore, #tpu.memory_space<semaphore_mem>>)
      } else {
      }
      %add3A_200 = arith.constant 3 : i32
      %add3A_201 = arith.addi %mul3A_158, %add3A_200 : i32
      %dma_wait3A_202 = arith.constant 0 : i32
      %dma_wait3A_203 = tpu.memref_slice %arg7[%add3A_201, %dma_wait3A_202] : memref<64x128xi32, #tpu.memory_space<vmem>> -> memref<1x128xi32, #tpu.memory_space<vmem>>
      %dma_wait3A_204 = tpu.memref_squeeze %dma_wait3A_203 : memref<1x128xi32, #tpu.memory_space<vmem>> -> memref<128xi32, #tpu.memory_space<vmem>>
      %dma_wait3A_205 = arith.constant 0 : i32
      %dma_wait3A_206 = arith.constant 0 : i32
      %dma_wait3A_207 = tpu.memref_slice %arg4[%dma_wait3A_205, %dma_wait3A_206] : memref<164096x128xf32, #tpu.memory_space<hbm>> -> memref<164096x128xf32, #tpu.memory_space<hbm>>
      tpu.wait_indirect_dma semaphore(%arg18 : memref<!tpu.dma_semaphore, #tpu.memory_space<semaphore_mem>>) src(%dma_wait3A_207 : memref<164096x128xf32, #tpu.memory_space<hbm>>) dst(%arg12 : memref<128x128xf32, #tpu.memory_space<vmem>>)
      %add3A_208 = arith.constant 3 : i32
      %add3A_209 = arith.addi %mul3A_158, %add3A_208 : i32
      "tpu.region"() ({
        %run_scoped3A = tpu.sem_alloc : memref<!tpu.dma_semaphore, #tpu.memory_space<semaphore_mem>>
        %dma_start3A_216 = arith.constant 0 : i32
        %dma_start3A_217 = tpu.memref_slice %arg8[%add3A_209, %dma_start3A_216] : memref<64x128xi32, #tpu.memory_space<vmem>> -> memref<1x128xi32, #tpu.memory_space<vmem>>
        %dma_start3A_218 = tpu.memref_squeeze %dma_start3A_217 : memref<1x128xi32, #tpu.memory_space<vmem>> -> memref<128xi32, #tpu.memory_space<vmem>>
        %dma_start3A_219 = arith.constant 0 : i32
        %dma_start3A_220 = arith.constant 0 : i32
        %dma_start3A_221 = tpu.memref_slice %arg14[%dma_start3A_219, %dma_start3A_220] : memref<4100x128xf32, #tpu.memory_space<vmem_shared>> -> memref<4100x128xf32, #tpu.memory_space<vmem_shared>>
        tpu.enqueue_indirect_dma source(%arg12 : memref<128x128xf32, #tpu.memory_space<vmem>>) target(%dma_start3A_221 : memref<4100x128xf32, #tpu.memory_space<vmem_shared>>) offsets(%dma_start3A_218 : memref<128xi32, #tpu.memory_space<vmem>>) semaphore(%run_scoped3A : memref<!tpu.dma_semaphore, #tpu.memory_space<semaphore_mem>>) {add = true}
        %dma_wait3A_222 = arith.constant 0 : i32
        %dma_wait3A_223 = tpu.memref_slice %arg8[%add3A_209, %dma_wait3A_222] : memref<64x128xi32, #tpu.memory_space<vmem>> -> memref<1x128xi32, #tpu.memory_space<vmem>>
        %dma_wait3A_224 = tpu.memref_squeeze %dma_wait3A_223 : memref<1x128xi32, #tpu.memory_space<vmem>> -> memref<128xi32, #tpu.memory_space<vmem>>
        %dma_wait3A_225 = arith.constant 0 : i32
        %dma_wait3A_226 = arith.constant 0 : i32
        %dma_wait3A_227 = tpu.memref_slice %arg14[%dma_wait3A_225, %dma_wait3A_226] : memref<4100x128xf32, #tpu.memory_space<vmem_shared>> -> memref<4100x128xf32, #tpu.memory_space<vmem_shared>>
        tpu.wait_indirect_dma semaphore(%run_scoped3A : memref<!tpu.dma_semaphore, #tpu.memory_space<semaphore_mem>>) src(%arg12 : memref<128x128xf32, #tpu.memory_space<vmem>>) dst(%dma_wait3A_227 : memref<4100x128xf32, #tpu.memory_space<vmem_shared>>)
        tpu.yield
      }) : () -> ()
      %lt3A_210 = arith.constant 15 : i32
      %lt3A_211 = arith.cmpi slt, %scan3A_155, %lt3A_210 : i32
      %convert_element_type3A_212 = arith.extui %lt3A_211 : i1 to i32
      %cond3A_213 = arith.constant 0 : i32
      %cond3A_214 = arith.cmpi ne, %convert_element_type3A_212, %cond3A_213 : i32
      scf.if %cond3A_214 {
        %add3A_216 = arith.constant 4 : i32
        %add3A_217 = arith.addi %mul3A_158, %add3A_216 : i32
        %add3A_218 = arith.constant 3 : i32
        %add3A_219 = arith.addi %add3A_217, %add3A_218 : i32
        %dma_start3A_220 = arith.constant 0 : i32
        %dma_start3A_221 = tpu.memref_slice %arg7[%add3A_219, %dma_start3A_220] : memref<64x128xi32, #tpu.memory_space<vmem>> -> memref<1x128xi32, #tpu.memory_space<vmem>>
        %dma_start3A_222 = tpu.memref_squeeze %dma_start3A_221 : memref<1x128xi32, #tpu.memory_space<vmem>> -> memref<128xi32, #tpu.memory_space<vmem>>
        %dma_start3A_223 = arith.constant 0 : i32
        %dma_start3A_224 = arith.constant 0 : i32
        %dma_start3A_225 = tpu.memref_slice %arg4[%dma_start3A_223, %dma_start3A_224] : memref<164096x128xf32, #tpu.memory_space<hbm>> -> memref<164096x128xf32, #tpu.memory_space<hbm>>
        tpu.enqueue_indirect_dma source(%dma_start3A_225 : memref<164096x128xf32, #tpu.memory_space<hbm>>) target(%arg12 : memref<128x128xf32, #tpu.memory_space<vmem>>) offsets(%dma_start3A_222 : memref<128xi32, #tpu.memory_space<vmem>>) semaphore(%arg18 : memref<!tpu.dma_semaphore, #tpu.memory_space<semaphore_mem>>)
      } else {
      }
      %scan3A_215 = arith.constant 0 : i32
      scf.yield %scan3A_215 : i32
    }
    %scan3A_78 = arith.constant 16 : i32
    %mul3A_79 = arith.constant 64 : i32
    %mul3A_80 = arith.muli %arg1, %mul3A_79 : i32
    %mul3A_81 = arith.constant 4 : i32
    %mul3A_82 = arith.muli %mul3A_80, %mul3A_81 : i32
    %add3A_83 = arith.constant 0 : i32
    %add3A_84 = arith.addi %mul3A_82, %add3A_83 : i32
    "tpu.region"() ({
      %run_scoped3A = tpu.sem_alloc : memref<!tpu.dma_semaphore, #tpu.memory_space<semaphore_mem>>
      %dma_start3A_155 = arith.constant 0 : i32
      %dma_start3A_156 = tpu.memref_slice %arg14[%add3A_84, %dma_start3A_155] : memref<4100x128xf32, #tpu.memory_space<vmem_shared>> -> memref<64x128xf32, #tpu.memory_space<vmem_shared>>
      %dma_start3A_157 = arith.constant 0 : i32
      %dma_start3A_158 = tpu.memref_slice %arg14[%add3A_84, %dma_start3A_157] : memref<4100x128xf32, #tpu.memory_space<vmem_shared>> -> memref<64x128xf32, #tpu.memory_space<vmem_shared>>
      tpu.enqueue_dma source(%dma_start3A_158 : memref<64x128xf32, #tpu.memory_space<vmem_shared>>) target(%arg13 : memref<64x128xf32, #tpu.memory_space<vmem>>) target_semaphore(%run_scoped3A : memref<!tpu.dma_semaphore, #tpu.memory_space<semaphore_mem>>)
      %dma_wait3A = arith.constant 0 : i32
      %dma_wait3A_159 = tpu.memref_slice %arg14[%add3A_84, %dma_wait3A] : memref<4100x128xf32, #tpu.memory_space<vmem_shared>> -> memref<64x128xf32, #tpu.memory_space<vmem_shared>>
      %dma_wait3A_160 = arith.constant 0 : i32
      %dma_wait3A_161 = tpu.memref_slice %arg14[%add3A_84, %dma_wait3A_160] : memref<4100x128xf32, #tpu.memory_space<vmem_shared>> -> memref<64x128xf32, #tpu.memory_space<vmem_shared>>
      tpu.wait_dma2 semaphore(%run_scoped3A : memref<!tpu.dma_semaphore, #tpu.memory_space<semaphore_mem>>) src(%dma_wait3A_161 : memref<64x128xf32, #tpu.memory_space<vmem_shared>>) dst(%arg13 : memref<64x128xf32, #tpu.memory_space<vmem>>)
      tpu.yield
    }) : () -> ()
    %scan3A_85 = arith.constant 0 : i32
    %scan3A_86 = arith.constant 0 : i32
    %scan3A_87 = arith.constant 64 : i32
    %scan3A_88 = arith.addi %scan3A_86, %scan3A_87 : i32
    %scan3A_89 = arith.constant 1 : i32
    %scan3A_90 = scf.for %scan3A_155 = %scan3A_86 to %scan3A_88 step %scan3A_89 iter_args(%scan3A_156 = %scan3A_85) -> (i32)  : i32 {
      %get3A = arith.index_cast %scan3A_155 : i32 to index
      %get3A_157 = arith.constant 0 : index
      %get3A_158 = tpu.vector_load %arg13[%get3A, %get3A_157] {strides = array<i32>} : memref<64x128xf32, #tpu.memory_space<vmem>>, vector<16xf32>,
      %max3A = arith.constant -1.000000e+00 : f32
      %max3A_159 = vector.broadcast %max3A : f32 to vector<16xf32>
      %max3A_160 = arith.maximumf %get3A_158, %max3A_159 : vector<16xf32>
      %min3A = arith.constant 1.000000e+00 : f32
      %min3A_161 = vector.broadcast %min3A : f32 to vector<16xf32>
      %min3A_162 = arith.minimumf %max3A_160, %min3A_161 : vector<16xf32>
      %swap3A = arith.index_cast %scan3A_155 : i32 to index
      %swap3A_163 = arith.constant 0 : index
      %swap3A_164 = tpu.vector_load %arg13[%swap3A, %swap3A_163] {strides = array<i32>} : memref<64x128xf32, #tpu.memory_space<vmem>>, vector<16xf32>,
      tpu.vector_store %arg13[%swap3A, %swap3A_163], %min3A_162 {strides = array<i32>} : memref<64x128xf32, #tpu.memory_space<vmem>>, vector<16xf32>,
      %get3A_165 = arith.index_cast %scan3A_155 : i32 to index
      %get3A_166 = arith.constant 16 : index
      %get3A_167 = tpu.vector_load %arg13[%get3A_165, %get3A_166] {strides = array<i32>} : memref<64x128xf32, #tpu.memory_space<vmem>>, vector<16xf32>,
      %max3A_168 = arith.constant -1.000000e+00 : f32
      %max3A_169 = vector.broadcast %max3A_168 : f32 to vector<16xf32>
      %max3A_170 = arith.maximumf %get3A_167, %max3A_169 : vector<16xf32>
      %min3A_171 = arith.constant 1.000000e+00 : f32
      %min3A_172 = vector.broadcast %min3A_171 : f32 to vector<16xf32>
      %min3A_173 = arith.minimumf %max3A_170, %min3A_172 : vector<16xf32>
      %swap3A_174 = arith.index_cast %scan3A_155 : i32 to index
      %swap3A_175 = arith.constant 16 : index
      %swap3A_176 = tpu.vector_load %arg13[%swap3A_174, %swap3A_175] {strides = array<i32>} : memref<64x128xf32, #tpu.memory_space<vmem>>, vector<16xf32>,
      tpu.vector_store %arg13[%swap3A_174, %swap3A_175], %min3A_173 {strides = array<i32>} : memref<64x128xf32, #tpu.memory_space<vmem>>, vector<16xf32>,
      %get3A_177 = arith.index_cast %scan3A_155 : i32 to index
      %get3A_178 = arith.constant 32 : index
      %get3A_179 = tpu.vector_load %arg13[%get3A_177, %get3A_178] {strides = array<i32>} : memref<64x128xf32, #tpu.memory_space<vmem>>, vector<16xf32>,
      %max3A_180 = arith.constant -1.000000e+00 : f32
      %max3A_181 = vector.broadcast %max3A_180 : f32 to vector<16xf32>
      %max3A_182 = arith.maximumf %get3A_179, %max3A_181 : vector<16xf32>
      %min3A_183 = arith.constant 1.000000e+00 : f32
      %min3A_184 = vector.broadcast %min3A_183 : f32 to vector<16xf32>
      %min3A_185 = arith.minimumf %max3A_182, %min3A_184 : vector<16xf32>
      %swap3A_186 = arith.index_cast %scan3A_155 : i32 to index
      %swap3A_187 = arith.constant 32 : index
      %swap3A_188 = tpu.vector_load %arg13[%swap3A_186, %swap3A_187] {strides = array<i32>} : memref<64x128xf32, #tpu.memory_space<vmem>>, vector<16xf32>,
      tpu.vector_store %arg13[%swap3A_186, %swap3A_187], %min3A_185 {strides = array<i32>} : memref<64x128xf32, #tpu.memory_space<vmem>>, vector<16xf32>,
      %get3A_189 = arith.index_cast %scan3A_155 : i32 to index
      %get3A_190 = arith.constant 48 : index
      %get3A_191 = tpu.vector_load %arg13[%get3A_189, %get3A_190] {strides = array<i32>} : memref<64x128xf32, #tpu.memory_space<vmem>>, vector<16xf32>,
      %max3A_192 = arith.constant -1.000000e+00 : f32
      %max3A_193 = vector.broadcast %max3A_192 : f32 to vector<16xf32>
      %max3A_194 = arith.maximumf %get3A_191, %max3A_193 : vector<16xf32>
      %min3A_195 = arith.constant 1.000000e+00 : f32
      %min3A_196 = vector.broadcast %min3A_195 : f32 to vector<16xf32>
      %min3A_197 = arith.minimumf %max3A_194, %min3A_196 : vector<16xf32>
      %swap3A_198 = arith.index_cast %scan3A_155 : i32 to index
      %swap3A_199 = arith.constant 48 : index
      %swap3A_200 = tpu.vector_load %arg13[%swap3A_198, %swap3A_199] {strides = array<i32>} : memref<64x128xf32, #tpu.memory_space<vmem>>, vector<16xf32>,
      tpu.vector_store %arg13[%swap3A_198, %swap3A_199], %min3A_197 {strides = array<i32>} : memref<64x128xf32, #tpu.memory_space<vmem>>, vector<16xf32>,
      %get3A_201 = arith.index_cast %scan3A_155 : i32 to index
      %get3A_202 = arith.constant 64 : index
      %get3A_203 = tpu.vector_load %arg13[%get3A_201, %get3A_202] {strides = array<i32>} : memref<64x128xf32, #tpu.memory_space<vmem>>, vector<16xf32>,
      %max3A_204 = arith.constant -1.000000e+00 : f32
      %max3A_205 = vector.broadcast %max3A_204 : f32 to vector<16xf32>
      %max3A_206 = arith.maximumf %get3A_203, %max3A_205 : vector<16xf32>
      %min3A_207 = arith.constant 1.000000e+00 : f32
      %min3A_208 = vector.broadcast %min3A_207 : f32 to vector<16xf32>
      %min3A_209 = arith.minimumf %max3A_206, %min3A_208 : vector<16xf32>
      %swap3A_210 = arith.index_cast %scan3A_155 : i32 to index
      %swap3A_211 = arith.constant 64 : index
      %swap3A_212 = tpu.vector_load %arg13[%swap3A_210, %swap3A_211] {strides = array<i32>} : memref<64x128xf32, #tpu.memory_space<vmem>>, vector<16xf32>,
      tpu.vector_store %arg13[%swap3A_210, %swap3A_211], %min3A_209 {strides = array<i32>} : memref<64x128xf32, #tpu.memory_space<vmem>>, vector<16xf32>,
      %get3A_213 = arith.index_cast %scan3A_155 : i32 to index
      %get3A_214 = arith.constant 80 : index
      %get3A_215 = tpu.vector_load %arg13[%get3A_213, %get3A_214] {strides = array<i32>} : memref<64x128xf32, #tpu.memory_space<vmem>>, vector<16xf32>,
      %max3A_216 = arith.constant -1.000000e+00 : f32
      %max3A_217 = vector.broadcast %max3A_216 : f32 to vector<16xf32>
      %max3A_218 = arith.maximumf %get3A_215, %max3A_217 : vector<16xf32>
      %min3A_219 = arith.constant 1.000000e+00 : f32
      %min3A_220 = vector.broadcast %min3A_219 : f32 to vector<16xf32>
      %min3A_221 = arith.minimumf %max3A_218, %min3A_220 : vector<16xf32>
      %swap3A_222 = arith.index_cast %scan3A_155 : i32 to index
      %swap3A_223 = arith.constant 80 : index
      %swap3A_224 = tpu.vector_load %arg13[%swap3A_222, %swap3A_223] {strides = array<i32>} : memref<64x128xf32, #tpu.memory_space<vmem>>, vector<16xf32>,
      tpu.vector_store %arg13[%swap3A_222, %swap3A_223], %min3A_221 {strides = array<i32>} : memref<64x128xf32, #tpu.memory_space<vmem>>, vector<16xf32>,
      %get3A_225 = arith.index_cast %scan3A_155 : i32 to index
      %get3A_226 = arith.constant 96 : index
      %get3A_227 = tpu.vector_load %arg13[%get3A_225, %get3A_226] {strides = array<i32>} : memref<64x128xf32, #tpu.memory_space<vmem>>, vector<16xf32>,
      %max3A_228 = arith.constant -1.000000e+00 : f32
      %max3A_229 = vector.broadcast %max3A_228 : f32 to vector<16xf32>
      %max3A_230 = arith.maximumf %get3A_227, %max3A_229 : vector<16xf32>
      %min3A_231 = arith.constant 1.000000e+00 : f32
      %min3A_232 = vector.broadcast %min3A_231 : f32 to vector<16xf32>
      %min3A_233 = arith.minimumf %max3A_230, %min3A_232 : vector<16xf32>
      %swap3A_234 = arith.index_cast %scan3A_155 : i32 to index
      %swap3A_235 = arith.constant 96 : index
      %swap3A_236 = tpu.vector_load %arg13[%swap3A_234, %swap3A_235] {strides = array<i32>} : memref<64x128xf32, #tpu.memory_space<vmem>>, vector<16xf32>,
      tpu.vector_store %arg13[%swap3A_234, %swap3A_235], %min3A_233 {strides = array<i32>} : memref<64x128xf32, #tpu.memory_space<vmem>>, vector<16xf32>,
      %get3A_237 = arith.index_cast %scan3A_155 : i32 to index
      %get3A_238 = arith.constant 112 : index
      %get3A_239 = tpu.vector_load %arg13[%get3A_237, %get3A_238] {strides = array<i32>} : memref<64x128xf32, #tpu.memory_space<vmem>>, vector<16xf32>,
      %max3A_240 = arith.constant -1.000000e+00 : f32
      %max3A_241 = vector.broadcast %max3A_240 : f32 to vector<16xf32>
      %max3A_242 = arith.maximumf %get3A_239, %max3A_241 : vector<16xf32>
      %min3A_243 = arith.constant 1.000000e+00 : f32
      %min3A_244 = vector.broadcast %min3A_243 : f32 to vector<16xf32>
      %min3A_245 = arith.minimumf %max3A_242, %min3A_244 : vector<16xf32>
      %swap3A_246 = arith.index_cast %scan3A_155 : i32 to index
      %swap3A_247 = arith.constant 112 : index
      %swap3A_248 = tpu.vector_load %arg13[%swap3A_246, %swap3A_247] {strides = array<i32>} : memref<64x128xf32, #tpu.memory_space<vmem>>, vector<16xf32>,
      tpu.vector_store %arg13[%swap3A_246, %swap3A_247], %min3A_245 {strides = array<i32>} : memref<64x128xf32, #tpu.memory_space<vmem>>, vector<16xf32>,
      %scan3A_249 = arith.constant 0 : i32
      scf.yield %scan3A_249 : i32
    }
    %scan3A_91 = arith.constant 64 : i32
    %mul3A_92 = arith.constant 64 : i32
    %mul3A_93 = arith.muli %add3A, %mul3A_92 : i32
    %mul3A_94 = arith.constant 4 : i32
    %mul3A_95 = arith.muli %mul3A_93, %mul3A_94 : i32
    %add3A_96 = arith.constant 0 : i32
    %add3A_97 = arith.addi %mul3A_95, %add3A_96 : i32
    "tpu.region"() ({
      %run_scoped3A = tpu.sem_alloc : memref<!tpu.dma_semaphore, #tpu.memory_space<semaphore_mem>>
      %dma_start3A_155 = arith.constant 0 : i32
      %dma_start3A_156 = tpu.memref_slice %arg5[%add3A_97, %dma_start3A_155] : memref<8192x128xf32, #tpu.memory_space<hbm>> -> memref<64x128xf32, #tpu.memory_space<hbm>>
      %dma_start3A_157 = arith.constant 0 : i32
      %dma_start3A_158 = tpu.memref_slice %arg5[%add3A_97, %dma_start3A_157] : memref<8192x128xf32, #tpu.memory_space<hbm>> -> memref<64x128xf32, #tpu.memory_space<hbm>>
      tpu.enqueue_dma source(%arg13 : memref<64x128xf32, #tpu.memory_space<vmem>>) target(%dma_start3A_158 : memref<64x128xf32, #tpu.memory_space<hbm>>) target_semaphore(%run_scoped3A : memref<!tpu.dma_semaphore, #tpu.memory_space<semaphore_mem>>)
      %dma_wait3A = arith.constant 0 : i32
      %dma_wait3A_159 = tpu.memref_slice %arg5[%add3A_97, %dma_wait3A] : memref<8192x128xf32, #tpu.memory_space<hbm>> -> memref<64x128xf32, #tpu.memory_space<hbm>>
      %dma_wait3A_160 = arith.constant 0 : i32
      %dma_wait3A_161 = tpu.memref_slice %arg5[%add3A_97, %dma_wait3A_160] : memref<8192x128xf32, #tpu.memory_space<hbm>> -> memref<64x128xf32, #tpu.memory_space<hbm>>
      tpu.wait_dma2 semaphore(%run_scoped3A : memref<!tpu.dma_semaphore, #tpu.memory_space<semaphore_mem>>) src(%arg13 : memref<64x128xf32, #tpu.memory_space<vmem>>) dst(%dma_wait3A_161 : memref<64x128xf32, #tpu.memory_space<hbm>>)
      tpu.yield
    }) : () -> ()
    %mul3A_98 = arith.constant 64 : i32
    %mul3A_99 = arith.muli %arg1, %mul3A_98 : i32
    %mul3A_100 = arith.constant 4 : i32
    %mul3A_101 = arith.muli %mul3A_99, %mul3A_100 : i32
    %add3A_102 = arith.constant 64 : i32
    %add3A_103 = arith.addi %mul3A_101, %add3A_102 : i32
    "tpu.region"() ({
      %run_scoped3A = tpu.sem_alloc : memref<!tpu.dma_semaphore, #tpu.memory_space<semaphore_mem>>
      %dma_start3A_155 = arith.constant 0 : i32
      %dma_start3A_156 = tpu.memref_slice %arg14[%add3A_103, %dma_start3A_155] : memref<4100x128xf32, #tpu.memory_space<vmem_shared>> -> memref<64x128xf32, #tpu.memory_space<vmem_shared>>
      %dma_start3A_157 = arith.constant 0 : i32
      %dma_start3A_158 = tpu.memref_slice %arg14[%add3A_103, %dma_start3A_157] : memref<4100x128xf32, #tpu.memory_space<vmem_shared>> -> memref<64x128xf32, #tpu.memory_space<vmem_shared>>
      tpu.enqueue_dma source(%dma_start3A_158 : memref<64x128xf32, #tpu.memory_space<vmem_shared>>) target(%arg13 : memref<64x128xf32, #tpu.memory_space<vmem>>) target_semaphore(%run_scoped3A : memref<!tpu.dma_semaphore, #tpu.memory_space<semaphore_mem>>)
      %dma_wait3A = arith.constant 0 : i32
      %dma_wait3A_159 = tpu.memref_slice %arg14[%add3A_103, %dma_wait3A] : memref<4100x128xf32, #tpu.memory_space<vmem_shared>> -> memref<64x128xf32, #tpu.memory_space<vmem_shared>>
      %dma_wait3A_160 = arith.constant 0 : i32
      %dma_wait3A_161 = tpu.memref_slice %arg14[%add3A_103, %dma_wait3A_160] : memref<4100x128xf32, #tpu.memory_space<vmem_shared>> -> memref<64x128xf32, #tpu.memory_space<vmem_shared>>
      tpu.wait_dma2 semaphore(%run_scoped3A : memref<!tpu.dma_semaphore, #tpu.memory_space<semaphore_mem>>) src(%dma_wait3A_161 : memref<64x128xf32, #tpu.memory_space<vmem_shared>>) dst(%arg13 : memref<64x128xf32, #tpu.memory_space<vmem>>)
      tpu.yield
    }) : () -> ()
    %scan3A_104 = arith.constant 0 : i32
    %scan3A_105 = arith.constant 0 : i32
    %scan3A_106 = arith.constant 64 : i32
    %scan3A_107 = arith.addi %scan3A_105, %scan3A_106 : i32
    %scan3A_108 = arith.constant 1 : i32
    %scan3A_109 = scf.for %scan3A_155 = %scan3A_105 to %scan3A_107 step %scan3A_108 iter_args(%scan3A_156 = %scan3A_104) -> (i32)  : i32 {
      %get3A = arith.index_cast %scan3A_155 : i32 to index
      %get3A_157 = arith.constant 0 : index
      %get3A_158 = tpu.vector_load %arg13[%get3A, %get3A_157] {strides = array<i32>} : memref<64x128xf32, #tpu.memory_space<vmem>>, vector<16xf32>,
      %max3A = arith.constant -1.000000e+00 : f32
      %max3A_159 = vector.broadcast %max3A : f32 to vector<16xf32>
      %max3A_160 = arith.maximumf %get3A_158, %max3A_159 : vector<16xf32>
      %min3A = arith.constant 1.000000e+00 : f32
      %min3A_161 = vector.broadcast %min3A : f32 to vector<16xf32>
      %min3A_162 = arith.minimumf %max3A_160, %min3A_161 : vector<16xf32>
      %swap3A = arith.index_cast %scan3A_155 : i32 to index
      %swap3A_163 = arith.constant 0 : index
      %swap3A_164 = tpu.vector_load %arg13[%swap3A, %swap3A_163] {strides = array<i32>} : memref<64x128xf32, #tpu.memory_space<vmem>>, vector<16xf32>,
      tpu.vector_store %arg13[%swap3A, %swap3A_163], %min3A_162 {strides = array<i32>} : memref<64x128xf32, #tpu.memory_space<vmem>>, vector<16xf32>,
      %get3A_165 = arith.index_cast %scan3A_155 : i32 to index
      %get3A_166 = arith.constant 16 : index
      %get3A_167 = tpu.vector_load %arg13[%get3A_165, %get3A_166] {strides = array<i32>} : memref<64x128xf32, #tpu.memory_space<vmem>>, vector<16xf32>,
      %max3A_168 = arith.constant -1.000000e+00 : f32
      %max3A_169 = vector.broadcast %max3A_168 : f32 to vector<16xf32>
      %max3A_170 = arith.maximumf %get3A_167, %max3A_169 : vector<16xf32>
      %min3A_171 = arith.constant 1.000000e+00 : f32
      %min3A_172 = vector.broadcast %min3A_171 : f32 to vector<16xf32>
      %min3A_173 = arith.minimumf %max3A_170, %min3A_172 : vector<16xf32>
      %swap3A_174 = arith.index_cast %scan3A_155 : i32 to index
      %swap3A_175 = arith.constant 16 : index
      %swap3A_176 = tpu.vector_load %arg13[%swap3A_174, %swap3A_175] {strides = array<i32>} : memref<64x128xf32, #tpu.memory_space<vmem>>, vector<16xf32>,
      tpu.vector_store %arg13[%swap3A_174, %swap3A_175], %min3A_173 {strides = array<i32>} : memref<64x128xf32, #tpu.memory_space<vmem>>, vector<16xf32>,
      %get3A_177 = arith.index_cast %scan3A_155 : i32 to index
      %get3A_178 = arith.constant 32 : index
      %get3A_179 = tpu.vector_load %arg13[%get3A_177, %get3A_178] {strides = array<i32>} : memref<64x128xf32, #tpu.memory_space<vmem>>, vector<16xf32>,
      %max3A_180 = arith.constant -1.000000e+00 : f32
      %max3A_181 = vector.broadcast %max3A_180 : f32 to vector<16xf32>
      %max3A_182 = arith.maximumf %get3A_179, %max3A_181 : vector<16xf32>
      %min3A_183 = arith.constant 1.000000e+00 : f32
      %min3A_184 = vector.broadcast %min3A_183 : f32 to vector<16xf32>
      %min3A_185 = arith.minimumf %max3A_182, %min3A_184 : vector<16xf32>
      %swap3A_186 = arith.index_cast %scan3A_155 : i32 to index
      %swap3A_187 = arith.constant 32 : index
      %swap3A_188 = tpu.vector_load %arg13[%swap3A_186, %swap3A_187] {strides = array<i32>} : memref<64x128xf32, #tpu.memory_space<vmem>>, vector<16xf32>,
      tpu.vector_store %arg13[%swap3A_186, %swap3A_187], %min3A_185 {strides = array<i32>} : memref<64x128xf32, #tpu.memory_space<vmem>>, vector<16xf32>,
      %get3A_189 = arith.index_cast %scan3A_155 : i32 to index
      %get3A_190 = arith.constant 48 : index
      %get3A_191 = tpu.vector_load %arg13[%get3A_189, %get3A_190] {strides = array<i32>} : memref<64x128xf32, #tpu.memory_space<vmem>>, vector<16xf32>,
      %max3A_192 = arith.constant -1.000000e+00 : f32
      %max3A_193 = vector.broadcast %max3A_192 : f32 to vector<16xf32>
      %max3A_194 = arith.maximumf %get3A_191, %max3A_193 : vector<16xf32>
      %min3A_195 = arith.constant 1.000000e+00 : f32
      %min3A_196 = vector.broadcast %min3A_195 : f32 to vector<16xf32>
      %min3A_197 = arith.minimumf %max3A_194, %min3A_196 : vector<16xf32>
      %swap3A_198 = arith.index_cast %scan3A_155 : i32 to index
      %swap3A_199 = arith.constant 48 : index
      %swap3A_200 = tpu.vector_load %arg13[%swap3A_198, %swap3A_199] {strides = array<i32>} : memref<64x128xf32, #tpu.memory_space<vmem>>, vector<16xf32>,
      tpu.vector_store %arg13[%swap3A_198, %swap3A_199], %min3A_197 {strides = array<i32>} : memref<64x128xf32, #tpu.memory_space<vmem>>, vector<16xf32>,
      %get3A_201 = arith.index_cast %scan3A_155 : i32 to index
      %get3A_202 = arith.constant 64 : index
      %get3A_203 = tpu.vector_load %arg13[%get3A_201, %get3A_202] {strides = array<i32>} : memref<64x128xf32, #tpu.memory_space<vmem>>, vector<16xf32>,
      %max3A_204 = arith.constant -1.000000e+00 : f32
      %max3A_205 = vector.broadcast %max3A_204 : f32 to vector<16xf32>
      %max3A_206 = arith.maximumf %get3A_203, %max3A_205 : vector<16xf32>
      %min3A_207 = arith.constant 1.000000e+00 : f32
      %min3A_208 = vector.broadcast %min3A_207 : f32 to vector<16xf32>
      %min3A_209 = arith.minimumf %max3A_206, %min3A_208 : vector<16xf32>
      %swap3A_210 = arith.index_cast %scan3A_155 : i32 to index
      %swap3A_211 = arith.constant 64 : index
      %swap3A_212 = tpu.vector_load %arg13[%swap3A_210, %swap3A_211] {strides = array<i32>} : memref<64x128xf32, #tpu.memory_space<vmem>>, vector<16xf32>,
      tpu.vector_store %arg13[%swap3A_210, %swap3A_211], %min3A_209 {strides = array<i32>} : memref<64x128xf32, #tpu.memory_space<vmem>>, vector<16xf32>,
      %get3A_213 = arith.index_cast %scan3A_155 : i32 to index
      %get3A_214 = arith.constant 80 : index
      %get3A_215 = tpu.vector_load %arg13[%get3A_213, %get3A_214] {strides = array<i32>} : memref<64x128xf32, #tpu.memory_space<vmem>>, vector<16xf32>,
      %max3A_216 = arith.constant -1.000000e+00 : f32
      %max3A_217 = vector.broadcast %max3A_216 : f32 to vector<16xf32>
      %max3A_218 = arith.maximumf %get3A_215, %max3A_217 : vector<16xf32>
      %min3A_219 = arith.constant 1.000000e+00 : f32
      %min3A_220 = vector.broadcast %min3A_219 : f32 to vector<16xf32>
      %min3A_221 = arith.minimumf %max3A_218, %min3A_220 : vector<16xf32>
      %swap3A_222 = arith.index_cast %scan3A_155 : i32 to index
      %swap3A_223 = arith.constant 80 : index
      %swap3A_224 = tpu.vector_load %arg13[%swap3A_222, %swap3A_223] {strides = array<i32>} : memref<64x128xf32, #tpu.memory_space<vmem>>, vector<16xf32>,
      tpu.vector_store %arg13[%swap3A_222, %swap3A_223], %min3A_221 {strides = array<i32>} : memref<64x128xf32, #tpu.memory_space<vmem>>, vector<16xf32>,
      %get3A_225 = arith.index_cast %scan3A_155 : i32 to index
      %get3A_226 = arith.constant 96 : index
      %get3A_227 = tpu.vector_load %arg13[%get3A_225, %get3A_226] {strides = array<i32>} : memref<64x128xf32, #tpu.memory_space<vmem>>, vector<16xf32>,
      %max3A_228 = arith.constant -1.000000e+00 : f32
      %max3A_229 = vector.broadcast %max3A_228 : f32 to vector<16xf32>
      %max3A_230 = arith.maximumf %get3A_227, %max3A_229 : vector<16xf32>
      %min3A_231 = arith.constant 1.000000e+00 : f32
      %min3A_232 = vector.broadcast %min3A_231 : f32 to vector<16xf32>
      %min3A_233 = arith.minimumf %max3A_230, %min3A_232 : vector<16xf32>
      %swap3A_234 = arith.index_cast %scan3A_155 : i32 to index
      %swap3A_235 = arith.constant 96 : index
      %swap3A_236 = tpu.vector_load %arg13[%swap3A_234, %swap3A_235] {strides = array<i32>} : memref<64x128xf32, #tpu.memory_space<vmem>>, vector<16xf32>,
      tpu.vector_store %arg13[%swap3A_234, %swap3A_235], %min3A_233 {strides = array<i32>} : memref<64x128xf32, #tpu.memory_space<vmem>>, vector<16xf32>,
      %get3A_237 = arith.index_cast %scan3A_155 : i32 to index
      %get3A_238 = arith.constant 112 : index
      %get3A_239 = tpu.vector_load %arg13[%get3A_237, %get3A_238] {strides = array<i32>} : memref<64x128xf32, #tpu.memory_space<vmem>>, vector<16xf32>,
      %max3A_240 = arith.constant -1.000000e+00 : f32
      %max3A_241 = vector.broadcast %max3A_240 : f32 to vector<16xf32>
      %max3A_242 = arith.maximumf %get3A_239, %max3A_241 : vector<16xf32>
      %min3A_243 = arith.constant 1.000000e+00 : f32
      %min3A_244 = vector.broadcast %min3A_243 : f32 to vector<16xf32>
      %min3A_245 = arith.minimumf %max3A_242, %min3A_244 : vector<16xf32>
      %swap3A_246 = arith.index_cast %scan3A_155 : i32 to index
      %swap3A_247 = arith.constant 112 : index
      %swap3A_248 = tpu.vector_load %arg13[%swap3A_246, %swap3A_247] {strides = array<i32>} : memref<64x128xf32, #tpu.memory_space<vmem>>, vector<16xf32>,
      tpu.vector_store %arg13[%swap3A_246, %swap3A_247], %min3A_245 {strides = array<i32>} : memref<64x128xf32, #tpu.memory_space<vmem>>, vector<16xf32>,
      %scan3A_249 = arith.constant 0 : i32
      scf.yield %scan3A_249 : i32
    }
    %scan3A_110 = arith.constant 64 : i32
    %mul3A_111 = arith.constant 64 : i32
    %mul3A_112 = arith.muli %add3A, %mul3A_111 : i32
    %mul3A_113 = arith.constant 4 : i32
    %mul3A_114 = arith.muli %mul3A_112, %mul3A_113 : i32
    %add3A_115 = arith.constant 64 : i32
    %add3A_116 = arith.addi %mul3A_114, %add3A_115 : i32
    "tpu.region"() ({
      %run_scoped3A = tpu.sem_alloc : memref<!tpu.dma_semaphore, #tpu.memory_space<semaphore_mem>>
      %dma_start3A_155 = arith.constant 0 : i32
      %dma_start3A_156 = tpu.memref_slice %arg5[%add3A_116, %dma_start3A_155] : memref<8192x128xf32, #tpu.memory_space<hbm>> -> memref<64x128xf32, #tpu.memory_space<hbm>>
      %dma_start3A_157 = arith.constant 0 : i32
      %dma_start3A_158 = tpu.memref_slice %arg5[%add3A_116, %dma_start3A_157] : memref<8192x128xf32, #tpu.memory_space<hbm>> -> memref<64x128xf32, #tpu.memory_space<hbm>>
      tpu.enqueue_dma source(%arg13 : memref<64x128xf32, #tpu.memory_space<vmem>>) target(%dma_start3A_158 : memref<64x128xf32, #tpu.memory_space<hbm>>) target_semaphore(%run_scoped3A : memref<!tpu.dma_semaphore, #tpu.memory_space<semaphore_mem>>)
      %dma_wait3A = arith.constant 0 : i32
      %dma_wait3A_159 = tpu.memref_slice %arg5[%add3A_116, %dma_wait3A] : memref<8192x128xf32, #tpu.memory_space<hbm>> -> memref<64x128xf32, #tpu.memory_space<hbm>>
      %dma_wait3A_160 = arith.constant 0 : i32
      %dma_wait3A_161 = tpu.memref_slice %arg5[%add3A_116, %dma_wait3A_160] : memref<8192x128xf32, #tpu.memory_space<hbm>> -> memref<64x128xf32, #tpu.memory_space<hbm>>
      tpu.wait_dma2 semaphore(%run_scoped3A : memref<!tpu.dma_semaphore, #tpu.memory_space<semaphore_mem>>) src(%arg13 : memref<64x128xf32, #tpu.memory_space<vmem>>) dst(%dma_wait3A_161 : memref<64x128xf32, #tpu.memory_space<hbm>>)
      tpu.yield
    }) : () -> ()
    %mul3A_117 = arith.constant 64 : i32
    %mul3A_118 = arith.muli %arg1, %mul3A_117 : i32
    %mul3A_119 = arith.constant 4 : i32
    %mul3A_120 = arith.muli %mul3A_118, %mul3A_119 : i32
    %add3A_121 = arith.constant 128 : i32
    %add3A_122 = arith.addi %mul3A_120, %add3A_121 : i32
    "tpu.region"() ({
      %run_scoped3A = tpu.sem_alloc : memref<!tpu.dma_semaphore, #tpu.memory_space<semaphore_mem>>
      %dma_start3A_155 = arith.constant 0 : i32
      %dma_start3A_156 = tpu.memref_slice %arg14[%add3A_122, %dma_start3A_155] : memref<4100x128xf32, #tpu.memory_space<vmem_shared>> -> memref<64x128xf32, #tpu.memory_space<vmem_shared>>
      %dma_start3A_157 = arith.constant 0 : i32
      %dma_start3A_158 = tpu.memref_slice %arg14[%add3A_122, %dma_start3A_157] : memref<4100x128xf32, #tpu.memory_space<vmem_shared>> -> memref<64x128xf32, #tpu.memory_space<vmem_shared>>
      tpu.enqueue_dma source(%dma_start3A_158 : memref<64x128xf32, #tpu.memory_space<vmem_shared>>) target(%arg13 : memref<64x128xf32, #tpu.memory_space<vmem>>) target_semaphore(%run_scoped3A : memref<!tpu.dma_semaphore, #tpu.memory_space<semaphore_mem>>)
      %dma_wait3A = arith.constant 0 : i32
      %dma_wait3A_159 = tpu.memref_slice %arg14[%add3A_122, %dma_wait3A] : memref<4100x128xf32, #tpu.memory_space<vmem_shared>> -> memref<64x128xf32, #tpu.memory_space<vmem_shared>>
      %dma_wait3A_160 = arith.constant 0 : i32
      %dma_wait3A_161 = tpu.memref_slice %arg14[%add3A_122, %dma_wait3A_160] : memref<4100x128xf32, #tpu.memory_space<vmem_shared>> -> memref<64x128xf32, #tpu.memory_space<vmem_shared>>
      tpu.wait_dma2 semaphore(%run_scoped3A : memref<!tpu.dma_semaphore, #tpu.memory_space<semaphore_mem>>) src(%dma_wait3A_161 : memref<64x128xf32, #tpu.memory_space<vmem_shared>>) dst(%arg13 : memref<64x128xf32, #tpu.memory_space<vmem>>)
      tpu.yield
    }) : () -> ()
    %scan3A_123 = arith.constant 0 : i32
    %scan3A_124 = arith.constant 0 : i32
    %scan3A_125 = arith.constant 64 : i32
    %scan3A_126 = arith.addi %scan3A_124, %scan3A_125 : i32
    %scan3A_127 = arith.constant 1 : i32
    %scan3A_128 = scf.for %scan3A_155 = %scan3A_124 to %scan3A_126 step %scan3A_127 iter_args(%scan3A_156 = %scan3A_123) -> (i32)  : i32 {
      %get3A = arith.index_cast %scan3A_155 : i32 to index
      %get3A_157 = arith.constant 0 : index
      %get3A_158 = tpu.vector_load %arg13[%get3A, %get3A_157] {strides = array<i32>} : memref<64x128xf32, #tpu.memory_space<vmem>>, vector<16xf32>,
      %max3A = arith.constant -1.000000e+00 : f32
      %max3A_159 = vector.broadcast %max3A : f32 to vector<16xf32>
      %max3A_160 = arith.maximumf %get3A_158, %max3A_159 : vector<16xf32>
      %min3A = arith.constant 1.000000e+00 : f32
      %min3A_161 = vector.broadcast %min3A : f32 to vector<16xf32>
      %min3A_162 = arith.minimumf %max3A_160, %min3A_161 : vector<16xf32>
      %swap3A = arith.index_cast %scan3A_155 : i32 to index
      %swap3A_163 = arith.constant 0 : index
      %swap3A_164 = tpu.vector_load %arg13[%swap3A, %swap3A_163] {strides = array<i32>} : memref<64x128xf32, #tpu.memory_space<vmem>>, vector<16xf32>,
      tpu.vector_store %arg13[%swap3A, %swap3A_163], %min3A_162 {strides = array<i32>} : memref<64x128xf32, #tpu.memory_space<vmem>>, vector<16xf32>,
      %get3A_165 = arith.index_cast %scan3A_155 : i32 to index
      %get3A_166 = arith.constant 16 : index
      %get3A_167 = tpu.vector_load %arg13[%get3A_165, %get3A_166] {strides = array<i32>} : memref<64x128xf32, #tpu.memory_space<vmem>>, vector<16xf32>,
      %max3A_168 = arith.constant -1.000000e+00 : f32
      %max3A_169 = vector.broadcast %max3A_168 : f32 to vector<16xf32>
      %max3A_170 = arith.maximumf %get3A_167, %max3A_169 : vector<16xf32>
      %min3A_171 = arith.constant 1.000000e+00 : f32
      %min3A_172 = vector.broadcast %min3A_171 : f32 to vector<16xf32>
      %min3A_173 = arith.minimumf %max3A_170, %min3A_172 : vector<16xf32>
      %swap3A_174 = arith.index_cast %scan3A_155 : i32 to index
      %swap3A_175 = arith.constant 16 : index
      %swap3A_176 = tpu.vector_load %arg13[%swap3A_174, %swap3A_175] {strides = array<i32>} : memref<64x128xf32, #tpu.memory_space<vmem>>, vector<16xf32>,
      tpu.vector_store %arg13[%swap3A_174, %swap3A_175], %min3A_173 {strides = array<i32>} : memref<64x128xf32, #tpu.memory_space<vmem>>, vector<16xf32>,
      %get3A_177 = arith.index_cast %scan3A_155 : i32 to index
      %get3A_178 = arith.constant 32 : index
      %get3A_179 = tpu.vector_load %arg13[%get3A_177, %get3A_178] {strides = array<i32>} : memref<64x128xf32, #tpu.memory_space<vmem>>, vector<16xf32>,
      %max3A_180 = arith.constant -1.000000e+00 : f32
      %max3A_181 = vector.broadcast %max3A_180 : f32 to vector<16xf32>
      %max3A_182 = arith.maximumf %get3A_179, %max3A_181 : vector<16xf32>
      %min3A_183 = arith.constant 1.000000e+00 : f32
      %min3A_184 = vector.broadcast %min3A_183 : f32 to vector<16xf32>
      %min3A_185 = arith.minimumf %max3A_182, %min3A_184 : vector<16xf32>
      %swap3A_186 = arith.index_cast %scan3A_155 : i32 to index
      %swap3A_187 = arith.constant 32 : index
      %swap3A_188 = tpu.vector_load %arg13[%swap3A_186, %swap3A_187] {strides = array<i32>} : memref<64x128xf32, #tpu.memory_space<vmem>>, vector<16xf32>,
      tpu.vector_store %arg13[%swap3A_186, %swap3A_187], %min3A_185 {strides = array<i32>} : memref<64x128xf32, #tpu.memory_space<vmem>>, vector<16xf32>,
      %get3A_189 = arith.index_cast %scan3A_155 : i32 to index
      %get3A_190 = arith.constant 48 : index
      %get3A_191 = tpu.vector_load %arg13[%get3A_189, %get3A_190] {strides = array<i32>} : memref<64x128xf32, #tpu.memory_space<vmem>>, vector<16xf32>,
      %max3A_192 = arith.constant -1.000000e+00 : f32
      %max3A_193 = vector.broadcast %max3A_192 : f32 to vector<16xf32>
      %max3A_194 = arith.maximumf %get3A_191, %max3A_193 : vector<16xf32>
      %min3A_195 = arith.constant 1.000000e+00 : f32
      %min3A_196 = vector.broadcast %min3A_195 : f32 to vector<16xf32>
      %min3A_197 = arith.minimumf %max3A_194, %min3A_196 : vector<16xf32>
      %swap3A_198 = arith.index_cast %scan3A_155 : i32 to index
      %swap3A_199 = arith.constant 48 : index
      %swap3A_200 = tpu.vector_load %arg13[%swap3A_198, %swap3A_199] {strides = array<i32>} : memref<64x128xf32, #tpu.memory_space<vmem>>, vector<16xf32>,
      tpu.vector_store %arg13[%swap3A_198, %swap3A_199], %min3A_197 {strides = array<i32>} : memref<64x128xf32, #tpu.memory_space<vmem>>, vector<16xf32>,
      %get3A_201 = arith.index_cast %scan3A_155 : i32 to index
      %get3A_202 = arith.constant 64 : index
      %get3A_203 = tpu.vector_load %arg13[%get3A_201, %get3A_202] {strides = array<i32>} : memref<64x128xf32, #tpu.memory_space<vmem>>, vector<16xf32>,
      %max3A_204 = arith.constant -1.000000e+00 : f32
      %max3A_205 = vector.broadcast %max3A_204 : f32 to vector<16xf32>
      %max3A_206 = arith.maximumf %get3A_203, %max3A_205 : vector<16xf32>
      %min3A_207 = arith.constant 1.000000e+00 : f32
      %min3A_208 = vector.broadcast %min3A_207 : f32 to vector<16xf32>
      %min3A_209 = arith.minimumf %max3A_206, %min3A_208 : vector<16xf32>
      %swap3A_210 = arith.index_cast %scan3A_155 : i32 to index
      %swap3A_211 = arith.constant 64 : index
      %swap3A_212 = tpu.vector_load %arg13[%swap3A_210, %swap3A_211] {strides = array<i32>} : memref<64x128xf32, #tpu.memory_space<vmem>>, vector<16xf32>,
      tpu.vector_store %arg13[%swap3A_210, %swap3A_211], %min3A_209 {strides = array<i32>} : memref<64x128xf32, #tpu.memory_space<vmem>>, vector<16xf32>,
      %get3A_213 = arith.index_cast %scan3A_155 : i32 to index
      %get3A_214 = arith.constant 80 : index
      %get3A_215 = tpu.vector_load %arg13[%get3A_213, %get3A_214] {strides = array<i32>} : memref<64x128xf32, #tpu.memory_space<vmem>>, vector<16xf32>,
      %max3A_216 = arith.constant -1.000000e+00 : f32
      %max3A_217 = vector.broadcast %max3A_216 : f32 to vector<16xf32>
      %max3A_218 = arith.maximumf %get3A_215, %max3A_217 : vector<16xf32>
      %min3A_219 = arith.constant 1.000000e+00 : f32
      %min3A_220 = vector.broadcast %min3A_219 : f32 to vector<16xf32>
      %min3A_221 = arith.minimumf %max3A_218, %min3A_220 : vector<16xf32>
      %swap3A_222 = arith.index_cast %scan3A_155 : i32 to index
      %swap3A_223 = arith.constant 80 : index
      %swap3A_224 = tpu.vector_load %arg13[%swap3A_222, %swap3A_223] {strides = array<i32>} : memref<64x128xf32, #tpu.memory_space<vmem>>, vector<16xf32>,
      tpu.vector_store %arg13[%swap3A_222, %swap3A_223], %min3A_221 {strides = array<i32>} : memref<64x128xf32, #tpu.memory_space<vmem>>, vector<16xf32>,
      %get3A_225 = arith.index_cast %scan3A_155 : i32 to index
      %get3A_226 = arith.constant 96 : index
      %get3A_227 = tpu.vector_load %arg13[%get3A_225, %get3A_226] {strides = array<i32>} : memref<64x128xf32, #tpu.memory_space<vmem>>, vector<16xf32>,
      %max3A_228 = arith.constant -1.000000e+00 : f32
      %max3A_229 = vector.broadcast %max3A_228 : f32 to vector<16xf32>
      %max3A_230 = arith.maximumf %get3A_227, %max3A_229 : vector<16xf32>
      %min3A_231 = arith.constant 1.000000e+00 : f32
      %min3A_232 = vector.broadcast %min3A_231 : f32 to vector<16xf32>
      %min3A_233 = arith.minimumf %max3A_230, %min3A_232 : vector<16xf32>
      %swap3A_234 = arith.index_cast %scan3A_155 : i32 to index
      %swap3A_235 = arith.constant 96 : index
      %swap3A_236 = tpu.vector_load %arg13[%swap3A_234, %swap3A_235] {strides = array<i32>} : memref<64x128xf32, #tpu.memory_space<vmem>>, vector<16xf32>,
      tpu.vector_store %arg13[%swap3A_234, %swap3A_235], %min3A_233 {strides = array<i32>} : memref<64x128xf32, #tpu.memory_space<vmem>>, vector<16xf32>,
      %get3A_237 = arith.index_cast %scan3A_155 : i32 to index
      %get3A_238 = arith.constant 112 : index
      %get3A_239 = tpu.vector_load %arg13[%get3A_237, %get3A_238] {strides = array<i32>} : memref<64x128xf32, #tpu.memory_space<vmem>>, vector<16xf32>,
      %max3A_240 = arith.constant -1.000000e+00 : f32
      %max3A_241 = vector.broadcast %max3A_240 : f32 to vector<16xf32>
      %max3A_242 = arith.maximumf %get3A_239, %max3A_241 : vector<16xf32>
      %min3A_243 = arith.constant 1.000000e+00 : f32
      %min3A_244 = vector.broadcast %min3A_243 : f32 to vector<16xf32>
      %min3A_245 = arith.minimumf %max3A_242, %min3A_244 : vector<16xf32>
      %swap3A_246 = arith.index_cast %scan3A_155 : i32 to index
      %swap3A_247 = arith.constant 112 : index
      %swap3A_248 = tpu.vector_load %arg13[%swap3A_246, %swap3A_247] {strides = array<i32>} : memref<64x128xf32, #tpu.memory_space<vmem>>, vector<16xf32>,
      tpu.vector_store %arg13[%swap3A_246, %swap3A_247], %min3A_245 {strides = array<i32>} : memref<64x128xf32, #tpu.memory_space<vmem>>, vector<16xf32>,
      %scan3A_249 = arith.constant 0 : i32
      scf.yield %scan3A_249 : i32
    }
    %scan3A_129 = arith.constant 64 : i32
    %mul3A_130 = arith.constant 64 : i32
    %mul3A_131 = arith.muli %add3A, %mul3A_130 : i32
    %mul3A_132 = arith.constant 4 : i32
    %mul3A_133 = arith.muli %mul3A_131, %mul3A_132 : i32
    %add3A_134 = arith.constant 128 : i32
    %add3A_135 = arith.addi %mul3A_133, %add3A_134 : i32
    "tpu.region"() ({
      %run_scoped3A = tpu.sem_alloc : memref<!tpu.dma_semaphore, #tpu.memory_space<semaphore_mem>>
      %dma_start3A_155 = arith.constant 0 : i32
      %dma_start3A_156 = tpu.memref_slice %arg5[%add3A_135, %dma_start3A_155] : memref<8192x128xf32, #tpu.memory_space<hbm>> -> memref<64x128xf32, #tpu.memory_space<hbm>>
      %dma_start3A_157 = arith.constant 0 : i32
      %dma_start3A_158 = tpu.memref_slice %arg5[%add3A_135, %dma_start3A_157] : memref<8192x128xf32, #tpu.memory_space<hbm>> -> memref<64x128xf32, #tpu.memory_space<hbm>>
      tpu.enqueue_dma source(%arg13 : memref<64x128xf32, #tpu.memory_space<vmem>>) target(%dma_start3A_158 : memref<64x128xf32, #tpu.memory_space<hbm>>) target_semaphore(%run_scoped3A : memref<!tpu.dma_semaphore, #tpu.memory_space<semaphore_mem>>)
      %dma_wait3A = arith.constant 0 : i32
      %dma_wait3A_159 = tpu.memref_slice %arg5[%add3A_135, %dma_wait3A] : memref<8192x128xf32, #tpu.memory_space<hbm>> -> memref<64x128xf32, #tpu.memory_space<hbm>>
      %dma_wait3A_160 = arith.constant 0 : i32
      %dma_wait3A_161 = tpu.memref_slice %arg5[%add3A_135, %dma_wait3A_160] : memref<8192x128xf32, #tpu.memory_space<hbm>> -> memref<64x128xf32, #tpu.memory_space<hbm>>
      tpu.wait_dma2 semaphore(%run_scoped3A : memref<!tpu.dma_semaphore, #tpu.memory_space<semaphore_mem>>) src(%arg13 : memref<64x128xf32, #tpu.memory_space<vmem>>) dst(%dma_wait3A_161 : memref<64x128xf32, #tpu.memory_space<hbm>>)
      tpu.yield
    }) : () -> ()
    %mul3A_136 = arith.constant 64 : i32
    %mul3A_137 = arith.muli %arg1, %mul3A_136 : i32
    %mul3A_138 = arith.constant 4 : i32
    %mul3A_139 = arith.muli %mul3A_137, %mul3A_138 : i32
    %add3A_140 = arith.constant 192 : i32
    %add3A_141 = arith.addi %mul3A_139, %add3A_140 : i32
    "tpu.region"() ({
      %run_scoped3A = tpu.sem_alloc : memref<!tpu.dma_semaphore, #tpu.memory_space<semaphore_mem>>
      %dma_start3A_155 = arith.constant 0 : i32
      %dma_start3A_156 = tpu.memref_slice %arg14[%add3A_141, %dma_start3A_155] : memref<4100x128xf32, #tpu.memory_space<vmem_shared>> -> memref<64x128xf32, #tpu.memory_space<vmem_shared>>
      %dma_start3A_157 = arith.constant 0 : i32
      %dma_start3A_158 = tpu.memref_slice %arg14[%add3A_141, %dma_start3A_157] : memref<4100x128xf32, #tpu.memory_space<vmem_shared>> -> memref<64x128xf32, #tpu.memory_space<vmem_shared>>
      tpu.enqueue_dma source(%dma_start3A_158 : memref<64x128xf32, #tpu.memory_space<vmem_shared>>) target(%arg13 : memref<64x128xf32, #tpu.memory_space<vmem>>) target_semaphore(%run_scoped3A : memref<!tpu.dma_semaphore, #tpu.memory_space<semaphore_mem>>)
      %dma_wait3A = arith.constant 0 : i32
      %dma_wait3A_159 = tpu.memref_slice %arg14[%add3A_141, %dma_wait3A] : memref<4100x128xf32, #tpu.memory_space<vmem_shared>> -> memref<64x128xf32, #tpu.memory_space<vmem_shared>>
      %dma_wait3A_160 = arith.constant 0 : i32
      %dma_wait3A_161 = tpu.memref_slice %arg14[%add3A_141, %dma_wait3A_160] : memref<4100x128xf32, #tpu.memory_space<vmem_shared>> -> memref<64x128xf32, #tpu.memory_space<vmem_shared>>
      tpu.wait_dma2 semaphore(%run_scoped3A : memref<!tpu.dma_semaphore, #tpu.memory_space<semaphore_mem>>) src(%dma_wait3A_161 : memref<64x128xf32, #tpu.memory_space<vmem_shared>>) dst(%arg13 : memref<64x128xf32, #tpu.memory_space<vmem>>)
      tpu.yield
    }) : () -> ()
    %scan3A_142 = arith.constant 0 : i32
    %scan3A_143 = arith.constant 0 : i32
    %scan3A_144 = arith.constant 64 : i32
    %scan3A_145 = arith.addi %scan3A_143, %scan3A_144 : i32
    %scan3A_146 = arith.constant 1 : i32
    %scan3A_147 = scf.for %scan3A_155 = %scan3A_143 to %scan3A_145 step %scan3A_146 iter_args(%scan3A_156 = %scan3A_142) -> (i32)  : i32 {
      %get3A = arith.index_cast %scan3A_155 : i32 to index
      %get3A_157 = arith.constant 0 : index
      %get3A_158 = tpu.vector_load %arg13[%get3A, %get3A_157] {strides = array<i32>} : memref<64x128xf32, #tpu.memory_space<vmem>>, vector<16xf32>,
      %max3A = arith.constant -1.000000e+00 : f32
      %max3A_159 = vector.broadcast %max3A : f32 to vector<16xf32>
      %max3A_160 = arith.maximumf %get3A_158, %max3A_159 : vector<16xf32>
      %min3A = arith.constant 1.000000e+00 : f32
      %min3A_161 = vector.broadcast %min3A : f32 to vector<16xf32>
      %min3A_162 = arith.minimumf %max3A_160, %min3A_161 : vector<16xf32>
      %swap3A = arith.index_cast %scan3A_155 : i32 to index
      %swap3A_163 = arith.constant 0 : index
      %swap3A_164 = tpu.vector_load %arg13[%swap3A, %swap3A_163] {strides = array<i32>} : memref<64x128xf32, #tpu.memory_space<vmem>>, vector<16xf32>,
      tpu.vector_store %arg13[%swap3A, %swap3A_163], %min3A_162 {strides = array<i32>} : memref<64x128xf32, #tpu.memory_space<vmem>>, vector<16xf32>,
      %get3A_165 = arith.index_cast %scan3A_155 : i32 to index
      %get3A_166 = arith.constant 16 : index
      %get3A_167 = tpu.vector_load %arg13[%get3A_165, %get3A_166] {strides = array<i32>} : memref<64x128xf32, #tpu.memory_space<vmem>>, vector<16xf32>,
      %max3A_168 = arith.constant -1.000000e+00 : f32
      %max3A_169 = vector.broadcast %max3A_168 : f32 to vector<16xf32>
      %max3A_170 = arith.maximumf %get3A_167, %max3A_169 : vector<16xf32>
      %min3A_171 = arith.constant 1.000000e+00 : f32
      %min3A_172 = vector.broadcast %min3A_171 : f32 to vector<16xf32>
      %min3A_173 = arith.minimumf %max3A_170, %min3A_172 : vector<16xf32>
      %swap3A_174 = arith.index_cast %scan3A_155 : i32 to index
      %swap3A_175 = arith.constant 16 : index
      %swap3A_176 = tpu.vector_load %arg13[%swap3A_174, %swap3A_175] {strides = array<i32>} : memref<64x128xf32, #tpu.memory_space<vmem>>, vector<16xf32>,
      tpu.vector_store %arg13[%swap3A_174, %swap3A_175], %min3A_173 {strides = array<i32>} : memref<64x128xf32, #tpu.memory_space<vmem>>, vector<16xf32>,
      %get3A_177 = arith.index_cast %scan3A_155 : i32 to index
      %get3A_178 = arith.constant 32 : index
      %get3A_179 = tpu.vector_load %arg13[%get3A_177, %get3A_178] {strides = array<i32>} : memref<64x128xf32, #tpu.memory_space<vmem>>, vector<16xf32>,
      %max3A_180 = arith.constant -1.000000e+00 : f32
      %max3A_181 = vector.broadcast %max3A_180 : f32 to vector<16xf32>
      %max3A_182 = arith.maximumf %get3A_179, %max3A_181 : vector<16xf32>
      %min3A_183 = arith.constant 1.000000e+00 : f32
      %min3A_184 = vector.broadcast %min3A_183 : f32 to vector<16xf32>
      %min3A_185 = arith.minimumf %max3A_182, %min3A_184 : vector<16xf32>
      %swap3A_186 = arith.index_cast %scan3A_155 : i32 to index
      %swap3A_187 = arith.constant 32 : index
      %swap3A_188 = tpu.vector_load %arg13[%swap3A_186, %swap3A_187] {strides = array<i32>} : memref<64x128xf32, #tpu.memory_space<vmem>>, vector<16xf32>,
      tpu.vector_store %arg13[%swap3A_186, %swap3A_187], %min3A_185 {strides = array<i32>} : memref<64x128xf32, #tpu.memory_space<vmem>>, vector<16xf32>,
      %get3A_189 = arith.index_cast %scan3A_155 : i32 to index
      %get3A_190 = arith.constant 48 : index
      %get3A_191 = tpu.vector_load %arg13[%get3A_189, %get3A_190] {strides = array<i32>} : memref<64x128xf32, #tpu.memory_space<vmem>>, vector<16xf32>,
      %max3A_192 = arith.constant -1.000000e+00 : f32
      %max3A_193 = vector.broadcast %max3A_192 : f32 to vector<16xf32>
      %max3A_194 = arith.maximumf %get3A_191, %max3A_193 : vector<16xf32>
      %min3A_195 = arith.constant 1.000000e+00 : f32
      %min3A_196 = vector.broadcast %min3A_195 : f32 to vector<16xf32>
      %min3A_197 = arith.minimumf %max3A_194, %min3A_196 : vector<16xf32>
      %swap3A_198 = arith.index_cast %scan3A_155 : i32 to index
      %swap3A_199 = arith.constant 48 : index
      %swap3A_200 = tpu.vector_load %arg13[%swap3A_198, %swap3A_199] {strides = array<i32>} : memref<64x128xf32, #tpu.memory_space<vmem>>, vector<16xf32>,
      tpu.vector_store %arg13[%swap3A_198, %swap3A_199], %min3A_197 {strides = array<i32>} : memref<64x128xf32, #tpu.memory_space<vmem>>, vector<16xf32>,
      %get3A_201 = arith.index_cast %scan3A_155 : i32 to index
      %get3A_202 = arith.constant 64 : index
      %get3A_203 = tpu.vector_load %arg13[%get3A_201, %get3A_202] {strides = array<i32>} : memref<64x128xf32, #tpu.memory_space<vmem>>, vector<16xf32>,
      %max3A_204 = arith.constant -1.000000e+00 : f32
      %max3A_205 = vector.broadcast %max3A_204 : f32 to vector<16xf32>
      %max3A_206 = arith.maximumf %get3A_203, %max3A_205 : vector<16xf32>
      %min3A_207 = arith.constant 1.000000e+00 : f32
      %min3A_208 = vector.broadcast %min3A_207 : f32 to vector<16xf32>
      %min3A_209 = arith.minimumf %max3A_206, %min3A_208 : vector<16xf32>
      %swap3A_210 = arith.index_cast %scan3A_155 : i32 to index
      %swap3A_211 = arith.constant 64 : index
      %swap3A_212 = tpu.vector_load %arg13[%swap3A_210, %swap3A_211] {strides = array<i32>} : memref<64x128xf32, #tpu.memory_space<vmem>>, vector<16xf32>,
      tpu.vector_store %arg13[%swap3A_210, %swap3A_211], %min3A_209 {strides = array<i32>} : memref<64x128xf32, #tpu.memory_space<vmem>>, vector<16xf32>,
      %get3A_213 = arith.index_cast %scan3A_155 : i32 to index
      %get3A_214 = arith.constant 80 : index
      %get3A_215 = tpu.vector_load %arg13[%get3A_213, %get3A_214] {strides = array<i32>} : memref<64x128xf32, #tpu.memory_space<vmem>>, vector<16xf32>,
      %max3A_216 = arith.constant -1.000000e+00 : f32
      %max3A_217 = vector.broadcast %max3A_216 : f32 to vector<16xf32>
      %max3A_218 = arith.maximumf %get3A_215, %max3A_217 : vector<16xf32>
      %min3A_219 = arith.constant 1.000000e+00 : f32
      %min3A_220 = vector.broadcast %min3A_219 : f32 to vector<16xf32>
      %min3A_221 = arith.minimumf %max3A_218, %min3A_220 : vector<16xf32>
      %swap3A_222 = arith.index_cast %scan3A_155 : i32 to index
      %swap3A_223 = arith.constant 80 : index
      %swap3A_224 = tpu.vector_load %arg13[%swap3A_222, %swap3A_223] {strides = array<i32>} : memref<64x128xf32, #tpu.memory_space<vmem>>, vector<16xf32>,
      tpu.vector_store %arg13[%swap3A_222, %swap3A_223], %min3A_221 {strides = array<i32>} : memref<64x128xf32, #tpu.memory_space<vmem>>, vector<16xf32>,
      %get3A_225 = arith.index_cast %scan3A_155 : i32 to index
      %get3A_226 = arith.constant 96 : index
      %get3A_227 = tpu.vector_load %arg13[%get3A_225, %get3A_226] {strides = array<i32>} : memref<64x128xf32, #tpu.memory_space<vmem>>, vector<16xf32>,
      %max3A_228 = arith.constant -1.000000e+00 : f32
      %max3A_229 = vector.broadcast %max3A_228 : f32 to vector<16xf32>
      %max3A_230 = arith.maximumf %get3A_227, %max3A_229 : vector<16xf32>
      %min3A_231 = arith.constant 1.000000e+00 : f32
      %min3A_232 = vector.broadcast %min3A_231 : f32 to vector<16xf32>
      %min3A_233 = arith.minimumf %max3A_230, %min3A_232 : vector<16xf32>
      %swap3A_234 = arith.index_cast %scan3A_155 : i32 to index
      %swap3A_235 = arith.constant 96 : index
      %swap3A_236 = tpu.vector_load %arg13[%swap3A_234, %swap3A_235] {strides = array<i32>} : memref<64x128xf32, #tpu.memory_space<vmem>>, vector<16xf32>,
      tpu.vector_store %arg13[%swap3A_234, %swap3A_235], %min3A_233 {strides = array<i32>} : memref<64x128xf32, #tpu.memory_space<vmem>>, vector<16xf32>,
      %get3A_237 = arith.index_cast %scan3A_155 : i32 to index
      %get3A_238 = arith.constant 112 : index
      %get3A_239 = tpu.vector_load %arg13[%get3A_237, %get3A_238] {strides = array<i32>} : memref<64x128xf32, #tpu.memory_space<vmem>>, vector<16xf32>,
      %max3A_240 = arith.constant -1.000000e+00 : f32
      %max3A_241 = vector.broadcast %max3A_240 : f32 to vector<16xf32>
      %max3A_242 = arith.maximumf %get3A_239, %max3A_241 : vector<16xf32>
      %min3A_243 = arith.constant 1.000000e+00 : f32
      %min3A_244 = vector.broadcast %min3A_243 : f32 to vector<16xf32>
      %min3A_245 = arith.minimumf %max3A_242, %min3A_244 : vector<16xf32>
      %swap3A_246 = arith.index_cast %scan3A_155 : i32 to index
      %swap3A_247 = arith.constant 112 : index
      %swap3A_248 = tpu.vector_load %arg13[%swap3A_246, %swap3A_247] {strides = array<i32>} : memref<64x128xf32, #tpu.memory_space<vmem>>, vector<16xf32>,
      tpu.vector_store %arg13[%swap3A_246, %swap3A_247], %min3A_245 {strides = array<i32>} : memref<64x128xf32, #tpu.memory_space<vmem>>, vector<16xf32>,
      %scan3A_249 = arith.constant 0 : i32
      scf.yield %scan3A_249 : i32
    }
    %scan3A_148 = arith.constant 64 : i32
    %mul3A_149 = arith.constant 64 : i32
    %mul3A_150 = arith.muli %add3A, %mul3A_149 : i32
    %mul3A_151 = arith.constant 4 : i32
    %mul3A_152 = arith.muli %mul3A_150, %mul3A_151 : i32
    %add3A_153 = arith.constant 192 : i32
    %add3A_154 = arith.addi %mul3A_152, %add3A_153 : i32
    "tpu.region"() ({
      %run_scoped3A = tpu.sem_alloc : memref<!tpu.dma_semaphore, #tpu.memory_space<semaphore_mem>>
      %dma_start3A_155 = arith.constant 0 : i32
      %dma_start3A_156 = tpu.memref_slice %arg5[%add3A_154, %dma_start3A_155] : memref<8192x128xf32, #tpu.memory_space<hbm>> -> memref<64x128xf32, #tpu.memory_space<hbm>>
      %dma_start3A_157 = arith.constant 0 : i32
      %dma_start3A_158 = tpu.memref_slice %arg5[%add3A_154, %dma_start3A_157] : memref<8192x128xf32, #tpu.memory_space<hbm>> -> memref<64x128xf32, #tpu.memory_space<hbm>>
      tpu.enqueue_dma source(%arg13 : memref<64x128xf32, #tpu.memory_space<vmem>>) target(%dma_start3A_158 : memref<64x128xf32, #tpu.memory_space<hbm>>) target_semaphore(%run_scoped3A : memref<!tpu.dma_semaphore, #tpu.memory_space<semaphore_mem>>)
      %dma_wait3A = arith.constant 0 : i32
      %dma_wait3A_159 = tpu.memref_slice %arg5[%add3A_154, %dma_wait3A] : memref<8192x128xf32, #tpu.memory_space<hbm>> -> memref<64x128xf32, #tpu.memory_space<hbm>>
      %dma_wait3A_160 = arith.constant 0 : i32
      %dma_wait3A_161 = tpu.memref_slice %arg5[%add3A_154, %dma_wait3A_160] : memref<8192x128xf32, #tpu.memory_space<hbm>> -> memref<64x128xf32, #tpu.memory_space<hbm>>
      tpu.wait_dma2 semaphore(%run_scoped3A : memref<!tpu.dma_semaphore, #tpu.memory_space<semaphore_mem>>) src(%arg13 : memref<64x128xf32, #tpu.memory_space<vmem>>) dst(%dma_wait3A_161 : memref<64x128xf32, #tpu.memory_space<hbm>>)
      tpu.yield
    }) : () -> ()
    return
  }
}

module attributes {stable_mosaic.version = 14 : i64} {
  func.func @_mlp_body(%arg0: i32, %arg1: memref<1024x1024xf32, #tpu.memory_space<vmem>>, %arg2: memref<512x1024xf32, #tpu.memory_space<vmem>>, %arg3: memref<1x512xf32, #tpu.memory_space<vmem>>, %arg4: memref<256x512xf32, #tpu.memory_space<vmem>>, %arg5: memref<1x256xf32, #tpu.memory_space<vmem>>, %arg6: memref<128x256xf32, #tpu.memory_space<vmem>>, %arg7: memref<1x128xf32, #tpu.memory_space<vmem>>, %arg8: memref<1x128xf32, #tpu.memory_space<vmem>>, %arg9: memref<1024x1xf32, #tpu.memory_space<vmem>>) attributes {dimension_semantics = [#tpu.dimension_semantics<arbitrary>], iteration_bounds = array<i64: 1>, scalar_prefetch = 0 : i64, scratch_operands = 0 : i64, tpu.core_type = #tpu.core_type<tc>, window_params = [{transform_indices = @transform_0, window_bounds = array<i64: 1024, 1024>}, {pipeline_mode = #tpu.pipeline_mode<synchronous>, transform_indices = @transform_1, window_bounds = array<i64: 512, 1024>}, {pipeline_mode = #tpu.pipeline_mode<synchronous>, transform_indices = @transform_2, window_bounds = array<i64: 1, 512>}, {pipeline_mode = #tpu.pipeline_mode<synchronous>, transform_indices = @transform_3, window_bounds = array<i64: 256, 512>}, {pipeline_mode = #tpu.pipeline_mode<synchronous>, transform_indices = @transform_4, window_bounds = array<i64: 1, 256>}, {pipeline_mode = #tpu.pipeline_mode<synchronous>, transform_indices = @transform_5, window_bounds = array<i64: 128, 256>}, {pipeline_mode = #tpu.pipeline_mode<synchronous>, transform_indices = @transform_6, window_bounds = array<i64: 1, 128>}, {pipeline_mode = #tpu.pipeline_mode<synchronous>, transform_indices = @transform_7, window_bounds = array<i64: 1, 128>}, {transform_indices = @transform_8, window_bounds = array<i64: 1024, 1>}]} {
    %get3A = arith.constant 0 : index
    %get3A_0 = arith.constant 0 : index
    %get3A_1 = vector.load %arg1[%get3A, %get3A_0] : memref<1024x1024xf32, #tpu.memory_space<vmem>>, vector<1024x1024xf32>
    %get3A_2 = arith.constant 0 : index
    %get3A_3 = arith.constant 0 : index
    %get3A_4 = vector.load %arg2[%get3A_2, %get3A_3] : memref<512x1024xf32, #tpu.memory_space<vmem>>, vector<512x1024xf32>
    %dot_general3A = arith.constant dense<0.000000e+00> : vector<1024x512xf32>
    %dot_general3A_5 = tpu.matmul %get3A_1, %get3A_4, %dot_general3A {dimension_numbers = #tpu.dot_dimension_numbers<[1], [1], [0], [0], [0, 0, 1, 0], [], []>, transpose_lhs_hint = false} : vector<1024x1024xf32>, vector<512x1024xf32>, vector<1024x512xf32> -> vector<1024x512xf32>
    %get3A_6 = arith.constant 0 : index
    %get3A_7 = arith.constant 0 : index
    %get3A_8 = vector.load %arg3[%get3A_6, %get3A_7] : memref<1x512xf32, #tpu.memory_space<vmem>>, vector<1x512xf32>
    %add3A = vector.broadcast %get3A_8 : vector<1x512xf32> to vector<1024x512xf32>
    %add3A_9 = arith.addf %dot_general3A_5, %add3A : vector<1024x512xf32>
    %max3A = arith.constant 0.000000e+00 : f32
    %max3A_10 = vector.broadcast %max3A : f32 to vector<1024x512xf32>
    %max3A_11 = arith.maximumf %add3A_9, %max3A_10 : vector<1024x512xf32>
    %get3A_12 = arith.constant 0 : index
    %get3A_13 = arith.constant 0 : index
    %get3A_14 = vector.load %arg4[%get3A_12, %get3A_13] : memref<256x512xf32, #tpu.memory_space<vmem>>, vector<256x512xf32>
    %dot_general3A_15 = arith.constant dense<0.000000e+00> : vector<1024x256xf32>
    %dot_general3A_16 = tpu.matmul %max3A_11, %get3A_14, %dot_general3A_15 {dimension_numbers = #tpu.dot_dimension_numbers<[1], [1], [0], [0], [0, 0, 1, 0], [], []>, transpose_lhs_hint = false} : vector<1024x512xf32>, vector<256x512xf32>, vector<1024x256xf32> -> vector<1024x256xf32>
    %get3A_17 = arith.constant 0 : index
    %get3A_18 = arith.constant 0 : index
    %get3A_19 = vector.load %arg5[%get3A_17, %get3A_18] : memref<1x256xf32, #tpu.memory_space<vmem>>, vector<1x256xf32>
    %add3A_20 = vector.broadcast %get3A_19 : vector<1x256xf32> to vector<1024x256xf32>
    %add3A_21 = arith.addf %dot_general3A_16, %add3A_20 : vector<1024x256xf32>
    %max3A_22 = arith.constant 0.000000e+00 : f32
    %max3A_23 = vector.broadcast %max3A_22 : f32 to vector<1024x256xf32>
    %max3A_24 = arith.maximumf %add3A_21, %max3A_23 : vector<1024x256xf32>
    %get3A_25 = arith.constant 0 : index
    %get3A_26 = arith.constant 0 : index
    %get3A_27 = vector.load %arg6[%get3A_25, %get3A_26] : memref<128x256xf32, #tpu.memory_space<vmem>>, vector<128x256xf32>
    %dot_general3A_28 = arith.constant dense<0.000000e+00> : vector<1024x128xf32>
    %dot_general3A_29 = tpu.matmul %max3A_24, %get3A_27, %dot_general3A_28 {dimension_numbers = #tpu.dot_dimension_numbers<[1], [1], [0], [0], [0, 0, 1, 0], [], []>, transpose_lhs_hint = false} : vector<1024x256xf32>, vector<128x256xf32>, vector<1024x128xf32> -> vector<1024x128xf32>
    %get3A_30 = arith.constant 0 : index
    %get3A_31 = arith.constant 0 : index
    %get3A_32 = vector.load %arg7[%get3A_30, %get3A_31] : memref<1x128xf32, #tpu.memory_space<vmem>>, vector<1x128xf32>
    %add3A_33 = vector.broadcast %get3A_32 : vector<1x128xf32> to vector<1024x128xf32>
    %add3A_34 = arith.addf %dot_general3A_29, %add3A_33 : vector<1024x128xf32>
    %max3A_35 = arith.constant 0.000000e+00 : f32
    %max3A_36 = vector.broadcast %max3A_35 : f32 to vector<1024x128xf32>
    %max3A_37 = arith.maximumf %add3A_34, %max3A_36 : vector<1024x128xf32>
    %get3A_38 = arith.constant 0 : index
    %get3A_39 = arith.constant 0 : index
    %get3A_40 = vector.load %arg8[%get3A_38, %get3A_39] : memref<1x128xf32, #tpu.memory_space<vmem>>, vector<1x128xf32>
    %dot_general3A_41 = arith.constant dense<0.000000e+00> : vector<1024x1xf32>
    %dot_general3A_42 = tpu.matmul %max3A_37, %get3A_40, %dot_general3A_41 {dimension_numbers = #tpu.dot_dimension_numbers<[1], [1], [0], [0], [0, 0, 1, 0], [], []>, transpose_lhs_hint = false} : vector<1024x128xf32>, vector<1x128xf32>, vector<1024x1xf32> -> vector<1024x1xf32>
    %swap3A = arith.constant 0 : index
    %swap3A_43 = arith.constant 0 : index
    %swap3A_44 = vector.load %arg9[%swap3A, %swap3A_43] : memref<1024x1xf32, #tpu.memory_space<vmem>>, vector<1024x1xf32>
    tpu.vector_store %arg9[%swap3A, %swap3A_43], %dot_general3A_42 {strides = array<i32>} : memref<1024x1xf32, #tpu.memory_space<vmem>>, vector<1024x1xf32>,
    return
  }
  func.func @transform_0(%arg0: i32) -> (i32, i32) {
    %c0_i32 = arith.constant 0 : i32
    %c0_i32_0 = arith.constant 0 : i32
    return %arg0, %c0_i32 : i32, i32
  }
  func.func @transform_1(%arg0: i32) -> (i32, i32) {
    %c0_i32 = arith.constant 0 : i32
    %c0_i32_0 = arith.constant 0 : i32
    %c0_i32_1 = arith.constant 0 : i32
    return %c0_i32, %c0_i32_0 : i32, i32
  }
  func.func @transform_2(%arg0: i32) -> (i32, i32) {
    %c0_i32 = arith.constant 0 : i32
    %c0_i32_0 = arith.constant 0 : i32
    %c0_i32_1 = arith.constant 0 : i32
    return %c0_i32, %c0_i32_0 : i32, i32
  }
  func.func @transform_3(%arg0: i32) -> (i32, i32) {
    %c0_i32 = arith.constant 0 : i32
    %c0_i32_0 = arith.constant 0 : i32
    %c0_i32_1 = arith.constant 0 : i32
    return %c0_i32, %c0_i32_0 : i32, i32
  }
  func.func @transform_4(%arg0: i32) -> (i32, i32) {
    %c0_i32 = arith.constant 0 : i32
    %c0_i32_0 = arith.constant 0 : i32
    %c0_i32_1 = arith.constant 0 : i32
    return %c0_i32, %c0_i32_0 : i32, i32
  }
  func.func @transform_5(%arg0: i32) -> (i32, i32) {
    %c0_i32 = arith.constant 0 : i32
    %c0_i32_0 = arith.constant 0 : i32
    %c0_i32_1 = arith.constant 0 : i32
    return %c0_i32, %c0_i32_0 : i32, i32
  }
  func.func @transform_6(%arg0: i32) -> (i32, i32) {
    %c0_i32 = arith.constant 0 : i32
    %c0_i32_0 = arith.constant 0 : i32
    %c0_i32_1 = arith.constant 0 : i32
    return %c0_i32, %c0_i32_0 : i32, i32
  }
  func.func @transform_7(%arg0: i32) -> (i32, i32) {
    %c0_i32 = arith.constant 0 : i32
    %c0_i32_0 = arith.constant 0 : i32
    %c0_i32_1 = arith.constant 0 : i32
    return %c0_i32, %c0_i32_0 : i32, i32
  }
  func.func @transform_8(%arg0: i32) -> (i32, i32) {
    %c0_i32 = arith.constant 0 : i32
    %c0_i32_0 = arith.constant 0 : i32
    return %arg0, %c0_i32 : i32, i32
  }
}

</mosaic_0001>

<sc_bundles>
// kernel: kernel.4.cloned.1.call-start
scs
__scs_entry_jumppad:
0x0: {  	(pc) =	sbr.rel $0x88, $3  }
0x1: {  	(tag) =	ssettag $0x0;
	lr =	simm.s32 $0x1  }
0x2: {  	[smem:$0x3F96] =	sst lr;
	_ =	strace $0xD0000000  }
0x3: {  	_ = 	snop  }
0x4: {  	_ = 	snop  }
0x5: {  	_ = 	snop  }
0x6: {  	_ = 	snop  }
0x7: {  	_ = 	snop  }
__scs_overlays_trampoline_lowered:
0x8: {  	[smem:$0x3FA5] =	sst s0  }
0x9: {  	[smem:$0x3FA6] =	sst s1  }
0xa: {  	[smem:$0x3FA7] =	sst s2  }
0xb: {  	[smem:$0x3FA8] =	sst s3  }
0xc: {  	[smem:$0x3FA9] =	sst s4  }
0xd: {  	[smem:$0x3FAA] =	sst s5  }
0xe: {  	[smem:$0x3FAB] =	sst s6  }
0xf: {  	[smem:$0x3FAC] =	sst s7  }
0x10: {  	[smem:$0x3FAD] =	sst s8  }
0x11: {  	[smem:$0x3FAE] =	sst s9;
	s0 =	simm.s32 @!p0 $0x0  }
0x12: {  	s1 =	sld [smem:$0x3F94];
	s0 =	simm.s32 @p0 $0x1  }
0x13: {  	[smem:$0x3FAF] =	sst s0;
	s0 =	simm.s32 @!p1 $0x0  }
0x14: {  	s2 =	sld [smem:$0x3F93];
	s0 =	simm.s32 @p1 $0x1  }
0x15: {  	[smem:$0x3FB0] =	sst s0;
	s0 =	simm.s32 @!p2 $0x0  }
0x16: {  	s3 =	sld [smem:$0x3FDB];
	s0 =	simm.s32 @p2 $0x1  }
0x17: {  	s4 =	simm.s32 $0x1BF5;
	[smem:$0x3FB2] =	sst s0  }
0x18: {  	s0 =	sld [smem:$0x3F95];
	_ =	swait.ge [sflag:s4], $0x0  }
0x19: {  	s7 =	sld [smem:$0x3F96]  }
0x1a: {  	s8 =	sadd.s32 $0xFFFFE003, lr  }
0x1b: {  	s9 =	sadd.s32 $0xFFFFFEF7, lr;
	s5 =	simm.s32 $0xFFFFFFFF;
	p2 =	slt.u32 s8, $0xFFFFF086  }
0x1c: {  	p1 =	slt.u32 s9, $0xF7A;
	s5 =	simm.s32 @!p2 $0x0  }
0x1d: {  	s5 =	simm.s32 @p1 $0x1;
	p0 =	seq.s32 s7, s2  }
0x1e: {  	s7 =	smul.u32 @!p0 $0xF7A, s2;
	p2 =	seq.s32 @!p0 s5, $0x0  }
0x1f: {  	s9 =	smul.u32 $0xF7A, s1;
	s8 =	simm.s32 @!p0 $0x1BF5;
	p2 =	por !p2, p0  }
0x20: {  	[sflag:s8] =	ssyncset.s32 @!p0 $0xFFFFF086;
	s6 =	sadd.s32 @!p0 s3, s7;
	s7 =	simm.s32 @!p0 $0x108  }
0x21: {  	s3 =	sadd.s32 s3, s9;
	s6 =	sadd.s32 @!p0 $0x88, s6;
	s7 =	simm.s32 @p2 $0x1082  }
0x22: {  	[simem:s7], [sflag:s8] =	dma.local @!p0 [hbm:s6], $0xF7A  }
0x23: {  	s9 =	sor.u32 $0xD0000000, s2;
	s6 =	simm.s32 $0x108;
	_ =	swait.ge @!p0 [sflag:s8], $0x0  }
0x24: {  	s3 =	sadd.s32 $0x88, s3;
	s6 =	simm.s32 @!p1 $0x1082;
	[sflag:s4] =	ssyncset.s32 $0xFFFFF086  }
0x25: {  	[simem:s6], [sflag:s4] =	dma.local [hbm:s3], $0xF7A  }
0x26: {  	[smem:$0x3F96] =	sst s1;
	(tag) =	ssettag s2;
	_ =	strace s9  }
0x27: {  	s1 =	sld [smem:$0x3FA6]  }
0x28: {  	s2 =	sld [smem:$0x3FA7]  }
0x29: {  	s4 =	sld [smem:$0x3FA9]  }
0x2a: {  	p0 =	seq.s32 s5, $0x0;
	s5 =	sld [smem:$0x3FAA]  }
0x2b: {  	s6 =	sld [smem:$0x3FAB]  }
0x2c: {  	s7 =	sld [smem:$0x3FAC]  }
0x2d: {  	s3 =	simm.s32 $0x108;
	s8 =	sld [smem:$0x3FAD]  }
0x2e: {  	s3 =	simm.s32 @!p0 $0x1082;
	s9 =	sld [smem:$0x3FAE]  }
0x2f: {  	lr =	sadd.s32 s0, s3;
	s0 =	sld [smem:$0x3FA5]  }
0x30: {  	s3 =	sld [smem:$0x3FA8]  }
0x31: {  	[smem:$0x3FB1] =	sst s10  }
0x32: {  	s10 =	sld [smem:$0x3FAF];
	_ =	sdelay $0x3  }
0x33: {  	p0 =	seq.s32 s10, $0x1;
	s10 =	sld [smem:$0x3FB1];
	_ =	sdelay $0x3  }
0x34: {  	[smem:$0x3FB1] =	sst s10  }
0x35: {  	s10 =	sld [smem:$0x3FB0];
	_ =	sdelay $0x3  }
0x36: {  	p1 =	seq.s32 s10, $0x1;
	s10 =	sld [smem:$0x3FB1];
	_ =	sdelay $0x3  }
0x37: {  	[smem:$0x3FB1] =	sst s10  }
0x38: {  	s10 =	sld [smem:$0x3FB2]  }
0x39: {  	_ = 	snop;
	(pc) =	sbr.ind lr, $3  }
0x3a: {  	_ = 	snop  }
0x3b: {  	_ = 	snop  }
0x3c: {  	p2 =	seq.s32 s10, $0x1;
	s10 =	sld [smem:$0x3FB1]  }
0x3d: {  	_ =	shalt  }
0x3e: {  	_ =	shalt  }
0x3f: {  	_ =	shalt  }
0x40: {  	_ =	shalt  }
0x41: {  	_ =	shalt  }
0x42: {  	_ =	shalt  }
0x43: {  	_ =	shalt  }
0x44: {  	_ =	shalt  }
0x45: {  	_ =	shalt  }
0x46: {  	_ =	shalt  }
0x47: {  	_ =	shalt  }
0x48: {  	_ =	shalt  }
0x49: {  	_ =	shalt  }
0x4a: {  	_ =	shalt  }
0x4b: {  	_ =	shalt  }
0x4c: {  	_ =	shalt  }
0x4d: {  	_ =	shalt  }
0x4e: {  	_ =	shalt  }
0x4f: {  	_ =	shalt  }
0x50: {  	_ =	shalt  }
0x51: {  	_ =	shalt  }
0x52: {  	_ =	shalt  }
0x53: {  	_ =	shalt  }
0x54: {  	_ =	shalt  }
0x55: {  	_ =	shalt  }
0x56: {  	_ =	shalt  }
0x57: {  	_ =	shalt  }
0x58: {  	_ =	shalt  }
0x59: {  	_ =	shalt  }
0x5a: {  	_ =	shalt  }
0x5b: {  	_ =	shalt  }
0x5c: {  	_ =	shalt  }
0x5d: {  	_ =	shalt  }
0x5e: {  	_ =	shalt  }
0x5f: {  	_ =	shalt  }
0x60: {  	_ =	shalt  }
0x61: {  	_ =	shalt  }
0x62: {  	_ =	shalt  }
0x63: {  	_ =	shalt  }
0x64: {  	_ =	shalt  }
0x65: {  	_ =	shalt  }
0x66: {  	_ =	shalt  }
0x67: {  	_ =	shalt  }
0x68: {  	_ =	shalt  }
0x69: {  	_ =	shalt  }
0x6a: {  	_ =	shalt  }
0x6b: {  	_ =	shalt  }
0x6c: {  	_ =	shalt  }
0x6d: {  	_ =	shalt  }
0x6e: {  	_ =	shalt  }
0x6f: {  	_ =	shalt  }
0x70: {  	_ =	shalt  }
0x71: {  	_ =	shalt  }
0x72: {  	_ =	shalt  }
0x73: {  	_ =	shalt  }
0x74: {  	_ =	shalt  }
0x75: {  	_ =	shalt  }
0x76: {  	_ =	shalt  }
0x77: {  	_ =	shalt  }
0x78: {  	_ =	shalt  }
0x79: {  	_ =	shalt  }
0x7a: {  	_ =	shalt  }
0x7b: {  	_ =	shalt  }
0x7c: {  	_ =	shalt  }
0x7d: {  	_ =	shalt  }
0x7e: {  	_ =	shalt  }
0x7f: {  	_ =	shalt  }
0x80: {  	_ =	shalt  }
0x81: {  	_ =	shalt  }
0x82: {  	_ =	shalt  }
0x83: {  	_ =	shalt  }
0x84: {  	_ =	shalt  }
0x85: {  	_ =	shalt  }
0x86: {  	_ =	shalt  }
0x87: {  	_ =	shalt  }
.Lfunc_end0:
.L_simem_size_0:
called_computation_lowered:
.L_overlay_start_0:
0x88: {  	s2 =	sld [smem:$0x3FD9]  }
0x89: {  	s3 =	sld [smem:$0x3FFE];
	_ =	sdelay $0x1  }
0x8a: {  	s1 =	srdreg.scid  }
0x8b: {  	s0 =	sand.u32 $0x1, s1  }
0x8c: {  	s16 =	sshll.u32 s0, $0xA;
	s2 =	sadd.s32 s3, s2  }
0x8d: {  	s2 =	sadd.s32 s2, s16  }
0x8e: {  	[smem:$0x3FBD] =	sst s2  }
0x8f: {  	_ = 	snop  }
0x90: {  	(tm) =	ssettm $0x1  }
0x91: {  	s17 =	sld [smem:$0x3FFB];
	_ =	sdelay $0x3  }
0x92: {  	_ =	strace s17  }
0x93: {  	s2 =	sld [smem:$0x3FFC];
	_ =	sdelay $0x3  }
0x94: {  	_ =	strace s2  }
0x95: {  	s2 =	sld [smem:$0x3FFD];
	_ =	sdelay $0x3  }
0x96: {  	_ =	strace s2  }
0x97: {  	_ =	strace $0x8FFFFFFF  }
0x98: {  	s18 =	sld [smem:$0x3FDB];
	_ =	sdelay $0x1  }
0x99: {  	s19 =	simm.s32 $_scs_section_size  }
0x9a: {  	s4 =	simm.s32 $_size__tile_overlayer_lowered;
	s5 =	simm.s32 $_tile_overlayer_lowered  }
0x9b: {  	s22 =	simm.s32 $0x1BFF;
	s21 =	sshll.u32 s5, $0x1;
	s2 =	sadd.s32 s19, s18  }
0x9c: {  	s6 =	simm.s32 $0x0;
	s20 =	sshll.u32 s4, $0x1;
	s4 =	sadd.s32 s21, s2  }
0x9d: {  	[timem:s6], [sflag:s22] =	dma.local [hbm:s4], s20  }
0x9e: {  	_ =	swait.ge [sflag:s22], s20  }
0x9f: {  	s3 =	ssub.s32 $0x0, s20;
	[sflag:s22] =	ssyncset.done $0x0  }
0xa0: {  	[sflag:s22] =	ssyncadd.s32 s3;
	_ =	sdelay $0x1  }
0xa1: {  	s23 =	simm.s32 $0x1B8B  }
0xa2: {  	_ =	swait.ge [sflag:s23], $0x1  }
0xa3: {  	[sflag:s23] =	ssyncset.done $0x0  }
0xa4: {  	s25 =	simm.s32 $0x1B8E;
	s24 =	sld [smem:$0x3FFE];
	[sflag:s23] =	ssyncadd.s32 $0xFFFFFFFF  }
0xa5: {  	s26 =	simm.s32 $execute0_lowered;
	[smem:$0x3FD2] =	sst s25  }
0xa6: {  	s4 =	sshll.u32 s26, $0x1;
	_ =	strace $0x80000046;
	[dreg:$0x1] =	wrdreg $0xFFFFFFFF  }
0xa7: {  	s28 =	simm.s32 $_size_execute0_lowered;
	s2 =	sadd.s32 s2, s4;
	[dreg:$0x0] =	wrdreg $0x0  }
0xa8: {  	s4 =	sshll.u32 s28, $0x1;
	[dreg:$0x2] =	wrdreg s2  }
0xa9: {  	[dreg:$0x3] =	wrdreg s4  }
0xaa: {  	[dreg:$0x4] =	wrdreg $0xC0  }
0xab: {  	_ =	task [dreg:s6], $0x5FFFF  }
0xac: {  	[dreg:$0x1] =	wrdreg $0xFFFFFFFF  }
0xad: {  	[dreg:$0x0] =	wrdreg $0x60  }
0xae: {  	[dreg:$0x2] =	wrdreg s24  }
0xaf: {  	[dreg:$0x3] =	wrdreg $0x168000  }
0xb0: {  	[dreg:$0x4] =	wrdreg $0x9  }
0xb1: {  	_ =	task.clear_ibuf [dreg:s6], $0x5FFFF;
	_ =	strace $0x90000046  }
0xb2: {  	s29 =	simm.s32 $0x9;
	_ =	strace $0x80000048  }
0xb3: {  	_ =	swait.ge [sflag:s29], $0x1  }
0xb4: {  	[sflag:s29] =	ssyncadd.s32 $0xFFFFFFFF  }
0xb5: {  	_ =	strace $0x90000048  }
0xb6: {  	_ =	sfence  }
0xb7: {  	s30 =	sld [smem:$0x0];
	_ =	sdelay $0x2  }
0xb8: {  	s31 =	sshll.u32 s1, $0xD;
	s1 =	sshrl.u32 s1, $0x2  }
0xb9: {  	s3 =	sand.u32 $0x4000, s31;
	s1 =	sadd.s32 s1, s30  }
0xba: {  	s0 =	sor.u32 s3, s0;
	s1 =	sshll.u32 s1, $0x11  }
0xbb: {  	s0 =	sor.u32 s1, s0  }
0xbc: {  	s0 =	sadd.s32 $0x8F2B, s0  }
0xbd: {  	[sflag:s0] =	ssyncadd.remote.s32 $0x1  }
0xbe: {  	_ =	sfence.sel $0xFFFF  }
0xbf: {  	[dreg:$0x0] =	wrdreg $0xFFFFFFFF;
	(pc) =	sbr.abs _section_cstart, $3  }
0xc0: {  	[dreg:$0x1] =	wrdreg $0xFFFFFFFF  }
0xc1: {  	_ =	task.clear_ibuf [dreg:s6], $0x2FFFF;
	_ =	strace $0x9FFFFFFF  }
0xc2: {  	(tm) =	ssettm $0x7FFFFFFF  }
0xc3: {  	_ =	shalt  }
tec
execute0_lowered:
.L_overlay_start_1:
0x0: {  	(tag) =	ssettag $0x1  }
0x1: {  	s0 =	rddreg [dreg:$0x0]  }
0x2: {  	s1 =	rddreg [dreg:$0x1];
	s2 =	srdreg.scid;
	s3 =	simm.s32 $0x0  }
0x3: {  	s12 =	stileid.u32;
	s16 =	simm.s32 $0x5;
	s18 =	simm.s32 $0x800  }
0x4: {  	s19 =	simm.s32 $0x2800;
	s20 =	simm.s32 $0x14800;
	s21 =	simm.s32 $0x80  }
0x5: {  	s22 =	simm.s32 $0x4800;
	s24 =	simm.s32 $0x8800;
	s29 =	simm.s32 $0x10800  }
0x6: {  	s30 =	simm.s32 $0x1;
	s31 =	simm.s32 $0x2;
	s17 =	simm.s32 $0x0  }
0x7: {  	s2 =	sand.u32 $0x1, s2;
	[smem:$0x7FF] =	sst s3;
	s26 =	sshll.u32 s12, $0xF  }
0x8: {  	s28 =	sshll.u32 s12, $0x6;
	s4 =	sshll.u32 s2, $0x4;
	s2 =	ssub.s32 $0x2, s2  }
0x9: {  	_ =	strace $0x80000047;
	s5 =	sor.u32 s12, s4;
	s8 =	sshrl.u32 s2, $0x1  }
0xa: {  	s4 =	sshll.u32 s5, $0x7;
	s5 =	sshll.u32 s5, $0xC;
	s2 =	ssub.s32 s2, s8  }
0xb: {  	s7 =	sadd.s32 s4, s0;
	s4 =	sadd.s32 $0x1200, s0;
	s0 =	sadd.s32 s5, s0  }
0xc: {  	s15 =	smax.u32 s2, $0x1;
	s6 =	sadd.s32 $0x282200, s7;
	s7 =	sadd.s32 $0x283200, s7  }
0xd: {  	s2 =	simm.s32 $0x4;
	s11 =	sadd.s32 $0x284200, s0;
	s12 =	sadd.s32 $0x284600, s0  }
0xe: {  	s13 =	sadd.s32 $0x284A00, s0;
	s14 =	sadd.s32 $0x284E00, s0;
	s0 =	simm.s32 $0x3  }
0xf: {  	[dreg:$0x3] =	wrdreg s6;
	s6 =	sadd.s32 s26, s1;
	s26 =	simm.s32 $0xC800  }
0x10: {  	v1 =	vlaneseq.u32;
	v2 =	vimm.f32 $0.0e+00;
	v0 =	vmov s28;
	s8 =	sadd.s32 $0x2000, s6;
	s9 =	sadd.s32 $0x4000, s6;
	s10 =	sadd.s32 $0x6000, s6  }
.LBB2_1:
0x11: {  	s5 =	rddreg [dreg:$0x3]  }
0x12: {  	[tilespmem:s3], [sflag:$0x5] =	stream.linear.gather [hbm4b:s5+s3], $0x400, $0x38;
	[tilespmem:$0x1E820] =	vst v63  }
0x13: {  	_ =	swait.ge [sflag:s16], $0x400  }
0x14: {  	[sflag:s16] =	ssyncset.done $0x0  }
0x15: {  	s28 =	simm.s32 $0x400;
	[sflag:s16] =	ssyncadd.s32 $0xFFFFFC00  }
0x16: {  	[tilespmem:s28], [sflag:$0x5] =	stream.linear.gather [hbm4b:s7+s3], $0x400, $0x38;
	[tilespmem:$0x1E820] =	vst v63  }
0x17: {  	_ =	swait.ge [sflag:s16], $0x400  }
0x18: {  	[sflag:s16] =	ssyncset.done $0x0  }
0x19: {  	s23 =	simm.s32 $0x0;
	s25 =	simm.s32 $0x0;
	[sflag:s16] =	ssyncadd.s32 $0xFFFFFC00  }
.LBB2_2:
0x1a: {  	v35 =	vimm.s32 $0x0  }
0x1b: {  	s5 =	sand.u32 $0x1, s25;
	s28 =	sand.u32 $0x10, s23;
	v36 =	vimm.s32 $0x0;
	v37 =	vimm.s32 $0x0;
	v38 =	vimm.s32 $0x0  }
0x1c: {  	v39 =	vimm.s32 $0x0;
	v40 =	vimm.s32 $0x0;
	v30 =	vor.u32 s28, v1;
	s28 =	sshll.u32 s5, $0x5  }
0x1d: {  	v41 =	vimm.s32 $0x0;
	v42 =	vimm.s32 $0x0;
	v3 =	vor.u32 s28, v30  }
0x1e: {  	v43 =	vimm.s32 $0x0;
	v22 =	vimm.s32 $0x0;
	v29 =	vshll.u32 v3, $0x5  }
0x1f: {  	v23 =	vimm.s32 $0x0;
	v30 =	vshll.u32 v30, $0x1;
	v3 =	vor.u32 $0x1, v29  }
0x20: {  	v24 =	vimm.s32 $0x0;
	v30 =	vor.u32 s5, v30;
	v4 =	vor.u32 $0x2, v29  }
0x21: {  	v5 =	vor.u32 $0x3, v29;
	v7 =	vor.u32 $0x4, v29;
	v34 =	vor.u32 $0x6, v29  }
0x22: {  	s28 =	simm.s32 $0x0;
	v8 =	vor.u32 $0x7, v29;
	v11 =	vor.u32 $0x8, v29;
	v12 =	vor.u32 $0x9, v29  }
0x23: {  	v14 =	vor.u32 $0xA, v29;
	v15 =	vor.u32 $0xB, v29;
	v21 =	vor.u32 $0xC, v29;
	v13 =	vld.idx.msk [tilespmem:v29+s28+$0x0], $0xffff  }
0x24: {  	v16 =	vor.u32 $0xD, v29;
	v17 =	vor.u32 $0xE, v29;
	v33 =	vor.u32 $0x1C, v29;
	v10 =	vld.idx.msk [tilespmem:v3+s28+$0x0], $0xffff  }
0x25: {  	v18 =	vor.u32 $0xF, v29;
	v19 =	vor.u32 $0x10, v29;
	v20 =	vor.u32 $0x11, v29;
	v9 =	vld.idx.msk [tilespmem:v4+s28+$0x0], $0xffff  }
0x26: {  	v44 =	vor.u32 $0x12, v29;
	v45 =	vor.u32 $0x13, v29;
	v46 =	vor.u32 $0x14, v29;
	v6 =	vld.idx.msk [tilespmem:v5+s28+$0x0], $0xffff  }
0x27: {  	v47 =	vor.u32 $0x15, v29;
	v25 =	vor.u32 $0x16, v29;
	v26 =	vor.u32 $0x17, v29;
	v5 =	vld.idx.msk [tilespmem:v7+s28+$0x0], $0xffff  }
0x28: {  	v27 =	vor.u32 $0x18, v29;
	v28 =	vor.u32 $0x19, v29;
	v49 =	vor.u32 v0, v30;
	v4 =	vld.idx.msk [tilespmem:v34+s28+$0x0], $0xffff  }
0x29: {  	v31 =	vor.u32 $0x1A, v29;
	v32 =	vor.u32 $0x1B, v29;
	v34 =	vld.idx.msk [tilespmem:v33+s28+$0x0], $0xffff;
	v33 =	vshll.u32 v49, $0x2  }
0x2a: {  	v3 =	vor.u32 $0x5, v29;
	v52 =	vor.u32 $0x1, v33;
	v54 =	vor.u32 $0x2, v33  }
0x2b: {  	v56 =	vor.u32 $0x3, v33;
	v50 =	vshll.u32 v13, $0x2;
	vm0 =	veq.s32 v9, v13  }
0x2c: {  	vm1 =	veq.s32 v9, v10;
	vm2 =	veq.s32 v6, v13;
	vm3 =	veq.s32 v6, v10  }
0x2d: {  	vm7 =	veq.s32 v6, v9;
	vm8 =	veq.s32 v5, v13;
	vm9 =	veq.s32 v5, v10  }
0x2e: {  	v7 =	vld.idx.msk [tilespmem:v8+s28+$0x0], $0xffff;
	vm5 =	veq.s32 v5, v9;
	v53 =	vor.u32 $0x2, v50;
	v58 =	vshll.u32 v10, $0x2  }
0x2f: {  	v3 =	vld.idx.msk [tilespmem:v3+s28+$0x0], $0xffff;
	vm12 =	vmor vm0, vm1;
	vm6 =	vmor vm2, vm3;
	vm1 =	vmor vm8, vm9  }
0x30: {  	vm0 =	veq.s32 v4, v9;
	vm8 =	veq.s32 v4, v6;
	vm9 =	veq.s32 v4, v5  }
0x31: {  	vm13 =	vmor vm7, vm6;
	vm6 =	veq.s32 v4, v13;
	vm7 =	veq.s32 v4, v10  }
0x32: {  	v61 =	vor.u32 $0x1, v58;
	vm1 =	vmor vm5, vm1;
	vm15 =	vmor vm6, vm7  }
0x33: {  	vm5 =	veq.s32 v5, v6;
	vm6 =	vmor vm0, vm15;
	vm0 =	veq.s32 v7, v9  }
0x34: {  	vm10 =	veq.s32 v3, v13;
	vm4 =	veq.s32 v3, v10;
	vm11 =	veq.s32 v3, v9  }
0x35: {  	vm14 =	veq.s32 v3, v6;
	vm2 =	veq.s32 v3, v5;
	vm3 =	vmor vm10, vm4  }
0x36: {  	v8 =	vld.idx.msk [tilespmem:v11+s28+$0x0], $0xffff;
	vm15 =	vmor vm8, vm6;
	vm10 =	veq.s32 v7, v13;
	vm3 =	vmor vm11, vm3  }
0x37: {  	vm4 =	vmor vm14, vm3;
	vm14 =	vmor vm5, vm1;
	vm1 =	vmor vm9, vm15  }
0x38: {  	vm11 =	vmor vm2, vm4;
	vm2 =	veq.s32 v4, v3;
	vm4 =	veq.s32 v7, v6  }
0x39: {  	v11 =	vsel vm11, $0xFFFFFFFF, v35;
	vm11 =	veq.s32 v7, v10;
	vm9 =	vmor vm2, vm1  }
0x3a: {  	vm2 =	veq.s32 v7, v3;
	[tilespmem:$0x1FF40] =	vst v11;
	vm15 =	vmor vm10, vm11;
	v11 =	vsel vm9, $0xFFFFFFFF, v36  }
0x3b: {  	vm5 =	vmor vm0, vm15;
	vm15 =	veq.s32 v8, v13;
	vm0 =	veq.s32 v8, v10  }
0x3c: {  	vm11 =	veq.s32 v7, v5;
	[tilespmem:$0x1FF50] =	vst v11;
	v11 =	vld.idx.msk [tilespmem:v12+s28+$0x0], $0xffff;
	vm10 =	vmor vm4, vm5;
	vm5 =	vmor vm15, vm0  }
0x3d: {  	vm15 =	veq.s32 v8, v9;
	vm0 =	veq.s32 v8, v6;
	vm1 =	vmor vm11, vm10  }
0x3e: {  	vm5 =	vmor vm15, vm5;
	vm15 =	veq.s32 v8, v5;
	vm11 =	veq.s32 v8, v3  }
0x3f: {  	vm1 =	vmor vm2, vm1;
	vm2 =	veq.s32 v7, v4;
	vm5 =	vmor vm0, vm5  }
0x40: {  	vm9 =	vmor vm2, vm1;
	vm10 =	vmor vm15, vm5;
	vm2 =	veq.s32 v8, v4  }
0x41: {  	v12 =	vsel vm9, $0xFFFFFFFF, v37;
	vm1 =	vmor vm11, vm10;
	vm15 =	veq.s32 v11, v13  }
0x42: {  	vm0 =	veq.s32 v11, v10;
	vm11 =	veq.s32 v11, v3;
	vm8 =	veq.s32 v11, v8  }
0x43: {  	[tilespmem:$0x1FF60] =	vst v12;
	v12 =	vld.idx.msk [tilespmem:v14+s28+$0x0], $0xffff;
	vm5 =	vmor vm15, vm0;
	vm15 =	veq.s32 v11, v9;
	vm1 =	vmor vm2, vm1  }
0x44: {  	vm0 =	veq.s32 v11, v6;
	vm2 =	veq.s32 v8, v7;
	vm5 =	vmor vm15, vm5  }
0x45: {  	vm15 =	veq.s32 v11, v5;
	vm9 =	vmor vm2, vm1;
	vm5 =	vmor vm0, vm5  }
0x46: {  	v37 =	vor.u32 $0x1D, v29;
	v14 =	vsel vm9, $0xFFFFFFFF, v38;
	vm10 =	vmor vm15, vm5  }
0x47: {  	vm2 =	veq.s32 v11, v4;
	v38 =	vor.u32 $0x1E, v29;
	[tilespmem:$0x1FF70] =	vst v14;
	v14 =	vld.idx.msk [tilespmem:v15+s28+$0x0], $0xffff;
	vm1 =	vmor vm11, vm10  }
0x48: {  	vm15 =	veq.s32 v12, v13;
	vm0 =	veq.s32 v12, v10;
	vm1 =	vmor vm2, vm1  }
0x49: {  	v15 =	vld.idx.msk [tilespmem:v21+s28+$0x0], $0xffff;
	vm2 =	veq.s32 v11, v7;
	vm3 =	veq.s32 v12, v3;
	vm10 =	veq.s32 v12, v7  }
0x4a: {  	vm5 =	vmor vm15, vm0;
	vm15 =	veq.s32 v12, v9;
	vm0 =	veq.s32 v12, v6  }
0x4b: {  	v36 =	vld.idx.msk [tilespmem:v31+s28+$0x0], $0xffff;
	vm1 =	vmor vm2, vm1;
	vm5 =	vmor vm15, vm5;
	vm15 =	veq.s32 v12, v5  }
0x4c: {  	v31 =	vld.idx.msk [tilespmem:v38+s28+$0x0], $0xffff;
	v38 =	vor.u32 $0x3, v50;
	vm5 =	vmor vm0, vm5;
	vm0 =	veq.s32 v14, v13  }
0x4d: {  	vm9 =	veq.s32 v14, v10;
	vm2 =	veq.s32 v14, v9;
	vm6 =	veq.s32 v14, v6  }
0x4e: {  	vm11 =	veq.s32 v14, v4;
	vm4 =	veq.s32 v15, v13;
	vm5 =	vmor vm15, vm5  }
0x4f: {  	vm15 =	veq.s32 v12, v4;
	vm7 =	vmor vm0, vm9;
	vm0 =	veq.s32 v14, v5  }
0x50: {  	vm5 =	vmor vm3, vm5;
	vm7 =	vmor vm2, vm7;
	vm2 =	veq.s32 v14, v3  }
0x51: {  	vm3 =	veq.s32 v12, v11;
	vm5 =	vmor vm15, vm5;
	vm15 =	veq.s32 v12, v8  }
0x52: {  	v16 =	vld.idx.msk [tilespmem:v16+s28+$0x0], $0xffff;
	vm7 =	vmor vm6, vm7;
	vm6 =	veq.s32 v15, v10;
	vm5 =	vmor vm10, vm5  }
0x53: {  	v17 =	vld.idx.msk [tilespmem:v17+s28+$0x0], $0xffff;
	vm7 =	vmor vm0, vm7;
	vm0 =	veq.s32 v15, v9;
	vm5 =	vmor vm15, vm5  }
0x54: {  	vm9 =	vmor vm2, vm7;
	vm7 =	vmor vm8, vm1;
	vm2 =	veq.s32 v14, v7  }
0x55: {  	vm10 =	vmor vm3, vm5;
	vm15 =	vmor vm11, vm9;
	vm9 =	veq.s32 v14, v12  }
0x56: {  	vm3 =	veq.s32 v15, v7;
	v21 =	vsel vm10, $0xFFFFFFFF, v39;
	vm1 =	vmor vm2, vm15  }
0x57: {  	vm15 =	vmor vm4, vm6;
	vm2 =	veq.s32 v14, v8;
	vm4 =	veq.s32 v16, v13  }
0x58: {  	vm6 =	veq.s32 v17, v10;
	v39 =	vor.u32 $0x1F, v29;
	v29 =	vshll.u32 v30, $0x7  }
0x59: {  	vm5 =	vmor vm0, vm15;
	vm15 =	veq.s32 v15, v6;
	vm1 =	vmor vm2, vm1  }
0x5a: {  	vm0 =	veq.s32 v15, v5;
	vm2 =	veq.s32 v14, v11;
	v48 =	vor.u32 $0x1, v29  }
0x5b: {  	v51 =	vor.u32 $0x2, v29;
	v55 =	vor.u32 $0x4, v29;
	v57 =	vor.u32 $0x5, v29  }
0x5c: {  	v59 =	vor.u32 $0x6, v29;
	v63 =	vor.u32 $0x8, v29;
	v49 =	vor.u32 $0xA, v29  }
0x5d: {  	vm5 =	vmor vm15, vm5;
	vm15 =	veq.s32 v15, v3;
	vm1 =	vmor vm2, vm1  }
0x5e: {  	vm2 =	veq.s32 v15, v4;
	vm5 =	vmor vm0, vm5;
	vm0 =	veq.s32 v15, v8  }
0x5f: {  	vm10 =	vmor vm9, vm1;
	vm5 =	vmor vm15, vm5;
	vm15 =	veq.s32 v16, v10  }
0x60: {  	vm5 =	vmor vm2, vm5;
	vm8 =	vmor vm4, vm15;
	vm2 =	veq.s32 v16, v9  }
0x61: {  	vm15 =	veq.s32 v16, v6;
	vm4 =	veq.s32 v15, v14;
	vm5 =	vmor vm3, vm5  }
0x62: {  	vm8 =	vmor vm2, vm8;
	vm2 =	veq.s32 v16, v5;
	vm3 =	veq.s32 v16, v7  }
0x63: {  	vm5 =	vmor vm0, vm5;
	vm0 =	veq.s32 v15, v11;
	vm8 =	vmor vm15, vm8  }
0x64: {  	v19 =	vld.idx.msk [tilespmem:v19+s28+$0x0], $0xffff;
	vm15 =	veq.s32 v16, v3;
	vm5 =	vmor vm0, vm5;
	vm8 =	vmor vm2, vm8  }
0x65: {  	vm0 =	veq.s32 v15, v12;
	vm2 =	veq.s32 v16, v4;
	vm8 =	vmor vm15, vm8  }
0x66: {  	vm5 =	vmor vm0, vm5;
	vm15 =	veq.s32 v16, v8;
	vm0 =	veq.s32 v17, v9  }
0x67: {  	vm8 =	vmor vm2, vm8;
	vm11 =	vmor vm4, vm5;
	vm2 =	veq.s32 v16, v11  }
0x68: {  	[tilespmem:$0x1FF80] =	vst v21;
	vm4 =	veq.s32 v17, v13;
	vm8 =	vmor vm3, vm8;
	v21 =	vsel vm11, $0xFFFFFFFF, v40  }
0x69: {  	vm11 =	veq.s32 v17, v8;
	vm3 =	veq.s32 v19, v10;
	vm15 =	vmor vm15, vm8  }
0x6a: {  	v40 =	vor.u32 $0x1, v50;
	vm1 =	vmor vm2, vm15;
	vm15 =	vmor vm4, vm6  }
0x6b: {  	v18 =	vld.idx.msk [tilespmem:v18+s28+$0x0], $0xffff;
	vm2 =	veq.s32 v16, v12;
	vm4 =	veq.s32 v17, v7;
	vm5 =	vmor vm0, vm15  }
0x6c: {  	vm15 =	veq.s32 v17, v6;
	vm1 =	vmor vm2, vm1;
	vm0 =	veq.s32 v17, v5  }
0x6d: {  	vm2 =	veq.s32 v16, v14;
	vm5 =	vmor vm15, vm5;
	vm15 =	veq.s32 v17, v3  }
0x6e: {  	vm1 =	vmor vm2, vm1;
	vm2 =	veq.s32 v16, v15;
	vm5 =	vmor vm0, vm5  }
0x6f: {  	vm0 =	veq.s32 v17, v4;
	vm6 =	vmor vm2, vm1;
	vm2 =	veq.s32 v17, v11  }
0x70: {  	[tilespmem:$0x1FF90] =	vst v21;
	vm5 =	vmor vm15, vm5;
	v21 =	vsel vm6, $0xFFFFFFFF, v41;
	vm15 =	veq.s32 v18, v13  }
0x71: {  	vm6 =	veq.s32 v19, v4;
	vm5 =	vmor vm0, vm5;
	vm0 =	veq.s32 v18, v10  }
0x72: {  	v41 =	vor.u32 $0x3, v29;
	vm9 =	vmor vm4, vm5;
	vm5 =	vmor vm15, vm0  }
0x73: {  	vm15 =	veq.s32 v18, v9;
	vm0 =	veq.s32 v18, v6;
	vm4 =	veq.s32 v18, v12  }
0x74: {  	vm1 =	vmor vm11, vm9;
	vm5 =	vmor vm15, vm5;
	vm15 =	veq.s32 v18, v5  }
0x75: {  	vm1 =	vmor vm2, vm1;
	vm2 =	veq.s32 v17, v12;
	vm5 =	vmor vm0, vm5  }
0x76: {  	vm0 =	veq.s32 v18, v3;
	vm1 =	vmor vm2, vm1;
	vm5 =	vmor vm15, vm5  }
0x77: {  	vm2 =	veq.s32 v17, v14;
	vm15 =	veq.s32 v18, v4;
	vm5 =	vmor vm0, vm5  }
0x78: {  	vm1 =	vmor vm2, vm1;
	vm0 =	veq.s32 v18, v7;
	vm2 =	veq.s32 v17, v15  }
0x79: {  	v20 =	vld.idx.msk [tilespmem:v20+s28+$0x0], $0xffff;
	vm5 =	vmor vm15, vm5;
	vm15 =	veq.s32 v18, v8;
	vm1 =	vmor vm2, vm1  }
0x7a: {  	vm2 =	veq.s32 v17, v16;
	vm5 =	vmor vm0, vm5;
	vm0 =	veq.s32 v18, v11  }
0x7b: {  	vm11 =	vmor vm2, vm1;
	vm2 =	veq.s32 v19, v13;
	vm5 =	vmor vm15, vm5  }
0x7c: {  	[tilespmem:$0x1FFA0] =	vst v21;
	v21 =	vsel vm11, $0xFFFFFFFF, v42;
	v42 =	vor.u32 $0x7, v29;
	vm5 =	vmor vm0, vm5  }
0x7d: {  	vm0 =	veq.s32 v18, v14;
	vm15 =	vmor vm4, vm5;
	vm5 =	vmor vm2, vm3  }
0x7e: {  	vm4 =	veq.s32 v18, v15;
	vm3 =	veq.s32 v19, v6;
	vm2 =	veq.s32 v20, v13  }
0x7f: {  	vm1 =	vmor vm0, vm15;
	vm15 =	veq.s32 v19, v9;
	vm0 =	veq.s32 v19, v8  }
0x80: {  	vm1 =	vmor vm4, vm1;
	vm5 =	vmor vm15, vm5;
	vm4 =	veq.s32 v18, v16  }
0x81: {  	vm15 =	veq.s32 v19, v5;
	vm5 =	vmor vm3, vm5;
	vm1 =	vmor vm4, vm1  }
0x82: {  	vm3 =	veq.s32 v19, v3;
	vm4 =	veq.s32 v18, v17;
	vm5 =	vmor vm15, vm5  }
0x83: {  	vm8 =	vmor vm4, vm1;
	vm15 =	veq.s32 v19, v7;
	vm4 =	veq.s32 v19, v11  }
0x84: {  	[tilespmem:$0x1FFB0] =	vst v21;
	vm5 =	vmor vm3, vm5;
	v21 =	vsel vm8, $0xFFFFFFFF, v43;
	vm3 =	veq.s32 v20, v10  }
0x85: {  	v43 =	vor.u32 $0x2, v58;
	vm11 =	vmor vm6, vm5;
	vm5 =	vmor vm2, vm3  }
0x86: {  	vm3 =	veq.s32 v20, v6;
	vm1 =	vmor vm15, vm11;
	vm15 =	veq.s32 v20, v9  }
0x87: {  	[tilespmem:$0x1FFC0] =	vst v21;
	v21 =	vld.idx.msk [tilespmem:v44+s28+$0x0], $0xffff;
	vm6 =	veq.s32 v20, v11;
	vm1 =	vmor vm0, vm1;
	vm5 =	vmor vm15, vm5  }
0x88: {  	vm15 =	veq.s32 v20, v5;
	vm1 =	vmor vm4, vm1;
	vm4 =	veq.s32 v19, v12  }
0x89: {  	vm5 =	vmor vm3, vm5;
	vm3 =	veq.s32 v20, v3;
	vm1 =	vmor vm4, vm1  }
0x8a: {  	vm5 =	vmor vm15, vm5;
	vm4 =	veq.s32 v19, v14;
	vm15 =	veq.s32 v20, v4  }
0x8b: {  	vm5 =	vmor vm3, vm5;
	vm1 =	vmor vm4, vm1;
	vm3 =	veq.s32 v20, v7  }
0x8c: {  	vm4 =	veq.s32 v19, v15;
	vm11 =	veq.s32 v21, v13;
	vm2 =	veq.s32 v21, v16  }
0x8d: {  	vm5 =	vmor vm15, vm5;
	vm1 =	vmor vm4, vm1;
	vm4 =	veq.s32 v19, v16  }
0x8e: {  	vm15 =	veq.s32 v20, v8;
	vm5 =	vmor vm3, vm5;
	vm1 =	vmor vm4, vm1  }
0x8f: {  	vm4 =	veq.s32 v19, v17;
	vm3 =	veq.s32 v19, v18;
	vm5 =	vmor vm15, vm5  }
0x90: {  	vm15 =	veq.s32 v21, v10;
	vm1 =	vmor vm4, vm1;
	vm4 =	veq.s32 v20, v14  }
0x91: {  	vm5 =	vmor vm6, vm5;
	vm8 =	vmor vm11, vm15;
	vm6 =	veq.s32 v20, v12  }
0x92: {  	vm15 =	veq.s32 v21, v9;
	vm9 =	vmor vm3, vm1;
	vm3 =	veq.s32 v21, v3  }
0x93: {  	vm5 =	vmor vm6, vm5;
	vm8 =	vmor vm15, vm8;
	vm6 =	veq.s32 v21, v6  }
0x94: {  	v22 =	vsel vm9, $0xFFFFFFFF, v22;
	vm15 =	veq.s32 v21, v5;
	vm1 =	vmor vm4, vm5  }
0x95: {  	vm5 =	vmor vm6, vm8;
	vm4 =	veq.s32 v20, v15;
	vm6 =	veq.s32 v21, v15  }
0x96: {  	vm1 =	vmor vm4, vm1;
	vm5 =	vmor vm15, vm5;
	vm4 =	veq.s32 v20, v16  }
0x97: {  	vm15 =	veq.s32 v21, v4;
	vm5 =	vmor vm3, vm5;
	vm1 =	vmor vm4, vm1  }
0x98: {  	[tilespmem:$0x1FFD0] =	vst v22;
	v22 =	vld.idx.msk [tilespmem:v45+s28+$0x0], $0xffff;
	vm3 =	veq.s32 v21, v7;
	vm4 =	veq.s32 v20, v17;
	vm5 =	vmor vm15, vm5  }
0x99: {  	vm15 =	veq.s32 v21, v8;
	vm1 =	vmor vm4, vm1;
	vm5 =	vmor vm3, vm5  }
0x9a: {  	vm4 =	veq.s32 v20, v18;
	vm3 =	veq.s32 v21, v11;
	vm5 =	vmor vm15, vm5  }
0x9b: {  	vm1 =	vmor vm4, vm1;
	vm15 =	veq.s32 v21, v12;
	vm5 =	vmor vm3, vm5  }
0x9c: {  	vm4 =	veq.s32 v20, v19;
	vm3 =	veq.s32 v21, v14;
	vm5 =	vmor vm15, vm5  }
0x9d: {  	vm15 =	vmor vm4, vm1;
	vm4 =	veq.s32 v22, v13;
	vm5 =	vmor vm3, vm5  }
0x9e: {  	v23 =	vsel vm15, $0xFFFFFFFF, v23;
	vm15 =	veq.s32 v22, v10;
	vm3 =	veq.s32 v22, v9  }
0x9f: {  	[tilespmem:$0x1FFE0] =	vst v23;
	vm1 =	vmor vm6, vm5;
	v23 =	vld.idx.msk [tilespmem:v46+s28+$0x0], $0xffff;
	vm6 =	veq.s32 v22, v11;
	v46 =	vor.u32 $0x9, v29  }
0xa0: {  	vm1 =	vmor vm2, vm1;
	vm2 =	vmor vm4, vm15;
	vm4 =	veq.s32 v21, v17  }
0xa1: {  	vm15 =	veq.s32 v22, v6;
	vm5 =	vmor vm3, vm2;
	vm1 =	vmor vm4, vm1  }
0xa2: {  	vm3 =	veq.s32 v22, v5;
	vm4 =	veq.s32 v21, v18;
	vm2 =	veq.s32 v22, v12  }
0xa3: {  	v25 =	vld.idx.msk [tilespmem:v25+s28+$0x0], $0xffff;
	vm5 =	vmor vm15, vm5;
	vm15 =	veq.s32 v22, v3;
	vm1 =	vmor vm4, vm1  }
0xa4: {  	v26 =	vld.idx.msk [tilespmem:v26+s28+$0x0], $0xffff;
	vm4 =	veq.s32 v21, v19;
	vm5 =	vmor vm3, vm5;
	vm3 =	veq.s32 v22, v4  }
0xa5: {  	v27 =	vld.idx.msk [tilespmem:v27+s28+$0x0], $0xffff;
	vm1 =	vmor vm4, vm1;
	vm4 =	veq.s32 v21, v20;
	vm5 =	vmor vm15, vm5  }
0xa6: {  	v28 =	vld.idx.msk [tilespmem:v28+s28+$0x0], $0xffff;
	vm15 =	veq.s32 v22, v7;
	vm5 =	vmor vm3, vm5;
	vm3 =	veq.s32 v22, v8  }
0xa7: {  	v35 =	vld.idx.msk [tilespmem:v32+s28+$0x0], $0xffff;
	vm5 =	vmor vm15, vm5;
	vm15 =	vmor vm4, vm1;
	vm4 =	veq.s32 v23, v13  }
0xa8: {  	v32 =	vld.idx.msk [tilespmem:v37+s28+$0x0], $0xffff;
	vm5 =	vmor vm3, vm5;
	v24 =	vsel vm15, $0xFFFFFFFF, v24;
	vm15 =	veq.s32 v23, v10  }
0xa9: {  	v30 =	vld.idx.msk [tilespmem:v39+s28+$0x0], $0xffff;
	vm3 =	veq.s32 v23, v9;
	[tilespmem:$0x1FFF0] =	vst v24;
	vm1 =	vmor vm6, vm5;
	vm6 =	veq.s32 v23, v12  }
0xaa: {  	v24 =	vld.idx.msk [tilespmem:v47+s28+$0x0], $0xffff;
	[tilespmem:v29+s18+$0x0] =	vst.idx.msk $0xffff, v50;
	v50 =	vsel vm12, $0x1000, v33;
	vm12 =	veq.s32 v36, v9;
	vm1 =	vmor vm2, vm1  }
0xab: {  	vm2 =	vmor vm4, vm15;
	vm4 =	veq.s32 v22, v14;
	vm15 =	veq.s32 v23, v6  }
0xac: {  	vm5 =	vmor vm3, vm2;
	vm1 =	vmor vm4, vm1;
	vm3 =	veq.s32 v23, v5  }
0xad: {  	[tilespmem:v29+s19+$0x0] =	vst.idx.msk $0xffff, v33;
	vm4 =	veq.s32 v22, v15;
	vm2 =	veq.s32 v22, v21;
	vm5 =	vmor vm15, vm5  }
0xae: {  	[tilespmem:v48+s18+$0x0] =	vst.idx.msk $0xffff, v40;
	vm15 =	veq.s32 v23, v3;
	vm1 =	vmor vm4, vm1;
	vm4 =	veq.s32 v22, v16  }
0xaf: {  	[tilespmem:v48+s19+$0x0] =	vst.idx.msk $0xffff, v52;
	v48 =	vshll.u32 v9, $0x2;
	v52 =	vor.u32 $0xB, v29;
	vm5 =	vmor vm3, vm5  }
0xb0: {  	vm3 =	veq.s32 v23, v4;
	vm1 =	vmor vm4, vm1;
	vm4 =	veq.s32 v22, v17  }
0xb1: {  	[tilespmem:v51+s18+$0x0] =	vst.idx.msk $0xffff, v53;
	v53 =	vor.u32 $0x1, v50;
	v40 =	vor.u32 $0x3, v48;
	vm5 =	vmor vm15, vm5  }
0xb2: {  	vm15 =	veq.s32 v23, v7;
	vm1 =	vmor vm4, vm1;
	vm4 =	veq.s32 v22, v18  }
0xb3: {  	vm11 =	veq.s32 v24, v13;
	[tilespmem:v51+s19+$0x0] =	vst.idx.msk $0xffff, v54;
	v51 =	vor.u32 $0x1, v48;
	v54 =	vor.u32 $0x2, v48  }
0xb4: {  	vm5 =	vmor vm3, vm5;
	vm3 =	veq.s32 v23, v8;
	vm1 =	vmor vm4, vm1  }
0xb5: {  	vm4 =	veq.s32 v22, v19;
	[tilespmem:v41+s18+$0x0] =	vst.idx.msk $0xffff, v38;
	v38 =	vor.u32 $0x3, v58;
	vm5 =	vmor vm15, vm5  }
0xb6: {  	vm15 =	veq.s32 v23, v11;
	vm1 =	vmor vm4, vm1;
	vm4 =	veq.s32 v22, v20  }
0xb7: {  	[tilespmem:v41+s19+$0x0] =	vst.idx.msk $0xffff, v56;
	v56 =	vor.u32 $0x2, v50;
	vm5 =	vmor vm3, vm5;
	vm1 =	vmor vm4, vm1  }
0xb8: {  	vm3 =	veq.s32 v23, v16;
	vm4 =	veq.s32 v24, v5;
	vm5 =	vmor vm15, vm5  }
0xb9: {  	[tilespmem:v55+s18+$0x0] =	vst.idx.msk $0xffff, v58;
	v58 =	vor.u32 $0x3, v50;
	vm15 =	veq.s32 v24, v10;
	vm5 =	vmor vm6, vm5  }
0xba: {  	vm8 =	vmor vm11, vm15;
	vm6 =	veq.s32 v23, v14;
	vm15 =	veq.s32 v24, v9  }
0xbb: {  	vm11 =	veq.s32 v24, v17;
	vm5 =	vmor vm6, vm5;
	vm6 =	veq.s32 v23, v15  }
0xbc: {  	vm8 =	vmor vm15, vm8;
	vm15 =	veq.s32 v24, v6;
	vm5 =	vmor vm6, vm5  }
0xbd: {  	vm9 =	vmor vm15, vm8;
	vm8 =	vmor vm2, vm1;
	vm6 =	veq.s32 v23, v17  }
0xbe: {  	vm15 =	veq.s32 v24, v3;
	vm2 =	veq.s32 v24, v18;
	vm1 =	vmor vm3, vm5  }
0xbf: {  	vm5 =	vmor vm4, vm9;
	vm4 =	veq.s32 v24, v4;
	vm9 =	veq.s32 v23, v22  }
0xc0: {  	vm1 =	vmor vm6, vm1;
	vm5 =	vmor vm15, vm5;
	vm6 =	veq.s32 v23, v18  }
0xc1: {  	vm15 =	veq.s32 v24, v7;
	vm5 =	vmor vm4, vm5;
	vm1 =	vmor vm6, vm1  }
0xc2: {  	vm4 =	veq.s32 v24, v8;
	vm6 =	veq.s32 v23, v19;
	vm5 =	vmor vm15, vm5  }
0xc3: {  	vm15 =	veq.s32 v24, v11;
	vm1 =	vmor vm6, vm1;
	vm6 =	veq.s32 v23, v20  }
0xc4: {  	vm5 =	vmor vm4, vm5;
	vm4 =	veq.s32 v24, v12;
	vm1 =	vmor vm6, vm1  }
0xc5: {  	vm6 =	veq.s32 v23, v21;
	vm5 =	vmor vm15, vm5;
	vm15 =	veq.s32 v24, v14  }
0xc6: {  	vm1 =	vmor vm6, vm1;
	vm6 =	veq.s32 v25, v10;
	vm5 =	vmor vm4, vm5  }
0xc7: {  	vm4 =	veq.s32 v24, v15;
	vm9 =	vmor vm9, vm1;
	vm5 =	vmor vm15, vm5  }
0xc8: {  	vm15 =	veq.s32 v24, v16;
	vm5 =	vmor vm4, vm5;
	vm4 =	veq.s32 v25, v13  }
0xc9: {  	vm5 =	vmor vm15, vm5;
	vm0 =	vmor vm4, vm6;
	vm6 =	veq.s32 v25, v9  }
0xca: {  	vm15 =	veq.s32 v25, v6;
	vm4 =	veq.s32 v26, v10;
	vm1 =	vmor vm11, vm5  }
0xcb: {  	vm0 =	vmor vm6, vm0;
	vm6 =	veq.s32 v25, v5;
	vm11 =	veq.s32 v24, v23  }
0xcc: {  	vm5 =	veq.s32 v26, v6;
	vm1 =	vmor vm2, vm1;
	vm2 =	veq.s32 v24, v19  }
0xcd: {  	vm0 =	vmor vm15, vm0;
	vm15 =	veq.s32 v25, v3;
	vm1 =	vmor vm2, vm1  }
0xce: {  	vm0 =	vmor vm6, vm0;
	vm2 =	veq.s32 v24, v20;
	vm6 =	veq.s32 v25, v4  }
0xcf: {  	vm0 =	vmor vm15, vm0;
	vm1 =	vmor vm2, vm1;
	vm15 =	veq.s32 v25, v7  }
0xd0: {  	vm2 =	veq.s32 v24, v21;
	vm0 =	vmor vm6, vm0;
	vm6 =	veq.s32 v25, v8  }
0xd1: {  	vm1 =	vmor vm2, vm1;
	vm2 =	veq.s32 v24, v22;
	vm0 =	vmor vm15, vm0  }
0xd2: {  	vm15 =	veq.s32 v25, v11;
	vm3 =	vmor vm2, vm1;
	vm0 =	vmor vm6, vm0  }
0xd3: {  	vm6 =	veq.s32 v25, v12;
	vm11 =	vmor vm11, vm3;
	vm0 =	vmor vm15, vm0  }
0xd4: {  	vm15 =	veq.s32 v25, v14;
	vm2 =	vmor vm6, vm0;
	vm6 =	veq.s32 v26, v13  }
0xd5: {  	vm3 =	veq.s32 v26, v14;
	vm2 =	vmor vm15, vm2;
	vm0 =	vmor vm6, vm4  }
0xd6: {  	vm6 =	veq.s32 v25, v15;
	vm15 =	veq.s32 v26, v9;
	vm4 =	veq.s32 v27, v9  }
0xd7: {  	vm1 =	vmor vm6, vm2;
	vm0 =	vmor vm15, vm0;
	vm6 =	veq.s32 v25, v16  }
0xd8: {  	vm15 =	veq.s32 v26, v5;
	vm2 =	veq.s32 v25, v20;
	vm0 =	vmor vm5, vm0  }
0xd9: {  	vm1 =	vmor vm6, vm1;
	vm5 =	veq.s32 v26, v3;
	vm6 =	veq.s32 v25, v17  }
0xda: {  	vm0 =	vmor vm15, vm0;
	vm15 =	veq.s32 v26, v4;
	vm1 =	vmor vm6, vm1  }
0xdb: {  	vm6 =	veq.s32 v25, v18;
	vm0 =	vmor vm5, vm0;
	vm5 =	veq.s32 v26, v7  }
0xdc: {  	vm1 =	vmor vm6, vm1;
	vm6 =	veq.s32 v25, v19;
	vm0 =	vmor vm15, vm0  }
0xdd: {  	vm15 =	veq.s32 v26, v8;
	vm1 =	vmor vm6, vm1;
	vm0 =	vmor vm5, vm0  }
0xde: {  	vm6 =	veq.s32 v27, v10;
	vm5 =	veq.s32 v26, v11;
	vm0 =	vmor vm15, vm0  }
0xdf: {  	vm15 =	veq.s32 v26, v12;
	vm0 =	vmor vm5, vm0;
	vm5 =	veq.s32 v27, v13  }
0xe0: {  	vm1 =	vmor vm2, vm1;
	vm0 =	vmor vm15, vm0;
	vm2 =	vmor vm5, vm6  }
0xe1: {  	vm5 =	veq.s32 v26, v15;
	vm6 =	veq.s32 v27, v6;
	vm15 =	veq.s32 v27, v5  }
0xe2: {  	vm0 =	vmor vm3, vm0;
	vm3 =	veq.s32 v25, v21;
	vm2 =	vmor vm4, vm2  }
0xe3: {  	vm1 =	vmor vm3, vm1;
	vm0 =	vmor vm5, vm0;
	vm3 =	veq.s32 v25, v22  }
0xe4: {  	vm5 =	veq.s32 v26, v16;
	vm2 =	vmor vm6, vm2;
	vm6 =	veq.s32 v27, v3  }
0xe5: {  	vm1 =	vmor vm3, vm1;
	vm0 =	vmor vm5, vm0;
	vm3 =	veq.s32 v25, v23  }
0xe6: {  	vm5 =	veq.s32 v26, v17;
	vm2 =	vmor vm15, vm2;
	vm15 =	veq.s32 v25, v24  }
0xe7: {  	vm1 =	vmor vm3, vm1;
	vm4 =	vmor vm5, vm0;
	vm5 =	veq.s32 v26, v18  }
0xe8: {  	vm0 =	vmor vm6, vm2;
	vm2 =	veq.s32 v26, v19;
	vm6 =	veq.s32 v27, v4  }
0xe9: {  	vm3 =	veq.s32 v27, v18;
	vm15 =	vmor vm15, vm1;
	vm1 =	vmor vm5, vm4  }
0xea: {  	vm0 =	vmor vm6, vm0;
	vm5 =	veq.s32 v27, v7;
	vm6 =	veq.s32 v27, v8  }
0xeb: {  	vm4 =	veq.s32 v28, v13;
	vm1 =	vmor vm2, vm1;
	vm2 =	veq.s32 v26, v20  }
0xec: {  	vm0 =	vmor vm5, vm0;
	vm5 =	veq.s32 v27, v11;
	vm1 =	vmor vm2, vm1  }
0xed: {  	vm0 =	vmor vm6, vm0;
	vm2 =	veq.s32 v26, v21;
	vm6 =	veq.s32 v27, v12  }
0xee: {  	vm0 =	vmor vm5, vm0;
	vm1 =	vmor vm2, vm1;
	vm5 =	veq.s32 v27, v14  }
0xef: {  	vm2 =	veq.s32 v26, v22;
	vm0 =	vmor vm6, vm0;
	vm6 =	veq.s32 v27, v15  }
0xf0: {  	vm1 =	vmor vm2, vm1;
	vm2 =	veq.s32 v26, v23;
	vm0 =	vmor vm5, vm0  }
0xf1: {  	vm5 =	veq.s32 v27, v16;
	vm1 =	vmor vm2, vm1;
	vm0 =	vmor vm6, vm0  }
0xf2: {  	vm2 =	veq.s32 v26, v24;
	vm6 =	veq.s32 v27, v17;
	vm0 =	vmor vm5, vm0  }
0xf3: {  	vm1 =	vmor vm2, vm1;
	vm5 =	veq.s32 v28, v10;
	vm0 =	vmor vm6, vm0  }
0xf4: {  	vm2 =	vmor vm4, vm5;
	vm6 =	vmor vm3, vm0;
	vm3 =	veq.s32 v26, v25  }
0xf5: {  	vm4 =	veq.s32 v27, v19;
	vm0 =	veq.s32 v28, v9;
	vm5 =	vmor vm3, vm1  }
0xf6: {  	vm1 =	vmor vm4, vm6;
	vm0 =	vmor vm0, vm2;
	vm2 =	veq.s32 v27, v20  }
0xf7: {  	vm6 =	veq.s32 v28, v6;
	vm4 =	veq.s32 v28, v3;
	vm1 =	vmor vm2, vm1  }
0xf8: {  	vm0 =	vmor vm6, vm0;
	vm2 =	veq.s32 v27, v21;
	vm6 =	veq.s32 v28, v5  }
0xf9: {  	vm3 =	veq.s32 v27, v25;
	vm1 =	vmor vm2, vm1;
	vm0 =	vmor vm6, vm0  }
0xfa: {  	vm2 =	veq.s32 v27, v22;
	vm6 =	veq.s32 v28, v4;
	vm0 =	vmor vm4, vm0  }
0xfb: {  	vm1 =	vmor vm2, vm1;
	vm4 =	veq.s32 v28, v8;
	vm2 =	veq.s32 v27, v23  }
0xfc: {  	vm0 =	vmor vm6, vm0;
	vm6 =	veq.s32 v28, v7;
	vm1 =	vmor vm2, vm1  }
0xfd: {  	vm2 =	veq.s32 v27, v24;
	vm0 =	vmor vm6, vm0;
	vm6 =	veq.s32 v28, v11  }
0xfe: {  	vm1 =	vmor vm2, vm1;
	vm2 =	veq.s32 v10, v13;
	vm0 =	vmor vm4, vm0  }
0xff: {  	vm4 =	veq.s32 v28, v14;
	vm1 =	vmor vm3, vm1;
	v60 =	vsel vm2, $0x1000, v33  }
0x100: {  	vm2 =	veq.s32 v27, v26;
	vm3 =	veq.s32 v28, v21;
	vm0 =	vmor vm6, vm0  }
0x101: {  	vm6 =	veq.s32 v28, v12;
	v62 =	vor.u32 $0x1, v60;
	vm1 =	vmor vm2, vm1  }
0x102: {  	[tilespmem:v55+s19+$0x0] =	vst.idx.msk $0xffff, v60;
	v45 =	vor.u32 $0x2, v60;
	v47 =	vor.u32 $0x3, v60;
	vm2 =	veq.s32 v36, v13  }
0x103: {  	v55 =	vor.u32 $0xC, v29;
	v60 =	vor.u32 $0xE, v29;
	vm0 =	vmor vm6, vm0;
	[tilespmem:v57+s18+$0x0] =	vst.idx.msk $0xffff, v61  }
0x104: {  	vm6 =	veq.s32 v28, v15;
	v61 =	vsel vm13, $0x1000, v33;
	vm0 =	vmor vm4, vm0;
	[tilespmem:v57+s19+$0x0] =	vst.idx.msk $0xffff, v62  }
0x105: {  	vm13 =	veq.s32 v36, v4;
	vm0 =	vmor vm6, vm0;
	vm6 =	veq.s32 v28, v16;
	[tilespmem:v59+s18+$0x0] =	vst.idx.msk $0xffff, v43  }
0x106: {  	vm4 =	veq.s32 v28, v17;
	v57 =	vor.u32 $0xD, v29;
	vm0 =	vmor vm6, vm0;
	[tilespmem:v59+s19+$0x0] =	vst.idx.msk $0xffff, v45  }
0x107: {  	vm6 =	veq.s32 v28, v19;
	v59 =	vshll.u32 v6, $0x2;
	v45 =	vor.u32 $0x1, v61;
	[tilespmem:v42+s18+$0x0] =	vst.idx.msk $0xffff, v38  }
0x108: {  	vm0 =	vmor vm4, vm0;
	vm4 =	veq.s32 v28, v18;
	v62 =	vor.u32 $0x1, v59;
	[tilespmem:v42+s19+$0x0] =	vst.idx.msk $0xffff, v47  }
0x109: {  	v37 =	vor.u32 $0x3, v59;
	vm0 =	vmor vm4, vm0;
	vm4 =	veq.s32 v28, v20;
	[tilespmem:v63+s18+$0x0] =	vst.idx.msk $0xffff, v48  }
0x10a: {  	v47 =	vor.u32 $0x10, v29;
	vm0 =	vmor vm6, vm0;
	vm6 =	veq.s32 v36, v10;
	[tilespmem:v63+s19+$0x0] =	vst.idx.msk $0xffff, v50  }
0x10b: {  	v48 =	vor.u32 $0x2, v61;
	vm0 =	vmor vm4, vm0;
	vm2 =	vmor vm2, vm6;
	[tilespmem:v46+s18+$0x0] =	vst.idx.msk $0xffff, v51  }
0x10c: {  	vm6 =	veq.s32 v36, v6;
	v63 =	vor.u32 $0xF, v29;
	v50 =	vor.u32 $0x3, v61;
	[tilespmem:v46+s19+$0x0] =	vst.idx.msk $0xffff, v53  }
0x10d: {  	vm0 =	vmor vm3, vm0;
	vm2 =	vmor vm12, vm2;
	vm3 =	veq.s32 v28, v22;
	[tilespmem:v49+s18+$0x0] =	vst.idx.msk $0xffff, v54  }
0x10e: {  	vm12 =	veq.s32 v36, v5;
	v51 =	vshll.u32 v5, $0x2;
	vm2 =	vmor vm6, vm2;
	[tilespmem:v49+s19+$0x0] =	vst.idx.msk $0xffff, v56  }
0x10f: {  	vm0 =	vmor vm3, vm0;
	vm6 =	veq.s32 v36, v3;
	v46 =	vor.u32 $0x2, v59;
	[tilespmem:v52+s18+$0x0] =	vst.idx.msk $0xffff, v40  }
0x110: {  	v53 =	vsel vm14, $0x1000, v33;
	vm14 =	veq.s32 v36, v12;
	vm2 =	vmor vm12, vm2;
	[tilespmem:v52+s19+$0x0] =	vst.idx.msk $0xffff, v58  }
0x111: {  	vm12 =	veq.s32 v28, v23;
	v54 =	vor.u32 $0x1, v51;
	vm2 =	vmor vm6, vm2;
	[tilespmem:v55+s18+$0x0] =	vst.idx.msk $0xffff, v59  }
0x112: {  	vm0 =	vmor vm12, vm0;
	vm6 =	veq.s32 v36, v7;
	v49 =	vor.u32 $0x11, v29;
	[tilespmem:v55+s19+$0x0] =	vst.idx.msk $0xffff, v61  }
0x113: {  	vm12 =	veq.s32 v28, v24;
	v56 =	vor.u32 $0x1, v53;
	vm2 =	vmor vm13, vm2;
	[tilespmem:v57+s18+$0x0] =	vst.idx.msk $0xffff, v62  }
0x114: {  	vm13 =	veq.s32 v36, v8;
	vm0 =	vmor vm12, vm0;
	vm12 =	veq.s32 v36, v11;
	[tilespmem:v57+s19+$0x0] =	vst.idx.msk $0xffff, v45  }
0x115: {  	vm2 =	vmor vm6, vm2;
	v52 =	vor.u32 $0x12, v29;
	v58 =	vor.u32 $0x14, v29;
	[tilespmem:v60+s18+$0x0] =	vst.idx.msk $0xffff, v46  }
0x116: {  	vm6 =	veq.s32 v36, v14;
	vm2 =	vmor vm13, vm2;
	vm13 =	veq.s32 v28, v25;
	[tilespmem:v60+s19+$0x0] =	vst.idx.msk $0xffff, v48  }
0x117: {  	v59 =	vor.u32 $0x2, v53;
	vm2 =	vmor vm12, vm2;
	v55 =	vor.u32 $0x13, v29;
	[tilespmem:v63+s18+$0x0] =	vst.idx.msk $0xffff, v37  }
0x118: {  	vm0 =	vmor vm13, vm0;
	vm12 =	veq.s32 v28, v26;
	vm13 =	veq.s32 v36, v15;
	[tilespmem:v63+s19+$0x0] =	vst.idx.msk $0xffff, v50  }
0x119: {  	v61 =	vor.u32 $0x3, v53;
	vm2 =	vmor vm14, vm2;
	vm0 =	vmor vm12, vm0;
	[tilespmem:v47+s18+$0x0] =	vst.idx.msk $0xffff, v51  }
0x11a: {  	v62 =	vshll.u32 v3, $0x2;
	vm14 =	veq.s32 v36, v16;
	vm2 =	vmor vm6, vm2;
	[tilespmem:v47+s19+$0x0] =	vst.idx.msk $0xffff, v53  }
0x11b: {  	vm12 =	veq.s32 v36, v17;
	v57 =	vor.u32 $0x2, v51;
	v45 =	vld [tilespmem:$0x1FF40];
	vm2 =	vmor vm13, vm2;
	[tilespmem:v49+s18+$0x0] =	vst.idx.msk $0xffff, v54  }
0x11c: {  	v46 =	vor.u32 $0x1, v62;
	vm13 =	veq.s32 v28, v27;
	v60 =	vor.u32 $0x15, v29;
	[tilespmem:v49+s19+$0x0] =	vst.idx.msk $0xffff, v56  }
0x11d: {  	vm2 =	vmor vm14, vm2;
	v48 =	vor.u32 $0x17, v29;
	vm14 =	veq.s32 v36, v18;
	[tilespmem:v52+s18+$0x0] =	vst.idx.msk $0xffff, v57  }
0x11e: {  	vm0 =	vmor vm13, vm0;
	vm13 =	veq.s32 v35, v13;
	v37 =	vor.u32 $0x3, v51;
	[tilespmem:v52+s19+$0x0] =	vst.idx.msk $0xffff, v59  }
0x11f: {  	vm2 =	vmor vm12, vm2;
	vm12 =	veq.s32 v36, v20;
	v63 =	vor.u32 $0x16, v29;
	[tilespmem:v55+s18+$0x0] =	vst.idx.msk $0xffff, v37  }
0x120: {  	vm2 =	vmor vm14, vm2;
	vm14 =	veq.s32 v35, v10;
	vm6 =	vnez.u8 v45;
	[tilespmem:v55+s19+$0x0] =	vst.idx.msk $0xffff, v61  }
0x121: {  	v51 =	vor.u32 $0x18, v29;
	v45 =	vshll.u32 v7, $0x2;
	v40 =	vsel vm6, $0x1000, v33;
	[tilespmem:v58+s18+$0x0] =	vst.idx.msk $0xffff, v62  }
0x122: {  	vm6 =	veq.s32 v36, v19;
	v47 =	vor.u32 $0x1, v40;
	v50 =	vor.u32 $0x2, v40;
	[tilespmem:v58+s19+$0x0] =	vst.idx.msk $0xffff, v40  }
0x123: {  	vm2 =	vmor vm6, vm2;
	v53 =	vor.u32 $0x3, v40;
	v49 =	vor.u32 $0x2, v62;
	v56 =	vld [tilespmem:$0x1FF50];
	[tilespmem:v60+s18+$0x0] =	vst.idx.msk $0xffff, v46  }
0x124: {  	vm2 =	vmor vm12, vm2;
	vm12 =	vmor vm13, vm14;
	vm13 =	veq.s32 v35, v9;
	[tilespmem:v60+s19+$0x0] =	vst.idx.msk $0xffff, v47  }
0x125: {  	v54 =	vshll.u32 v4, $0x2;
	vm3 =	vmor vm13, vm12;
	vm12 =	veq.s32 v36, v21;
	[tilespmem:v63+s18+$0x0] =	vst.idx.msk $0xffff, v49  }
0x126: {  	vm13 =	veq.s32 v35, v6;
	v52 =	vor.u32 $0x19, v29;
	v37 =	vor.u32 $0x3, v62;
	[tilespmem:v63+s19+$0x0] =	vst.idx.msk $0xffff, v50  }
0x127: {  	v57 =	vor.u32 $0x1, v54;
	vm2 =	vmor vm12, vm2;
	vm3 =	vmor vm13, vm3;
	[tilespmem:v48+s18+$0x0] =	vst.idx.msk $0xffff, v37  }
0x128: {  	vm12 =	veq.s32 v36, v22;
	v55 =	vor.u32 $0x1A, v29;
	vm14 =	vnez.u8 v56;
	[tilespmem:v48+s19+$0x0] =	vst.idx.msk $0xffff, v53  }
0x129: {  	vm13 =	veq.s32 v35, v3;
	vm2 =	vmor vm12, vm2;
	v40 =	vsel vm14, $0x1000, v33;
	[tilespmem:v51+s18+$0x0] =	vst.idx.msk $0xffff, v54  }
0x12a: {  	v61 =	vor.u32 $0x1C, v29;
	v58 =	vor.u32 $0x1B, v29;
	vm14 =	veq.s32 v35, v5;
	[tilespmem:v51+s19+$0x0] =	vst.idx.msk $0xffff, v40  }
0x12b: {  	v56 =	vshll.u32 v8, $0x2;
	v59 =	vor.u32 $0x1, v40;
	vm3 =	vmor vm14, vm3;
	v47 =	vld [tilespmem:$0x1FF60];
	[tilespmem:v52+s18+$0x0] =	vst.idx.msk $0xffff, v57  }
0x12c: {  	v62 =	vor.u32 $0x2, v40;
	v44 =	vor.u32 $0x3, v40;
	v60 =	vor.u32 $0x2, v54;
	[tilespmem:v52+s19+$0x0] =	vst.idx.msk $0xffff, v59  }
0x12d: {  	v46 =	vor.u32 $0x1E, v29;
	vm14 =	veq.s32 v35, v4;
	vm3 =	vmor vm13, vm3;
	[tilespmem:v55+s18+$0x0] =	vst.idx.msk $0xffff, v60  }
0x12e: {  	vm13 =	veq.s32 v36, v23;
	v63 =	vor.u32 $0x1D, v29;
	v37 =	vor.u32 $0x3, v54;
	[tilespmem:v55+s19+$0x0] =	vst.idx.msk $0xffff, v62  }
0x12f: {  	vm3 =	vmor vm14, vm3;
	v49 =	vor.u32 $0x1F, v29;
	vm14 =	veq.s32 v35, v7;
	[tilespmem:v58+s18+$0x0] =	vst.idx.msk $0xffff, v37  }
0x130: {  	vm2 =	vmor vm13, vm2;
	vm13 =	veq.s32 v36, v24;
	vm12 =	vnez.u8 v47;
	[tilespmem:v58+s19+$0x0] =	vst.idx.msk $0xffff, v44  }
0x131: {  	vm3 =	vmor vm14, vm3;
	vm14 =	veq.s32 v35, v11;
	v40 =	vsel vm12, $0x1000, v33;
	[tilespmem:v61+s18+$0x0] =	vst.idx.msk $0xffff, v45  }
0x132: {  	vm2 =	vmor vm13, vm2;
	v48 =	vor.u32 $0x1, v45;
	v54 =	vor.u32 $0x21, v29;
	[tilespmem:v61+s19+$0x0] =	vst.idx.msk $0xffff, v40  }
0x133: {  	v51 =	vor.u32 $0x2, v45;
	vm12 =	veq.s32 v35, v8;
	v50 =	vor.u32 $0x1, v40;
	v58 =	vld [tilespmem:$0x1FF70];
	[tilespmem:v63+s18+$0x0] =	vst.idx.msk $0xffff, v48  }
0x134: {  	vm3 =	vmor vm12, vm3;
	v53 =	vor.u32 $0x2, v40;
	v52 =	vor.u32 $0x20, v29;
	[tilespmem:v63+s19+$0x0] =	vst.idx.msk $0xffff, v50  }
0x135: {  	v57 =	vor.u32 $0x22, v29;
	vm12 =	veq.s32 v35, v12;
	vm3 =	vmor vm14, vm3;
	[tilespmem:v46+s18+$0x0] =	vst.idx.msk $0xffff, v51  }
0x136: {  	v59 =	vor.u32 $0x1, v56;
	vm14 =	veq.s32 v36, v25;
	v37 =	vor.u32 $0x3, v45;
	[tilespmem:v46+s19+$0x0] =	vst.idx.msk $0xffff, v53  }
0x137: {  	vm3 =	vmor vm12, vm3;
	v60 =	vor.u32 $0x23, v29;
	v55 =	vor.u32 $0x3, v40;
	[tilespmem:v49+s18+$0x0] =	vst.idx.msk $0xffff, v37  }
0x138: {  	vm12 =	veq.s32 v35, v14;
	vm2 =	vmor vm14, vm2;
	vm13 =	vnez.u8 v58;
	[tilespmem:v49+s19+$0x0] =	vst.idx.msk $0xffff, v55  }
0x139: {  	vm14 =	veq.s32 v36, v26;
	vm3 =	vmor vm12, vm3;
	v40 =	vsel vm13, $0x1000, v33;
	[tilespmem:v52+s18+$0x0] =	vst.idx.msk $0xffff, v56  }
0x13a: {  	v62 =	vor.u32 $0x2, v56;
	vm2 =	vmor vm14, vm2;
	vm14 =	veq.s32 v36, v27;
	[tilespmem:v52+s19+$0x0] =	vst.idx.msk $0xffff, v40  }
0x13b: {  	vm2 =	vmor vm14, vm2;
	vm14 =	veq.s32 v36, v28;
	v61 =	vor.u32 $0x1, v40;
	[tilespmem:v54+s18+$0x0] =	vst.idx.msk $0xffff, v59  }
0x13c: {  	vm12 =	veq.s32 v35, v16;
	vm2 =	vmor vm14, vm2;
	v63 =	vor.u32 $0x24, v29;
	[tilespmem:v54+s19+$0x0] =	vst.idx.msk $0xffff, v61  }
0x13d: {  	v48 =	vshll.u32 v11, $0x2;
	v50 =	vsel vm7, $0x1000, v33;
	v45 =	vor.u32 $0x2, v40;
	[tilespmem:v57+s18+$0x0] =	vst.idx.msk $0xffff, v62  }
0x13e: {  	v51 =	vor.u32 $0x1, v48;
	v46 =	vor.u32 $0x25, v29;
	v37 =	vor.u32 $0x3, v56;
	[tilespmem:v57+s19+$0x0] =	vst.idx.msk $0xffff, v45  }
0x13f: {  	v58 =	vor.u32 $0x3, v50;
	vm13 =	veq.s32 v35, v15;
	v47 =	vor.u32 $0x3, v40;
	[tilespmem:v60+s18+$0x0] =	vst.idx.msk $0xffff, v37  }
0x140: {  	v53 =	vor.u32 $0x1, v50;
	vm3 =	vmor vm13, vm3;
	v49 =	vor.u32 $0x26, v29;
	[tilespmem:v60+s19+$0x0] =	vst.idx.msk $0xffff, v47  }
0x141: {  	vm13 =	veq.s32 v35, v17;
	vm3 =	vmor vm12, vm3;
	vm12 =	veq.s32 v35, v18;
	[tilespmem:v63+s18+$0x0] =	vst.idx.msk $0xffff, v48  }
0x142: {  	v55 =	vor.u32 $0x28, v29;
	vm3 =	vmor vm13, vm3;
	v52 =	vor.u32 $0x27, v29;
	[tilespmem:v63+s19+$0x0] =	vst.idx.msk $0xffff, v50  }
0x143: {  	vm13 =	veq.s32 v35, v19;
	v56 =	vor.u32 $0x2, v50;
	vm3 =	vmor vm12, vm3;
	v61 =	vld [tilespmem:$0x1FF80];
	[tilespmem:v46+s18+$0x0] =	vst.idx.msk $0xffff, v51  }
0x144: {  	vm12 =	veq.s32 v35, v20;
	vm3 =	vmor vm13, vm3;
	v54 =	vor.u32 $0x2, v48;
	[tilespmem:v46+s19+$0x0] =	vst.idx.msk $0xffff, v53  }
0x145: {  	v59 =	vshll.u32 v12, $0x2;
	vm13 =	veq.s32 v35, v21;
	vm3 =	vmor vm12, vm3;
	[tilespmem:v49+s18+$0x0] =	vst.idx.msk $0xffff, v54  }
0x146: {  	vm12 =	veq.s32 v34, v13;
	v57 =	vor.u32 $0x29, v29;
	v37 =	vor.u32 $0x3, v48;
	[tilespmem:v49+s19+$0x0] =	vst.idx.msk $0xffff, v56  }
0x147: {  	vm3 =	vmor vm13, vm3;
	v62 =	vor.u32 $0x1, v59;
	vm13 =	veq.s32 v34, v10;
	[tilespmem:v52+s18+$0x0] =	vst.idx.msk $0xffff, v37  }
0x148: {  	vm4 =	vmor vm12, vm13;
	v60 =	vor.u32 $0x2A, v29;
	vm14 =	vnez.u8 v61;
	[tilespmem:v52+s19+$0x0] =	vst.idx.msk $0xffff, v58  }
0x149: {  	vm12 =	veq.s32 v34, v9;
	vm13 =	veq.s32 v34, v6;
	v40 =	vsel vm14, $0x1000, v33;
	[tilespmem:v55+s18+$0x0] =	vst.idx.msk $0xffff, v59  }
0x14a: {  	vm4 =	vmor vm12, vm4;
	vm12 =	veq.s32 v34, v5;
	v63 =	vor.u32 $0x2B, v29;
	[tilespmem:v55+s19+$0x0] =	vst.idx.msk $0xffff, v40  }
0x14b: {  	v47 =	vor.u32 $0x2C, v29;
	vm4 =	vmor vm13, vm4;
	v45 =	vor.u32 $0x1, v40;
	[tilespmem:v57+s18+$0x0] =	vst.idx.msk $0xffff, v62  }
0x14c: {  	vm13 =	veq.s32 v34, v3;
	vm4 =	vmor vm12, vm4;
	v46 =	vor.u32 $0x2, v59;
	[tilespmem:v57+s19+$0x0] =	vst.idx.msk $0xffff, v45  }
0x14d: {  	v61 =	vor.u32 $0x31, v29;
	vm12 =	veq.s32 v34, v7;
	v48 =	vor.u32 $0x2, v40;
	[tilespmem:v60+s18+$0x0] =	vst.idx.msk $0xffff, v46  }
0x14e: {  	vm14 =	veq.s32 v35, v22;
	v49 =	vor.u32 $0x2D, v29;
	v37 =	vor.u32 $0x3, v59;
	[tilespmem:v60+s19+$0x0] =	vst.idx.msk $0xffff, v48  }
0x14f: {  	vm4 =	vmor vm13, vm4;
	vm3 =	vmor vm14, vm3;
	v50 =	vor.u32 $0x3, v40;
	[tilespmem:v63+s18+$0x0] =	vst.idx.msk $0xffff, v37  }
0x150: {  	v51 =	vshll.u32 v14, $0x2;
	vm14 =	veq.s32 v35, v23;
	v52 =	vor.u32 $0x2E, v29;
	[tilespmem:v63+s19+$0x0] =	vst.idx.msk $0xffff, v50  }
0x151: {  	vm13 =	veq.s32 v35, v25;
	vm3 =	vmor vm14, vm3;
	v53 =	vsel vm10, $0x1000, v33;
	[tilespmem:v47+s18+$0x0] =	vst.idx.msk $0xffff, v51  }
0x152: {  	vm14 =	veq.s32 v35, v24;
	v54 =	vor.u32 $0x1, v51;
	v55 =	vor.u32 $0x2F, v29;
	[tilespmem:v47+s19+$0x0] =	vst.idx.msk $0xffff, v53  }
0x153: {  	vm10 =	veq.s32 v34, v4;
	vm3 =	vmor vm14, vm3;
	v56 =	vor.u32 $0x1, v53;
	v46 =	vld [tilespmem:$0x1FF90];
	[tilespmem:v49+s18+$0x0] =	vst.idx.msk $0xffff, v54  }
0x154: {  	vm4 =	vmor vm10, vm4;
	v58 =	vor.u32 $0x30, v29;
	v57 =	vor.u32 $0x2, v51;
	[tilespmem:v49+s19+$0x0] =	vst.idx.msk $0xffff, v56  }
0x155: {  	vm14 =	veq.s32 v34, v8;
	vm4 =	vmor vm12, vm4;
	v59 =	vor.u32 $0x2, v53;
	[tilespmem:v52+s18+$0x0] =	vst.idx.msk $0xffff, v57  }
0x156: {  	vm3 =	vmor vm13, vm3;
	vm12 =	veq.s32 v34, v11;
	v60 =	vor.u32 $0x3, v51;
	[tilespmem:v52+s19+$0x0] =	vst.idx.msk $0xffff, v59  }
0x157: {  	vm13 =	veq.s32 v35, v26;
	vm4 =	vmor vm14, vm4;
	v62 =	vor.u32 $0x3, v53;
	[tilespmem:v55+s18+$0x0] =	vst.idx.msk $0xffff, v60  }
0x158: {  	v45 =	vor.u32 $0x32, v29;
	v63 =	vshll.u32 v15, $0x2;
	vm10 =	vnez.u8 v46;
	[tilespmem:v55+s19+$0x0] =	vst.idx.msk $0xffff, v62  }
0x159: {  	vm14 =	veq.s32 v34, v12;
	vm3 =	vmor vm13, vm3;
	v41 =	vsel vm10, $0x1000, v33;
	[tilespmem:v58+s18+$0x0] =	vst.idx.msk $0xffff, v63  }
0x15a: {  	vm13 =	veq.s32 v34, v15;
	v48 =	vor.u32 $0x33, v29;
	v47 =	vor.u32 $0x1, v63;
	[tilespmem:v58+s19+$0x0] =	vst.idx.msk $0xffff, v41  }
0x15b: {  	vm4 =	vmor vm12, vm4;
	vm12 =	veq.s32 v35, v27;
	v49 =	vor.u32 $0x1, v41;
	v58 =	vld [tilespmem:$0x1FFA0];
	[tilespmem:v61+s18+$0x0] =	vst.idx.msk $0xffff, v47  }
0x15c: {  	vm4 =	vmor vm14, vm4;
	v50 =	vor.u32 $0x2, v63;
	v51 =	vor.u32 $0x34, v29;
	[tilespmem:v61+s19+$0x0] =	vst.idx.msk $0xffff, v49  }
0x15d: {  	vm3 =	vmor vm12, vm3;
	vm12 =	veq.s32 v35, v28;
	v52 =	vor.u32 $0x2, v41;
	[tilespmem:v45+s18+$0x0] =	vst.idx.msk $0xffff, v50  }
0x15e: {  	vm3 =	vmor vm12, vm3;
	v53 =	vor.u32 $0x3, v63;
	v54 =	vor.u32 $0x35, v29;
	[tilespmem:v45+s19+$0x0] =	vst.idx.msk $0xffff, v52  }
0x15f: {  	vm12 =	veq.s32 v34, v19;
	vm10 =	veq.s32 v34, v14;
	v55 =	vor.u32 $0x3, v41;
	[tilespmem:v48+s18+$0x0] =	vst.idx.msk $0xffff, v53  }
0x160: {  	v56 =	vshll.u32 v16, $0x2;
	v57 =	vor.u32 $0x36, v29;
	vm14 =	vnez.u8 v58;
	[tilespmem:v48+s19+$0x0] =	vst.idx.msk $0xffff, v55  }
0x161: {  	vm4 =	vmor vm10, vm4;
	vm10 =	veq.s32 v34, v16;
	v41 =	vsel vm14, $0x1000, v33;
	[tilespmem:v51+s18+$0x0] =	vst.idx.msk $0xffff, v56  }
0x162: {  	vm4 =	vmor vm13, vm4;
	v59 =	vor.u32 $0x1, v56;
	v60 =	vor.u32 $0x37, v29;
	[tilespmem:v51+s19+$0x0] =	vst.idx.msk $0xffff, v41  }
0x163: {  	vm13 =	veq.s32 v34, v17;
	v44 =	vor.u32 $0x3, v56;
	v49 =	vld [tilespmem:$0x1FFB0];
	v61 =	vor.u32 $0x1, v41;
	[tilespmem:v54+s18+$0x0] =	vst.idx.msk $0xffff, v59  }
0x164: {  	vm4 =	vmor vm10, vm4;
	v62 =	vor.u32 $0x2, v56;
	v63 =	vor.u32 $0x38, v29;
	[tilespmem:v54+s19+$0x0] =	vst.idx.msk $0xffff, v61  }
0x165: {  	vm10 =	veq.s32 v35, v36;
	vm4 =	vmor vm13, vm4;
	v43 =	vor.u32 $0x2, v41;
	[tilespmem:v57+s18+$0x0] =	vst.idx.msk $0xffff, v62  }
0x166: {  	vm3 =	vmor vm10, vm3;
	v47 =	vshll.u32 v17, $0x2;
	v45 =	vor.u32 $0x39, v29;
	[tilespmem:v57+s19+$0x0] =	vst.idx.msk $0xffff, v43  }
0x167: {  	vm10 =	veq.s32 v32, v13;
	v37 =	vor.u32 $0x3, v47;
	v46 =	vor.u32 $0x3, v41;
	[tilespmem:v60+s18+$0x0] =	vst.idx.msk $0xffff, v44  }
0x168: {  	v50 =	vor.u32 $0x1, v47;
	v48 =	vor.u32 $0x3A, v29;
	vm13 =	vnez.u8 v49;
	[tilespmem:v60+s19+$0x0] =	vst.idx.msk $0xffff, v46  }
0x169: {  	v53 =	vor.u32 $0x2, v47;
	vm14 =	veq.s32 v34, v18;
	v41 =	vsel vm13, $0x1000, v33;
	[tilespmem:v63+s18+$0x0] =	vst.idx.msk $0xffff, v47  }
0x16a: {  	v58 =	vshll.u32 v18, $0x2;
	vm4 =	vmor vm14, vm4;
	v51 =	vor.u32 $0x3B, v29;
	[tilespmem:v63+s19+$0x0] =	vst.idx.msk $0xffff, v41  }
0x16b: {  	vm14 =	veq.s32 v34, v20;
	v56 =	vor.u32 $0x3D, v29;
	v52 =	vor.u32 $0x1, v41;
	v60 =	vld [tilespmem:$0x1FFC0];
	[tilespmem:v45+s18+$0x0] =	vst.idx.msk $0xffff, v50  }
0x16c: {  	v49 =	vor.u32 $0x42, v29;
	vm4 =	vmor vm12, vm4;
	v54 =	vor.u32 $0x3C, v29;
	[tilespmem:v45+s19+$0x0] =	vst.idx.msk $0xffff, v52  }
0x16d: {  	vm12 =	veq.s32 v32, v10;
	vm13 =	veq.s32 v34, v21;
	v55 =	vor.u32 $0x2, v41;
	[tilespmem:v48+s18+$0x0] =	vst.idx.msk $0xffff, v53  }
0x16e: {  	vm4 =	vmor vm14, vm4;
	vm6 =	vmor vm10, vm12;
	vm14 =	veq.s32 v32, v9;
	[tilespmem:v48+s19+$0x0] =	vst.idx.msk $0xffff, v55  }
0x16f: {  	vm10 =	veq.s32 v32, v6;
	v59 =	vor.u32 $0x3E, v29;
	v57 =	vor.u32 $0x3, v41;
	[tilespmem:v51+s18+$0x0] =	vst.idx.msk $0xffff, v37  }
0x170: {  	vm12 =	veq.s32 v34, v22;
	vm4 =	vmor vm13, vm4;
	vm13 =	vnez.u8 v60;
	[tilespmem:v51+s19+$0x0] =	vst.idx.msk $0xffff, v57  }
0x171: {  	vm6 =	vmor vm14, vm6;
	vm14 =	veq.s32 v32, v5;
	v41 =	vsel vm13, $0x1000, v33;
	[tilespmem:v54+s18+$0x0] =	vst.idx.msk $0xffff, v58  }
0x172: {  	v61 =	vor.u32 $0x1, v58;
	vm6 =	vmor vm10, vm6;
	v62 =	vor.u32 $0x3F, v29;
	[tilespmem:v54+s19+$0x0] =	vst.idx.msk $0xffff, v41  }
0x173: {  	vm4 =	vmor vm12, vm4;
	vm12 =	veq.s32 v32, v3;
	v50 =	vld [tilespmem:$0x1FFD0];
	v63 =	vor.u32 $0x1, v41;
	[tilespmem:v56+s18+$0x0] =	vst.idx.msk $0xffff, v61  }
0x174: {  	vm10 =	veq.s32 v32, v7;
	v43 =	vor.u32 $0x2, v58;
	v44 =	vor.u32 $0x40, v29;
	[tilespmem:v56+s19+$0x0] =	vst.idx.msk $0xffff, v63  }
0x175: {  	vm6 =	vmor vm14, vm6;
	vm14 =	veq.s32 v32, v4;
	v45 =	vor.u32 $0x2, v41;
	[tilespmem:v59+s18+$0x0] =	vst.idx.msk $0xffff, v43  }
0x176: {  	vm6 =	vmor vm12, vm6;
	v46 =	vor.u32 $0x41, v29;
	v37 =	vor.u32 $0x3, v58;
	[tilespmem:v59+s19+$0x0] =	vst.idx.msk $0xffff, v45  }
0x177: {  	vm12 =	veq.s32 v34, v24;
	vm13 =	veq.s32 v34, v23;
	v47 =	vor.u32 $0x3, v41;
	[tilespmem:v62+s18+$0x0] =	vst.idx.msk $0xffff, v37  }
0x178: {  	v48 =	vshll.u32 v19, $0x2;
	vm4 =	vmor vm13, vm4;
	vm13 =	vnez.u8 v50;
	[tilespmem:v62+s19+$0x0] =	vst.idx.msk $0xffff, v47  }
0x179: {  	vm6 =	vmor vm14, vm6;
	vm14 =	veq.s32 v32, v8;
	v41 =	vsel vm13, $0x1000, v33;
	[tilespmem:v44+s18+$0x0] =	vst.idx.msk $0xffff, v48  }
0x17a: {  	vm6 =	vmor vm10, vm6;
	v52 =	vor.u32 $0x43, v29;
	v51 =	vor.u32 $0x1, v48;
	[tilespmem:v44+s19+$0x0] =	vst.idx.msk $0xffff, v41  }
0x17b: {  	vm10 =	veq.s32 v32, v14;
	vm6 =	vmor vm14, vm6;
	v53 =	vor.u32 $0x1, v41;
	v61 =	vld [tilespmem:$0x1FFE0];
	[tilespmem:v46+s18+$0x0] =	vst.idx.msk $0xffff, v51  }
0x17c: {  	vm14 =	veq.s32 v32, v12;
	v55 =	vor.u32 $0x44, v29;
	v54 =	vor.u32 $0x2, v48;
	[tilespmem:v46+s19+$0x0] =	vst.idx.msk $0xffff, v53  }
0x17d: {  	v60 =	vor.u32 $0x46, v29;
	vm4 =	vmor vm12, vm4;
	v56 =	vor.u32 $0x2, v41;
	[tilespmem:v49+s18+$0x0] =	vst.idx.msk $0xffff, v54  }
0x17e: {  	vm12 =	veq.s32 v32, v11;
	v57 =	vor.u32 $0x45, v29;
	v37 =	vor.u32 $0x3, v48;
	[tilespmem:v49+s19+$0x0] =	vst.idx.msk $0xffff, v56  }
0x17f: {  	vm6 =	vmor vm12, vm6;
	vm13 =	veq.s32 v34, v25;
	v58 =	vor.u32 $0x3, v41;
	[tilespmem:v52+s18+$0x0] =	vst.idx.msk $0xffff, v37  }
0x180: {  	vm4 =	vmor vm13, vm4;
	v59 =	vshll.u32 v20, $0x2;
	vm13 =	vnez.u8 v61;
	[tilespmem:v52+s19+$0x0] =	vst.idx.msk $0xffff, v58  }
0x181: {  	vm12 =	veq.s32 v34, v26;
	vm6 =	vmor vm14, vm6;
	v41 =	vsel vm13, $0x1000, v33;
	[tilespmem:v55+s18+$0x0] =	vst.idx.msk $0xffff, v59  }
0x182: {  	vm14 =	veq.s32 v32, v15;
	v63 =	vor.u32 $0x47, v29;
	v62 =	vor.u32 $0x1, v59;
	[tilespmem:v55+s19+$0x0] =	vst.idx.msk $0xffff, v41  }
0x183: {  	vm6 =	vmor vm10, vm6;
	vm4 =	vmor vm12, vm4;
	v45 =	vor.u32 $0x1, v41;
	v53 =	vld [tilespmem:$0x1FFF0];
	[tilespmem:v57+s18+$0x0] =	vst.idx.msk $0xffff, v62  }
0x184: {  	vm6 =	vmor vm14, vm6;
	v47 =	vor.u32 $0x48, v29;
	v46 =	vor.u32 $0x2, v59;
	[tilespmem:v57+s19+$0x0] =	vst.idx.msk $0xffff, v45  }
0x185: {  	vm12 =	veq.s32 v32, v16;
	vm14 =	veq.s32 v32, v17;
	v48 =	vor.u32 $0x2, v41;
	[tilespmem:v60+s18+$0x0] =	vst.idx.msk $0xffff, v46  }
0x186: {  	vm6 =	vmor vm12, vm6;
	v49 =	vor.u32 $0x49, v29;
	v37 =	vor.u32 $0x3, v59;
	[tilespmem:v60+s19+$0x0] =	vst.idx.msk $0xffff, v48  }
0x187: {  	vm6 =	vmor vm14, vm6;
	v50 =	vor.u32 $0x3, v41;
	[tilespmem:v63+s18+$0x0] =	vst.idx.msk $0xffff, v37  }
0x188: {  	v51 =	vshll.u32 v21, $0x2;
	v52 =	vor.u32 $0x4A, v29;
	vm14 =	vnez.u8 v53;
	[tilespmem:v63+s19+$0x0] =	vst.idx.msk $0xffff, v50  }
0x189: {  	v39 =	vor.u32 $0x64, v29;
	v38 =	vor.u32 $0x75, v29;
	v41 =	vsel vm14, $0x1000, v33;
	[tilespmem:v47+s18+$0x0] =	vst.idx.msk $0xffff, v51  }
0x18a: {  	vm12 =	veq.s32 v32, v18;
	v54 =	vor.u32 $0x1, v51;
	v55 =	vor.u32 $0x4B, v29;
	[tilespmem:v47+s19+$0x0] =	vst.idx.msk $0xffff, v41  }
0x18b: {  	v42 =	vor.u32 $0x66, v29;
	vm6 =	vmor vm12, vm6;
	v56 =	vor.u32 $0x1, v41;
	[tilespmem:v49+s18+$0x0] =	vst.idx.msk $0xffff, v54  }
0x18c: {  	vm12 =	veq.s32 v32, v19;
	v58 =	vor.u32 $0x4C, v29;
	v57 =	vor.u32 $0x2, v51;
	[tilespmem:v49+s19+$0x0] =	vst.idx.msk $0xffff, v56  }
0x18d: {  	vm10 =	veq.s32 v30, v4;
	vm6 =	vmor vm12, vm6;
	v59 =	vor.u32 $0x2, v41;
	[tilespmem:v52+s18+$0x0] =	vst.idx.msk $0xffff, v57  }
0x18e: {  	vm13 =	veq.s32 v34, v27;
	v60 =	vor.u32 $0x4D, v29;
	v37 =	vor.u32 $0x3, v51;
	[tilespmem:v52+s19+$0x0] =	vst.idx.msk $0xffff, v59  }
0x18f: {  	vm12 =	veq.s32 v32, v21;
	vm4 =	vmor vm13, vm4;
	v61 =	vor.u32 $0x3, v41;
	[tilespmem:v55+s18+$0x0] =	vst.idx.msk $0xffff, v37  }
0x190: {  	vm13 =	veq.s32 v34, v28;
	v62 =	vshll.u32 v22, $0x2;
	v63 =	vor.u32 $0x4E, v29;
	[tilespmem:v55+s19+$0x0] =	vst.idx.msk $0xffff, v61  }
0x191: {  	vm4 =	vmor vm13, vm4;
	vm13 =	veq.s32 v32, v20;
	v45 =	vsel vm8, $0x1000, v33;
	[tilespmem:v58+s18+$0x0] =	vst.idx.msk $0xffff, v62  }
0x192: {  	vm6 =	vmor vm13, vm6;
	v46 =	vor.u32 $0x1, v62;
	v47 =	vor.u32 $0x4F, v29;
	[tilespmem:v58+s19+$0x0] =	vst.idx.msk $0xffff, v45  }
0x193: {  	vm13 =	veq.s32 v32, v22;
	vm6 =	vmor vm12, vm6;
	v48 =	vor.u32 $0x1, v45;
	[tilespmem:v60+s18+$0x0] =	vst.idx.msk $0xffff, v46  }
0x194: {  	vm12 =	veq.s32 v32, v23;
	v50 =	vor.u32 $0x50, v29;
	v49 =	vor.u32 $0x2, v62;
	[tilespmem:v60+s19+$0x0] =	vst.idx.msk $0xffff, v48  }
0x195: {  	vm6 =	vmor vm13, vm6;
	vm13 =	veq.s32 v32, v24;
	v51 =	vor.u32 $0x2, v45;
	[tilespmem:v63+s18+$0x0] =	vst.idx.msk $0xffff, v49  }
0x196: {  	vm6 =	vmor vm12, vm6;
	v52 =	vor.u32 $0x51, v29;
	v37 =	vor.u32 $0x3, v62;
	[tilespmem:v63+s19+$0x0] =	vst.idx.msk $0xffff, v51  }
0x197: {  	vm12 =	veq.s32 v31, v10;
	vm6 =	vmor vm13, vm6;
	v53 =	vor.u32 $0x3, v45;
	[tilespmem:v47+s18+$0x0] =	vst.idx.msk $0xffff, v37  }
0x198: {  	vm13 =	veq.s32 v32, v25;
	v54 =	vshll.u32 v23, $0x2;
	v55 =	vor.u32 $0x52, v29;
	[tilespmem:v47+s19+$0x0] =	vst.idx.msk $0xffff, v53  }
0x199: {  	vm14 =	veq.s32 v34, v36;
	vm6 =	vmor vm13, vm6;
	v56 =	vsel vm9, $0x1000, v33;
	[tilespmem:v50+s18+$0x0] =	vst.idx.msk $0xffff, v54  }
0x19a: {  	vm13 =	veq.s32 v32, v26;
	v57 =	vor.u32 $0x1, v54;
	v58 =	vor.u32 $0x53, v29;
	[tilespmem:v50+s19+$0x0] =	vst.idx.msk $0xffff, v56  }
0x19b: {  	vm4 =	vmor vm14, vm4;
	vm14 =	veq.s32 v34, v35;
	v59 =	vor.u32 $0x1, v56;
	[tilespmem:v52+s18+$0x0] =	vst.idx.msk $0xffff, v57  }
0x19c: {  	vm6 =	vmor vm13, vm6;
	v61 =	vor.u32 $0x54, v29;
	v60 =	vor.u32 $0x2, v54;
	[tilespmem:v52+s19+$0x0] =	vst.idx.msk $0xffff, v59  }
0x19d: {  	vm13 =	veq.s32 v32, v27;
	vm4 =	vmor vm14, vm4;
	v62 =	vor.u32 $0x2, v56;
	[tilespmem:v55+s18+$0x0] =	vst.idx.msk $0xffff, v60  }
0x19e: {  	vm14 =	veq.s32 v31, v13;
	v63 =	vor.u32 $0x55, v29;
	v37 =	vor.u32 $0x3, v54;
	[tilespmem:v55+s19+$0x0] =	vst.idx.msk $0xffff, v62  }
0x19f: {  	vm6 =	vmor vm13, vm6;
	vm13 =	veq.s32 v32, v28;
	v44 =	vor.u32 $0x3, v56;
	[tilespmem:v58+s18+$0x0] =	vst.idx.msk $0xffff, v37  }
0x1a0: {  	vm8 =	veq.s32 v30, v12;
	v45 =	vshll.u32 v24, $0x2;
	v46 =	vor.u32 $0x56, v29;
	[tilespmem:v58+s19+$0x0] =	vst.idx.msk $0xffff, v44  }
0x1a1: {  	vm7 =	vmor vm14, vm12;
	vm14 =	veq.s32 v31, v9;
	v47 =	vsel vm11, $0x1000, v33;
	[tilespmem:v61+s18+$0x0] =	vst.idx.msk $0xffff, v45  }
0x1a2: {  	vm12 =	veq.s32 v31, v6;
	v48 =	vor.u32 $0x1, v45;
	v49 =	vor.u32 $0x57, v29;
	[tilespmem:v61+s19+$0x0] =	vst.idx.msk $0xffff, v47  }
0x1a3: {  	vm6 =	vmor vm13, vm6;
	vm13 =	veq.s32 v32, v36;
	v50 =	vor.u32 $0x1, v47;
	[tilespmem:v63+s18+$0x0] =	vst.idx.msk $0xffff, v48  }
0x1a4: {  	vm7 =	vmor vm14, vm7;
	v51 =	vor.u32 $0x2, v45;
	v52 =	vor.u32 $0x58, v29;
	[tilespmem:v63+s19+$0x0] =	vst.idx.msk $0xffff, v50  }
0x1a5: {  	vm14 =	veq.s32 v31, v5;
	vm6 =	vmor vm13, vm6;
	v53 =	vor.u32 $0x2, v47;
	[tilespmem:v46+s18+$0x0] =	vst.idx.msk $0xffff, v51  }
0x1a6: {  	vm13 =	veq.s32 v32, v35;
	v54 =	vor.u32 $0x59, v29;
	v37 =	vor.u32 $0x3, v45;
	[tilespmem:v46+s19+$0x0] =	vst.idx.msk $0xffff, v53  }
0x1a7: {  	vm7 =	vmor vm12, vm7;
	vm12 =	veq.s32 v31, v3;
	v55 =	vor.u32 $0x3, v47;
	[tilespmem:v49+s18+$0x0] =	vst.idx.msk $0xffff, v37  }
0x1a8: {  	vm6 =	vmor vm13, vm6;
	v56 =	vshll.u32 v25, $0x2;
	v57 =	vor.u32 $0x5A, v29;
	[tilespmem:v49+s19+$0x0] =	vst.idx.msk $0xffff, v55  }
0x1a9: {  	vm13 =	veq.s32 v31, v17;
	vm7 =	vmor vm14, vm7;
	v58 =	vsel vm15, $0x1000, v33;
	[tilespmem:v52+s18+$0x0] =	vst.idx.msk $0xffff, v56  }
0x1aa: {  	vm14 =	veq.s32 v31, v4;
	v59 =	vor.u32 $0x1, v56;
	v60 =	vor.u32 $0x5B, v29;
	[tilespmem:v52+s19+$0x0] =	vst.idx.msk $0xffff, v58  }
0x1ab: {  	vm7 =	vmor vm12, vm7;
	vm12 =	veq.s32 v31, v7;
	v61 =	vor.u32 $0x1, v58;
	[tilespmem:v54+s18+$0x0] =	vst.idx.msk $0xffff, v59  }
0x1ac: {  	vm7 =	vmor vm14, vm7;
	v62 =	vor.u32 $0x2, v56;
	v63 =	vor.u32 $0x5C, v29;
	[tilespmem:v54+s19+$0x0] =	vst.idx.msk $0xffff, v61  }
0x1ad: {  	vm14 =	veq.s32 v31, v8;
	v41 =	vor.u32 $0x65, v29;
	v43 =	vor.u32 $0x2, v58;
	[tilespmem:v57+s18+$0x0] =	vst.idx.msk $0xffff, v62  }
0x1ae: {  	vm7 =	vmor vm12, vm7;
	v44 =	vor.u32 $0x5D, v29;
	v37 =	vor.u32 $0x3, v56;
	[tilespmem:v57+s19+$0x0] =	vst.idx.msk $0xffff, v43  }
0x1af: {  	vm12 =	veq.s32 v31, v11;
	vm7 =	vmor vm14, vm7;
	v45 =	vor.u32 $0x3, v58;
	[tilespmem:v60+s18+$0x0] =	vst.idx.msk $0xffff, v37  }
0x1b0: {  	vm14 =	veq.s32 v31, v12;
	v47 =	vor.u32 $0x5E, v29;
	v46 =	vshll.u32 v26, $0x2;
	[tilespmem:v60+s19+$0x0] =	vst.idx.msk $0xffff, v45  }
0x1b1: {  	vm7 =	vmor vm12, vm7;
	vm12 =	veq.s32 v31, v14;
	v48 =	vsel vm5, $0x1000, v33;
	[tilespmem:v63+s18+$0x0] =	vst.idx.msk $0xffff, v46  }
0x1b2: {  	vm7 =	vmor vm14, vm7;
	v50 =	vor.u32 $0x5F, v29;
	v49 =	vor.u32 $0x1, v46;
	[tilespmem:v63+s19+$0x0] =	vst.idx.msk $0xffff, v48  }
0x1b3: {  	vm14 =	veq.s32 v31, v15;
	vm7 =	vmor vm12, vm7;
	v51 =	vor.u32 $0x1, v48;
	[tilespmem:v44+s18+$0x0] =	vst.idx.msk $0xffff, v49  }
0x1b4: {  	vm12 =	veq.s32 v32, v34;
	v53 =	vor.u32 $0x60, v29;
	v52 =	vor.u32 $0x2, v46;
	[tilespmem:v44+s19+$0x0] =	vst.idx.msk $0xffff, v51  }
0x1b5: {  	vm7 =	vmor vm14, vm7;
	vm14 =	veq.s32 v31, v18;
	v54 =	vor.u32 $0x2, v48;
	[tilespmem:v47+s18+$0x0] =	vst.idx.msk $0xffff, v52  }
0x1b6: {  	vm15 =	veq.s32 v31, v16;
	v55 =	vor.u32 $0x3, v46;
	v56 =	vor.u32 $0x61, v29;
	[tilespmem:v47+s19+$0x0] =	vst.idx.msk $0xffff, v54  }
0x1b7: {  	vm11 =	veq.s32 v31, v19;
	vm7 =	vmor vm15, vm7;
	v57 =	vor.u32 $0x3, v48;
	[tilespmem:v50+s18+$0x0] =	vst.idx.msk $0xffff, v55  }
0x1b8: {  	vm15 =	veq.s32 v30, v13;
	v58 =	vshll.u32 v27, $0x2;
	v59 =	vor.u32 $0x62, v29;
	[tilespmem:v50+s19+$0x0] =	vst.idx.msk $0xffff, v57  }
0x1b9: {  	vm7 =	vmor vm13, vm7;
	vm13 =	veq.s32 v30, v10;
	v60 =	vsel vm1, $0x1000, v33;
	[tilespmem:v53+s18+$0x0] =	vst.idx.msk $0xffff, v58  }
0x1ba: {  	vm5 =	vmor vm12, vm6;
	v61 =	vor.u32 $0x1, v58;
	v62 =	vor.u32 $0x63, v29;
	[tilespmem:v53+s19+$0x0] =	vst.idx.msk $0xffff, v60  }
0x1bb: {  	vm9 =	vmor vm14, vm7;
	vm12 =	veq.s32 v31, v20;
	v63 =	vor.u32 $0x1, v60;
	[tilespmem:v56+s18+$0x0] =	vst.idx.msk $0xffff, v61  }
0x1bc: {  	vm14 =	vmor vm15, vm13;
	vm15 =	veq.s32 v30, v9;
	v13 =	vor.u32 $0x2, v58;
	[tilespmem:v56+s19+$0x0] =	vst.idx.msk $0xffff, v63  }
0x1bd: {  	vm13 =	veq.s32 v30, v6;
	vm6 =	vmor vm11, vm9;
	v40 =	vor.u32 $0x2, v60;
	[tilespmem:v59+s18+$0x0] =	vst.idx.msk $0xffff, v13  }
0x1be: {  	vm7 =	vmor vm15, vm14;
	vm9 =	veq.s32 v30, v3;
	v3 =	vor.u32 $0x3, v58;
	[tilespmem:v59+s19+$0x0] =	vst.idx.msk $0xffff, v40  }
0x1bf: {  	vm14 =	veq.s32 v30, v5;
	vm15 =	veq.s32 v31, v22;
	[tilespmem:v62+s18+$0x0] =	vst.idx.msk $0xffff, v3;
	v3 =	vor.u32 $0x3, v60  }
0x1c0: {  	vm6 =	vmor vm12, vm6;
	vm12 =	veq.s32 v31, v21;
	[tilespmem:v62+s19+$0x0] =	vst.idx.msk $0xffff, v3;
	v3 =	vshll.u32 v28, $0x2  }
0x1c1: {  	vm11 =	veq.s32 v31, v23;
	vm6 =	vmor vm12, vm6;
	v43 =	vsel vm0, $0x1000, v33;
	[tilespmem:v39+s18+$0x0] =	vst.idx.msk $0xffff, v3  }
0x1c2: {  	vm12 =	veq.s32 v30, v7;
	v45 =	vor.u32 $0x67, v29;
	v44 =	vor.u32 $0x1, v3;
	[tilespmem:v39+s19+$0x0] =	vst.idx.msk $0xffff, v43  }
0x1c3: {  	vm6 =	vmor vm15, vm6;
	vm15 =	veq.s32 v30, v11;
	v46 =	vor.u32 $0x1, v43;
	[tilespmem:v41+s18+$0x0] =	vst.idx.msk $0xffff, v44  }
0x1c4: {  	vm6 =	vmor vm11, vm6;
	v48 =	vor.u32 $0x68, v29;
	v47 =	vor.u32 $0x2, v3;
	[tilespmem:v41+s19+$0x0] =	vst.idx.msk $0xffff, v46  }
0x1c5: {  	vm11 =	veq.s32 v30, v15;
	vm1 =	vmor vm13, vm7;
	v49 =	vor.u32 $0x2, v43;
	[tilespmem:v42+s18+$0x0] =	vst.idx.msk $0xffff, v47  }
0x1c6: {  	vm13 =	veq.s32 v30, v8;
	v50 =	vor.u32 $0x69, v29;
	v3 =	vor.u32 $0x3, v3;
	[tilespmem:v42+s19+$0x0] =	vst.idx.msk $0xffff, v49  }
0x1c7: {  	vm7 =	veq.s32 v30, v19;
	vm1 =	vmor vm14, vm1;
	[tilespmem:v45+s18+$0x0] =	vst.idx.msk $0xffff, v3;
	v3 =	vor.u32 $0x3, v43  }
0x1c8: {  	vm14 =	veq.s32 v31, v24;
	v51 =	vor.u32 $0x6A, v29;
	[tilespmem:v45+s19+$0x0] =	vst.idx.msk $0xffff, v3;
	v3 =	vshll.u32 v36, $0x2  }
0x1c9: {  	vm1 =	vmor vm9, vm1;
	vm6 =	vmor vm14, vm6;
	v52 =	vsel vm2, $0x1000, v33;
	[tilespmem:v48+s18+$0x0] =	vst.idx.msk $0xffff, v3  }
0x1ca: {  	vm9 =	veq.s32 v31, v25;
	v54 =	vor.u32 $0x6B, v29;
	v53 =	vor.u32 $0x1, v3;
	[tilespmem:v48+s19+$0x0] =	vst.idx.msk $0xffff, v52  }
0x1cb: {  	vm14 =	veq.s32 v30, v17;
	v17 =	vor.u32 $0x72, v29;
	v55 =	vor.u32 $0x1, v52;
	[tilespmem:v50+s18+$0x0] =	vst.idx.msk $0xffff, v53  }
0x1cc: {  	vm1 =	vmor vm10, vm1;
	v57 =	vor.u32 $0x6C, v29;
	v56 =	vor.u32 $0x2, v3;
	[tilespmem:v50+s19+$0x0] =	vst.idx.msk $0xffff, v55  }
0x1cd: {  	vm10 =	veq.s32 v30, v14;
	v14 =	vor.u32 $0x70, v29;
	v58 =	vor.u32 $0x2, v52;
	[tilespmem:v51+s18+$0x0] =	vst.idx.msk $0xffff, v56  }
0x1ce: {  	vm0 =	vmor vm12, vm1;
	v59 =	vor.u32 $0x6D, v29;
	v3 =	vor.u32 $0x3, v3;
	[tilespmem:v51+s19+$0x0] =	vst.idx.msk $0xffff, v58  }
0x1cf: {  	vm1 =	vmor vm9, vm6;
	vm12 =	veq.s32 v31, v26;
	[tilespmem:v54+s18+$0x0] =	vst.idx.msk $0xffff, v3;
	v3 =	vor.u32 $0x3, v52  }
0x1d0: {  	vm6 =	veq.s32 v30, v18;
	v60 =	vor.u32 $0x6E, v29;
	[tilespmem:v54+s19+$0x0] =	vst.idx.msk $0xffff, v3;
	v3 =	vshll.u32 v35, $0x2  }
0x1d1: {  	vm9 =	veq.s32 v30, v20;
	v18 =	vsel vm4, $0x1000, v33;
	v61 =	vsel vm3, $0x1000, v33;
	[tilespmem:v57+s18+$0x0] =	vst.idx.msk $0xffff, v3  }
0x1d2: {  	v20 =	vor.u32 $0x73, v29;
	v63 =	vor.u32 $0x6F, v29;
	v62 =	vor.u32 $0x1, v3;
	[tilespmem:v57+s19+$0x0] =	vst.idx.msk $0xffff, v61  }
0x1d3: {  	vm4 =	veq.s32 v30, v25;
	vm0 =	vmor vm13, vm0;
	v12 =	vor.u32 $0x1, v61;
	[tilespmem:v59+s18+$0x0] =	vst.idx.msk $0xffff, v62  }
0x1d4: {  	vm13 =	veq.s32 v30, v16;
	vm1 =	vmor vm12, vm1;
	v13 =	vor.u32 $0x2, v3;
	[tilespmem:v59+s19+$0x0] =	vst.idx.msk $0xffff, v12  }
0x1d5: {  	v16 =	vor.u32 $0x71, v29;
	vm12 =	veq.s32 v30, v22;
	v15 =	vor.u32 $0x2, v61;
	[tilespmem:v60+s18+$0x0] =	vst.idx.msk $0xffff, v13  }
0x1d6: {  	v37 =	vor.u32 $0x2, v18;
	vm0 =	vmor vm15, vm0;
	v3 =	vor.u32 $0x3, v3;
	[tilespmem:v60+s19+$0x0] =	vst.idx.msk $0xffff, v15  }
0x1d7: {  	vm15 =	veq.s32 v31, v27;
	vm0 =	vmor vm8, vm0;
	[tilespmem:v63+s18+$0x0] =	vst.idx.msk $0xffff, v3;
	v3 =	vor.u32 $0x3, v61  }
0x1d8: {  	vm1 =	vmor vm15, vm1;
	vm8 =	veq.s32 v31, v28;
	[tilespmem:v63+s19+$0x0] =	vst.idx.msk $0xffff, v3;
	v3 =	vshll.u32 v34, $0x2  }
0x1d9: {  	vm15 =	veq.s32 v30, v24;
	vm0 =	vmor vm10, vm0;
	vm1 =	vmor vm8, vm1;
	[tilespmem:v14+s18+$0x0] =	vst.idx.msk $0xffff, v3  }
0x1da: {  	vm10 =	veq.s32 v30, v21;
	vm0 =	vmor vm11, vm0;
	v19 =	vor.u32 $0x1, v3;
	[tilespmem:v14+s19+$0x0] =	vst.idx.msk $0xffff, v18  }
0x1db: {  	v21 =	vor.u32 $0x1, v18;
	vm11 =	veq.s32 v31, v36;
	vm0 =	vmor vm13, vm0;
	[tilespmem:v16+s18+$0x0] =	vst.idx.msk $0xffff, v19  }
0x1dc: {  	vm13 =	veq.s32 v30, v23;
	v23 =	vor.u32 $0x74, v29;
	v22 =	vor.u32 $0x2, v3;
	[tilespmem:v16+s19+$0x0] =	vst.idx.msk $0xffff, v21  }
0x1dd: {  	vm8 =	veq.s32 v30, v27;
	vm1 =	vmor vm11, vm1;
	vm11 =	veq.s32 v30, v36;
	[tilespmem:v17+s18+$0x0] =	vst.idx.msk $0xffff, v22  }
0x1de: {  	vm0 =	vmor vm14, vm0;
	vm14 =	veq.s32 v31, v35;
	v3 =	vor.u32 $0x3, v3;
	[tilespmem:v17+s19+$0x0] =	vst.idx.msk $0xffff, v37  }
0x1df: {  	vm0 =	vmor vm6, vm0;
	vm1 =	vmor vm14, vm1;
	[tilespmem:v20+s18+$0x0] =	vst.idx.msk $0xffff, v3;
	v3 =	vor.u32 $0x3, v18  }
0x1e0: {  	vm6 =	veq.s32 v31, v34;
	v39 =	vor.u32 $0x76, v29;
	[tilespmem:v20+s19+$0x0] =	vst.idx.msk $0xffff, v3;
	v3 =	vshll.u32 v32, $0x2  }
0x1e1: {  	vm14 =	veq.s32 v30, v32;
	vm0 =	vmor vm7, vm0;
	v40 =	vsel vm5, $0x1000, v33;
	[tilespmem:v23+s18+$0x0] =	vst.idx.msk $0xffff, v3  }
0x1e2: {  	vm7 =	veq.s32 v30, v26;
	v42 =	vor.u32 $0x77, v29;
	v41 =	vor.u32 $0x1, v3;
	[tilespmem:v23+s19+$0x0] =	vst.idx.msk $0xffff, v40  }
0x1e3: {  	vm1 =	vmor vm6, vm1;
	vm0 =	vmor vm9, vm0;
	v43 =	vor.u32 $0x1, v40;
	[tilespmem:v38+s18+$0x0] =	vst.idx.msk $0xffff, v41  }
0x1e4: {  	vm0 =	vmor vm10, vm0;
	v45 =	vor.u32 $0x78, v29;
	v44 =	vor.u32 $0x2, v3;
	[tilespmem:v38+s19+$0x0] =	vst.idx.msk $0xffff, v43  }
0x1e5: {  	vm9 =	veq.s32 v31, v32;
	vm0 =	vmor vm12, vm0;
	v46 =	vor.u32 $0x2, v40;
	[tilespmem:v39+s18+$0x0] =	vst.idx.msk $0xffff, v44  }
0x1e6: {  	vm0 =	vmor vm13, vm0;
	v47 =	vor.u32 $0x79, v29;
	v3 =	vor.u32 $0x3, v3;
	[tilespmem:v39+s19+$0x0] =	vst.idx.msk $0xffff, v46  }
0x1e7: {  	vm1 =	vmor vm9, vm1;
	vm0 =	vmor vm15, vm0;
	[tilespmem:v42+s18+$0x0] =	vst.idx.msk $0xffff, v3;
	v3 =	vor.u32 $0x3, v40  }
0x1e8: {  	vm0 =	vmor vm4, vm0;
	v48 =	vor.u32 $0x7A, v29;
	[tilespmem:v42+s19+$0x0] =	vst.idx.msk $0xffff, v3;
	v3 =	vshll.u32 v31, $0x2  }
0x1e9: {  	vm10 =	veq.s32 v30, v28;
	vm0 =	vmor vm7, vm0;
	v49 =	vsel vm1, $0x1000, v33;
	[tilespmem:v45+s18+$0x0] =	vst.idx.msk $0xffff, v3  }
0x1ea: {  	vm0 =	vmor vm8, vm0;
	v51 =	vor.u32 $0x7B, v29;
	v50 =	vor.u32 $0x1, v3;
	[tilespmem:v45+s19+$0x0] =	vst.idx.msk $0xffff, v49  }
0x1eb: {  	vm12 =	veq.s32 v30, v35;
	vm0 =	vmor vm10, vm0;
	v52 =	vor.u32 $0x1, v49;
	[tilespmem:v47+s18+$0x0] =	vst.idx.msk $0xffff, v50  }
0x1ec: {  	vm0 =	vmor vm11, vm0;
	v54 =	vor.u32 $0x7C, v29;
	v53 =	vor.u32 $0x2, v3;
	[tilespmem:v47+s19+$0x0] =	vst.idx.msk $0xffff, v52  }
0x1ed: {  	vm13 =	veq.s32 v30, v34;
	vm0 =	vmor vm12, vm0;
	v55 =	vor.u32 $0x2, v49;
	[tilespmem:v48+s18+$0x0] =	vst.idx.msk $0xffff, v53  }
0x1ee: {  	vm0 =	vmor vm13, vm0;
	v56 =	vor.u32 $0x7D, v29;
	v3 =	vor.u32 $0x3, v3;
	[tilespmem:v48+s19+$0x0] =	vst.idx.msk $0xffff, v55  }
0x1ef: {  	vm15 =	veq.s32 v30, v31;
	vm0 =	vmor vm14, vm0;
	[tilespmem:v51+s18+$0x0] =	vst.idx.msk $0xffff, v3;
	v3 =	vor.u32 $0x3, v49  }
0x1f0: {  	vm0 =	vmor vm15, vm0;
	v57 =	vor.u32 $0x7E, v29;
	[tilespmem:v51+s19+$0x0] =	vst.idx.msk $0xffff, v3;
	v3 =	vshll.u32 v30, $0x2  }
0x1f1: {  	v58 =	vsel vm0, $0x1000, v33;
	[tilespmem:v54+s18+$0x0] =	vst.idx.msk $0xffff, v3  }
0x1f2: {  	v60 =	vor.u32 $0x7F, v29;
	v59 =	vor.u32 $0x1, v3;
	[tilespmem:v54+s19+$0x0] =	vst.idx.msk $0xffff, v58  }
0x1f3: {  	p0 =	sne.s32 s25, $0x3;
	v61 =	vor.u32 $0x1, v58;
	[tilespmem:v56+s18+$0x0] =	vst.idx.msk $0xffff, v59  }
.Ltmp0:
0x1f4: {  	v62 =	vor.u32 $0x2, v3;
	[tilespmem:v56+s19+$0x0] =	vst.idx.msk $0xffff, v61;
	(pc) =	sbr.rel @p0 .LBB2_2-.Ltmp0, $4  }
0x1f5: {  	v63 =	vor.u32 $0x2, v58;
	[tilespmem:v57+s18+$0x0] =	vst.idx.msk $0xffff, v62  }
0x1f6: {  	v3 =	vor.u32 $0x3, v3;
	[tilespmem:v57+s19+$0x0] =	vst.idx.msk $0xffff, v63  }
0x1f7: {  	[tilespmem:v60+s18+$0x0] =	vst.idx.msk $0xffff, v3;
	v3 =	vor.u32 $0x3, v58  }
0x1f8: {  	s23 =	sadd.s32 $0x8, s23;
	s25 =	sadd.s32 $0x1, s25;
	[tilespmem:v60+s19+$0x0] =	vst.idx.msk $0xffff, v3  }
0x1f9: {  	s5 =	sshra.s32 s28, $0x2;
	s23 =	sadd.s32 $0x200, s28  }
.LBB2_4:
0x1fa: {  	p0 =	sne.s32 s23, $0x7E00;
	[tilespmem:s5+$0x14870] =	vst v2  }
0x1fb: {  	[tilespmem:s5+$0x14800] =	vst v2  }
0x1fc: {  	[tilespmem:s5+$0x14810] =	vst v2  }
.Ltmp1:
0x1fd: {  	[tilespmem:s5+$0x14820] =	vst v2;
	(pc) =	sbr.rel @p0 .LBB2_4-.Ltmp1, $4  }
0x1fe: {  	[tilespmem:s5+$0x14830] =	vst v2  }
0x1ff: {  	[tilespmem:s5+$0x14840] =	vst v2  }
0x200: {  	[tilespmem:s5+$0x14850] =	vst v2  }
0x201: {  	[tilespmem:s5+$0x14860] =	vst v2;
	s5 =	sshra.s32 s23, $0x2;
	s23 =	sadd.s32 $0x200, s23  }
0x202: {  	[tilespmem:s5+$0x14870] =	vst v2  }
0x203: {  	[tilespmem:s5+$0x14800] =	vst v2  }
0x204: {  	[tilespmem:s5+$0x14810] =	vst v2  }
0x205: {  	[tilespmem:s5+$0x14820] =	vst v2  }
0x206: {  	[tilespmem:s5+$0x14830] =	vst v2  }
0x207: {  	[tilespmem:s5+$0x14840] =	vst v2  }
0x208: {  	[tilespmem:s5+$0x14850] =	vst v2  }
0x209: {  	[tilespmem:s5+$0x14860] =	vst v2  }
0x20a: {  	[spmem:s6] =	stream.linear.scatter [tilespmem:s20], [sflag:$0x5], $0x2000, $0x38;
	[tilespmem:$0x1E820] =	vst v63  }
0x20b: {  	_ =	swait.ge [sflag:s16], $0x2000  }
0x20c: {  	[sflag:s16] =	ssyncset.done $0x0  }
0x20d: {  	[sflag:s16] =	ssyncadd.s32 $0xFFFFE000  }
0x20e: {  	[spmem:s8] =	stream.linear.scatter [tilespmem:s20], [sflag:$0x5], $0x2000, $0x38;
	[tilespmem:$0x1E820] =	vst v63  }
0x20f: {  	_ =	swait.ge [sflag:s16], $0x2000  }
0x210: {  	[sflag:s16] =	ssyncset.done $0x0  }
0x211: {  	[sflag:s16] =	ssyncadd.s32 $0xFFFFE000  }
0x212: {  	[spmem:s9] =	stream.linear.scatter [tilespmem:s20], [sflag:$0x5], $0x2000, $0x38;
	[tilespmem:$0x1E820] =	vst v63  }
0x213: {  	_ =	swait.ge [sflag:s16], $0x2000  }
0x214: {  	[sflag:s16] =	ssyncset.done $0x0  }
0x215: {  	[sflag:s16] =	ssyncadd.s32 $0xFFFFE000  }
0x216: {  	[spmem:s10] =	stream.linear.scatter [tilespmem:s20], [sflag:$0x5], $0x2000, $0x38;
	[tilespmem:$0x1E820] =	vst v63  }
0x217: {  	_ =	swait.ge [sflag:s16], $0x2000  }
0x218: {  	[sflag:s16] =	ssyncset.done $0x0  }
0x219: {  	[sflag:s16] =	ssyncadd.s32 $0xFFFFE000  }
0x21a: {  	[tilespmem:s22], [sflag:$0x1] =	stream.indirect.gather [hbm4b:s4+s21], $0x80, s18, s21, $0xb8;
	[tilespmem:$0x1E820] =	vst v63  }
0x21b: {  	s28 =	simm.s32 $0x880  }
0x21c: {  	[tilespmem:s24], [sflag:$0x2] =	stream.indirect.gather [hbm4b:s4+s21], $0x80, s28, s21, $0xb8;
	[tilespmem:$0x1E820] =	vst v63  }
0x21d: {  	s23 =	simm.s32 $0x900  }
0x21e: {  	[tilespmem:s26], [sflag:$0x3] =	stream.indirect.gather [hbm4b:s4+s21], $0x80, s23, s21, $0xb8;
	[tilespmem:$0x1E820] =	vst v63  }
0x21f: {  	s25 =	simm.s32 $0x980  }
0x220: {  	[tilespmem:s29], [sflag:$0x4] =	stream.indirect.gather [hbm4b:s4+s21], $0x80, s25, s21, $0xb8;
	[tilespmem:$0x1E820] =	vst v63  }
0x221: {  	_ =	swait.ge [sflag:s30], $0x4000  }
0x222: {  	[sflag:s30] =	ssyncset.done $0x0  }
0x223: {  	s28 =	simm.s32 $0x2800;
	[sflag:s30] =	ssyncadd.s32 $0xFFFFC000  }
0x224: {  	[spmem:s1] =	stream.indirect.scatter.add.f32 [tilespmem:s22], [sflag:$0x5], $0x80, s28, s21, $0xb8;
	[tilespmem:$0x1E820] =	vst v63  }
0x225: {  	_ =	swait.ge [sflag:s16], $0x4000  }
0x226: {  	[sflag:s16] =	ssyncset.done $0x0  }
0x227: {  	s23 =	simm.s32 $0xA00;
	[sflag:s16] =	ssyncadd.s32 $0xFFFFC000  }
0x228: {  	[tilespmem:s22], [sflag:$0x1] =	stream.indirect.gather [hbm4b:s4+s21], $0x80, s23, s21, $0xb8;
	[tilespmem:$0x1E820] =	vst v63  }
0x229: {  	_ =	swait.ge [sflag:s31], $0x4000  }
0x22a: {  	[sflag:s31] =	ssyncset.done $0x0  }
0x22b: {  	s25 =	simm.s32 $0x2880;
	[sflag:s31] =	ssyncadd.s32 $0xFFFFC000  }
0x22c: {  	[spmem:s1] =	stream.indirect.scatter.add.f32 [tilespmem:s24], [sflag:$0x5], $0x80, s25, s21, $0xb8;
	[tilespmem:$0x1E820] =	vst v63  }
0x22d: {  	_ =	swait.ge [sflag:s16], $0x4000  }
0x22e: {  	[sflag:s16] =	ssyncset.done $0x0  }
0x22f: {  	s28 =	simm.s32 $0xA80;
	[sflag:s16] =	ssyncadd.s32 $0xFFFFC000  }
0x230: {  	[tilespmem:s24], [sflag:$0x2] =	stream.indirect.gather [hbm4b:s4+s21], $0x80, s28, s21, $0xb8;
	[tilespmem:$0x1E820] =	vst v63  }
0x231: {  	_ =	swait.ge [sflag:s0], $0x4000  }
0x232: {  	[sflag:s0] =	ssyncset.done $0x0  }
0x233: {  	s23 =	simm.s32 $0x2900;
	[sflag:s0] =	ssyncadd.s32 $0xFFFFC000  }
0x234: {  	[spmem:s1] =	stream.indirect.scatter.add.f32 [tilespmem:s26], [sflag:$0x5], $0x80, s23, s21, $0xb8;
	[tilespmem:$0x1E820] =	vst v63  }
0x235: {  	_ =	swait.ge [sflag:s16], $0x4000  }
0x236: {  	[sflag:s16] =	ssyncset.done $0x0  }
0x237: {  	s25 =	simm.s32 $0xB00;
	[sflag:s16] =	ssyncadd.s32 $0xFFFFC000  }
0x238: {  	[tilespmem:s26], [sflag:$0x3] =	stream.indirect.gather [hbm4b:s4+s21], $0x80, s25, s21, $0xb8;
	[tilespmem:$0x1E820] =	vst v63  }
0x239: {  	_ =	swait.ge [sflag:s2], $0x4000  }
0x23a: {  	[sflag:s2] =	ssyncset.done $0x0  }
0x23b: {  	s28 =	simm.s32 $0x2980;
	[sflag:s2] =	ssyncadd.s32 $0xFFFFC000  }
0x23c: {  	[spmem:s1] =	stream.indirect.scatter.add.f32 [tilespmem:s29], [sflag:$0x5], $0x80, s28, s21, $0xb8;
	[tilespmem:$0x1E820] =	vst v63  }
0x23d: {  	_ =	swait.ge [sflag:s16], $0x4000  }
0x23e: {  	[sflag:s16] =	ssyncset.done $0x0  }
0x23f: {  	s5 =	simm.s32 $0x800;
	s23 =	simm.s32 $0xB80;
	[sflag:s16] =	ssyncadd.s32 $0xFFFFC000  }
.LBB2_6:
0x240: {  	[tilespmem:s29], [sflag:$0x4] =	stream.indirect.gather [hbm4b:s4+s21], $0x80, s23, s21, $0xb8;
	[tilespmem:$0x1E820] =	vst v63  }
0x241: {  	s23 =	smov.u32 s5  }
0x242: {  	p0 =	sne.s32 s5, $0x7000;
	s5 =	sadd.s32 $0x800, s5;
	_ =	swait.ge [sflag:s30], $0x4000  }
0x243: {  	s23 =	sshra.s32 s23, $0x2;
	[sflag:s30] =	ssyncset.done $0x0  }
0x244: {  	s25 =	sadd.s32 $0x2800, s23;
	[sflag:s30] =	ssyncadd.s32 $0xFFFFC000  }
0x245: {  	[spmem:s1] =	stream.indirect.scatter.add.f32 [tilespmem:s22], [sflag:$0x5], $0x80, s25, s21, $0xb8;
	[tilespmem:$0x1E820] =	vst v63  }
0x246: {  	_ =	swait.ge [sflag:s16], $0x4000  }
0x247: {  	[sflag:s16] =	ssyncset.done $0x0  }
0x248: {  	s25 =	sadd.s32 $0xA00, s23;
	[sflag:s16] =	ssyncadd.s32 $0xFFFFC000  }
0x249: {  	[tilespmem:s22], [sflag:$0x1] =	stream.indirect.gather [hbm4b:s4+s21], $0x80, s25, s21, $0xb8;
	[tilespmem:$0x1E820] =	vst v63  }
0x24a: {  	_ =	swait.ge [sflag:s31], $0x4000  }
0x24b: {  	[sflag:s31] =	ssyncset.done $0x0  }
0x24c: {  	s25 =	sadd.s32 $0x2880, s23;
	[sflag:s31] =	ssyncadd.s32 $0xFFFFC000  }
0x24d: {  	[spmem:s1] =	stream.indirect.scatter.add.f32 [tilespmem:s24], [sflag:$0x5], $0x80, s25, s21, $0xb8;
	[tilespmem:$0x1E820] =	vst v63  }
0x24e: {  	_ =	swait.ge [sflag:s16], $0x4000  }
0x24f: {  	[sflag:s16] =	ssyncset.done $0x0  }
0x250: {  	s25 =	sadd.s32 $0xA80, s23;
	[sflag:s16] =	ssyncadd.s32 $0xFFFFC000  }
0x251: {  	[tilespmem:s24], [sflag:$0x2] =	stream.indirect.gather [hbm4b:s4+s21], $0x80, s25, s21, $0xb8;
	[tilespmem:$0x1E820] =	vst v63  }
0x252: {  	_ =	swait.ge [sflag:s0], $0x4000  }
0x253: {  	[sflag:s0] =	ssyncset.done $0x0  }
0x254: {  	s25 =	sadd.s32 $0x2900, s23;
	[sflag:s0] =	ssyncadd.s32 $0xFFFFC000  }
0x255: {  	[spmem:s1] =	stream.indirect.scatter.add.f32 [tilespmem:s26], [sflag:$0x5], $0x80, s25, s21, $0xb8;
	[tilespmem:$0x1E820] =	vst v63  }
0x256: {  	_ =	swait.ge [sflag:s16], $0x4000  }
0x257: {  	[sflag:s16] =	ssyncset.done $0x0  }
0x258: {  	s25 =	sadd.s32 $0xB00, s23;
	[sflag:s16] =	ssyncadd.s32 $0xFFFFC000  }
0x259: {  	[tilespmem:s26], [sflag:$0x3] =	stream.indirect.gather [hbm4b:s4+s21], $0x80, s25, s21, $0xb8;
	[tilespmem:$0x1E820] =	vst v63  }
0x25a: {  	_ =	swait.ge [sflag:s2], $0x4000  }
0x25b: {  	[sflag:s2] =	ssyncset.done $0x0  }
.Ltmp2:
0x25c: {  	s25 =	sadd.s32 $0x2980, s23;
	[sflag:s2] =	ssyncadd.s32 $0xFFFFC000;
	(pc) =	sbr.rel @p0 .LBB2_6-.Ltmp2, $4  }
0x25d: {  	[spmem:s1] =	stream.indirect.scatter.add.f32 [tilespmem:s29], [sflag:$0x5], $0x80, s25, s21, $0xb8;
	[tilespmem:$0x1E820] =	vst v63  }
0x25e: {  	_ =	swait.ge [sflag:s16], $0x4000  }
0x25f: {  	[sflag:s16] =	ssyncset.done $0x0  }
0x260: {  	s23 =	sadd.s32 $0xB80, s23;
	[sflag:s16] =	ssyncadd.s32 $0xFFFFC000  }
0x261: {  	[tilespmem:s29], [sflag:$0x4] =	stream.indirect.gather [hbm4b:s4+s21], $0x80, s23, s21, $0xb8;
	[tilespmem:$0x1E820] =	vst v63  }
0x262: {  	_ =	swait.ge [sflag:s30], $0x4000  }
0x263: {  	[sflag:s30] =	ssyncset.done $0x0  }
0x264: {  	s5 =	simm.s32 $0x4600;
	[sflag:s30] =	ssyncadd.s32 $0xFFFFC000  }
0x265: {  	[spmem:s1] =	stream.indirect.scatter.add.f32 [tilespmem:s22], [sflag:$0x5], $0x80, s5, s21, $0xb8;
	[tilespmem:$0x1E820] =	vst v63  }
0x266: {  	_ =	swait.ge [sflag:s16], $0x4000  }
0x267: {  	[sflag:s16] =	ssyncset.done $0x0  }
0x268: {  	[sflag:s16] =	ssyncadd.s32 $0xFFFFC000  }
0x269: {  	_ =	swait.ge [sflag:s31], $0x4000  }
0x26a: {  	[sflag:s31] =	ssyncset.done $0x0  }
0x26b: {  	s23 =	simm.s32 $0x4680;
	[sflag:s31] =	ssyncadd.s32 $0xFFFFC000  }
0x26c: {  	[spmem:s1] =	stream.indirect.scatter.add.f32 [tilespmem:s24], [sflag:$0x5], $0x80, s23, s21, $0xb8;
	[tilespmem:$0x1E820] =	vst v63  }
0x26d: {  	_ =	swait.ge [sflag:s16], $0x4000  }
0x26e: {  	[sflag:s16] =	ssyncset.done $0x0  }
0x26f: {  	[sflag:s16] =	ssyncadd.s32 $0xFFFFC000  }
0x270: {  	_ =	swait.ge [sflag:s0], $0x4000  }
0x271: {  	[sflag:s0] =	ssyncset.done $0x0  }
0x272: {  	s25 =	simm.s32 $0x4700;
	[sflag:s0] =	ssyncadd.s32 $0xFFFFC000  }
0x273: {  	[spmem:s1] =	stream.indirect.scatter.add.f32 [tilespmem:s26], [sflag:$0x5], $0x80, s25, s21, $0xb8;
	[tilespmem:$0x1E820] =	vst v63  }
0x274: {  	_ =	swait.ge [sflag:s16], $0x4000  }
0x275: {  	[sflag:s16] =	ssyncset.done $0x0  }
0x276: {  	[sflag:s16] =	ssyncadd.s32 $0xFFFFC000  }
0x277: {  	_ =	swait.ge [sflag:s2], $0x4000  }
0x278: {  	[sflag:s2] =	ssyncset.done $0x0  }
0x279: {  	s28 =	simm.s32 $0x4780;
	[sflag:s2] =	ssyncadd.s32 $0xFFFFC000  }
0x27a: {  	[spmem:s1] =	stream.indirect.scatter.add.f32 [tilespmem:s29], [sflag:$0x5], $0x80, s28, s21, $0xb8;
	[tilespmem:$0x1E820] =	vst v63  }
0x27b: {  	_ =	swait.ge [sflag:s16], $0x4000  }
0x27c: {  	[sflag:s16] =	ssyncset.done $0x0  }
0x27d: {  	[sflag:s16] =	ssyncadd.s32 $0xFFFFC000  }
0x27e: {  	[tilespmem:s20], [sflag:$0x5] =	stream.linear.gather [spmem:s6], $0x2000, $0x38;
	[tilespmem:$0x1E820] =	vst v63  }
0x27f: {  	_ =	swait.ge [sflag:s16], $0x2000  }
0x280: {  	[sflag:s16] =	ssyncset.done $0x0  }
0x281: {  	s5 =	simm.s32 $0x0;
	[sflag:s16] =	ssyncadd.s32 $0xFFFFE000  }
0x282: {  	v4 =	vld [tilespmem:s5+$0x14800]  }
0x283: {  	v5 =	vld [tilespmem:s5+$0x14810]  }
0x284: {  	v7 =	vld [tilespmem:s5+$0x14820]  }
0x285: {  	v6 =	vld [tilespmem:s5+$0x14830]  }
0x286: {  	v3 =	vld [tilespmem:s5+$0x14840]  }
0x287: {  	v8 =	vmax.f32 v4, $-1.000000000e+00;
	v4 =	vld [tilespmem:s5+$0x14850]  }
0x288: {  	s23 =	simm.s32 $0x200;
	v9 =	vmax.f32 v5, $-1.000000000e+00;
	v5 =	vld [tilespmem:s5+$0x14860];
	v8 =	vmin.f32 v8, $1.000000000e+00  }
.LBB2_8:
0x289: {  	s25 =	sshra.s32 s23, $0x2;
	p0 =	sne.s32 s23, $0x7E00;
	[tilespmem:s5+$0x14800] =	vst v8;
	v8 =	vmin.f32 v9, $1.000000000e+00;
	v7 =	vmax.f32 v7, $-1.000000000e+00;
	v9 =	vld [tilespmem:s5+$0x14870]  }
0x28a: {  	v10 =	vld [tilespmem:s25+$0x14800];
	[tilespmem:s5+$0x14810] =	vst v8;
	v7 =	vmin.f32 v7, $1.000000000e+00;
	v6 =	vmax.f32 v6, $-1.000000000e+00  }
0x28b: {  	v11 =	vld [tilespmem:s25+$0x14810];
	[tilespmem:s5+$0x14820] =	vst v7;
	v6 =	vmin.f32 v6, $1.000000000e+00;
	v3 =	vmax.f32 v3, $-1.000000000e+00  }
.Ltmp3:
0x28c: {  	v7 =	vld [tilespmem:s25+$0x14820];
	[tilespmem:s5+$0x14830] =	vst v6;
	v3 =	vmin.f32 v3, $1.000000000e+00;
	v4 =	vmax.f32 v4, $-1.000000000e+00;
	(pc) =	sbr.rel @p0 .LBB2_8-.Ltmp3, $4  }
0x28d: {  	v6 =	vld [tilespmem:s25+$0x14830];
	[tilespmem:s5+$0x14840] =	vst v3;
	v4 =	vmin.f32 v4, $1.000000000e+00;
	v5 =	vmax.f32 v5, $-1.000000000e+00  }
0x28e: {  	v3 =	vld [tilespmem:s25+$0x14840];
	[tilespmem:s5+$0x14850] =	vst v4;
	v5 =	vmin.f32 v5, $1.000000000e+00;
	v8 =	vmax.f32 v9, $-1.000000000e+00  }
0x28f: {  	v9 =	vmax.f32 v10, $-1.000000000e+00;
	v4 =	vld [tilespmem:s25+$0x14850];
	[tilespmem:s5+$0x14860] =	vst v5;
	v10 =	vmin.f32 v8, $1.000000000e+00  }
0x290: {  	s23 =	sadd.s32 $0x200, s23;
	v8 =	vmin.f32 v9, $1.000000000e+00;
	v9 =	vmax.f32 v11, $-1.000000000e+00;
	v5 =	vld [tilespmem:s25+$0x14860];
	[tilespmem:s5+$0x14870] =	vst v10;
	s5 =	smov.u32 s25  }
0x291: {  	[tilespmem:s5+$0x14800] =	vst v8;
	v8 =	vmin.f32 v9, $1.000000000e+00;
	v7 =	vmax.f32 v7, $-1.000000000e+00;
	v9 =	vld [tilespmem:s5+$0x14870]  }
0x292: {  	[tilespmem:s5+$0x14810] =	vst v8;
	v7 =	vmin.f32 v7, $1.000000000e+00;
	v6 =	vmax.f32 v6, $-1.000000000e+00  }
0x293: {  	[tilespmem:s5+$0x14820] =	vst v7;
	v6 =	vmin.f32 v6, $1.000000000e+00;
	v3 =	vmax.f32 v3, $-1.000000000e+00  }
0x294: {  	[tilespmem:s5+$0x14830] =	vst v6;
	v3 =	vmin.f32 v3, $1.000000000e+00;
	v4 =	vmax.f32 v4, $-1.000000000e+00  }
0x295: {  	[tilespmem:s5+$0x14840] =	vst v3;
	v3 =	vmin.f32 v4, $1.000000000e+00;
	v4 =	vmax.f32 v5, $-1.000000000e+00  }
0x296: {  	[tilespmem:s5+$0x14850] =	vst v3;
	v3 =	vmin.f32 v4, $1.000000000e+00;
	v4 =	vmax.f32 v9, $-1.000000000e+00  }
0x297: {  	[tilespmem:s5+$0x14860] =	vst v3;
	v3 =	vmin.f32 v4, $1.000000000e+00  }
0x298: {  	s28 =	simm.s32 $0x0;
	[tilespmem:s5+$0x14870] =	vst v3  }
0x299: {  	[hbm4b:s11+s28] =	stream.linear.scatter [tilespmem:s20], [sflag:$0x5], $0x2000, $0x38;
	[tilespmem:$0x1E820] =	vst v63  }
0x29a: {  	_ =	swait.ge [sflag:s16], $0x2000  }
0x29b: {  	[sflag:s16] =	ssyncset.done $0x0  }
0x29c: {  	[sflag:s16] =	ssyncadd.s32 $0xFFFFE000  }
0x29d: {  	[tilespmem:s20], [sflag:$0x5] =	stream.linear.gather [spmem:s8], $0x2000, $0x38;
	[tilespmem:$0x1E820] =	vst v63  }
0x29e: {  	_ =	swait.ge [sflag:s16], $0x2000  }
0x29f: {  	[sflag:s16] =	ssyncset.done $0x0  }
0x2a0: {  	s5 =	simm.s32 $0x0;
	[sflag:s16] =	ssyncadd.s32 $0xFFFFE000  }
0x2a1: {  	v4 =	vld [tilespmem:s5+$0x14800]  }
0x2a2: {  	v5 =	vld [tilespmem:s5+$0x14810]  }
0x2a3: {  	v7 =	vld [tilespmem:s5+$0x14820]  }
0x2a4: {  	v6 =	vld [tilespmem:s5+$0x14830]  }
0x2a5: {  	v3 =	vld [tilespmem:s5+$0x14840]  }
0x2a6: {  	v8 =	vmax.f32 v4, $-1.000000000e+00;
	v4 =	vld [tilespmem:s5+$0x14850]  }
0x2a7: {  	s23 =	simm.s32 $0x200;
	v9 =	vmax.f32 v5, $-1.000000000e+00;
	v5 =	vld [tilespmem:s5+$0x14860];
	v8 =	vmin.f32 v8, $1.000000000e+00  }
.LBB2_10:
0x2a8: {  	s25 =	sshra.s32 s23, $0x2;
	p0 =	sne.s32 s23, $0x7E00;
	[tilespmem:s5+$0x14800] =	vst v8;
	v8 =	vmin.f32 v9, $1.000000000e+00;
	v7 =	vmax.f32 v7, $-1.000000000e+00;
	v9 =	vld [tilespmem:s5+$0x14870]  }
0x2a9: {  	v10 =	vld [tilespmem:s25+$0x14800];
	[tilespmem:s5+$0x14810] =	vst v8;
	v7 =	vmin.f32 v7, $1.000000000e+00;
	v6 =	vmax.f32 v6, $-1.000000000e+00  }
0x2aa: {  	v11 =	vld [tilespmem:s25+$0x14810];
	[tilespmem:s5+$0x14820] =	vst v7;
	v6 =	vmin.f32 v6, $1.000000000e+00;
	v3 =	vmax.f32 v3, $-1.000000000e+00  }
.Ltmp4:
0x2ab: {  	v7 =	vld [tilespmem:s25+$0x14820];
	[tilespmem:s5+$0x14830] =	vst v6;
	v3 =	vmin.f32 v3, $1.000000000e+00;
	v4 =	vmax.f32 v4, $-1.000000000e+00;
	(pc) =	sbr.rel @p0 .LBB2_10-.Ltmp4, $4  }
0x2ac: {  	v6 =	vld [tilespmem:s25+$0x14830];
	[tilespmem:s5+$0x14840] =	vst v3;
	v4 =	vmin.f32 v4, $1.000000000e+00;
	v5 =	vmax.f32 v5, $-1.000000000e+00  }
0x2ad: {  	v3 =	vld [tilespmem:s25+$0x14840];
	[tilespmem:s5+$0x14850] =	vst v4;
	v5 =	vmin.f32 v5, $1.000000000e+00;
	v8 =	vmax.f32 v9, $-1.000000000e+00  }
0x2ae: {  	v9 =	vmax.f32 v10, $-1.000000000e+00;
	v4 =	vld [tilespmem:s25+$0x14850];
	[tilespmem:s5+$0x14860] =	vst v5;
	v10 =	vmin.f32 v8, $1.000000000e+00  }
0x2af: {  	s23 =	sadd.s32 $0x200, s23;
	v8 =	vmin.f32 v9, $1.000000000e+00;
	v9 =	vmax.f32 v11, $-1.000000000e+00;
	v5 =	vld [tilespmem:s25+$0x14860];
	[tilespmem:s5+$0x14870] =	vst v10;
	s5 =	smov.u32 s25  }
0x2b0: {  	[tilespmem:s5+$0x14800] =	vst v8;
	v8 =	vmin.f32 v9, $1.000000000e+00;
	v7 =	vmax.f32 v7, $-1.000000000e+00;
	v9 =	vld [tilespmem:s5+$0x14870]  }
0x2b1: {  	[tilespmem:s5+$0x14810] =	vst v8;
	v7 =	vmin.f32 v7, $1.000000000e+00;
	v6 =	vmax.f32 v6, $-1.000000000e+00  }
0x2b2: {  	[tilespmem:s5+$0x14820] =	vst v7;
	v6 =	vmin.f32 v6, $1.000000000e+00;
	v3 =	vmax.f32 v3, $-1.000000000e+00  }
0x2b3: {  	[tilespmem:s5+$0x14830] =	vst v6;
	v3 =	vmin.f32 v3, $1.000000000e+00;
	v4 =	vmax.f32 v4, $-1.000000000e+00  }
0x2b4: {  	[tilespmem:s5+$0x14840] =	vst v3;
	v3 =	vmin.f32 v4, $1.000000000e+00;
	v4 =	vmax.f32 v5, $-1.000000000e+00  }
0x2b5: {  	[tilespmem:s5+$0x14850] =	vst v3;
	v3 =	vmin.f32 v4, $1.000000000e+00;
	v4 =	vmax.f32 v9, $-1.000000000e+00  }
0x2b6: {  	[tilespmem:s5+$0x14860] =	vst v3;
	v3 =	vmin.f32 v4, $1.000000000e+00  }
0x2b7: {  	s28 =	simm.s32 $0x0;
	[tilespmem:s5+$0x14870] =	vst v3  }
0x2b8: {  	[hbm4b:s12+s28] =	stream.linear.scatter [tilespmem:s20], [sflag:$0x5], $0x2000, $0x38;
	[tilespmem:$0x1E820] =	vst v63  }
0x2b9: {  	_ =	swait.ge [sflag:s16], $0x2000  }
0x2ba: {  	[sflag:s16] =	ssyncset.done $0x0  }
0x2bb: {  	[sflag:s16] =	ssyncadd.s32 $0xFFFFE000  }
0x2bc: {  	[tilespmem:s20], [sflag:$0x5] =	stream.linear.gather [spmem:s9], $0x2000, $0x38;
	[tilespmem:$0x1E820] =	vst v63  }
0x2bd: {  	_ =	swait.ge [sflag:s16], $0x2000  }
0x2be: {  	[sflag:s16] =	ssyncset.done $0x0  }
0x2bf: {  	s5 =	simm.s32 $0x0;
	[sflag:s16] =	ssyncadd.s32 $0xFFFFE000  }
0x2c0: {  	v4 =	vld [tilespmem:s5+$0x14800]  }
0x2c1: {  	v5 =	vld [tilespmem:s5+$0x14810]  }
0x2c2: {  	v7 =	vld [tilespmem:s5+$0x14820]  }
0x2c3: {  	v6 =	vld [tilespmem:s5+$0x14830]  }
0x2c4: {  	v3 =	vld [tilespmem:s5+$0x14840]  }
0x2c5: {  	v8 =	vmax.f32 v4, $-1.000000000e+00;
	v4 =	vld [tilespmem:s5+$0x14850]  }
0x2c6: {  	s23 =	simm.s32 $0x200;
	v9 =	vmax.f32 v5, $-1.000000000e+00;
	v5 =	vld [tilespmem:s5+$0x14860];
	v8 =	vmin.f32 v8, $1.000000000e+00  }
.LBB2_12:
0x2c7: {  	s25 =	sshra.s32 s23, $0x2;
	p0 =	sne.s32 s23, $0x7E00;
	[tilespmem:s5+$0x14800] =	vst v8;
	v8 =	vmin.f32 v9, $1.000000000e+00;
	v7 =	vmax.f32 v7, $-1.000000000e+00;
	v9 =	vld [tilespmem:s5+$0x14870]  }
0x2c8: {  	v10 =	vld [tilespmem:s25+$0x14800];
	[tilespmem:s5+$0x14810] =	vst v8;
	v7 =	vmin.f32 v7, $1.000000000e+00;
	v6 =	vmax.f32 v6, $-1.000000000e+00  }
0x2c9: {  	v11 =	vld [tilespmem:s25+$0x14810];
	[tilespmem:s5+$0x14820] =	vst v7;
	v6 =	vmin.f32 v6, $1.000000000e+00;
	v3 =	vmax.f32 v3, $-1.000000000e+00  }
.Ltmp5:
0x2ca: {  	v7 =	vld [tilespmem:s25+$0x14820];
	[tilespmem:s5+$0x14830] =	vst v6;
	v3 =	vmin.f32 v3, $1.000000000e+00;
	v4 =	vmax.f32 v4, $-1.000000000e+00;
	(pc) =	sbr.rel @p0 .LBB2_12-.Ltmp5, $4  }
0x2cb: {  	v6 =	vld [tilespmem:s25+$0x14830];
	[tilespmem:s5+$0x14840] =	vst v3;
	v4 =	vmin.f32 v4, $1.000000000e+00;
	v5 =	vmax.f32 v5, $-1.000000000e+00  }
0x2cc: {  	v3 =	vld [tilespmem:s25+$0x14840];
	[tilespmem:s5+$0x14850] =	vst v4;
	v5 =	vmin.f32 v5, $1.000000000e+00;
	v8 =	vmax.f32 v9, $-1.000000000e+00  }
0x2cd: {  	v9 =	vmax.f32 v10, $-1.000000000e+00;
	v4 =	vld [tilespmem:s25+$0x14850];
	[tilespmem:s5+$0x14860] =	vst v5;
	v10 =	vmin.f32 v8, $1.000000000e+00  }
0x2ce: {  	s23 =	sadd.s32 $0x200, s23;
	v8 =	vmin.f32 v9, $1.000000000e+00;
	v9 =	vmax.f32 v11, $-1.000000000e+00;
	v5 =	vld [tilespmem:s25+$0x14860];
	[tilespmem:s5+$0x14870] =	vst v10;
	s5 =	smov.u32 s25  }
0x2cf: {  	[tilespmem:s5+$0x14800] =	vst v8;
	v8 =	vmin.f32 v9, $1.000000000e+00;
	v7 =	vmax.f32 v7, $-1.000000000e+00;
	v9 =	vld [tilespmem:s5+$0x14870]  }
0x2d0: {  	[tilespmem:s5+$0x14810] =	vst v8;
	v7 =	vmin.f32 v7, $1.000000000e+00;
	v6 =	vmax.f32 v6, $-1.000000000e+00  }
0x2d1: {  	[tilespmem:s5+$0x14820] =	vst v7;
	v6 =	vmin.f32 v6, $1.000000000e+00;
	v3 =	vmax.f32 v3, $-1.000000000e+00  }
0x2d2: {  	[tilespmem:s5+$0x14830] =	vst v6;
	v3 =	vmin.f32 v3, $1.000000000e+00;
	v4 =	vmax.f32 v4, $-1.000000000e+00  }
0x2d3: {  	[tilespmem:s5+$0x14840] =	vst v3;
	v3 =	vmin.f32 v4, $1.000000000e+00;
	v4 =	vmax.f32 v5, $-1.000000000e+00  }
0x2d4: {  	[tilespmem:s5+$0x14850] =	vst v3;
	v3 =	vmin.f32 v4, $1.000000000e+00;
	v4 =	vmax.f32 v9, $-1.000000000e+00  }
0x2d5: {  	[tilespmem:s5+$0x14860] =	vst v3;
	v3 =	vmin.f32 v4, $1.000000000e+00  }
0x2d6: {  	s28 =	simm.s32 $0x0;
	[tilespmem:s5+$0x14870] =	vst v3  }
0x2d7: {  	[hbm4b:s13+s28] =	stream.linear.scatter [tilespmem:s20], [sflag:$0x5], $0x2000, $0x38;
	[tilespmem:$0x1E820] =	vst v63  }
0x2d8: {  	_ =	swait.ge [sflag:s16], $0x2000  }
0x2d9: {  	[sflag:s16] =	ssyncset.done $0x0  }
0x2da: {  	[sflag:s16] =	ssyncadd.s32 $0xFFFFE000  }
0x2db: {  	[tilespmem:s20], [sflag:$0x5] =	stream.linear.gather [spmem:s10], $0x2000, $0x38;
	[tilespmem:$0x1E820] =	vst v63  }
0x2dc: {  	_ =	swait.ge [sflag:s16], $0x2000  }
0x2dd: {  	[sflag:s16] =	ssyncset.done $0x0  }
0x2de: {  	s5 =	simm.s32 $0x0;
	[sflag:s16] =	ssyncadd.s32 $0xFFFFE000  }
0x2df: {  	v4 =	vld [tilespmem:s5+$0x14800]  }
0x2e0: {  	v5 =	vld [tilespmem:s5+$0x14810]  }
0x2e1: {  	v7 =	vld [tilespmem:s5+$0x14820]  }
0x2e2: {  	v6 =	vld [tilespmem:s5+$0x14830]  }
0x2e3: {  	v3 =	vld [tilespmem:s5+$0x14840]  }
0x2e4: {  	v8 =	vmax.f32 v4, $-1.000000000e+00;
	v4 =	vld [tilespmem:s5+$0x14850]  }
0x2e5: {  	s23 =	simm.s32 $0x200;
	v9 =	vmax.f32 v5, $-1.000000000e+00;
	v5 =	vld [tilespmem:s5+$0x14860];
	v8 =	vmin.f32 v8, $1.000000000e+00  }
.LBB2_14:
0x2e6: {  	s25 =	sshra.s32 s23, $0x2;
	p0 =	sne.s32 s23, $0x7E00;
	[tilespmem:s5+$0x14800] =	vst v8;
	v8 =	vmin.f32 v9, $1.000000000e+00;
	v7 =	vmax.f32 v7, $-1.000000000e+00;
	v9 =	vld [tilespmem:s5+$0x14870]  }
0x2e7: {  	v10 =	vld [tilespmem:s25+$0x14800];
	[tilespmem:s5+$0x14810] =	vst v8;
	v7 =	vmin.f32 v7, $1.000000000e+00;
	v6 =	vmax.f32 v6, $-1.000000000e+00  }
0x2e8: {  	v11 =	vld [tilespmem:s25+$0x14810];
	[tilespmem:s5+$0x14820] =	vst v7;
	v6 =	vmin.f32 v6, $1.000000000e+00;
	v3 =	vmax.f32 v3, $-1.000000000e+00  }
.Ltmp6:
0x2e9: {  	v7 =	vld [tilespmem:s25+$0x14820];
	[tilespmem:s5+$0x14830] =	vst v6;
	v3 =	vmin.f32 v3, $1.000000000e+00;
	v4 =	vmax.f32 v4, $-1.000000000e+00;
	(pc) =	sbr.rel @p0 .LBB2_14-.Ltmp6, $4  }
0x2ea: {  	v6 =	vld [tilespmem:s25+$0x14830];
	[tilespmem:s5+$0x14840] =	vst v3;
	v4 =	vmin.f32 v4, $1.000000000e+00;
	v5 =	vmax.f32 v5, $-1.000000000e+00  }
0x2eb: {  	v3 =	vld [tilespmem:s25+$0x14840];
	[tilespmem:s5+$0x14850] =	vst v4;
	v5 =	vmin.f32 v5, $1.000000000e+00;
	v8 =	vmax.f32 v9, $-1.000000000e+00  }
0x2ec: {  	v9 =	vmax.f32 v10, $-1.000000000e+00;
	v4 =	vld [tilespmem:s25+$0x14850];
	[tilespmem:s5+$0x14860] =	vst v5;
	v10 =	vmin.f32 v8, $1.000000000e+00  }
0x2ed: {  	s23 =	sadd.s32 $0x200, s23;
	v8 =	vmin.f32 v9, $1.000000000e+00;
	v9 =	vmax.f32 v11, $-1.000000000e+00;
	v5 =	vld [tilespmem:s25+$0x14860];
	[tilespmem:s5+$0x14870] =	vst v10;
	s5 =	smov.u32 s25  }
0x2ee: {  	[tilespmem:s5+$0x14800] =	vst v8;
	v60 =	vmin.f32 v9, $1.000000000e+00;
	v7 =	vmax.f32 v7, $-1.000000000e+00;
	v61 =	vld [tilespmem:s5+$0x14870]  }
0x2ef: {  	[tilespmem:s5+$0x14810] =	vst v60;
	v7 =	vmin.f32 v7, $1.000000000e+00;
	v6 =	vmax.f32 v6, $-1.000000000e+00  }
0x2f0: {  	[tilespmem:s5+$0x14820] =	vst v7;
	v6 =	vmin.f32 v6, $1.000000000e+00;
	v3 =	vmax.f32 v3, $-1.000000000e+00  }
0x2f1: {  	[tilespmem:s5+$0x14830] =	vst v6;
	v3 =	vmin.f32 v3, $1.000000000e+00;
	v4 =	vmax.f32 v4, $-1.000000000e+00  }
0x2f2: {  	[tilespmem:s5+$0x14840] =	vst v3;
	v3 =	vmin.f32 v4, $1.000000000e+00;
	v62 =	vmax.f32 v5, $-1.000000000e+00  }
0x2f3: {  	s17 =	sadd.s32 $0x1, s17;
	[tilespmem:s5+$0x14850] =	vst v3;
	v3 =	vmin.f32 v62, $1.000000000e+00;
	v63 =	vmax.f32 v61, $-1.000000000e+00  }
0x2f4: {  	p0 =	sne.s32 s17, s15;
	[tilespmem:s5+$0x14860] =	vst v3;
	v3 =	vmin.f32 v63, $1.000000000e+00  }
.Ltmp7:
0x2f5: {  	[tilespmem:s5+$0x14870] =	vst v3;
	(pc) =	sbr.rel @p0 .LBB2_1-.Ltmp7, $4  }
0x2f6: {  	[hbm4b:s14+s3] =	stream.linear.scatter [tilespmem:s20], [sflag:$0x5], $0x2000, $0x38;
	[tilespmem:$0x1E820] =	vst v63  }
0x2f7: {  	_ =	swait.ge [sflag:s16], $0x2000  }
0x2f8: {  	[sflag:s16] =	ssyncset.done $0x0  }
0x2f9: {  	[sflag:s16] =	ssyncadd.s32 $0xFFFFE000  }
0x2fa: {  	_ =	sfence.sel $0x180000  }
0x2fb: {  	[bflag:$0x0] =	sbarrier.arrive $0xFFFF  }
0x2fc: {  	_ =	strace $0x90000047  }
0x2fd: {  	s0 =	stileid.u32;
	[bflag:$0x2] =	sbarrier.arrive $0xFFFF  }
0x2fe: {  	p0 =	sne.s32 s0, $0x0;
	s0 =	rddreg [dreg:$0x2]  }
0x2ff: {  	s0 =	sadd.s32 @!p0 $0x100000, s0  }
0x300: {  	[sflag:s0] =	ssyncadd.tile.s32 @!p0 $0x1;
	_ =	shalt  }
.Lfunc_end2:
_tile_overlayer_lowered:
.L_overlay_start_2:
0x301: {  	(tag) =	ssettag $0x2  }
0x302: {  	s0 =	rddreg [dreg:$0x0];
	s2 =	stileid.u32  }
0x303: {  	s1 =	rddreg [dreg:$0x1];
	p0 =	sne.s32 s2, $0x0  }
0x304: {  	s3 =	rddreg [dreg:$0x2];
	[bflag:$0x3] =	sbarrier.arrive $0xFFFF;
	s2 =	simm.s32 @!p0 $0x1C05  }
0x305: {  	[timem:s3], [sflag:s2] =	dma.local @!p0 [hbm:s0], s1  }
0x306: {  	s0 =	simm.s32 @!p0 $0x5  }
0x307: {  	_ =	swait.ge @!p0 [sflag:s0], s1  }
0x308: {  	s1 =	ssub.s32 @!p0 $0x0, s1;
	[sflag:s0] =	ssyncset.done @!p0 $0x0  }
0x309: {  	[sflag:s0] =	ssyncadd.s32 @!p0 s1  }
0x30a: {  	[bflag:$0x3] =	sbarrier.arrive $0xFFFF  }
0x30b: {  	_ =	shalt  }

</sc_bundles>
